<compile_context>
chip_gen: v7x
topology: tpu7x:2x2x1
jax: 0.10.2.dev20260603
libtpu: 0.0.44.dev20260713+nightly
codegen_flags: <defaults>
</compile_context>

<pallas_src>
import functools

import jax
import jax.numpy as jnp
from jax import lax
from jax.experimental import pallas as pl
from jax.experimental.pallas import tpu as pltpu
from jax.experimental.pallas import tpu_sc as plsc

_BATCH = 16384
_SLATE = 200
_POSITIONS = 200
_NW = 32
_ROWS_PER_W = _BATCH // _NW
_RCHUNK = 64
_NCHUNK = _ROWS_PER_W // _RCHUNK
_LANES = 16
_OFFS = tuple(range(0, _SLATE - _LANES, _LANES)) + (_SLATE - _LANES,)

_mesh = plsc.VectorSubcoreMesh(core_axis_name="c", subcore_axis_name="s")


@functools.partial(
    pl.kernel,
    mesh=_mesh,
    out_type=jax.ShapeDtypeStruct((_BATCH, _SLATE), jnp.float32),
    scratch_types=[
        pltpu.VMEM((_POSITIONS,), jnp.float32),
        pltpu.VMEM((_RCHUNK, _SLATE), jnp.int32),
        pltpu.VMEM((_RCHUNK, _SLATE), jnp.int32),
        pltpu.VMEM((_RCHUNK, _SLATE), jnp.float32),
        pltpu.VMEM((_RCHUNK, _SLATE), jnp.float32),
        pltpu.SemaphoreType.DMA,
        pltpu.SemaphoreType.DMA,
        pltpu.SemaphoreType.DMA,
        pltpu.SemaphoreType.DMA,
    ],
    compiler_params=pltpu.CompilerParams(
        needs_layout_passes=False,
        skip_device_barrier=True,
        disable_bounds_checks=True,
        disable_semaphore_checks=True,
    ),
)
def _gather_kernel(pos_hbm, model_hbm, out_hbm, table_v,
                   idx0, idx1, val0, val1, sin0, sin1, sout0, sout1):
    wid = lax.axis_index("s") * 2 + lax.axis_index("c")
    row0 = wid * _ROWS_PER_W
    pltpu.sync_copy(model_hbm, table_v)

    idx = [idx0, idx1]
    val = [val0, val1]
    sin = [sin0, sin1]
    sout = [sout0, sout1]

    def start_in(g):
        r = row0 + g * _RCHUNK
        return pltpu.async_copy(pos_hbm.at[pl.ds(r, _RCHUNK), :], idx[g % 2],
                                sin[g % 2])

    def start_out(g):
        r = row0 + g * _RCHUNK
        return pltpu.async_copy(val[g % 2], out_hbm.at[pl.ds(r, _RCHUNK), :],
                                sout[g % 2])

    in_h = {0: start_in(0), 1: start_in(1)}
    out_h = {}
    for g in range(_NCHUNK):
        b = g % 2
        in_h[g].wait()
        if g >= 2:
            out_h[g - 2].wait()
        ib, vb = idx[b], val[b]

        @plsc.parallel_loop(0, _RCHUNK, unroll=2)
        def _(r, ib=ib, vb=vb):
            for off in _OFFS:
                x = ib[r, pl.ds(off, _LANES)]
                vb[r, pl.ds(off, _LANES)] = plsc.load_gather(table_v, [x])

        out_h[g] = start_out(g)
        if g + 2 < _NCHUNK:
            in_h[g + 2] = start_in(g + 2)
    out_h[_NCHUNK - 2].wait()
    out_h[_NCHUNK - 1].wait()


def kernel(positions, model):
    return _gather_kernel(positions, model)

# --- scband reference (transcript-rebuilt; emitter-appended) ---
"""Pipeline reference for scband-pretrained-examination-model-48876727828842 (READ-ONLY COPY).

The authoritative reference and input builder live on the scoring server;
editing this copy changes nothing except your own understanding.
"""

import jax, jax.numpy as jnp
import numpy as np

POSITIONS = 200
BATCH = 16384
SLATE = 200


def setup_inputs(seed: int = 0) -> dict:
    key = jax.random.key(seed)
    k1, k2 = jax.random.split(key)
    # batch['positions']: integer position ids for each (query, doc) pair
    positions = jax.random.randint(k1, (BATCH, SLATE), 0, POSITIONS, dtype=jnp.int32)
    # the learned/loaded examination propensity vector (normally read from CSV in setup())
    model = jax.random.uniform(k2, (POSITIONS,), dtype=jnp.float32)
    return {"positions": positions, "model": model}


def reference(positions, model):
    # __call__: return self.model[batch['positions']]
    # pure gather from the 1-D propensity table
    return jnp.take(model, positions, axis=0)

if __name__ == "__main__":
    import jax
    _d = setup_inputs()
    print(jax.jit(kernel)(*tuple(_d.values())))

</pallas_src>

<mosaic_0001>
#map = affine_map<(d0, d1) -> (0, 0)>
#map1 = affine_map<(d0, d1) -> (0)>
module attributes {stable_mosaic.version = 14 : i64} {
  func.func @_gather_kernel(%arg0: i32, %arg1: i32, %arg2: memref<16384x200xi32, #tpu.memory_space<hbm>>, %arg3: memref<200xf32, #tpu.memory_space<hbm>>, %arg4: memref<16384x200xf32, #tpu.memory_space<hbm>>, %arg5: memref<200xf32, #tpu.memory_space<vmem>>, %arg6: memref<64x200xi32, #tpu.memory_space<vmem>>, %arg7: memref<64x200xi32, #tpu.memory_space<vmem>>, %arg8: memref<64x200xf32, #tpu.memory_space<vmem>>, %arg9: memref<64x200xf32, #tpu.memory_space<vmem>>, %arg10: memref<!tpu.dma_semaphore, #tpu.memory_space<semaphore_mem>>, %arg11: memref<!tpu.dma_semaphore, #tpu.memory_space<semaphore_mem>>, %arg12: memref<!tpu.dma_semaphore, #tpu.memory_space<semaphore_mem>>, %arg13: memref<!tpu.dma_semaphore, #tpu.memory_space<semaphore_mem>>) attributes {dimension_semantics = [#tpu.dimension_semantics<core_parallel>, #tpu.dimension_semantics<subcore_parallel>], iteration_bounds = array<i64: 2, 16>, scalar_prefetch = 0 : i64, scratch_operands = 9 : i64, tpu.core_type = #tpu.core_type<sc_vector_subcore>, window_params = [{transform_indices = #map}, {transform_indices = #map1}, {transform_indices = #map}]} {
    %mul3A = arith.constant 2 : i32
    %mul3A_0 = arith.muli %arg1, %mul3A : i32
    %add3A = arith.addi %mul3A_0, %arg0 : i32
    %mul3A_1 = arith.constant 512 : i32
    %mul3A_2 = arith.muli %add3A, %mul3A_1 : i32
    "tpu.region"() ({
      %run_scoped3A = tpu.sem_alloc : memref<!tpu.dma_semaphore, #tpu.memory_space<semaphore_mem>>
      tpu.enqueue_dma source(%arg3 : memref<200xf32, #tpu.memory_space<hbm>>) target(%arg5 : memref<200xf32, #tpu.memory_space<vmem>>) target_semaphore(%run_scoped3A : memref<!tpu.dma_semaphore, #tpu.memory_space<semaphore_mem>>)
      tpu.wait_dma2 semaphore(%run_scoped3A : memref<!tpu.dma_semaphore, #tpu.memory_space<semaphore_mem>>) src(%arg3 : memref<200xf32, #tpu.memory_space<hbm>>) dst(%arg5 : memref<200xf32, #tpu.memory_space<vmem>>)
      tpu.yield
    }) : () -> ()
    %add3A_3 = arith.constant 0 : i32
    %add3A_4 = arith.addi %mul3A_2, %add3A_3 : i32
    %dma_start3A = arith.constant 0 : i32
    %dma_start3A_5 = tpu.memref_slice %arg2[%add3A_4, %dma_start3A] : memref<16384x200xi32, #tpu.memory_space<hbm>> -> memref<64x200xi32, #tpu.memory_space<hbm>>
    %dma_start3A_6 = arith.constant 0 : i32
    %dma_start3A_7 = tpu.memref_slice %arg2[%add3A_4, %dma_start3A_6] : memref<16384x200xi32, #tpu.memory_space<hbm>> -> memref<64x200xi32, #tpu.memory_space<hbm>>
    tpu.enqueue_dma source(%dma_start3A_7 : memref<64x200xi32, #tpu.memory_space<hbm>>) target(%arg6 : memref<64x200xi32, #tpu.memory_space<vmem>>) target_semaphore(%arg10 : memref<!tpu.dma_semaphore, #tpu.memory_space<semaphore_mem>>)
    %add3A_8 = arith.constant 64 : i32
    %add3A_9 = arith.addi %mul3A_2, %add3A_8 : i32
    %dma_start3A_10 = arith.constant 0 : i32
    %dma_start3A_11 = tpu.memref_slice %arg2[%add3A_9, %dma_start3A_10] : memref<16384x200xi32, #tpu.memory_space<hbm>> -> memref<64x200xi32, #tpu.memory_space<hbm>>
    %dma_start3A_12 = arith.constant 0 : i32
    %dma_start3A_13 = tpu.memref_slice %arg2[%add3A_9, %dma_start3A_12] : memref<16384x200xi32, #tpu.memory_space<hbm>> -> memref<64x200xi32, #tpu.memory_space<hbm>>
    tpu.enqueue_dma source(%dma_start3A_13 : memref<64x200xi32, #tpu.memory_space<hbm>>) target(%arg7 : memref<64x200xi32, #tpu.memory_space<vmem>>) target_semaphore(%arg11 : memref<!tpu.dma_semaphore, #tpu.memory_space<semaphore_mem>>)
    %dma_wait3A = arith.constant 0 : i32
    %dma_wait3A_14 = tpu.memref_slice %arg2[%add3A_4, %dma_wait3A] : memref<16384x200xi32, #tpu.memory_space<hbm>> -> memref<64x200xi32, #tpu.memory_space<hbm>>
    %dma_wait3A_15 = arith.constant 0 : i32
    %dma_wait3A_16 = tpu.memref_slice %arg2[%add3A_4, %dma_wait3A_15] : memref<16384x200xi32, #tpu.memory_space<hbm>> -> memref<64x200xi32, #tpu.memory_space<hbm>>
    tpu.wait_dma2 semaphore(%arg10 : memref<!tpu.dma_semaphore, #tpu.memory_space<semaphore_mem>>) src(%dma_wait3A_16 : memref<64x200xi32, #tpu.memory_space<hbm>>) dst(%arg6 : memref<64x200xi32, #tpu.memory_space<vmem>>)
    %parallel_loop3A = arith.constant 0 : i32
    %parallel_loop3A_17 = arith.constant 64 : i32
    %parallel_loop3A_18 = arith.constant 1 : i32
    scf.for %parallel_loop3A_184 = %parallel_loop3A to %parallel_loop3A_17 step %parallel_loop3A_18  : i32 {
      %parallel_loop3A_185 = arith.index_cast %parallel_loop3A_184 : i32 to index
      %parallel_loop3A_186 = arith.constant 0 : index
      %parallel_loop3A_187 = tpu.vector_load %arg6[%parallel_loop3A_185, %parallel_loop3A_186] {strides = array<i32>} : memref<64x200xi32, #tpu.memory_space<vmem>>, vector<16xi32>,
      %parallel_loop3A_188 = tpu.vector_load_idx %arg5[%parallel_loop3A_187] : memref<200xf32, #tpu.memory_space<vmem>>[vector<16xi32>], vector<16xf32>,
      %parallel_loop3A_189 = arith.index_cast %parallel_loop3A_184 : i32 to index
      %parallel_loop3A_190 = arith.constant 0 : index
      %parallel_loop3A_191 = tpu.vector_load %arg8[%parallel_loop3A_189, %parallel_loop3A_190] {strides = array<i32>} : memref<64x200xf32, #tpu.memory_space<vmem>>, vector<16xf32>,
      tpu.vector_store %arg8[%parallel_loop3A_189, %parallel_loop3A_190], %parallel_loop3A_188 {strides = array<i32>} : memref<64x200xf32, #tpu.memory_space<vmem>>, vector<16xf32>,
      %parallel_loop3A_192 = arith.index_cast %parallel_loop3A_184 : i32 to index
      %parallel_loop3A_193 = arith.constant 16 : index
      %parallel_loop3A_194 = tpu.vector_load %arg6[%parallel_loop3A_192, %parallel_loop3A_193] {strides = array<i32>} : memref<64x200xi32, #tpu.memory_space<vmem>>, vector<16xi32>,
      %parallel_loop3A_195 = tpu.vector_load_idx %arg5[%parallel_loop3A_194] : memref<200xf32, #tpu.memory_space<vmem>>[vector<16xi32>], vector<16xf32>,
      %parallel_loop3A_196 = arith.index_cast %parallel_loop3A_184 : i32 to index
      %parallel_loop3A_197 = arith.constant 16 : index
      %parallel_loop3A_198 = tpu.vector_load %arg8[%parallel_loop3A_196, %parallel_loop3A_197] {strides = array<i32>} : memref<64x200xf32, #tpu.memory_space<vmem>>, vector<16xf32>,
      tpu.vector_store %arg8[%parallel_loop3A_196, %parallel_loop3A_197], %parallel_loop3A_195 {strides = array<i32>} : memref<64x200xf32, #tpu.memory_space<vmem>>, vector<16xf32>,
      %parallel_loop3A_199 = arith.index_cast %parallel_loop3A_184 : i32 to index
      %parallel_loop3A_200 = arith.constant 32 : index
      %parallel_loop3A_201 = tpu.vector_load %arg6[%parallel_loop3A_199, %parallel_loop3A_200] {strides = array<i32>} : memref<64x200xi32, #tpu.memory_space<vmem>>, vector<16xi32>,
      %parallel_loop3A_202 = tpu.vector_load_idx %arg5[%parallel_loop3A_201] : memref<200xf32, #tpu.memory_space<vmem>>[vector<16xi32>], vector<16xf32>,
      %parallel_loop3A_203 = arith.index_cast %parallel_loop3A_184 : i32 to index
      %parallel_loop3A_204 = arith.constant 32 : index
      %parallel_loop3A_205 = tpu.vector_load %arg8[%parallel_loop3A_203, %parallel_loop3A_204] {strides = array<i32>} : memref<64x200xf32, #tpu.memory_space<vmem>>, vector<16xf32>,
      tpu.vector_store %arg8[%parallel_loop3A_203, %parallel_loop3A_204], %parallel_loop3A_202 {strides = array<i32>} : memref<64x200xf32, #tpu.memory_space<vmem>>, vector<16xf32>,
      %parallel_loop3A_206 = arith.index_cast %parallel_loop3A_184 : i32 to index
      %parallel_loop3A_207 = arith.constant 48 : index
      %parallel_loop3A_208 = tpu.vector_load %arg6[%parallel_loop3A_206, %parallel_loop3A_207] {strides = array<i32>} : memref<64x200xi32, #tpu.memory_space<vmem>>, vector<16xi32>,
      %parallel_loop3A_209 = tpu.vector_load_idx %arg5[%parallel_loop3A_208] : memref<200xf32, #tpu.memory_space<vmem>>[vector<16xi32>], vector<16xf32>,
      %parallel_loop3A_210 = arith.index_cast %parallel_loop3A_184 : i32 to index
      %parallel_loop3A_211 = arith.constant 48 : index
      %parallel_loop3A_212 = tpu.vector_load %arg8[%parallel_loop3A_210, %parallel_loop3A_211] {strides = array<i32>} : memref<64x200xf32, #tpu.memory_space<vmem>>, vector<16xf32>,
      tpu.vector_store %arg8[%parallel_loop3A_210, %parallel_loop3A_211], %parallel_loop3A_209 {strides = array<i32>} : memref<64x200xf32, #tpu.memory_space<vmem>>, vector<16xf32>,
      %parallel_loop3A_213 = arith.index_cast %parallel_loop3A_184 : i32 to index
      %parallel_loop3A_214 = arith.constant 64 : index
      %parallel_loop3A_215 = tpu.vector_load %arg6[%parallel_loop3A_213, %parallel_loop3A_214] {strides = array<i32>} : memref<64x200xi32, #tpu.memory_space<vmem>>, vector<16xi32>,
      %parallel_loop3A_216 = tpu.vector_load_idx %arg5[%parallel_loop3A_215] : memref<200xf32, #tpu.memory_space<vmem>>[vector<16xi32>], vector<16xf32>,
      %parallel_loop3A_217 = arith.index_cast %parallel_loop3A_184 : i32 to index
      %parallel_loop3A_218 = arith.constant 64 : index
      %parallel_loop3A_219 = tpu.vector_load %arg8[%parallel_loop3A_217, %parallel_loop3A_218] {strides = array<i32>} : memref<64x200xf32, #tpu.memory_space<vmem>>, vector<16xf32>,
      tpu.vector_store %arg8[%parallel_loop3A_217, %parallel_loop3A_218], %parallel_loop3A_216 {strides = array<i32>} : memref<64x200xf32, #tpu.memory_space<vmem>>, vector<16xf32>,
      %parallel_loop3A_220 = arith.index_cast %parallel_loop3A_184 : i32 to index
      %parallel_loop3A_221 = arith.constant 80 : index
      %parallel_loop3A_222 = tpu.vector_load %arg6[%parallel_loop3A_220, %parallel_loop3A_221] {strides = array<i32>} : memref<64x200xi32, #tpu.memory_space<vmem>>, vector<16xi32>,
      %parallel_loop3A_223 = tpu.vector_load_idx %arg5[%parallel_loop3A_222] : memref<200xf32, #tpu.memory_space<vmem>>[vector<16xi32>], vector<16xf32>,
      %parallel_loop3A_224 = arith.index_cast %parallel_loop3A_184 : i32 to index
      %parallel_loop3A_225 = arith.constant 80 : index
      %parallel_loop3A_226 = tpu.vector_load %arg8[%parallel_loop3A_224, %parallel_loop3A_225] {strides = array<i32>} : memref<64x200xf32, #tpu.memory_space<vmem>>, vector<16xf32>,
      tpu.vector_store %arg8[%parallel_loop3A_224, %parallel_loop3A_225], %parallel_loop3A_223 {strides = array<i32>} : memref<64x200xf32, #tpu.memory_space<vmem>>, vector<16xf32>,
      %parallel_loop3A_227 = arith.index_cast %parallel_loop3A_184 : i32 to index
      %parallel_loop3A_228 = arith.constant 96 : index
      %parallel_loop3A_229 = tpu.vector_load %arg6[%parallel_loop3A_227, %parallel_loop3A_228] {strides = array<i32>} : memref<64x200xi32, #tpu.memory_space<vmem>>, vector<16xi32>,
      %parallel_loop3A_230 = tpu.vector_load_idx %arg5[%parallel_loop3A_229] : memref<200xf32, #tpu.memory_space<vmem>>[vector<16xi32>], vector<16xf32>,
      %parallel_loop3A_231 = arith.index_cast %parallel_loop3A_184 : i32 to index
      %parallel_loop3A_232 = arith.constant 96 : index
      %parallel_loop3A_233 = tpu.vector_load %arg8[%parallel_loop3A_231, %parallel_loop3A_232] {strides = array<i32>} : memref<64x200xf32, #tpu.memory_space<vmem>>, vector<16xf32>,
      tpu.vector_store %arg8[%parallel_loop3A_231, %parallel_loop3A_232], %parallel_loop3A_230 {strides = array<i32>} : memref<64x200xf32, #tpu.memory_space<vmem>>, vector<16xf32>,
      %parallel_loop3A_234 = arith.index_cast %parallel_loop3A_184 : i32 to index
      %parallel_loop3A_235 = arith.constant 112 : index
      %parallel_loop3A_236 = tpu.vector_load %arg6[%parallel_loop3A_234, %parallel_loop3A_235] {strides = array<i32>} : memref<64x200xi32, #tpu.memory_space<vmem>>, vector<16xi32>,
      %parallel_loop3A_237 = tpu.vector_load_idx %arg5[%parallel_loop3A_236] : memref<200xf32, #tpu.memory_space<vmem>>[vector<16xi32>], vector<16xf32>,
      %parallel_loop3A_238 = arith.index_cast %parallel_loop3A_184 : i32 to index
      %parallel_loop3A_239 = arith.constant 112 : index
      %parallel_loop3A_240 = tpu.vector_load %arg8[%parallel_loop3A_238, %parallel_loop3A_239] {strides = array<i32>} : memref<64x200xf32, #tpu.memory_space<vmem>>, vector<16xf32>,
      tpu.vector_store %arg8[%parallel_loop3A_238, %parallel_loop3A_239], %parallel_loop3A_237 {strides = array<i32>} : memref<64x200xf32, #tpu.memory_space<vmem>>, vector<16xf32>,
      %parallel_loop3A_241 = arith.index_cast %parallel_loop3A_184 : i32 to index
      %parallel_loop3A_242 = arith.constant 128 : index
      %parallel_loop3A_243 = tpu.vector_load %arg6[%parallel_loop3A_241, %parallel_loop3A_242] {strides = array<i32>} : memref<64x200xi32, #tpu.memory_space<vmem>>, vector<16xi32>,
      %parallel_loop3A_244 = tpu.vector_load_idx %arg5[%parallel_loop3A_243] : memref<200xf32, #tpu.memory_space<vmem>>[vector<16xi32>], vector<16xf32>,
      %parallel_loop3A_245 = arith.index_cast %parallel_loop3A_184 : i32 to index
      %parallel_loop3A_246 = arith.constant 128 : index
      %parallel_loop3A_247 = tpu.vector_load %arg8[%parallel_loop3A_245, %parallel_loop3A_246] {strides = array<i32>} : memref<64x200xf32, #tpu.memory_space<vmem>>, vector<16xf32>,
      tpu.vector_store %arg8[%parallel_loop3A_245, %parallel_loop3A_246], %parallel_loop3A_244 {strides = array<i32>} : memref<64x200xf32, #tpu.memory_space<vmem>>, vector<16xf32>,
      %parallel_loop3A_248 = arith.index_cast %parallel_loop3A_184 : i32 to index
      %parallel_loop3A_249 = arith.constant 144 : index
      %parallel_loop3A_250 = tpu.vector_load %arg6[%parallel_loop3A_248, %parallel_loop3A_249] {strides = array<i32>} : memref<64x200xi32, #tpu.memory_space<vmem>>, vector<16xi32>,
      %parallel_loop3A_251 = tpu.vector_load_idx %arg5[%parallel_loop3A_250] : memref<200xf32, #tpu.memory_space<vmem>>[vector<16xi32>], vector<16xf32>,
      %parallel_loop3A_252 = arith.index_cast %parallel_loop3A_184 : i32 to index
      %parallel_loop3A_253 = arith.constant 144 : index
      %parallel_loop3A_254 = tpu.vector_load %arg8[%parallel_loop3A_252, %parallel_loop3A_253] {strides = array<i32>} : memref<64x200xf32, #tpu.memory_space<vmem>>, vector<16xf32>,
      tpu.vector_store %arg8[%parallel_loop3A_252, %parallel_loop3A_253], %parallel_loop3A_251 {strides = array<i32>} : memref<64x200xf32, #tpu.memory_space<vmem>>, vector<16xf32>,
      %parallel_loop3A_255 = arith.index_cast %parallel_loop3A_184 : i32 to index
      %parallel_loop3A_256 = arith.constant 160 : index
      %parallel_loop3A_257 = tpu.vector_load %arg6[%parallel_loop3A_255, %parallel_loop3A_256] {strides = array<i32>} : memref<64x200xi32, #tpu.memory_space<vmem>>, vector<16xi32>,
      %parallel_loop3A_258 = tpu.vector_load_idx %arg5[%parallel_loop3A_257] : memref<200xf32, #tpu.memory_space<vmem>>[vector<16xi32>], vector<16xf32>,
      %parallel_loop3A_259 = arith.index_cast %parallel_loop3A_184 : i32 to index
      %parallel_loop3A_260 = arith.constant 160 : index
      %parallel_loop3A_261 = tpu.vector_load %arg8[%parallel_loop3A_259, %parallel_loop3A_260] {strides = array<i32>} : memref<64x200xf32, #tpu.memory_space<vmem>>, vector<16xf32>,
      tpu.vector_store %arg8[%parallel_loop3A_259, %parallel_loop3A_260], %parallel_loop3A_258 {strides = array<i32>} : memref<64x200xf32, #tpu.memory_space<vmem>>, vector<16xf32>,
      %parallel_loop3A_262 = arith.index_cast %parallel_loop3A_184 : i32 to index
      %parallel_loop3A_263 = arith.constant 176 : index
      %parallel_loop3A_264 = tpu.vector_load %arg6[%parallel_loop3A_262, %parallel_loop3A_263] {strides = array<i32>} : memref<64x200xi32, #tpu.memory_space<vmem>>, vector<16xi32>,
      %parallel_loop3A_265 = tpu.vector_load_idx %arg5[%parallel_loop3A_264] : memref<200xf32, #tpu.memory_space<vmem>>[vector<16xi32>], vector<16xf32>,
      %parallel_loop3A_266 = arith.index_cast %parallel_loop3A_184 : i32 to index
      %parallel_loop3A_267 = arith.constant 176 : index
      %parallel_loop3A_268 = tpu.vector_load %arg8[%parallel_loop3A_266, %parallel_loop3A_267] {strides = array<i32>} : memref<64x200xf32, #tpu.memory_space<vmem>>, vector<16xf32>,
      tpu.vector_store %arg8[%parallel_loop3A_266, %parallel_loop3A_267], %parallel_loop3A_265 {strides = array<i32>} : memref<64x200xf32, #tpu.memory_space<vmem>>, vector<16xf32>,
      %parallel_loop3A_269 = arith.index_cast %parallel_loop3A_184 : i32 to index
      %parallel_loop3A_270 = arith.constant 184 : index
      %parallel_loop3A_271 = tpu.vector_load %arg6[%parallel_loop3A_269, %parallel_loop3A_270] {strides = array<i32>} : memref<64x200xi32, #tpu.memory_space<vmem>>, vector<16xi32>,
      %parallel_loop3A_272 = tpu.vector_load_idx %arg5[%parallel_loop3A_271] : memref<200xf32, #tpu.memory_space<vmem>>[vector<16xi32>], vector<16xf32>,
      %parallel_loop3A_273 = arith.index_cast %parallel_loop3A_184 : i32 to index
      %parallel_loop3A_274 = arith.constant 184 : index
      %parallel_loop3A_275 = tpu.vector_load %arg8[%parallel_loop3A_273, %parallel_loop3A_274] {strides = array<i32>} : memref<64x200xf32, #tpu.memory_space<vmem>>, vector<16xf32>,
      tpu.vector_store %arg8[%parallel_loop3A_273, %parallel_loop3A_274], %parallel_loop3A_272 {strides = array<i32>} : memref<64x200xf32, #tpu.memory_space<vmem>>, vector<16xf32>,
    } {sc.loop_unroll_factor = 2 : i64, sc.parallel_access}
    %add3A_19 = arith.constant 0 : i32
    %add3A_20 = arith.addi %mul3A_2, %add3A_19 : i32
    %dma_start3A_21 = arith.constant 0 : i32
    %dma_start3A_22 = tpu.memref_slice %arg4[%add3A_20, %dma_start3A_21] : memref<16384x200xf32, #tpu.memory_space<hbm>> -> memref<64x200xf32, #tpu.memory_space<hbm>>
    %dma_start3A_23 = arith.constant 0 : i32
    %dma_start3A_24 = tpu.memref_slice %arg4[%add3A_20, %dma_start3A_23] : memref<16384x200xf32, #tpu.memory_space<hbm>> -> memref<64x200xf32, #tpu.memory_space<hbm>>
    tpu.enqueue_dma source(%arg8 : memref<64x200xf32, #tpu.memory_space<vmem>>) target(%dma_start3A_24 : memref<64x200xf32, #tpu.memory_space<hbm>>) target_semaphore(%arg12 : memref<!tpu.dma_semaphore, #tpu.memory_space<semaphore_mem>>)
    %add3A_25 = arith.constant 128 : i32
    %add3A_26 = arith.addi %mul3A_2, %add3A_25 : i32
    %dma_start3A_27 = arith.constant 0 : i32
    %dma_start3A_28 = tpu.memref_slice %arg2[%add3A_26, %dma_start3A_27] : memref<16384x200xi32, #tpu.memory_space<hbm>> -> memref<64x200xi32, #tpu.memory_space<hbm>>
    %dma_start3A_29 = arith.constant 0 : i32
    %dma_start3A_30 = tpu.memref_slice %arg2[%add3A_26, %dma_start3A_29] : memref<16384x200xi32, #tpu.memory_space<hbm>> -> memref<64x200xi32, #tpu.memory_space<hbm>>
    tpu.enqueue_dma source(%dma_start3A_30 : memref<64x200xi32, #tpu.memory_space<hbm>>) target(%arg6 : memref<64x200xi32, #tpu.memory_space<vmem>>) target_semaphore(%arg10 : memref<!tpu.dma_semaphore, #tpu.memory_space<semaphore_mem>>)
    %dma_wait3A_31 = arith.constant 0 : i32
    %dma_wait3A_32 = tpu.memref_slice %arg2[%add3A_9, %dma_wait3A_31] : memref<16384x200xi32, #tpu.memory_space<hbm>> -> memref<64x200xi32, #tpu.memory_space<hbm>>
    %dma_wait3A_33 = arith.constant 0 : i32
    %dma_wait3A_34 = tpu.memref_slice %arg2[%add3A_9, %dma_wait3A_33] : memref<16384x200xi32, #tpu.memory_space<hbm>> -> memref<64x200xi32, #tpu.memory_space<hbm>>
    tpu.wait_dma2 semaphore(%arg11 : memref<!tpu.dma_semaphore, #tpu.memory_space<semaphore_mem>>) src(%dma_wait3A_34 : memref<64x200xi32, #tpu.memory_space<hbm>>) dst(%arg7 : memref<64x200xi32, #tpu.memory_space<vmem>>)
    %parallel_loop3A_35 = arith.constant 0 : i32
    %parallel_loop3A_36 = arith.constant 64 : i32
    %parallel_loop3A_37 = arith.constant 1 : i32
    scf.for %parallel_loop3A_184 = %parallel_loop3A_35 to %parallel_loop3A_36 step %parallel_loop3A_37  : i32 {
      %parallel_loop3A_185 = arith.index_cast %parallel_loop3A_184 : i32 to index
      %parallel_loop3A_186 = arith.constant 0 : index
      %parallel_loop3A_187 = tpu.vector_load %arg7[%parallel_loop3A_185, %parallel_loop3A_186] {strides = array<i32>} : memref<64x200xi32, #tpu.memory_space<vmem>>, vector<16xi32>,
      %parallel_loop3A_188 = tpu.vector_load_idx %arg5[%parallel_loop3A_187] : memref<200xf32, #tpu.memory_space<vmem>>[vector<16xi32>], vector<16xf32>,
      %parallel_loop3A_189 = arith.index_cast %parallel_loop3A_184 : i32 to index
      %parallel_loop3A_190 = arith.constant 0 : index
      %parallel_loop3A_191 = tpu.vector_load %arg9[%parallel_loop3A_189, %parallel_loop3A_190] {strides = array<i32>} : memref<64x200xf32, #tpu.memory_space<vmem>>, vector<16xf32>,
      tpu.vector_store %arg9[%parallel_loop3A_189, %parallel_loop3A_190], %parallel_loop3A_188 {strides = array<i32>} : memref<64x200xf32, #tpu.memory_space<vmem>>, vector<16xf32>,
      %parallel_loop3A_192 = arith.index_cast %parallel_loop3A_184 : i32 to index
      %parallel_loop3A_193 = arith.constant 16 : index
      %parallel_loop3A_194 = tpu.vector_load %arg7[%parallel_loop3A_192, %parallel_loop3A_193] {strides = array<i32>} : memref<64x200xi32, #tpu.memory_space<vmem>>, vector<16xi32>,
      %parallel_loop3A_195 = tpu.vector_load_idx %arg5[%parallel_loop3A_194] : memref<200xf32, #tpu.memory_space<vmem>>[vector<16xi32>], vector<16xf32>,
      %parallel_loop3A_196 = arith.index_cast %parallel_loop3A_184 : i32 to index
      %parallel_loop3A_197 = arith.constant 16 : index
      %parallel_loop3A_198 = tpu.vector_load %arg9[%parallel_loop3A_196, %parallel_loop3A_197] {strides = array<i32>} : memref<64x200xf32, #tpu.memory_space<vmem>>, vector<16xf32>,
      tpu.vector_store %arg9[%parallel_loop3A_196, %parallel_loop3A_197], %parallel_loop3A_195 {strides = array<i32>} : memref<64x200xf32, #tpu.memory_space<vmem>>, vector<16xf32>,
      %parallel_loop3A_199 = arith.index_cast %parallel_loop3A_184 : i32 to index
      %parallel_loop3A_200 = arith.constant 32 : index
      %parallel_loop3A_201 = tpu.vector_load %arg7[%parallel_loop3A_199, %parallel_loop3A_200] {strides = array<i32>} : memref<64x200xi32, #tpu.memory_space<vmem>>, vector<16xi32>,
      %parallel_loop3A_202 = tpu.vector_load_idx %arg5[%parallel_loop3A_201] : memref<200xf32, #tpu.memory_space<vmem>>[vector<16xi32>], vector<16xf32>,
      %parallel_loop3A_203 = arith.index_cast %parallel_loop3A_184 : i32 to index
      %parallel_loop3A_204 = arith.constant 32 : index
      %parallel_loop3A_205 = tpu.vector_load %arg9[%parallel_loop3A_203, %parallel_loop3A_204] {strides = array<i32>} : memref<64x200xf32, #tpu.memory_space<vmem>>, vector<16xf32>,
      tpu.vector_store %arg9[%parallel_loop3A_203, %parallel_loop3A_204], %parallel_loop3A_202 {strides = array<i32>} : memref<64x200xf32, #tpu.memory_space<vmem>>, vector<16xf32>,
      %parallel_loop3A_206 = arith.index_cast %parallel_loop3A_184 : i32 to index
      %parallel_loop3A_207 = arith.constant 48 : index
      %parallel_loop3A_208 = tpu.vector_load %arg7[%parallel_loop3A_206, %parallel_loop3A_207] {strides = array<i32>} : memref<64x200xi32, #tpu.memory_space<vmem>>, vector<16xi32>,
      %parallel_loop3A_209 = tpu.vector_load_idx %arg5[%parallel_loop3A_208] : memref<200xf32, #tpu.memory_space<vmem>>[vector<16xi32>], vector<16xf32>,
      %parallel_loop3A_210 = arith.index_cast %parallel_loop3A_184 : i32 to index
      %parallel_loop3A_211 = arith.constant 48 : index
      %parallel_loop3A_212 = tpu.vector_load %arg9[%parallel_loop3A_210, %parallel_loop3A_211] {strides = array<i32>} : memref<64x200xf32, #tpu.memory_space<vmem>>, vector<16xf32>,
      tpu.vector_store %arg9[%parallel_loop3A_210, %parallel_loop3A_211], %parallel_loop3A_209 {strides = array<i32>} : memref<64x200xf32, #tpu.memory_space<vmem>>, vector<16xf32>,
      %parallel_loop3A_213 = arith.index_cast %parallel_loop3A_184 : i32 to index
      %parallel_loop3A_214 = arith.constant 64 : index
      %parallel_loop3A_215 = tpu.vector_load %arg7[%parallel_loop3A_213, %parallel_loop3A_214] {strides = array<i32>} : memref<64x200xi32, #tpu.memory_space<vmem>>, vector<16xi32>,
      %parallel_loop3A_216 = tpu.vector_load_idx %arg5[%parallel_loop3A_215] : memref<200xf32, #tpu.memory_space<vmem>>[vector<16xi32>], vector<16xf32>,
      %parallel_loop3A_217 = arith.index_cast %parallel_loop3A_184 : i32 to index
      %parallel_loop3A_218 = arith.constant 64 : index
      %parallel_loop3A_219 = tpu.vector_load %arg9[%parallel_loop3A_217, %parallel_loop3A_218] {strides = array<i32>} : memref<64x200xf32, #tpu.memory_space<vmem>>, vector<16xf32>,
      tpu.vector_store %arg9[%parallel_loop3A_217, %parallel_loop3A_218], %parallel_loop3A_216 {strides = array<i32>} : memref<64x200xf32, #tpu.memory_space<vmem>>, vector<16xf32>,
      %parallel_loop3A_220 = arith.index_cast %parallel_loop3A_184 : i32 to index
      %parallel_loop3A_221 = arith.constant 80 : index
      %parallel_loop3A_222 = tpu.vector_load %arg7[%parallel_loop3A_220, %parallel_loop3A_221] {strides = array<i32>} : memref<64x200xi32, #tpu.memory_space<vmem>>, vector<16xi32>,
      %parallel_loop3A_223 = tpu.vector_load_idx %arg5[%parallel_loop3A_222] : memref<200xf32, #tpu.memory_space<vmem>>[vector<16xi32>], vector<16xf32>,
      %parallel_loop3A_224 = arith.index_cast %parallel_loop3A_184 : i32 to index
      %parallel_loop3A_225 = arith.constant 80 : index
      %parallel_loop3A_226 = tpu.vector_load %arg9[%parallel_loop3A_224, %parallel_loop3A_225] {strides = array<i32>} : memref<64x200xf32, #tpu.memory_space<vmem>>, vector<16xf32>,
      tpu.vector_store %arg9[%parallel_loop3A_224, %parallel_loop3A_225], %parallel_loop3A_223 {strides = array<i32>} : memref<64x200xf32, #tpu.memory_space<vmem>>, vector<16xf32>,
      %parallel_loop3A_227 = arith.index_cast %parallel_loop3A_184 : i32 to index
      %parallel_loop3A_228 = arith.constant 96 : index
      %parallel_loop3A_229 = tpu.vector_load %arg7[%parallel_loop3A_227, %parallel_loop3A_228] {strides = array<i32>} : memref<64x200xi32, #tpu.memory_space<vmem>>, vector<16xi32>,
      %parallel_loop3A_230 = tpu.vector_load_idx %arg5[%parallel_loop3A_229] : memref<200xf32, #tpu.memory_space<vmem>>[vector<16xi32>], vector<16xf32>,
      %parallel_loop3A_231 = arith.index_cast %parallel_loop3A_184 : i32 to index
      %parallel_loop3A_232 = arith.constant 96 : index
      %parallel_loop3A_233 = tpu.vector_load %arg9[%parallel_loop3A_231, %parallel_loop3A_232] {strides = array<i32>} : memref<64x200xf32, #tpu.memory_space<vmem>>, vector<16xf32>,
      tpu.vector_store %arg9[%parallel_loop3A_231, %parallel_loop3A_232], %parallel_loop3A_230 {strides = array<i32>} : memref<64x200xf32, #tpu.memory_space<vmem>>, vector<16xf32>,
      %parallel_loop3A_234 = arith.index_cast %parallel_loop3A_184 : i32 to index
      %parallel_loop3A_235 = arith.constant 112 : index
      %parallel_loop3A_236 = tpu.vector_load %arg7[%parallel_loop3A_234, %parallel_loop3A_235] {strides = array<i32>} : memref<64x200xi32, #tpu.memory_space<vmem>>, vector<16xi32>,
      %parallel_loop3A_237 = tpu.vector_load_idx %arg5[%parallel_loop3A_236] : memref<200xf32, #tpu.memory_space<vmem>>[vector<16xi32>], vector<16xf32>,
      %parallel_loop3A_238 = arith.index_cast %parallel_loop3A_184 : i32 to index
      %parallel_loop3A_239 = arith.constant 112 : index
      %parallel_loop3A_240 = tpu.vector_load %arg9[%parallel_loop3A_238, %parallel_loop3A_239] {strides = array<i32>} : memref<64x200xf32, #tpu.memory_space<vmem>>, vector<16xf32>,
      tpu.vector_store %arg9[%parallel_loop3A_238, %parallel_loop3A_239], %parallel_loop3A_237 {strides = array<i32>} : memref<64x200xf32, #tpu.memory_space<vmem>>, vector<16xf32>,
      %parallel_loop3A_241 = arith.index_cast %parallel_loop3A_184 : i32 to index
      %parallel_loop3A_242 = arith.constant 128 : index
      %parallel_loop3A_243 = tpu.vector_load %arg7[%parallel_loop3A_241, %parallel_loop3A_242] {strides = array<i32>} : memref<64x200xi32, #tpu.memory_space<vmem>>, vector<16xi32>,
      %parallel_loop3A_244 = tpu.vector_load_idx %arg5[%parallel_loop3A_243] : memref<200xf32, #tpu.memory_space<vmem>>[vector<16xi32>], vector<16xf32>,
      %parallel_loop3A_245 = arith.index_cast %parallel_loop3A_184 : i32 to index
      %parallel_loop3A_246 = arith.constant 128 : index
      %parallel_loop3A_247 = tpu.vector_load %arg9[%parallel_loop3A_245, %parallel_loop3A_246] {strides = array<i32>} : memref<64x200xf32, #tpu.memory_space<vmem>>, vector<16xf32>,
      tpu.vector_store %arg9[%parallel_loop3A_245, %parallel_loop3A_246], %parallel_loop3A_244 {strides = array<i32>} : memref<64x200xf32, #tpu.memory_space<vmem>>, vector<16xf32>,
      %parallel_loop3A_248 = arith.index_cast %parallel_loop3A_184 : i32 to index
      %parallel_loop3A_249 = arith.constant 144 : index
      %parallel_loop3A_250 = tpu.vector_load %arg7[%parallel_loop3A_248, %parallel_loop3A_249] {strides = array<i32>} : memref<64x200xi32, #tpu.memory_space<vmem>>, vector<16xi32>,
      %parallel_loop3A_251 = tpu.vector_load_idx %arg5[%parallel_loop3A_250] : memref<200xf32, #tpu.memory_space<vmem>>[vector<16xi32>], vector<16xf32>,
      %parallel_loop3A_252 = arith.index_cast %parallel_loop3A_184 : i32 to index
      %parallel_loop3A_253 = arith.constant 144 : index
      %parallel_loop3A_254 = tpu.vector_load %arg9[%parallel_loop3A_252, %parallel_loop3A_253] {strides = array<i32>} : memref<64x200xf32, #tpu.memory_space<vmem>>, vector<16xf32>,
      tpu.vector_store %arg9[%parallel_loop3A_252, %parallel_loop3A_253], %parallel_loop3A_251 {strides = array<i32>} : memref<64x200xf32, #tpu.memory_space<vmem>>, vector<16xf32>,
      %parallel_loop3A_255 = arith.index_cast %parallel_loop3A_184 : i32 to index
      %parallel_loop3A_256 = arith.constant 160 : index
      %parallel_loop3A_257 = tpu.vector_load %arg7[%parallel_loop3A_255, %parallel_loop3A_256] {strides = array<i32>} : memref<64x200xi32, #tpu.memory_space<vmem>>, vector<16xi32>,
      %parallel_loop3A_258 = tpu.vector_load_idx %arg5[%parallel_loop3A_257] : memref<200xf32, #tpu.memory_space<vmem>>[vector<16xi32>], vector<16xf32>,
      %parallel_loop3A_259 = arith.index_cast %parallel_loop3A_184 : i32 to index
      %parallel_loop3A_260 = arith.constant 160 : index
      %parallel_loop3A_261 = tpu.vector_load %arg9[%parallel_loop3A_259, %parallel_loop3A_260] {strides = array<i32>} : memref<64x200xf32, #tpu.memory_space<vmem>>, vector<16xf32>,
      tpu.vector_store %arg9[%parallel_loop3A_259, %parallel_loop3A_260], %parallel_loop3A_258 {strides = array<i32>} : memref<64x200xf32, #tpu.memory_space<vmem>>, vector<16xf32>,
      %parallel_loop3A_262 = arith.index_cast %parallel_loop3A_184 : i32 to index
      %parallel_loop3A_263 = arith.constant 176 : index
      %parallel_loop3A_264 = tpu.vector_load %arg7[%parallel_loop3A_262, %parallel_loop3A_263] {strides = array<i32>} : memref<64x200xi32, #tpu.memory_space<vmem>>, vector<16xi32>,
      %parallel_loop3A_265 = tpu.vector_load_idx %arg5[%parallel_loop3A_264] : memref<200xf32, #tpu.memory_space<vmem>>[vector<16xi32>], vector<16xf32>,
      %parallel_loop3A_266 = arith.index_cast %parallel_loop3A_184 : i32 to index
      %parallel_loop3A_267 = arith.constant 176 : index
      %parallel_loop3A_268 = tpu.vector_load %arg9[%parallel_loop3A_266, %parallel_loop3A_267] {strides = array<i32>} : memref<64x200xf32, #tpu.memory_space<vmem>>, vector<16xf32>,
      tpu.vector_store %arg9[%parallel_loop3A_266, %parallel_loop3A_267], %parallel_loop3A_265 {strides = array<i32>} : memref<64x200xf32, #tpu.memory_space<vmem>>, vector<16xf32>,
      %parallel_loop3A_269 = arith.index_cast %parallel_loop3A_184 : i32 to index
      %parallel_loop3A_270 = arith.constant 184 : index
      %parallel_loop3A_271 = tpu.vector_load %arg7[%parallel_loop3A_269, %parallel_loop3A_270] {strides = array<i32>} : memref<64x200xi32, #tpu.memory_space<vmem>>, vector<16xi32>,
      %parallel_loop3A_272 = tpu.vector_load_idx %arg5[%parallel_loop3A_271] : memref<200xf32, #tpu.memory_space<vmem>>[vector<16xi32>], vector<16xf32>,
      %parallel_loop3A_273 = arith.index_cast %parallel_loop3A_184 : i32 to index
      %parallel_loop3A_274 = arith.constant 184 : index
      %parallel_loop3A_275 = tpu.vector_load %arg9[%parallel_loop3A_273, %parallel_loop3A_274] {strides = array<i32>} : memref<64x200xf32, #tpu.memory_space<vmem>>, vector<16xf32>,
      tpu.vector_store %arg9[%parallel_loop3A_273, %parallel_loop3A_274], %parallel_loop3A_272 {strides = array<i32>} : memref<64x200xf32, #tpu.memory_space<vmem>>, vector<16xf32>,
    } {sc.loop_unroll_factor = 2 : i64, sc.parallel_access}
    %add3A_38 = arith.constant 64 : i32
    %add3A_39 = arith.addi %mul3A_2, %add3A_38 : i32
    %dma_start3A_40 = arith.constant 0 : i32
    %dma_start3A_41 = tpu.memref_slice %arg4[%add3A_39, %dma_start3A_40] : memref<16384x200xf32, #tpu.memory_space<hbm>> -> memref<64x200xf32, #tpu.memory_space<hbm>>
    %dma_start3A_42 = arith.constant 0 : i32
    %dma_start3A_43 = tpu.memref_slice %arg4[%add3A_39, %dma_start3A_42] : memref<16384x200xf32, #tpu.memory_space<hbm>> -> memref<64x200xf32, #tpu.memory_space<hbm>>
    tpu.enqueue_dma source(%arg9 : memref<64x200xf32, #tpu.memory_space<vmem>>) target(%dma_start3A_43 : memref<64x200xf32, #tpu.memory_space<hbm>>) target_semaphore(%arg13 : memref<!tpu.dma_semaphore, #tpu.memory_space<semaphore_mem>>)
    %add3A_44 = arith.constant 192 : i32
    %add3A_45 = arith.addi %mul3A_2, %add3A_44 : i32
    %dma_start3A_46 = arith.constant 0 : i32
    %dma_start3A_47 = tpu.memref_slice %arg2[%add3A_45, %dma_start3A_46] : memref<16384x200xi32, #tpu.memory_space<hbm>> -> memref<64x200xi32, #tpu.memory_space<hbm>>
    %dma_start3A_48 = arith.constant 0 : i32
    %dma_start3A_49 = tpu.memref_slice %arg2[%add3A_45, %dma_start3A_48] : memref<16384x200xi32, #tpu.memory_space<hbm>> -> memref<64x200xi32, #tpu.memory_space<hbm>>
    tpu.enqueue_dma source(%dma_start3A_49 : memref<64x200xi32, #tpu.memory_space<hbm>>) target(%arg7 : memref<64x200xi32, #tpu.memory_space<vmem>>) target_semaphore(%arg11 : memref<!tpu.dma_semaphore, #tpu.memory_space<semaphore_mem>>)
    %dma_wait3A_50 = arith.constant 0 : i32
    %dma_wait3A_51 = tpu.memref_slice %arg2[%add3A_26, %dma_wait3A_50] : memref<16384x200xi32, #tpu.memory_space<hbm>> -> memref<64x200xi32, #tpu.memory_space<hbm>>
    %dma_wait3A_52 = arith.constant 0 : i32
    %dma_wait3A_53 = tpu.memref_slice %arg2[%add3A_26, %dma_wait3A_52] : memref<16384x200xi32, #tpu.memory_space<hbm>> -> memref<64x200xi32, #tpu.memory_space<hbm>>
    tpu.wait_dma2 semaphore(%arg10 : memref<!tpu.dma_semaphore, #tpu.memory_space<semaphore_mem>>) src(%dma_wait3A_53 : memref<64x200xi32, #tpu.memory_space<hbm>>) dst(%arg6 : memref<64x200xi32, #tpu.memory_space<vmem>>)
    %dma_wait3A_54 = arith.constant 0 : i32
    %dma_wait3A_55 = tpu.memref_slice %arg4[%add3A_20, %dma_wait3A_54] : memref<16384x200xf32, #tpu.memory_space<hbm>> -> memref<64x200xf32, #tpu.memory_space<hbm>>
    %dma_wait3A_56 = arith.constant 0 : i32
    %dma_wait3A_57 = tpu.memref_slice %arg4[%add3A_20, %dma_wait3A_56] : memref<16384x200xf32, #tpu.memory_space<hbm>> -> memref<64x200xf32, #tpu.memory_space<hbm>>
    tpu.wait_dma2 semaphore(%arg12 : memref<!tpu.dma_semaphore, #tpu.memory_space<semaphore_mem>>) src(%arg8 : memref<64x200xf32, #tpu.memory_space<vmem>>) dst(%dma_wait3A_57 : memref<64x200xf32, #tpu.memory_space<hbm>>)
    %parallel_loop3A_58 = arith.constant 0 : i32
    %parallel_loop3A_59 = arith.constant 64 : i32
    %parallel_loop3A_60 = arith.constant 1 : i32
    scf.for %parallel_loop3A_184 = %parallel_loop3A_58 to %parallel_loop3A_59 step %parallel_loop3A_60  : i32 {
      %parallel_loop3A_185 = arith.index_cast %parallel_loop3A_184 : i32 to index
      %parallel_loop3A_186 = arith.constant 0 : index
      %parallel_loop3A_187 = tpu.vector_load %arg6[%parallel_loop3A_185, %parallel_loop3A_186] {strides = array<i32>} : memref<64x200xi32, #tpu.memory_space<vmem>>, vector<16xi32>,
      %parallel_loop3A_188 = tpu.vector_load_idx %arg5[%parallel_loop3A_187] : memref<200xf32, #tpu.memory_space<vmem>>[vector<16xi32>], vector<16xf32>,
      %parallel_loop3A_189 = arith.index_cast %parallel_loop3A_184 : i32 to index
      %parallel_loop3A_190 = arith.constant 0 : index
      %parallel_loop3A_191 = tpu.vector_load %arg8[%parallel_loop3A_189, %parallel_loop3A_190] {strides = array<i32>} : memref<64x200xf32, #tpu.memory_space<vmem>>, vector<16xf32>,
      tpu.vector_store %arg8[%parallel_loop3A_189, %parallel_loop3A_190], %parallel_loop3A_188 {strides = array<i32>} : memref<64x200xf32, #tpu.memory_space<vmem>>, vector<16xf32>,
      %parallel_loop3A_192 = arith.index_cast %parallel_loop3A_184 : i32 to index
      %parallel_loop3A_193 = arith.constant 16 : index
      %parallel_loop3A_194 = tpu.vector_load %arg6[%parallel_loop3A_192, %parallel_loop3A_193] {strides = array<i32>} : memref<64x200xi32, #tpu.memory_space<vmem>>, vector<16xi32>,
      %parallel_loop3A_195 = tpu.vector_load_idx %arg5[%parallel_loop3A_194] : memref<200xf32, #tpu.memory_space<vmem>>[vector<16xi32>], vector<16xf32>,
      %parallel_loop3A_196 = arith.index_cast %parallel_loop3A_184 : i32 to index
      %parallel_loop3A_197 = arith.constant 16 : index
      %parallel_loop3A_198 = tpu.vector_load %arg8[%parallel_loop3A_196, %parallel_loop3A_197] {strides = array<i32>} : memref<64x200xf32, #tpu.memory_space<vmem>>, vector<16xf32>,
      tpu.vector_store %arg8[%parallel_loop3A_196, %parallel_loop3A_197], %parallel_loop3A_195 {strides = array<i32>} : memref<64x200xf32, #tpu.memory_space<vmem>>, vector<16xf32>,
      %parallel_loop3A_199 = arith.index_cast %parallel_loop3A_184 : i32 to index
      %parallel_loop3A_200 = arith.constant 32 : index
      %parallel_loop3A_201 = tpu.vector_load %arg6[%parallel_loop3A_199, %parallel_loop3A_200] {strides = array<i32>} : memref<64x200xi32, #tpu.memory_space<vmem>>, vector<16xi32>,
      %parallel_loop3A_202 = tpu.vector_load_idx %arg5[%parallel_loop3A_201] : memref<200xf32, #tpu.memory_space<vmem>>[vector<16xi32>], vector<16xf32>,
      %parallel_loop3A_203 = arith.index_cast %parallel_loop3A_184 : i32 to index
      %parallel_loop3A_204 = arith.constant 32 : index
      %parallel_loop3A_205 = tpu.vector_load %arg8[%parallel_loop3A_203, %parallel_loop3A_204] {strides = array<i32>} : memref<64x200xf32, #tpu.memory_space<vmem>>, vector<16xf32>,
      tpu.vector_store %arg8[%parallel_loop3A_203, %parallel_loop3A_204], %parallel_loop3A_202 {strides = array<i32>} : memref<64x200xf32, #tpu.memory_space<vmem>>, vector<16xf32>,
      %parallel_loop3A_206 = arith.index_cast %parallel_loop3A_184 : i32 to index
      %parallel_loop3A_207 = arith.constant 48 : index
      %parallel_loop3A_208 = tpu.vector_load %arg6[%parallel_loop3A_206, %parallel_loop3A_207] {strides = array<i32>} : memref<64x200xi32, #tpu.memory_space<vmem>>, vector<16xi32>,
      %parallel_loop3A_209 = tpu.vector_load_idx %arg5[%parallel_loop3A_208] : memref<200xf32, #tpu.memory_space<vmem>>[vector<16xi32>], vector<16xf32>,
      %parallel_loop3A_210 = arith.index_cast %parallel_loop3A_184 : i32 to index
      %parallel_loop3A_211 = arith.constant 48 : index
      %parallel_loop3A_212 = tpu.vector_load %arg8[%parallel_loop3A_210, %parallel_loop3A_211] {strides = array<i32>} : memref<64x200xf32, #tpu.memory_space<vmem>>, vector<16xf32>,
      tpu.vector_store %arg8[%parallel_loop3A_210, %parallel_loop3A_211], %parallel_loop3A_209 {strides = array<i32>} : memref<64x200xf32, #tpu.memory_space<vmem>>, vector<16xf32>,
      %parallel_loop3A_213 = arith.index_cast %parallel_loop3A_184 : i32 to index
      %parallel_loop3A_214 = arith.constant 64 : index
      %parallel_loop3A_215 = tpu.vector_load %arg6[%parallel_loop3A_213, %parallel_loop3A_214] {strides = array<i32>} : memref<64x200xi32, #tpu.memory_space<vmem>>, vector<16xi32>,
      %parallel_loop3A_216 = tpu.vector_load_idx %arg5[%parallel_loop3A_215] : memref<200xf32, #tpu.memory_space<vmem>>[vector<16xi32>], vector<16xf32>,
      %parallel_loop3A_217 = arith.index_cast %parallel_loop3A_184 : i32 to index
      %parallel_loop3A_218 = arith.constant 64 : index
      %parallel_loop3A_219 = tpu.vector_load %arg8[%parallel_loop3A_217, %parallel_loop3A_218] {strides = array<i32>} : memref<64x200xf32, #tpu.memory_space<vmem>>, vector<16xf32>,
      tpu.vector_store %arg8[%parallel_loop3A_217, %parallel_loop3A_218], %parallel_loop3A_216 {strides = array<i32>} : memref<64x200xf32, #tpu.memory_space<vmem>>, vector<16xf32>,
      %parallel_loop3A_220 = arith.index_cast %parallel_loop3A_184 : i32 to index
      %parallel_loop3A_221 = arith.constant 80 : index
      %parallel_loop3A_222 = tpu.vector_load %arg6[%parallel_loop3A_220, %parallel_loop3A_221] {strides = array<i32>} : memref<64x200xi32, #tpu.memory_space<vmem>>, vector<16xi32>,
      %parallel_loop3A_223 = tpu.vector_load_idx %arg5[%parallel_loop3A_222] : memref<200xf32, #tpu.memory_space<vmem>>[vector<16xi32>], vector<16xf32>,
      %parallel_loop3A_224 = arith.index_cast %parallel_loop3A_184 : i32 to index
      %parallel_loop3A_225 = arith.constant 80 : index
      %parallel_loop3A_226 = tpu.vector_load %arg8[%parallel_loop3A_224, %parallel_loop3A_225] {strides = array<i32>} : memref<64x200xf32, #tpu.memory_space<vmem>>, vector<16xf32>,
      tpu.vector_store %arg8[%parallel_loop3A_224, %parallel_loop3A_225], %parallel_loop3A_223 {strides = array<i32>} : memref<64x200xf32, #tpu.memory_space<vmem>>, vector<16xf32>,
      %parallel_loop3A_227 = arith.index_cast %parallel_loop3A_184 : i32 to index
      %parallel_loop3A_228 = arith.constant 96 : index
      %parallel_loop3A_229 = tpu.vector_load %arg6[%parallel_loop3A_227, %parallel_loop3A_228] {strides = array<i32>} : memref<64x200xi32, #tpu.memory_space<vmem>>, vector<16xi32>,
      %parallel_loop3A_230 = tpu.vector_load_idx %arg5[%parallel_loop3A_229] : memref<200xf32, #tpu.memory_space<vmem>>[vector<16xi32>], vector<16xf32>,
      %parallel_loop3A_231 = arith.index_cast %parallel_loop3A_184 : i32 to index
      %parallel_loop3A_232 = arith.constant 96 : index
      %parallel_loop3A_233 = tpu.vector_load %arg8[%parallel_loop3A_231, %parallel_loop3A_232] {strides = array<i32>} : memref<64x200xf32, #tpu.memory_space<vmem>>, vector<16xf32>,
      tpu.vector_store %arg8[%parallel_loop3A_231, %parallel_loop3A_232], %parallel_loop3A_230 {strides = array<i32>} : memref<64x200xf32, #tpu.memory_space<vmem>>, vector<16xf32>,
      %parallel_loop3A_234 = arith.index_cast %parallel_loop3A_184 : i32 to index
      %parallel_loop3A_235 = arith.constant 112 : index
      %parallel_loop3A_236 = tpu.vector_load %arg6[%parallel_loop3A_234, %parallel_loop3A_235] {strides = array<i32>} : memref<64x200xi32, #tpu.memory_space<vmem>>, vector<16xi32>,
      %parallel_loop3A_237 = tpu.vector_load_idx %arg5[%parallel_loop3A_236] : memref<200xf32, #tpu.memory_space<vmem>>[vector<16xi32>], vector<16xf32>,
      %parallel_loop3A_238 = arith.index_cast %parallel_loop3A_184 : i32 to index
      %parallel_loop3A_239 = arith.constant 112 : index
      %parallel_loop3A_240 = tpu.vector_load %arg8[%parallel_loop3A_238, %parallel_loop3A_239] {strides = array<i32>} : memref<64x200xf32, #tpu.memory_space<vmem>>, vector<16xf32>,
      tpu.vector_store %arg8[%parallel_loop3A_238, %parallel_loop3A_239], %parallel_loop3A_237 {strides = array<i32>} : memref<64x200xf32, #tpu.memory_space<vmem>>, vector<16xf32>,
      %parallel_loop3A_241 = arith.index_cast %parallel_loop3A_184 : i32 to index
      %parallel_loop3A_242 = arith.constant 128 : index
      %parallel_loop3A_243 = tpu.vector_load %arg6[%parallel_loop3A_241, %parallel_loop3A_242] {strides = array<i32>} : memref<64x200xi32, #tpu.memory_space<vmem>>, vector<16xi32>,
      %parallel_loop3A_244 = tpu.vector_load_idx %arg5[%parallel_loop3A_243] : memref<200xf32, #tpu.memory_space<vmem>>[vector<16xi32>], vector<16xf32>,
      %parallel_loop3A_245 = arith.index_cast %parallel_loop3A_184 : i32 to index
      %parallel_loop3A_246 = arith.constant 128 : index
      %parallel_loop3A_247 = tpu.vector_load %arg8[%parallel_loop3A_245, %parallel_loop3A_246] {strides = array<i32>} : memref<64x200xf32, #tpu.memory_space<vmem>>, vector<16xf32>,
      tpu.vector_store %arg8[%parallel_loop3A_245, %parallel_loop3A_246], %parallel_loop3A_244 {strides = array<i32>} : memref<64x200xf32, #tpu.memory_space<vmem>>, vector<16xf32>,
      %parallel_loop3A_248 = arith.index_cast %parallel_loop3A_184 : i32 to index
      %parallel_loop3A_249 = arith.constant 144 : index
      %parallel_loop3A_250 = tpu.vector_load %arg6[%parallel_loop3A_248, %parallel_loop3A_249] {strides = array<i32>} : memref<64x200xi32, #tpu.memory_space<vmem>>, vector<16xi32>,
      %parallel_loop3A_251 = tpu.vector_load_idx %arg5[%parallel_loop3A_250] : memref<200xf32, #tpu.memory_space<vmem>>[vector<16xi32>], vector<16xf32>,
      %parallel_loop3A_252 = arith.index_cast %parallel_loop3A_184 : i32 to index
      %parallel_loop3A_253 = arith.constant 144 : index
      %parallel_loop3A_254 = tpu.vector_load %arg8[%parallel_loop3A_252, %parallel_loop3A_253] {strides = array<i32>} : memref<64x200xf32, #tpu.memory_space<vmem>>, vector<16xf32>,
      tpu.vector_store %arg8[%parallel_loop3A_252, %parallel_loop3A_253], %parallel_loop3A_251 {strides = array<i32>} : memref<64x200xf32, #tpu.memory_space<vmem>>, vector<16xf32>,
      %parallel_loop3A_255 = arith.index_cast %parallel_loop3A_184 : i32 to index
      %parallel_loop3A_256 = arith.constant 160 : index
      %parallel_loop3A_257 = tpu.vector_load %arg6[%parallel_loop3A_255, %parallel_loop3A_256] {strides = array<i32>} : memref<64x200xi32, #tpu.memory_space<vmem>>, vector<16xi32>,
      %parallel_loop3A_258 = tpu.vector_load_idx %arg5[%parallel_loop3A_257] : memref<200xf32, #tpu.memory_space<vmem>>[vector<16xi32>], vector<16xf32>,
      %parallel_loop3A_259 = arith.index_cast %parallel_loop3A_184 : i32 to index
      %parallel_loop3A_260 = arith.constant 160 : index
      %parallel_loop3A_261 = tpu.vector_load %arg8[%parallel_loop3A_259, %parallel_loop3A_260] {strides = array<i32>} : memref<64x200xf32, #tpu.memory_space<vmem>>, vector<16xf32>,
      tpu.vector_store %arg8[%parallel_loop3A_259, %parallel_loop3A_260], %parallel_loop3A_258 {strides = array<i32>} : memref<64x200xf32, #tpu.memory_space<vmem>>, vector<16xf32>,
      %parallel_loop3A_262 = arith.index_cast %parallel_loop3A_184 : i32 to index
      %parallel_loop3A_263 = arith.constant 176 : index
      %parallel_loop3A_264 = tpu.vector_load %arg6[%parallel_loop3A_262, %parallel_loop3A_263] {strides = array<i32>} : memref<64x200xi32, #tpu.memory_space<vmem>>, vector<16xi32>,
      %parallel_loop3A_265 = tpu.vector_load_idx %arg5[%parallel_loop3A_264] : memref<200xf32, #tpu.memory_space<vmem>>[vector<16xi32>], vector<16xf32>,
      %parallel_loop3A_266 = arith.index_cast %parallel_loop3A_184 : i32 to index
      %parallel_loop3A_267 = arith.constant 176 : index
      %parallel_loop3A_268 = tpu.vector_load %arg8[%parallel_loop3A_266, %parallel_loop3A_267] {strides = array<i32>} : memref<64x200xf32, #tpu.memory_space<vmem>>, vector<16xf32>,
      tpu.vector_store %arg8[%parallel_loop3A_266, %parallel_loop3A_267], %parallel_loop3A_265 {strides = array<i32>} : memref<64x200xf32, #tpu.memory_space<vmem>>, vector<16xf32>,
      %parallel_loop3A_269 = arith.index_cast %parallel_loop3A_184 : i32 to index
      %parallel_loop3A_270 = arith.constant 184 : index
      %parallel_loop3A_271 = tpu.vector_load %arg6[%parallel_loop3A_269, %parallel_loop3A_270] {strides = array<i32>} : memref<64x200xi32, #tpu.memory_space<vmem>>, vector<16xi32>,
      %parallel_loop3A_272 = tpu.vector_load_idx %arg5[%parallel_loop3A_271] : memref<200xf32, #tpu.memory_space<vmem>>[vector<16xi32>], vector<16xf32>,
      %parallel_loop3A_273 = arith.index_cast %parallel_loop3A_184 : i32 to index
      %parallel_loop3A_274 = arith.constant 184 : index
      %parallel_loop3A_275 = tpu.vector_load %arg8[%parallel_loop3A_273, %parallel_loop3A_274] {strides = array<i32>} : memref<64x200xf32, #tpu.memory_space<vmem>>, vector<16xf32>,
      tpu.vector_store %arg8[%parallel_loop3A_273, %parallel_loop3A_274], %parallel_loop3A_272 {strides = array<i32>} : memref<64x200xf32, #tpu.memory_space<vmem>>, vector<16xf32>,
    } {sc.loop_unroll_factor = 2 : i64, sc.parallel_access}
    %add3A_61 = arith.constant 128 : i32
    %add3A_62 = arith.addi %mul3A_2, %add3A_61 : i32
    %dma_start3A_63 = arith.constant 0 : i32
    %dma_start3A_64 = tpu.memref_slice %arg4[%add3A_62, %dma_start3A_63] : memref<16384x200xf32, #tpu.memory_space<hbm>> -> memref<64x200xf32, #tpu.memory_space<hbm>>
    %dma_start3A_65 = arith.constant 0 : i32
    %dma_start3A_66 = tpu.memref_slice %arg4[%add3A_62, %dma_start3A_65] : memref<16384x200xf32, #tpu.memory_space<hbm>> -> memref<64x200xf32, #tpu.memory_space<hbm>>
    tpu.enqueue_dma source(%arg8 : memref<64x200xf32, #tpu.memory_space<vmem>>) target(%dma_start3A_66 : memref<64x200xf32, #tpu.memory_space<hbm>>) target_semaphore(%arg12 : memref<!tpu.dma_semaphore, #tpu.memory_space<semaphore_mem>>)
    %add3A_67 = arith.constant 256 : i32
    %add3A_68 = arith.addi %mul3A_2, %add3A_67 : i32
    %dma_start3A_69 = arith.constant 0 : i32
    %dma_start3A_70 = tpu.memref_slice %arg2[%add3A_68, %dma_start3A_69] : memref<16384x200xi32, #tpu.memory_space<hbm>> -> memref<64x200xi32, #tpu.memory_space<hbm>>
    %dma_start3A_71 = arith.constant 0 : i32
    %dma_start3A_72 = tpu.memref_slice %arg2[%add3A_68, %dma_start3A_71] : memref<16384x200xi32, #tpu.memory_space<hbm>> -> memref<64x200xi32, #tpu.memory_space<hbm>>
    tpu.enqueue_dma source(%dma_start3A_72 : memref<64x200xi32, #tpu.memory_space<hbm>>) target(%arg6 : memref<64x200xi32, #tpu.memory_space<vmem>>) target_semaphore(%arg10 : memref<!tpu.dma_semaphore, #tpu.memory_space<semaphore_mem>>)
    %dma_wait3A_73 = arith.constant 0 : i32
    %dma_wait3A_74 = tpu.memref_slice %arg2[%add3A_45, %dma_wait3A_73] : memref<16384x200xi32, #tpu.memory_space<hbm>> -> memref<64x200xi32, #tpu.memory_space<hbm>>
    %dma_wait3A_75 = arith.constant 0 : i32
    %dma_wait3A_76 = tpu.memref_slice %arg2[%add3A_45, %dma_wait3A_75] : memref<16384x200xi32, #tpu.memory_space<hbm>> -> memref<64x200xi32, #tpu.memory_space<hbm>>
    tpu.wait_dma2 semaphore(%arg11 : memref<!tpu.dma_semaphore, #tpu.memory_space<semaphore_mem>>) src(%dma_wait3A_76 : memref<64x200xi32, #tpu.memory_space<hbm>>) dst(%arg7 : memref<64x200xi32, #tpu.memory_space<vmem>>)
    %dma_wait3A_77 = arith.constant 0 : i32
    %dma_wait3A_78 = tpu.memref_slice %arg4[%add3A_39, %dma_wait3A_77] : memref<16384x200xf32, #tpu.memory_space<hbm>> -> memref<64x200xf32, #tpu.memory_space<hbm>>
    %dma_wait3A_79 = arith.constant 0 : i32
    %dma_wait3A_80 = tpu.memref_slice %arg4[%add3A_39, %dma_wait3A_79] : memref<16384x200xf32, #tpu.memory_space<hbm>> -> memref<64x200xf32, #tpu.memory_space<hbm>>
    tpu.wait_dma2 semaphore(%arg13 : memref<!tpu.dma_semaphore, #tpu.memory_space<semaphore_mem>>) src(%arg9 : memref<64x200xf32, #tpu.memory_space<vmem>>) dst(%dma_wait3A_80 : memref<64x200xf32, #tpu.memory_space<hbm>>)
    %parallel_loop3A_81 = arith.constant 0 : i32
    %parallel_loop3A_82 = arith.constant 64 : i32
    %parallel_loop3A_83 = arith.constant 1 : i32
    scf.for %parallel_loop3A_184 = %parallel_loop3A_81 to %parallel_loop3A_82 step %parallel_loop3A_83  : i32 {
      %parallel_loop3A_185 = arith.index_cast %parallel_loop3A_184 : i32 to index
      %parallel_loop3A_186 = arith.constant 0 : index
      %parallel_loop3A_187 = tpu.vector_load %arg7[%parallel_loop3A_185, %parallel_loop3A_186] {strides = array<i32>} : memref<64x200xi32, #tpu.memory_space<vmem>>, vector<16xi32>,
      %parallel_loop3A_188 = tpu.vector_load_idx %arg5[%parallel_loop3A_187] : memref<200xf32, #tpu.memory_space<vmem>>[vector<16xi32>], vector<16xf32>,
      %parallel_loop3A_189 = arith.index_cast %parallel_loop3A_184 : i32 to index
      %parallel_loop3A_190 = arith.constant 0 : index
      %parallel_loop3A_191 = tpu.vector_load %arg9[%parallel_loop3A_189, %parallel_loop3A_190] {strides = array<i32>} : memref<64x200xf32, #tpu.memory_space<vmem>>, vector<16xf32>,
      tpu.vector_store %arg9[%parallel_loop3A_189, %parallel_loop3A_190], %parallel_loop3A_188 {strides = array<i32>} : memref<64x200xf32, #tpu.memory_space<vmem>>, vector<16xf32>,
      %parallel_loop3A_192 = arith.index_cast %parallel_loop3A_184 : i32 to index
      %parallel_loop3A_193 = arith.constant 16 : index
      %parallel_loop3A_194 = tpu.vector_load %arg7[%parallel_loop3A_192, %parallel_loop3A_193] {strides = array<i32>} : memref<64x200xi32, #tpu.memory_space<vmem>>, vector<16xi32>,
      %parallel_loop3A_195 = tpu.vector_load_idx %arg5[%parallel_loop3A_194] : memref<200xf32, #tpu.memory_space<vmem>>[vector<16xi32>], vector<16xf32>,
      %parallel_loop3A_196 = arith.index_cast %parallel_loop3A_184 : i32 to index
      %parallel_loop3A_197 = arith.constant 16 : index
      %parallel_loop3A_198 = tpu.vector_load %arg9[%parallel_loop3A_196, %parallel_loop3A_197] {strides = array<i32>} : memref<64x200xf32, #tpu.memory_space<vmem>>, vector<16xf32>,
      tpu.vector_store %arg9[%parallel_loop3A_196, %parallel_loop3A_197], %parallel_loop3A_195 {strides = array<i32>} : memref<64x200xf32, #tpu.memory_space<vmem>>, vector<16xf32>,
      %parallel_loop3A_199 = arith.index_cast %parallel_loop3A_184 : i32 to index
      %parallel_loop3A_200 = arith.constant 32 : index
      %parallel_loop3A_201 = tpu.vector_load %arg7[%parallel_loop3A_199, %parallel_loop3A_200] {strides = array<i32>} : memref<64x200xi32, #tpu.memory_space<vmem>>, vector<16xi32>,
      %parallel_loop3A_202 = tpu.vector_load_idx %arg5[%parallel_loop3A_201] : memref<200xf32, #tpu.memory_space<vmem>>[vector<16xi32>], vector<16xf32>,
      %parallel_loop3A_203 = arith.index_cast %parallel_loop3A_184 : i32 to index
      %parallel_loop3A_204 = arith.constant 32 : index
      %parallel_loop3A_205 = tpu.vector_load %arg9[%parallel_loop3A_203, %parallel_loop3A_204] {strides = array<i32>} : memref<64x200xf32, #tpu.memory_space<vmem>>, vector<16xf32>,
      tpu.vector_store %arg9[%parallel_loop3A_203, %parallel_loop3A_204], %parallel_loop3A_202 {strides = array<i32>} : memref<64x200xf32, #tpu.memory_space<vmem>>, vector<16xf32>,
      %parallel_loop3A_206 = arith.index_cast %parallel_loop3A_184 : i32 to index
      %parallel_loop3A_207 = arith.constant 48 : index
      %parallel_loop3A_208 = tpu.vector_load %arg7[%parallel_loop3A_206, %parallel_loop3A_207] {strides = array<i32>} : memref<64x200xi32, #tpu.memory_space<vmem>>, vector<16xi32>,
      %parallel_loop3A_209 = tpu.vector_load_idx %arg5[%parallel_loop3A_208] : memref<200xf32, #tpu.memory_space<vmem>>[vector<16xi32>], vector<16xf32>,
      %parallel_loop3A_210 = arith.index_cast %parallel_loop3A_184 : i32 to index
      %parallel_loop3A_211 = arith.constant 48 : index
      %parallel_loop3A_212 = tpu.vector_load %arg9[%parallel_loop3A_210, %parallel_loop3A_211] {strides = array<i32>} : memref<64x200xf32, #tpu.memory_space<vmem>>, vector<16xf32>,
      tpu.vector_store %arg9[%parallel_loop3A_210, %parallel_loop3A_211], %parallel_loop3A_209 {strides = array<i32>} : memref<64x200xf32, #tpu.memory_space<vmem>>, vector<16xf32>,
      %parallel_loop3A_213 = arith.index_cast %parallel_loop3A_184 : i32 to index
      %parallel_loop3A_214 = arith.constant 64 : index
      %parallel_loop3A_215 = tpu.vector_load %arg7[%parallel_loop3A_213, %parallel_loop3A_214] {strides = array<i32>} : memref<64x200xi32, #tpu.memory_space<vmem>>, vector<16xi32>,
      %parallel_loop3A_216 = tpu.vector_load_idx %arg5[%parallel_loop3A_215] : memref<200xf32, #tpu.memory_space<vmem>>[vector<16xi32>], vector<16xf32>,
      %parallel_loop3A_217 = arith.index_cast %parallel_loop3A_184 : i32 to index
      %parallel_loop3A_218 = arith.constant 64 : index
      %parallel_loop3A_219 = tpu.vector_load %arg9[%parallel_loop3A_217, %parallel_loop3A_218] {strides = array<i32>} : memref<64x200xf32, #tpu.memory_space<vmem>>, vector<16xf32>,
      tpu.vector_store %arg9[%parallel_loop3A_217, %parallel_loop3A_218], %parallel_loop3A_216 {strides = array<i32>} : memref<64x200xf32, #tpu.memory_space<vmem>>, vector<16xf32>,
      %parallel_loop3A_220 = arith.index_cast %parallel_loop3A_184 : i32 to index
      %parallel_loop3A_221 = arith.constant 80 : index
      %parallel_loop3A_222 = tpu.vector_load %arg7[%parallel_loop3A_220, %parallel_loop3A_221] {strides = array<i32>} : memref<64x200xi32, #tpu.memory_space<vmem>>, vector<16xi32>,
      %parallel_loop3A_223 = tpu.vector_load_idx %arg5[%parallel_loop3A_222] : memref<200xf32, #tpu.memory_space<vmem>>[vector<16xi32>], vector<16xf32>,
      %parallel_loop3A_224 = arith.index_cast %parallel_loop3A_184 : i32 to index
      %parallel_loop3A_225 = arith.constant 80 : index
      %parallel_loop3A_226 = tpu.vector_load %arg9[%parallel_loop3A_224, %parallel_loop3A_225] {strides = array<i32>} : memref<64x200xf32, #tpu.memory_space<vmem>>, vector<16xf32>,
      tpu.vector_store %arg9[%parallel_loop3A_224, %parallel_loop3A_225], %parallel_loop3A_223 {strides = array<i32>} : memref<64x200xf32, #tpu.memory_space<vmem>>, vector<16xf32>,
      %parallel_loop3A_227 = arith.index_cast %parallel_loop3A_184 : i32 to index
      %parallel_loop3A_228 = arith.constant 96 : index
      %parallel_loop3A_229 = tpu.vector_load %arg7[%parallel_loop3A_227, %parallel_loop3A_228] {strides = array<i32>} : memref<64x200xi32, #tpu.memory_space<vmem>>, vector<16xi32>,
      %parallel_loop3A_230 = tpu.vector_load_idx %arg5[%parallel_loop3A_229] : memref<200xf32, #tpu.memory_space<vmem>>[vector<16xi32>], vector<16xf32>,
      %parallel_loop3A_231 = arith.index_cast %parallel_loop3A_184 : i32 to index
      %parallel_loop3A_232 = arith.constant 96 : index
      %parallel_loop3A_233 = tpu.vector_load %arg9[%parallel_loop3A_231, %parallel_loop3A_232] {strides = array<i32>} : memref<64x200xf32, #tpu.memory_space<vmem>>, vector<16xf32>,
      tpu.vector_store %arg9[%parallel_loop3A_231, %parallel_loop3A_232], %parallel_loop3A_230 {strides = array<i32>} : memref<64x200xf32, #tpu.memory_space<vmem>>, vector<16xf32>,
      %parallel_loop3A_234 = arith.index_cast %parallel_loop3A_184 : i32 to index
      %parallel_loop3A_235 = arith.constant 112 : index
      %parallel_loop3A_236 = tpu.vector_load %arg7[%parallel_loop3A_234, %parallel_loop3A_235] {strides = array<i32>} : memref<64x200xi32, #tpu.memory_space<vmem>>, vector<16xi32>,
      %parallel_loop3A_237 = tpu.vector_load_idx %arg5[%parallel_loop3A_236] : memref<200xf32, #tpu.memory_space<vmem>>[vector<16xi32>], vector<16xf32>,
      %parallel_loop3A_238 = arith.index_cast %parallel_loop3A_184 : i32 to index
      %parallel_loop3A_239 = arith.constant 112 : index
      %parallel_loop3A_240 = tpu.vector_load %arg9[%parallel_loop3A_238, %parallel_loop3A_239] {strides = array<i32>} : memref<64x200xf32, #tpu.memory_space<vmem>>, vector<16xf32>,
      tpu.vector_store %arg9[%parallel_loop3A_238, %parallel_loop3A_239], %parallel_loop3A_237 {strides = array<i32>} : memref<64x200xf32, #tpu.memory_space<vmem>>, vector<16xf32>,
      %parallel_loop3A_241 = arith.index_cast %parallel_loop3A_184 : i32 to index
      %parallel_loop3A_242 = arith.constant 128 : index
      %parallel_loop3A_243 = tpu.vector_load %arg7[%parallel_loop3A_241, %parallel_loop3A_242] {strides = array<i32>} : memref<64x200xi32, #tpu.memory_space<vmem>>, vector<16xi32>,
      %parallel_loop3A_244 = tpu.vector_load_idx %arg5[%parallel_loop3A_243] : memref<200xf32, #tpu.memory_space<vmem>>[vector<16xi32>], vector<16xf32>,
      %parallel_loop3A_245 = arith.index_cast %parallel_loop3A_184 : i32 to index
      %parallel_loop3A_246 = arith.constant 128 : index
      %parallel_loop3A_247 = tpu.vector_load %arg9[%parallel_loop3A_245, %parallel_loop3A_246] {strides = array<i32>} : memref<64x200xf32, #tpu.memory_space<vmem>>, vector<16xf32>,
      tpu.vector_store %arg9[%parallel_loop3A_245, %parallel_loop3A_246], %parallel_loop3A_244 {strides = array<i32>} : memref<64x200xf32, #tpu.memory_space<vmem>>, vector<16xf32>,
      %parallel_loop3A_248 = arith.index_cast %parallel_loop3A_184 : i32 to index
      %parallel_loop3A_249 = arith.constant 144 : index
      %parallel_loop3A_250 = tpu.vector_load %arg7[%parallel_loop3A_248, %parallel_loop3A_249] {strides = array<i32>} : memref<64x200xi32, #tpu.memory_space<vmem>>, vector<16xi32>,
      %parallel_loop3A_251 = tpu.vector_load_idx %arg5[%parallel_loop3A_250] : memref<200xf32, #tpu.memory_space<vmem>>[vector<16xi32>], vector<16xf32>,
      %parallel_loop3A_252 = arith.index_cast %parallel_loop3A_184 : i32 to index
      %parallel_loop3A_253 = arith.constant 144 : index
      %parallel_loop3A_254 = tpu.vector_load %arg9[%parallel_loop3A_252, %parallel_loop3A_253] {strides = array<i32>} : memref<64x200xf32, #tpu.memory_space<vmem>>, vector<16xf32>,
      tpu.vector_store %arg9[%parallel_loop3A_252, %parallel_loop3A_253], %parallel_loop3A_251 {strides = array<i32>} : memref<64x200xf32, #tpu.memory_space<vmem>>, vector<16xf32>,
      %parallel_loop3A_255 = arith.index_cast %parallel_loop3A_184 : i32 to index
      %parallel_loop3A_256 = arith.constant 160 : index
      %parallel_loop3A_257 = tpu.vector_load %arg7[%parallel_loop3A_255, %parallel_loop3A_256] {strides = array<i32>} : memref<64x200xi32, #tpu.memory_space<vmem>>, vector<16xi32>,
      %parallel_loop3A_258 = tpu.vector_load_idx %arg5[%parallel_loop3A_257] : memref<200xf32, #tpu.memory_space<vmem>>[vector<16xi32>], vector<16xf32>,
      %parallel_loop3A_259 = arith.index_cast %parallel_loop3A_184 : i32 to index
      %parallel_loop3A_260 = arith.constant 160 : index
      %parallel_loop3A_261 = tpu.vector_load %arg9[%parallel_loop3A_259, %parallel_loop3A_260] {strides = array<i32>} : memref<64x200xf32, #tpu.memory_space<vmem>>, vector<16xf32>,
      tpu.vector_store %arg9[%parallel_loop3A_259, %parallel_loop3A_260], %parallel_loop3A_258 {strides = array<i32>} : memref<64x200xf32, #tpu.memory_space<vmem>>, vector<16xf32>,
      %parallel_loop3A_262 = arith.index_cast %parallel_loop3A_184 : i32 to index
      %parallel_loop3A_263 = arith.constant 176 : index
      %parallel_loop3A_264 = tpu.vector_load %arg7[%parallel_loop3A_262, %parallel_loop3A_263] {strides = array<i32>} : memref<64x200xi32, #tpu.memory_space<vmem>>, vector<16xi32>,
      %parallel_loop3A_265 = tpu.vector_load_idx %arg5[%parallel_loop3A_264] : memref<200xf32, #tpu.memory_space<vmem>>[vector<16xi32>], vector<16xf32>,
      %parallel_loop3A_266 = arith.index_cast %parallel_loop3A_184 : i32 to index
      %parallel_loop3A_267 = arith.constant 176 : index
      %parallel_loop3A_268 = tpu.vector_load %arg9[%parallel_loop3A_266, %parallel_loop3A_267] {strides = array<i32>} : memref<64x200xf32, #tpu.memory_space<vmem>>, vector<16xf32>,
      tpu.vector_store %arg9[%parallel_loop3A_266, %parallel_loop3A_267], %parallel_loop3A_265 {strides = array<i32>} : memref<64x200xf32, #tpu.memory_space<vmem>>, vector<16xf32>,
      %parallel_loop3A_269 = arith.index_cast %parallel_loop3A_184 : i32 to index
      %parallel_loop3A_270 = arith.constant 184 : index
      %parallel_loop3A_271 = tpu.vector_load %arg7[%parallel_loop3A_269, %parallel_loop3A_270] {strides = array<i32>} : memref<64x200xi32, #tpu.memory_space<vmem>>, vector<16xi32>,
      %parallel_loop3A_272 = tpu.vector_load_idx %arg5[%parallel_loop3A_271] : memref<200xf32, #tpu.memory_space<vmem>>[vector<16xi32>], vector<16xf32>,
      %parallel_loop3A_273 = arith.index_cast %parallel_loop3A_184 : i32 to index
      %parallel_loop3A_274 = arith.constant 184 : index
      %parallel_loop3A_275 = tpu.vector_load %arg9[%parallel_loop3A_273, %parallel_loop3A_274] {strides = array<i32>} : memref<64x200xf32, #tpu.memory_space<vmem>>, vector<16xf32>,
      tpu.vector_store %arg9[%parallel_loop3A_273, %parallel_loop3A_274], %parallel_loop3A_272 {strides = array<i32>} : memref<64x200xf32, #tpu.memory_space<vmem>>, vector<16xf32>,
    } {sc.loop_unroll_factor = 2 : i64, sc.parallel_access}
    %add3A_84 = arith.constant 192 : i32
    %add3A_85 = arith.addi %mul3A_2, %add3A_84 : i32
    %dma_start3A_86 = arith.constant 0 : i32
    %dma_start3A_87 = tpu.memref_slice %arg4[%add3A_85, %dma_start3A_86] : memref<16384x200xf32, #tpu.memory_space<hbm>> -> memref<64x200xf32, #tpu.memory_space<hbm>>
    %dma_start3A_88 = arith.constant 0 : i32
    %dma_start3A_89 = tpu.memref_slice %arg4[%add3A_85, %dma_start3A_88] : memref<16384x200xf32, #tpu.memory_space<hbm>> -> memref<64x200xf32, #tpu.memory_space<hbm>>
    tpu.enqueue_dma source(%arg9 : memref<64x200xf32, #tpu.memory_space<vmem>>) target(%dma_start3A_89 : memref<64x200xf32, #tpu.memory_space<hbm>>) target_semaphore(%arg13 : memref<!tpu.dma_semaphore, #tpu.memory_space<semaphore_mem>>)
    %add3A_90 = arith.constant 320 : i32
    %add3A_91 = arith.addi %mul3A_2, %add3A_90 : i32
    %dma_start3A_92 = arith.constant 0 : i32
    %dma_start3A_93 = tpu.memref_slice %arg2[%add3A_91, %dma_start3A_92] : memref<16384x200xi32, #tpu.memory_space<hbm>> -> memref<64x200xi32, #tpu.memory_space<hbm>>
    %dma_start3A_94 = arith.constant 0 : i32
    %dma_start3A_95 = tpu.memref_slice %arg2[%add3A_91, %dma_start3A_94] : memref<16384x200xi32, #tpu.memory_space<hbm>> -> memref<64x200xi32, #tpu.memory_space<hbm>>
    tpu.enqueue_dma source(%dma_start3A_95 : memref<64x200xi32, #tpu.memory_space<hbm>>) target(%arg7 : memref<64x200xi32, #tpu.memory_space<vmem>>) target_semaphore(%arg11 : memref<!tpu.dma_semaphore, #tpu.memory_space<semaphore_mem>>)
    %dma_wait3A_96 = arith.constant 0 : i32
    %dma_wait3A_97 = tpu.memref_slice %arg2[%add3A_68, %dma_wait3A_96] : memref<16384x200xi32, #tpu.memory_space<hbm>> -> memref<64x200xi32, #tpu.memory_space<hbm>>
    %dma_wait3A_98 = arith.constant 0 : i32
    %dma_wait3A_99 = tpu.memref_slice %arg2[%add3A_68, %dma_wait3A_98] : memref<16384x200xi32, #tpu.memory_space<hbm>> -> memref<64x200xi32, #tpu.memory_space<hbm>>
    tpu.wait_dma2 semaphore(%arg10 : memref<!tpu.dma_semaphore, #tpu.memory_space<semaphore_mem>>) src(%dma_wait3A_99 : memref<64x200xi32, #tpu.memory_space<hbm>>) dst(%arg6 : memref<64x200xi32, #tpu.memory_space<vmem>>)
    %dma_wait3A_100 = arith.constant 0 : i32
    %dma_wait3A_101 = tpu.memref_slice %arg4[%add3A_62, %dma_wait3A_100] : memref<16384x200xf32, #tpu.memory_space<hbm>> -> memref<64x200xf32, #tpu.memory_space<hbm>>
    %dma_wait3A_102 = arith.constant 0 : i32
    %dma_wait3A_103 = tpu.memref_slice %arg4[%add3A_62, %dma_wait3A_102] : memref<16384x200xf32, #tpu.memory_space<hbm>> -> memref<64x200xf32, #tpu.memory_space<hbm>>
    tpu.wait_dma2 semaphore(%arg12 : memref<!tpu.dma_semaphore, #tpu.memory_space<semaphore_mem>>) src(%arg8 : memref<64x200xf32, #tpu.memory_space<vmem>>) dst(%dma_wait3A_103 : memref<64x200xf32, #tpu.memory_space<hbm>>)
    %parallel_loop3A_104 = arith.constant 0 : i32
    %parallel_loop3A_105 = arith.constant 64 : i32
    %parallel_loop3A_106 = arith.constant 1 : i32
    scf.for %parallel_loop3A_184 = %parallel_loop3A_104 to %parallel_loop3A_105 step %parallel_loop3A_106  : i32 {
      %parallel_loop3A_185 = arith.index_cast %parallel_loop3A_184 : i32 to index
      %parallel_loop3A_186 = arith.constant 0 : index
      %parallel_loop3A_187 = tpu.vector_load %arg6[%parallel_loop3A_185, %parallel_loop3A_186] {strides = array<i32>} : memref<64x200xi32, #tpu.memory_space<vmem>>, vector<16xi32>,
      %parallel_loop3A_188 = tpu.vector_load_idx %arg5[%parallel_loop3A_187] : memref<200xf32, #tpu.memory_space<vmem>>[vector<16xi32>], vector<16xf32>,
      %parallel_loop3A_189 = arith.index_cast %parallel_loop3A_184 : i32 to index
      %parallel_loop3A_190 = arith.constant 0 : index
      %parallel_loop3A_191 = tpu.vector_load %arg8[%parallel_loop3A_189, %parallel_loop3A_190] {strides = array<i32>} : memref<64x200xf32, #tpu.memory_space<vmem>>, vector<16xf32>,
      tpu.vector_store %arg8[%parallel_loop3A_189, %parallel_loop3A_190], %parallel_loop3A_188 {strides = array<i32>} : memref<64x200xf32, #tpu.memory_space<vmem>>, vector<16xf32>,
      %parallel_loop3A_192 = arith.index_cast %parallel_loop3A_184 : i32 to index
      %parallel_loop3A_193 = arith.constant 16 : index
      %parallel_loop3A_194 = tpu.vector_load %arg6[%parallel_loop3A_192, %parallel_loop3A_193] {strides = array<i32>} : memref<64x200xi32, #tpu.memory_space<vmem>>, vector<16xi32>,
      %parallel_loop3A_195 = tpu.vector_load_idx %arg5[%parallel_loop3A_194] : memref<200xf32, #tpu.memory_space<vmem>>[vector<16xi32>], vector<16xf32>,
      %parallel_loop3A_196 = arith.index_cast %parallel_loop3A_184 : i32 to index
      %parallel_loop3A_197 = arith.constant 16 : index
      %parallel_loop3A_198 = tpu.vector_load %arg8[%parallel_loop3A_196, %parallel_loop3A_197] {strides = array<i32>} : memref<64x200xf32, #tpu.memory_space<vmem>>, vector<16xf32>,
      tpu.vector_store %arg8[%parallel_loop3A_196, %parallel_loop3A_197], %parallel_loop3A_195 {strides = array<i32>} : memref<64x200xf32, #tpu.memory_space<vmem>>, vector<16xf32>,
      %parallel_loop3A_199 = arith.index_cast %parallel_loop3A_184 : i32 to index
      %parallel_loop3A_200 = arith.constant 32 : index
      %parallel_loop3A_201 = tpu.vector_load %arg6[%parallel_loop3A_199, %parallel_loop3A_200] {strides = array<i32>} : memref<64x200xi32, #tpu.memory_space<vmem>>, vector<16xi32>,
      %parallel_loop3A_202 = tpu.vector_load_idx %arg5[%parallel_loop3A_201] : memref<200xf32, #tpu.memory_space<vmem>>[vector<16xi32>], vector<16xf32>,
      %parallel_loop3A_203 = arith.index_cast %parallel_loop3A_184 : i32 to index
      %parallel_loop3A_204 = arith.constant 32 : index
      %parallel_loop3A_205 = tpu.vector_load %arg8[%parallel_loop3A_203, %parallel_loop3A_204] {strides = array<i32>} : memref<64x200xf32, #tpu.memory_space<vmem>>, vector<16xf32>,
      tpu.vector_store %arg8[%parallel_loop3A_203, %parallel_loop3A_204], %parallel_loop3A_202 {strides = array<i32>} : memref<64x200xf32, #tpu.memory_space<vmem>>, vector<16xf32>,
      %parallel_loop3A_206 = arith.index_cast %parallel_loop3A_184 : i32 to index
      %parallel_loop3A_207 = arith.constant 48 : index
      %parallel_loop3A_208 = tpu.vector_load %arg6[%parallel_loop3A_206, %parallel_loop3A_207] {strides = array<i32>} : memref<64x200xi32, #tpu.memory_space<vmem>>, vector<16xi32>,
      %parallel_loop3A_209 = tpu.vector_load_idx %arg5[%parallel_loop3A_208] : memref<200xf32, #tpu.memory_space<vmem>>[vector<16xi32>], vector<16xf32>,
      %parallel_loop3A_210 = arith.index_cast %parallel_loop3A_184 : i32 to index
      %parallel_loop3A_211 = arith.constant 48 : index
      %parallel_loop3A_212 = tpu.vector_load %arg8[%parallel_loop3A_210, %parallel_loop3A_211] {strides = array<i32>} : memref<64x200xf32, #tpu.memory_space<vmem>>, vector<16xf32>,
      tpu.vector_store %arg8[%parallel_loop3A_210, %parallel_loop3A_211], %parallel_loop3A_209 {strides = array<i32>} : memref<64x200xf32, #tpu.memory_space<vmem>>, vector<16xf32>,
      %parallel_loop3A_213 = arith.index_cast %parallel_loop3A_184 : i32 to index
      %parallel_loop3A_214 = arith.constant 64 : index
      %parallel_loop3A_215 = tpu.vector_load %arg6[%parallel_loop3A_213, %parallel_loop3A_214] {strides = array<i32>} : memref<64x200xi32, #tpu.memory_space<vmem>>, vector<16xi32>,
      %parallel_loop3A_216 = tpu.vector_load_idx %arg5[%parallel_loop3A_215] : memref<200xf32, #tpu.memory_space<vmem>>[vector<16xi32>], vector<16xf32>,
      %parallel_loop3A_217 = arith.index_cast %parallel_loop3A_184 : i32 to index
      %parallel_loop3A_218 = arith.constant 64 : index
      %parallel_loop3A_219 = tpu.vector_load %arg8[%parallel_loop3A_217, %parallel_loop3A_218] {strides = array<i32>} : memref<64x200xf32, #tpu.memory_space<vmem>>, vector<16xf32>,
      tpu.vector_store %arg8[%parallel_loop3A_217, %parallel_loop3A_218], %parallel_loop3A_216 {strides = array<i32>} : memref<64x200xf32, #tpu.memory_space<vmem>>, vector<16xf32>,
      %parallel_loop3A_220 = arith.index_cast %parallel_loop3A_184 : i32 to index
      %parallel_loop3A_221 = arith.constant 80 : index
      %parallel_loop3A_222 = tpu.vector_load %arg6[%parallel_loop3A_220, %parallel_loop3A_221] {strides = array<i32>} : memref<64x200xi32, #tpu.memory_space<vmem>>, vector<16xi32>,
      %parallel_loop3A_223 = tpu.vector_load_idx %arg5[%parallel_loop3A_222] : memref<200xf32, #tpu.memory_space<vmem>>[vector<16xi32>], vector<16xf32>,
      %parallel_loop3A_224 = arith.index_cast %parallel_loop3A_184 : i32 to index
      %parallel_loop3A_225 = arith.constant 80 : index
      %parallel_loop3A_226 = tpu.vector_load %arg8[%parallel_loop3A_224, %parallel_loop3A_225] {strides = array<i32>} : memref<64x200xf32, #tpu.memory_space<vmem>>, vector<16xf32>,
      tpu.vector_store %arg8[%parallel_loop3A_224, %parallel_loop3A_225], %parallel_loop3A_223 {strides = array<i32>} : memref<64x200xf32, #tpu.memory_space<vmem>>, vector<16xf32>,
      %parallel_loop3A_227 = arith.index_cast %parallel_loop3A_184 : i32 to index
      %parallel_loop3A_228 = arith.constant 96 : index
      %parallel_loop3A_229 = tpu.vector_load %arg6[%parallel_loop3A_227, %parallel_loop3A_228] {strides = array<i32>} : memref<64x200xi32, #tpu.memory_space<vmem>>, vector<16xi32>,
      %parallel_loop3A_230 = tpu.vector_load_idx %arg5[%parallel_loop3A_229] : memref<200xf32, #tpu.memory_space<vmem>>[vector<16xi32>], vector<16xf32>,
      %parallel_loop3A_231 = arith.index_cast %parallel_loop3A_184 : i32 to index
      %parallel_loop3A_232 = arith.constant 96 : index
      %parallel_loop3A_233 = tpu.vector_load %arg8[%parallel_loop3A_231, %parallel_loop3A_232] {strides = array<i32>} : memref<64x200xf32, #tpu.memory_space<vmem>>, vector<16xf32>,
      tpu.vector_store %arg8[%parallel_loop3A_231, %parallel_loop3A_232], %parallel_loop3A_230 {strides = array<i32>} : memref<64x200xf32, #tpu.memory_space<vmem>>, vector<16xf32>,
      %parallel_loop3A_234 = arith.index_cast %parallel_loop3A_184 : i32 to index
      %parallel_loop3A_235 = arith.constant 112 : index
      %parallel_loop3A_236 = tpu.vector_load %arg6[%parallel_loop3A_234, %parallel_loop3A_235] {strides = array<i32>} : memref<64x200xi32, #tpu.memory_space<vmem>>, vector<16xi32>,
      %parallel_loop3A_237 = tpu.vector_load_idx %arg5[%parallel_loop3A_236] : memref<200xf32, #tpu.memory_space<vmem>>[vector<16xi32>], vector<16xf32>,
      %parallel_loop3A_238 = arith.index_cast %parallel_loop3A_184 : i32 to index
      %parallel_loop3A_239 = arith.constant 112 : index
      %parallel_loop3A_240 = tpu.vector_load %arg8[%parallel_loop3A_238, %parallel_loop3A_239] {strides = array<i32>} : memref<64x200xf32, #tpu.memory_space<vmem>>, vector<16xf32>,
      tpu.vector_store %arg8[%parallel_loop3A_238, %parallel_loop3A_239], %parallel_loop3A_237 {strides = array<i32>} : memref<64x200xf32, #tpu.memory_space<vmem>>, vector<16xf32>,
      %parallel_loop3A_241 = arith.index_cast %parallel_loop3A_184 : i32 to index
      %parallel_loop3A_242 = arith.constant 128 : index
      %parallel_loop3A_243 = tpu.vector_load %arg6[%parallel_loop3A_241, %parallel_loop3A_242] {strides = array<i32>} : memref<64x200xi32, #tpu.memory_space<vmem>>, vector<16xi32>,
      %parallel_loop3A_244 = tpu.vector_load_idx %arg5[%parallel_loop3A_243] : memref<200xf32, #tpu.memory_space<vmem>>[vector<16xi32>], vector<16xf32>,
      %parallel_loop3A_245 = arith.index_cast %parallel_loop3A_184 : i32 to index
      %parallel_loop3A_246 = arith.constant 128 : index
      %parallel_loop3A_247 = tpu.vector_load %arg8[%parallel_loop3A_245, %parallel_loop3A_246] {strides = array<i32>} : memref<64x200xf32, #tpu.memory_space<vmem>>, vector<16xf32>,
      tpu.vector_store %arg8[%parallel_loop3A_245, %parallel_loop3A_246], %parallel_loop3A_244 {strides = array<i32>} : memref<64x200xf32, #tpu.memory_space<vmem>>, vector<16xf32>,
      %parallel_loop3A_248 = arith.index_cast %parallel_loop3A_184 : i32 to index
      %parallel_loop3A_249 = arith.constant 144 : index
      %parallel_loop3A_250 = tpu.vector_load %arg6[%parallel_loop3A_248, %parallel_loop3A_249] {strides = array<i32>} : memref<64x200xi32, #tpu.memory_space<vmem>>, vector<16xi32>,
      %parallel_loop3A_251 = tpu.vector_load_idx %arg5[%parallel_loop3A_250] : memref<200xf32, #tpu.memory_space<vmem>>[vector<16xi32>], vector<16xf32>,
      %parallel_loop3A_252 = arith.index_cast %parallel_loop3A_184 : i32 to index
      %parallel_loop3A_253 = arith.constant 144 : index
      %parallel_loop3A_254 = tpu.vector_load %arg8[%parallel_loop3A_252, %parallel_loop3A_253] {strides = array<i32>} : memref<64x200xf32, #tpu.memory_space<vmem>>, vector<16xf32>,
      tpu.vector_store %arg8[%parallel_loop3A_252, %parallel_loop3A_253], %parallel_loop3A_251 {strides = array<i32>} : memref<64x200xf32, #tpu.memory_space<vmem>>, vector<16xf32>,
      %parallel_loop3A_255 = arith.index_cast %parallel_loop3A_184 : i32 to index
      %parallel_loop3A_256 = arith.constant 160 : index
      %parallel_loop3A_257 = tpu.vector_load %arg6[%parallel_loop3A_255, %parallel_loop3A_256] {strides = array<i32>} : memref<64x200xi32, #tpu.memory_space<vmem>>, vector<16xi32>,
      %parallel_loop3A_258 = tpu.vector_load_idx %arg5[%parallel_loop3A_257] : memref<200xf32, #tpu.memory_space<vmem>>[vector<16xi32>], vector<16xf32>,
      %parallel_loop3A_259 = arith.index_cast %parallel_loop3A_184 : i32 to index
      %parallel_loop3A_260 = arith.constant 160 : index
      %parallel_loop3A_261 = tpu.vector_load %arg8[%parallel_loop3A_259, %parallel_loop3A_260] {strides = array<i32>} : memref<64x200xf32, #tpu.memory_space<vmem>>, vector<16xf32>,
      tpu.vector_store %arg8[%parallel_loop3A_259, %parallel_loop3A_260], %parallel_loop3A_258 {strides = array<i32>} : memref<64x200xf32, #tpu.memory_space<vmem>>, vector<16xf32>,
      %parallel_loop3A_262 = arith.index_cast %parallel_loop3A_184 : i32 to index
      %parallel_loop3A_263 = arith.constant 176 : index
      %parallel_loop3A_264 = tpu.vector_load %arg6[%parallel_loop3A_262, %parallel_loop3A_263] {strides = array<i32>} : memref<64x200xi32, #tpu.memory_space<vmem>>, vector<16xi32>,
      %parallel_loop3A_265 = tpu.vector_load_idx %arg5[%parallel_loop3A_264] : memref<200xf32, #tpu.memory_space<vmem>>[vector<16xi32>], vector<16xf32>,
      %parallel_loop3A_266 = arith.index_cast %parallel_loop3A_184 : i32 to index
      %parallel_loop3A_267 = arith.constant 176 : index
      %parallel_loop3A_268 = tpu.vector_load %arg8[%parallel_loop3A_266, %parallel_loop3A_267] {strides = array<i32>} : memref<64x200xf32, #tpu.memory_space<vmem>>, vector<16xf32>,
      tpu.vector_store %arg8[%parallel_loop3A_266, %parallel_loop3A_267], %parallel_loop3A_265 {strides = array<i32>} : memref<64x200xf32, #tpu.memory_space<vmem>>, vector<16xf32>,
      %parallel_loop3A_269 = arith.index_cast %parallel_loop3A_184 : i32 to index
      %parallel_loop3A_270 = arith.constant 184 : index
      %parallel_loop3A_271 = tpu.vector_load %arg6[%parallel_loop3A_269, %parallel_loop3A_270] {strides = array<i32>} : memref<64x200xi32, #tpu.memory_space<vmem>>, vector<16xi32>,
      %parallel_loop3A_272 = tpu.vector_load_idx %arg5[%parallel_loop3A_271] : memref<200xf32, #tpu.memory_space<vmem>>[vector<16xi32>], vector<16xf32>,
      %parallel_loop3A_273 = arith.index_cast %parallel_loop3A_184 : i32 to index
      %parallel_loop3A_274 = arith.constant 184 : index
      %parallel_loop3A_275 = tpu.vector_load %arg8[%parallel_loop3A_273, %parallel_loop3A_274] {strides = array<i32>} : memref<64x200xf32, #tpu.memory_space<vmem>>, vector<16xf32>,
      tpu.vector_store %arg8[%parallel_loop3A_273, %parallel_loop3A_274], %parallel_loop3A_272 {strides = array<i32>} : memref<64x200xf32, #tpu.memory_space<vmem>>, vector<16xf32>,
    } {sc.loop_unroll_factor = 2 : i64, sc.parallel_access}
    %add3A_107 = arith.constant 256 : i32
    %add3A_108 = arith.addi %mul3A_2, %add3A_107 : i32
    %dma_start3A_109 = arith.constant 0 : i32
    %dma_start3A_110 = tpu.memref_slice %arg4[%add3A_108, %dma_start3A_109] : memref<16384x200xf32, #tpu.memory_space<hbm>> -> memref<64x200xf32, #tpu.memory_space<hbm>>
    %dma_start3A_111 = arith.constant 0 : i32
    %dma_start3A_112 = tpu.memref_slice %arg4[%add3A_108, %dma_start3A_111] : memref<16384x200xf32, #tpu.memory_space<hbm>> -> memref<64x200xf32, #tpu.memory_space<hbm>>
    tpu.enqueue_dma source(%arg8 : memref<64x200xf32, #tpu.memory_space<vmem>>) target(%dma_start3A_112 : memref<64x200xf32, #tpu.memory_space<hbm>>) target_semaphore(%arg12 : memref<!tpu.dma_semaphore, #tpu.memory_space<semaphore_mem>>)
    %add3A_113 = arith.constant 384 : i32
    %add3A_114 = arith.addi %mul3A_2, %add3A_113 : i32
    %dma_start3A_115 = arith.constant 0 : i32
    %dma_start3A_116 = tpu.memref_slice %arg2[%add3A_114, %dma_start3A_115] : memref<16384x200xi32, #tpu.memory_space<hbm>> -> memref<64x200xi32, #tpu.memory_space<hbm>>
    %dma_start3A_117 = arith.constant 0 : i32
    %dma_start3A_118 = tpu.memref_slice %arg2[%add3A_114, %dma_start3A_117] : memref<16384x200xi32, #tpu.memory_space<hbm>> -> memref<64x200xi32, #tpu.memory_space<hbm>>
    tpu.enqueue_dma source(%dma_start3A_118 : memref<64x200xi32, #tpu.memory_space<hbm>>) target(%arg6 : memref<64x200xi32, #tpu.memory_space<vmem>>) target_semaphore(%arg10 : memref<!tpu.dma_semaphore, #tpu.memory_space<semaphore_mem>>)
    %dma_wait3A_119 = arith.constant 0 : i32
    %dma_wait3A_120 = tpu.memref_slice %arg2[%add3A_91, %dma_wait3A_119] : memref<16384x200xi32, #tpu.memory_space<hbm>> -> memref<64x200xi32, #tpu.memory_space<hbm>>
    %dma_wait3A_121 = arith.constant 0 : i32
    %dma_wait3A_122 = tpu.memref_slice %arg2[%add3A_91, %dma_wait3A_121] : memref<16384x200xi32, #tpu.memory_space<hbm>> -> memref<64x200xi32, #tpu.memory_space<hbm>>
    tpu.wait_dma2 semaphore(%arg11 : memref<!tpu.dma_semaphore, #tpu.memory_space<semaphore_mem>>) src(%dma_wait3A_122 : memref<64x200xi32, #tpu.memory_space<hbm>>) dst(%arg7 : memref<64x200xi32, #tpu.memory_space<vmem>>)
    %dma_wait3A_123 = arith.constant 0 : i32
    %dma_wait3A_124 = tpu.memref_slice %arg4[%add3A_85, %dma_wait3A_123] : memref<16384x200xf32, #tpu.memory_space<hbm>> -> memref<64x200xf32, #tpu.memory_space<hbm>>
    %dma_wait3A_125 = arith.constant 0 : i32
    %dma_wait3A_126 = tpu.memref_slice %arg4[%add3A_85, %dma_wait3A_125] : memref<16384x200xf32, #tpu.memory_space<hbm>> -> memref<64x200xf32, #tpu.memory_space<hbm>>
    tpu.wait_dma2 semaphore(%arg13 : memref<!tpu.dma_semaphore, #tpu.memory_space<semaphore_mem>>) src(%arg9 : memref<64x200xf32, #tpu.memory_space<vmem>>) dst(%dma_wait3A_126 : memref<64x200xf32, #tpu.memory_space<hbm>>)
    %parallel_loop3A_127 = arith.constant 0 : i32
    %parallel_loop3A_128 = arith.constant 64 : i32
    %parallel_loop3A_129 = arith.constant 1 : i32
    scf.for %parallel_loop3A_184 = %parallel_loop3A_127 to %parallel_loop3A_128 step %parallel_loop3A_129  : i32 {
      %parallel_loop3A_185 = arith.index_cast %parallel_loop3A_184 : i32 to index
      %parallel_loop3A_186 = arith.constant 0 : index
      %parallel_loop3A_187 = tpu.vector_load %arg7[%parallel_loop3A_185, %parallel_loop3A_186] {strides = array<i32>} : memref<64x200xi32, #tpu.memory_space<vmem>>, vector<16xi32>,
      %parallel_loop3A_188 = tpu.vector_load_idx %arg5[%parallel_loop3A_187] : memref<200xf32, #tpu.memory_space<vmem>>[vector<16xi32>], vector<16xf32>,
      %parallel_loop3A_189 = arith.index_cast %parallel_loop3A_184 : i32 to index
      %parallel_loop3A_190 = arith.constant 0 : index
      %parallel_loop3A_191 = tpu.vector_load %arg9[%parallel_loop3A_189, %parallel_loop3A_190] {strides = array<i32>} : memref<64x200xf32, #tpu.memory_space<vmem>>, vector<16xf32>,
      tpu.vector_store %arg9[%parallel_loop3A_189, %parallel_loop3A_190], %parallel_loop3A_188 {strides = array<i32>} : memref<64x200xf32, #tpu.memory_space<vmem>>, vector<16xf32>,
      %parallel_loop3A_192 = arith.index_cast %parallel_loop3A_184 : i32 to index
      %parallel_loop3A_193 = arith.constant 16 : index
      %parallel_loop3A_194 = tpu.vector_load %arg7[%parallel_loop3A_192, %parallel_loop3A_193] {strides = array<i32>} : memref<64x200xi32, #tpu.memory_space<vmem>>, vector<16xi32>,
      %parallel_loop3A_195 = tpu.vector_load_idx %arg5[%parallel_loop3A_194] : memref<200xf32, #tpu.memory_space<vmem>>[vector<16xi32>], vector<16xf32>,
      %parallel_loop3A_196 = arith.index_cast %parallel_loop3A_184 : i32 to index
      %parallel_loop3A_197 = arith.constant 16 : index
      %parallel_loop3A_198 = tpu.vector_load %arg9[%parallel_loop3A_196, %parallel_loop3A_197] {strides = array<i32>} : memref<64x200xf32, #tpu.memory_space<vmem>>, vector<16xf32>,
      tpu.vector_store %arg9[%parallel_loop3A_196, %parallel_loop3A_197], %parallel_loop3A_195 {strides = array<i32>} : memref<64x200xf32, #tpu.memory_space<vmem>>, vector<16xf32>,
      %parallel_loop3A_199 = arith.index_cast %parallel_loop3A_184 : i32 to index
      %parallel_loop3A_200 = arith.constant 32 : index
      %parallel_loop3A_201 = tpu.vector_load %arg7[%parallel_loop3A_199, %parallel_loop3A_200] {strides = array<i32>} : memref<64x200xi32, #tpu.memory_space<vmem>>, vector<16xi32>,
      %parallel_loop3A_202 = tpu.vector_load_idx %arg5[%parallel_loop3A_201] : memref<200xf32, #tpu.memory_space<vmem>>[vector<16xi32>], vector<16xf32>,
      %parallel_loop3A_203 = arith.index_cast %parallel_loop3A_184 : i32 to index
      %parallel_loop3A_204 = arith.constant 32 : index
      %parallel_loop3A_205 = tpu.vector_load %arg9[%parallel_loop3A_203, %parallel_loop3A_204] {strides = array<i32>} : memref<64x200xf32, #tpu.memory_space<vmem>>, vector<16xf32>,
      tpu.vector_store %arg9[%parallel_loop3A_203, %parallel_loop3A_204], %parallel_loop3A_202 {strides = array<i32>} : memref<64x200xf32, #tpu.memory_space<vmem>>, vector<16xf32>,
      %parallel_loop3A_206 = arith.index_cast %parallel_loop3A_184 : i32 to index
      %parallel_loop3A_207 = arith.constant 48 : index
      %parallel_loop3A_208 = tpu.vector_load %arg7[%parallel_loop3A_206, %parallel_loop3A_207] {strides = array<i32>} : memref<64x200xi32, #tpu.memory_space<vmem>>, vector<16xi32>,
      %parallel_loop3A_209 = tpu.vector_load_idx %arg5[%parallel_loop3A_208] : memref<200xf32, #tpu.memory_space<vmem>>[vector<16xi32>], vector<16xf32>,
      %parallel_loop3A_210 = arith.index_cast %parallel_loop3A_184 : i32 to index
      %parallel_loop3A_211 = arith.constant 48 : index
      %parallel_loop3A_212 = tpu.vector_load %arg9[%parallel_loop3A_210, %parallel_loop3A_211] {strides = array<i32>} : memref<64x200xf32, #tpu.memory_space<vmem>>, vector<16xf32>,
      tpu.vector_store %arg9[%parallel_loop3A_210, %parallel_loop3A_211], %parallel_loop3A_209 {strides = array<i32>} : memref<64x200xf32, #tpu.memory_space<vmem>>, vector<16xf32>,
      %parallel_loop3A_213 = arith.index_cast %parallel_loop3A_184 : i32 to index
      %parallel_loop3A_214 = arith.constant 64 : index
      %parallel_loop3A_215 = tpu.vector_load %arg7[%parallel_loop3A_213, %parallel_loop3A_214] {strides = array<i32>} : memref<64x200xi32, #tpu.memory_space<vmem>>, vector<16xi32>,
      %parallel_loop3A_216 = tpu.vector_load_idx %arg5[%parallel_loop3A_215] : memref<200xf32, #tpu.memory_space<vmem>>[vector<16xi32>], vector<16xf32>,
      %parallel_loop3A_217 = arith.index_cast %parallel_loop3A_184 : i32 to index
      %parallel_loop3A_218 = arith.constant 64 : index
      %parallel_loop3A_219 = tpu.vector_load %arg9[%parallel_loop3A_217, %parallel_loop3A_218] {strides = array<i32>} : memref<64x200xf32, #tpu.memory_space<vmem>>, vector<16xf32>,
      tpu.vector_store %arg9[%parallel_loop3A_217, %parallel_loop3A_218], %parallel_loop3A_216 {strides = array<i32>} : memref<64x200xf32, #tpu.memory_space<vmem>>, vector<16xf32>,
      %parallel_loop3A_220 = arith.index_cast %parallel_loop3A_184 : i32 to index
      %parallel_loop3A_221 = arith.constant 80 : index
      %parallel_loop3A_222 = tpu.vector_load %arg7[%parallel_loop3A_220, %parallel_loop3A_221] {strides = array<i32>} : memref<64x200xi32, #tpu.memory_space<vmem>>, vector<16xi32>,
      %parallel_loop3A_223 = tpu.vector_load_idx %arg5[%parallel_loop3A_222] : memref<200xf32, #tpu.memory_space<vmem>>[vector<16xi32>], vector<16xf32>,
      %parallel_loop3A_224 = arith.index_cast %parallel_loop3A_184 : i32 to index
      %parallel_loop3A_225 = arith.constant 80 : index
      %parallel_loop3A_226 = tpu.vector_load %arg9[%parallel_loop3A_224, %parallel_loop3A_225] {strides = array<i32>} : memref<64x200xf32, #tpu.memory_space<vmem>>, vector<16xf32>,
      tpu.vector_store %arg9[%parallel_loop3A_224, %parallel_loop3A_225], %parallel_loop3A_223 {strides = array<i32>} : memref<64x200xf32, #tpu.memory_space<vmem>>, vector<16xf32>,
      %parallel_loop3A_227 = arith.index_cast %parallel_loop3A_184 : i32 to index
      %parallel_loop3A_228 = arith.constant 96 : index
      %parallel_loop3A_229 = tpu.vector_load %arg7[%parallel_loop3A_227, %parallel_loop3A_228] {strides = array<i32>} : memref<64x200xi32, #tpu.memory_space<vmem>>, vector<16xi32>,
      %parallel_loop3A_230 = tpu.vector_load_idx %arg5[%parallel_loop3A_229] : memref<200xf32, #tpu.memory_space<vmem>>[vector<16xi32>], vector<16xf32>,
      %parallel_loop3A_231 = arith.index_cast %parallel_loop3A_184 : i32 to index
      %parallel_loop3A_232 = arith.constant 96 : index
      %parallel_loop3A_233 = tpu.vector_load %arg9[%parallel_loop3A_231, %parallel_loop3A_232] {strides = array<i32>} : memref<64x200xf32, #tpu.memory_space<vmem>>, vector<16xf32>,
      tpu.vector_store %arg9[%parallel_loop3A_231, %parallel_loop3A_232], %parallel_loop3A_230 {strides = array<i32>} : memref<64x200xf32, #tpu.memory_space<vmem>>, vector<16xf32>,
      %parallel_loop3A_234 = arith.index_cast %parallel_loop3A_184 : i32 to index
      %parallel_loop3A_235 = arith.constant 112 : index
      %parallel_loop3A_236 = tpu.vector_load %arg7[%parallel_loop3A_234, %parallel_loop3A_235] {strides = array<i32>} : memref<64x200xi32, #tpu.memory_space<vmem>>, vector<16xi32>,
      %parallel_loop3A_237 = tpu.vector_load_idx %arg5[%parallel_loop3A_236] : memref<200xf32, #tpu.memory_space<vmem>>[vector<16xi32>], vector<16xf32>,
      %parallel_loop3A_238 = arith.index_cast %parallel_loop3A_184 : i32 to index
      %parallel_loop3A_239 = arith.constant 112 : index
      %parallel_loop3A_240 = tpu.vector_load %arg9[%parallel_loop3A_238, %parallel_loop3A_239] {strides = array<i32>} : memref<64x200xf32, #tpu.memory_space<vmem>>, vector<16xf32>,
      tpu.vector_store %arg9[%parallel_loop3A_238, %parallel_loop3A_239], %parallel_loop3A_237 {strides = array<i32>} : memref<64x200xf32, #tpu.memory_space<vmem>>, vector<16xf32>,
      %parallel_loop3A_241 = arith.index_cast %parallel_loop3A_184 : i32 to index
      %parallel_loop3A_242 = arith.constant 128 : index
      %parallel_loop3A_243 = tpu.vector_load %arg7[%parallel_loop3A_241, %parallel_loop3A_242] {strides = array<i32>} : memref<64x200xi32, #tpu.memory_space<vmem>>, vector<16xi32>,
      %parallel_loop3A_244 = tpu.vector_load_idx %arg5[%parallel_loop3A_243] : memref<200xf32, #tpu.memory_space<vmem>>[vector<16xi32>], vector<16xf32>,
      %parallel_loop3A_245 = arith.index_cast %parallel_loop3A_184 : i32 to index
      %parallel_loop3A_246 = arith.constant 128 : index
      %parallel_loop3A_247 = tpu.vector_load %arg9[%parallel_loop3A_245, %parallel_loop3A_246] {strides = array<i32>} : memref<64x200xf32, #tpu.memory_space<vmem>>, vector<16xf32>,
      tpu.vector_store %arg9[%parallel_loop3A_245, %parallel_loop3A_246], %parallel_loop3A_244 {strides = array<i32>} : memref<64x200xf32, #tpu.memory_space<vmem>>, vector<16xf32>,
      %parallel_loop3A_248 = arith.index_cast %parallel_loop3A_184 : i32 to index
      %parallel_loop3A_249 = arith.constant 144 : index
      %parallel_loop3A_250 = tpu.vector_load %arg7[%parallel_loop3A_248, %parallel_loop3A_249] {strides = array<i32>} : memref<64x200xi32, #tpu.memory_space<vmem>>, vector<16xi32>,
      %parallel_loop3A_251 = tpu.vector_load_idx %arg5[%parallel_loop3A_250] : memref<200xf32, #tpu.memory_space<vmem>>[vector<16xi32>], vector<16xf32>,
      %parallel_loop3A_252 = arith.index_cast %parallel_loop3A_184 : i32 to index
      %parallel_loop3A_253 = arith.constant 144 : index
      %parallel_loop3A_254 = tpu.vector_load %arg9[%parallel_loop3A_252, %parallel_loop3A_253] {strides = array<i32>} : memref<64x200xf32, #tpu.memory_space<vmem>>, vector<16xf32>,
      tpu.vector_store %arg9[%parallel_loop3A_252, %parallel_loop3A_253], %parallel_loop3A_251 {strides = array<i32>} : memref<64x200xf32, #tpu.memory_space<vmem>>, vector<16xf32>,
      %parallel_loop3A_255 = arith.index_cast %parallel_loop3A_184 : i32 to index
      %parallel_loop3A_256 = arith.constant 160 : index
      %parallel_loop3A_257 = tpu.vector_load %arg7[%parallel_loop3A_255, %parallel_loop3A_256] {strides = array<i32>} : memref<64x200xi32, #tpu.memory_space<vmem>>, vector<16xi32>,
      %parallel_loop3A_258 = tpu.vector_load_idx %arg5[%parallel_loop3A_257] : memref<200xf32, #tpu.memory_space<vmem>>[vector<16xi32>], vector<16xf32>,
      %parallel_loop3A_259 = arith.index_cast %parallel_loop3A_184 : i32 to index
      %parallel_loop3A_260 = arith.constant 160 : index
      %parallel_loop3A_261 = tpu.vector_load %arg9[%parallel_loop3A_259, %parallel_loop3A_260] {strides = array<i32>} : memref<64x200xf32, #tpu.memory_space<vmem>>, vector<16xf32>,
      tpu.vector_store %arg9[%parallel_loop3A_259, %parallel_loop3A_260], %parallel_loop3A_258 {strides = array<i32>} : memref<64x200xf32, #tpu.memory_space<vmem>>, vector<16xf32>,
      %parallel_loop3A_262 = arith.index_cast %parallel_loop3A_184 : i32 to index
      %parallel_loop3A_263 = arith.constant 176 : index
      %parallel_loop3A_264 = tpu.vector_load %arg7[%parallel_loop3A_262, %parallel_loop3A_263] {strides = array<i32>} : memref<64x200xi32, #tpu.memory_space<vmem>>, vector<16xi32>,
      %parallel_loop3A_265 = tpu.vector_load_idx %arg5[%parallel_loop3A_264] : memref<200xf32, #tpu.memory_space<vmem>>[vector<16xi32>], vector<16xf32>,
      %parallel_loop3A_266 = arith.index_cast %parallel_loop3A_184 : i32 to index
      %parallel_loop3A_267 = arith.constant 176 : index
      %parallel_loop3A_268 = tpu.vector_load %arg9[%parallel_loop3A_266, %parallel_loop3A_267] {strides = array<i32>} : memref<64x200xf32, #tpu.memory_space<vmem>>, vector<16xf32>,
      tpu.vector_store %arg9[%parallel_loop3A_266, %parallel_loop3A_267], %parallel_loop3A_265 {strides = array<i32>} : memref<64x200xf32, #tpu.memory_space<vmem>>, vector<16xf32>,
      %parallel_loop3A_269 = arith.index_cast %parallel_loop3A_184 : i32 to index
      %parallel_loop3A_270 = arith.constant 184 : index
      %parallel_loop3A_271 = tpu.vector_load %arg7[%parallel_loop3A_269, %parallel_loop3A_270] {strides = array<i32>} : memref<64x200xi32, #tpu.memory_space<vmem>>, vector<16xi32>,
      %parallel_loop3A_272 = tpu.vector_load_idx %arg5[%parallel_loop3A_271] : memref<200xf32, #tpu.memory_space<vmem>>[vector<16xi32>], vector<16xf32>,
      %parallel_loop3A_273 = arith.index_cast %parallel_loop3A_184 : i32 to index
      %parallel_loop3A_274 = arith.constant 184 : index
      %parallel_loop3A_275 = tpu.vector_load %arg9[%parallel_loop3A_273, %parallel_loop3A_274] {strides = array<i32>} : memref<64x200xf32, #tpu.memory_space<vmem>>, vector<16xf32>,
      tpu.vector_store %arg9[%parallel_loop3A_273, %parallel_loop3A_274], %parallel_loop3A_272 {strides = array<i32>} : memref<64x200xf32, #tpu.memory_space<vmem>>, vector<16xf32>,
    } {sc.loop_unroll_factor = 2 : i64, sc.parallel_access}
    %add3A_130 = arith.constant 320 : i32
    %add3A_131 = arith.addi %mul3A_2, %add3A_130 : i32
    %dma_start3A_132 = arith.constant 0 : i32
    %dma_start3A_133 = tpu.memref_slice %arg4[%add3A_131, %dma_start3A_132] : memref<16384x200xf32, #tpu.memory_space<hbm>> -> memref<64x200xf32, #tpu.memory_space<hbm>>
    %dma_start3A_134 = arith.constant 0 : i32
    %dma_start3A_135 = tpu.memref_slice %arg4[%add3A_131, %dma_start3A_134] : memref<16384x200xf32, #tpu.memory_space<hbm>> -> memref<64x200xf32, #tpu.memory_space<hbm>>
    tpu.enqueue_dma source(%arg9 : memref<64x200xf32, #tpu.memory_space<vmem>>) target(%dma_start3A_135 : memref<64x200xf32, #tpu.memory_space<hbm>>) target_semaphore(%arg13 : memref<!tpu.dma_semaphore, #tpu.memory_space<semaphore_mem>>)
    %add3A_136 = arith.constant 448 : i32
    %add3A_137 = arith.addi %mul3A_2, %add3A_136 : i32
    %dma_start3A_138 = arith.constant 0 : i32
    %dma_start3A_139 = tpu.memref_slice %arg2[%add3A_137, %dma_start3A_138] : memref<16384x200xi32, #tpu.memory_space<hbm>> -> memref<64x200xi32, #tpu.memory_space<hbm>>
    %dma_start3A_140 = arith.constant 0 : i32
    %dma_start3A_141 = tpu.memref_slice %arg2[%add3A_137, %dma_start3A_140] : memref<16384x200xi32, #tpu.memory_space<hbm>> -> memref<64x200xi32, #tpu.memory_space<hbm>>
    tpu.enqueue_dma source(%dma_start3A_141 : memref<64x200xi32, #tpu.memory_space<hbm>>) target(%arg7 : memref<64x200xi32, #tpu.memory_space<vmem>>) target_semaphore(%arg11 : memref<!tpu.dma_semaphore, #tpu.memory_space<semaphore_mem>>)
    %dma_wait3A_142 = arith.constant 0 : i32
    %dma_wait3A_143 = tpu.memref_slice %arg2[%add3A_114, %dma_wait3A_142] : memref<16384x200xi32, #tpu.memory_space<hbm>> -> memref<64x200xi32, #tpu.memory_space<hbm>>
    %dma_wait3A_144 = arith.constant 0 : i32
    %dma_wait3A_145 = tpu.memref_slice %arg2[%add3A_114, %dma_wait3A_144] : memref<16384x200xi32, #tpu.memory_space<hbm>> -> memref<64x200xi32, #tpu.memory_space<hbm>>
    tpu.wait_dma2 semaphore(%arg10 : memref<!tpu.dma_semaphore, #tpu.memory_space<semaphore_mem>>) src(%dma_wait3A_145 : memref<64x200xi32, #tpu.memory_space<hbm>>) dst(%arg6 : memref<64x200xi32, #tpu.memory_space<vmem>>)
    %dma_wait3A_146 = arith.constant 0 : i32
    %dma_wait3A_147 = tpu.memref_slice %arg4[%add3A_108, %dma_wait3A_146] : memref<16384x200xf32, #tpu.memory_space<hbm>> -> memref<64x200xf32, #tpu.memory_space<hbm>>
    %dma_wait3A_148 = arith.constant 0 : i32
    %dma_wait3A_149 = tpu.memref_slice %arg4[%add3A_108, %dma_wait3A_148] : memref<16384x200xf32, #tpu.memory_space<hbm>> -> memref<64x200xf32, #tpu.memory_space<hbm>>
    tpu.wait_dma2 semaphore(%arg12 : memref<!tpu.dma_semaphore, #tpu.memory_space<semaphore_mem>>) src(%arg8 : memref<64x200xf32, #tpu.memory_space<vmem>>) dst(%dma_wait3A_149 : memref<64x200xf32, #tpu.memory_space<hbm>>)
    %parallel_loop3A_150 = arith.constant 0 : i32
    %parallel_loop3A_151 = arith.constant 64 : i32
    %parallel_loop3A_152 = arith.constant 1 : i32
    scf.for %parallel_loop3A_184 = %parallel_loop3A_150 to %parallel_loop3A_151 step %parallel_loop3A_152  : i32 {
      %parallel_loop3A_185 = arith.index_cast %parallel_loop3A_184 : i32 to index
      %parallel_loop3A_186 = arith.constant 0 : index
      %parallel_loop3A_187 = tpu.vector_load %arg6[%parallel_loop3A_185, %parallel_loop3A_186] {strides = array<i32>} : memref<64x200xi32, #tpu.memory_space<vmem>>, vector<16xi32>,
      %parallel_loop3A_188 = tpu.vector_load_idx %arg5[%parallel_loop3A_187] : memref<200xf32, #tpu.memory_space<vmem>>[vector<16xi32>], vector<16xf32>,
      %parallel_loop3A_189 = arith.index_cast %parallel_loop3A_184 : i32 to index
      %parallel_loop3A_190 = arith.constant 0 : index
      %parallel_loop3A_191 = tpu.vector_load %arg8[%parallel_loop3A_189, %parallel_loop3A_190] {strides = array<i32>} : memref<64x200xf32, #tpu.memory_space<vmem>>, vector<16xf32>,
      tpu.vector_store %arg8[%parallel_loop3A_189, %parallel_loop3A_190], %parallel_loop3A_188 {strides = array<i32>} : memref<64x200xf32, #tpu.memory_space<vmem>>, vector<16xf32>,
      %parallel_loop3A_192 = arith.index_cast %parallel_loop3A_184 : i32 to index
      %parallel_loop3A_193 = arith.constant 16 : index
      %parallel_loop3A_194 = tpu.vector_load %arg6[%parallel_loop3A_192, %parallel_loop3A_193] {strides = array<i32>} : memref<64x200xi32, #tpu.memory_space<vmem>>, vector<16xi32>,
      %parallel_loop3A_195 = tpu.vector_load_idx %arg5[%parallel_loop3A_194] : memref<200xf32, #tpu.memory_space<vmem>>[vector<16xi32>], vector<16xf32>,
      %parallel_loop3A_196 = arith.index_cast %parallel_loop3A_184 : i32 to index
      %parallel_loop3A_197 = arith.constant 16 : index
      %parallel_loop3A_198 = tpu.vector_load %arg8[%parallel_loop3A_196, %parallel_loop3A_197] {strides = array<i32>} : memref<64x200xf32, #tpu.memory_space<vmem>>, vector<16xf32>,
      tpu.vector_store %arg8[%parallel_loop3A_196, %parallel_loop3A_197], %parallel_loop3A_195 {strides = array<i32>} : memref<64x200xf32, #tpu.memory_space<vmem>>, vector<16xf32>,
      %parallel_loop3A_199 = arith.index_cast %parallel_loop3A_184 : i32 to index
      %parallel_loop3A_200 = arith.constant 32 : index
      %parallel_loop3A_201 = tpu.vector_load %arg6[%parallel_loop3A_199, %parallel_loop3A_200] {strides = array<i32>} : memref<64x200xi32, #tpu.memory_space<vmem>>, vector<16xi32>,
      %parallel_loop3A_202 = tpu.vector_load_idx %arg5[%parallel_loop3A_201] : memref<200xf32, #tpu.memory_space<vmem>>[vector<16xi32>], vector<16xf32>,
      %parallel_loop3A_203 = arith.index_cast %parallel_loop3A_184 : i32 to index
      %parallel_loop3A_204 = arith.constant 32 : index
      %parallel_loop3A_205 = tpu.vector_load %arg8[%parallel_loop3A_203, %parallel_loop3A_204] {strides = array<i32>} : memref<64x200xf32, #tpu.memory_space<vmem>>, vector<16xf32>,
      tpu.vector_store %arg8[%parallel_loop3A_203, %parallel_loop3A_204], %parallel_loop3A_202 {strides = array<i32>} : memref<64x200xf32, #tpu.memory_space<vmem>>, vector<16xf32>,
      %parallel_loop3A_206 = arith.index_cast %parallel_loop3A_184 : i32 to index
      %parallel_loop3A_207 = arith.constant 48 : index
      %parallel_loop3A_208 = tpu.vector_load %arg6[%parallel_loop3A_206, %parallel_loop3A_207] {strides = array<i32>} : memref<64x200xi32, #tpu.memory_space<vmem>>, vector<16xi32>,
      %parallel_loop3A_209 = tpu.vector_load_idx %arg5[%parallel_loop3A_208] : memref<200xf32, #tpu.memory_space<vmem>>[vector<16xi32>], vector<16xf32>,
      %parallel_loop3A_210 = arith.index_cast %parallel_loop3A_184 : i32 to index
      %parallel_loop3A_211 = arith.constant 48 : index
      %parallel_loop3A_212 = tpu.vector_load %arg8[%parallel_loop3A_210, %parallel_loop3A_211] {strides = array<i32>} : memref<64x200xf32, #tpu.memory_space<vmem>>, vector<16xf32>,
      tpu.vector_store %arg8[%parallel_loop3A_210, %parallel_loop3A_211], %parallel_loop3A_209 {strides = array<i32>} : memref<64x200xf32, #tpu.memory_space<vmem>>, vector<16xf32>,
      %parallel_loop3A_213 = arith.index_cast %parallel_loop3A_184 : i32 to index
      %parallel_loop3A_214 = arith.constant 64 : index
      %parallel_loop3A_215 = tpu.vector_load %arg6[%parallel_loop3A_213, %parallel_loop3A_214] {strides = array<i32>} : memref<64x200xi32, #tpu.memory_space<vmem>>, vector<16xi32>,
      %parallel_loop3A_216 = tpu.vector_load_idx %arg5[%parallel_loop3A_215] : memref<200xf32, #tpu.memory_space<vmem>>[vector<16xi32>], vector<16xf32>,
      %parallel_loop3A_217 = arith.index_cast %parallel_loop3A_184 : i32 to index
      %parallel_loop3A_218 = arith.constant 64 : index
      %parallel_loop3A_219 = tpu.vector_load %arg8[%parallel_loop3A_217, %parallel_loop3A_218] {strides = array<i32>} : memref<64x200xf32, #tpu.memory_space<vmem>>, vector<16xf32>,
      tpu.vector_store %arg8[%parallel_loop3A_217, %parallel_loop3A_218], %parallel_loop3A_216 {strides = array<i32>} : memref<64x200xf32, #tpu.memory_space<vmem>>, vector<16xf32>,
      %parallel_loop3A_220 = arith.index_cast %parallel_loop3A_184 : i32 to index
      %parallel_loop3A_221 = arith.constant 80 : index
      %parallel_loop3A_222 = tpu.vector_load %arg6[%parallel_loop3A_220, %parallel_loop3A_221] {strides = array<i32>} : memref<64x200xi32, #tpu.memory_space<vmem>>, vector<16xi32>,
      %parallel_loop3A_223 = tpu.vector_load_idx %arg5[%parallel_loop3A_222] : memref<200xf32, #tpu.memory_space<vmem>>[vector<16xi32>], vector<16xf32>,
      %parallel_loop3A_224 = arith.index_cast %parallel_loop3A_184 : i32 to index
      %parallel_loop3A_225 = arith.constant 80 : index
      %parallel_loop3A_226 = tpu.vector_load %arg8[%parallel_loop3A_224, %parallel_loop3A_225] {strides = array<i32>} : memref<64x200xf32, #tpu.memory_space<vmem>>, vector<16xf32>,
      tpu.vector_store %arg8[%parallel_loop3A_224, %parallel_loop3A_225], %parallel_loop3A_223 {strides = array<i32>} : memref<64x200xf32, #tpu.memory_space<vmem>>, vector<16xf32>,
      %parallel_loop3A_227 = arith.index_cast %parallel_loop3A_184 : i32 to index
      %parallel_loop3A_228 = arith.constant 96 : index
      %parallel_loop3A_229 = tpu.vector_load %arg6[%parallel_loop3A_227, %parallel_loop3A_228] {strides = array<i32>} : memref<64x200xi32, #tpu.memory_space<vmem>>, vector<16xi32>,
      %parallel_loop3A_230 = tpu.vector_load_idx %arg5[%parallel_loop3A_229] : memref<200xf32, #tpu.memory_space<vmem>>[vector<16xi32>], vector<16xf32>,
      %parallel_loop3A_231 = arith.index_cast %parallel_loop3A_184 : i32 to index
      %parallel_loop3A_232 = arith.constant 96 : index
      %parallel_loop3A_233 = tpu.vector_load %arg8[%parallel_loop3A_231, %parallel_loop3A_232] {strides = array<i32>} : memref<64x200xf32, #tpu.memory_space<vmem>>, vector<16xf32>,
      tpu.vector_store %arg8[%parallel_loop3A_231, %parallel_loop3A_232], %parallel_loop3A_230 {strides = array<i32>} : memref<64x200xf32, #tpu.memory_space<vmem>>, vector<16xf32>,
      %parallel_loop3A_234 = arith.index_cast %parallel_loop3A_184 : i32 to index
      %parallel_loop3A_235 = arith.constant 112 : index
      %parallel_loop3A_236 = tpu.vector_load %arg6[%parallel_loop3A_234, %parallel_loop3A_235] {strides = array<i32>} : memref<64x200xi32, #tpu.memory_space<vmem>>, vector<16xi32>,
      %parallel_loop3A_237 = tpu.vector_load_idx %arg5[%parallel_loop3A_236] : memref<200xf32, #tpu.memory_space<vmem>>[vector<16xi32>], vector<16xf32>,
      %parallel_loop3A_238 = arith.index_cast %parallel_loop3A_184 : i32 to index
      %parallel_loop3A_239 = arith.constant 112 : index
      %parallel_loop3A_240 = tpu.vector_load %arg8[%parallel_loop3A_238, %parallel_loop3A_239] {strides = array<i32>} : memref<64x200xf32, #tpu.memory_space<vmem>>, vector<16xf32>,
      tpu.vector_store %arg8[%parallel_loop3A_238, %parallel_loop3A_239], %parallel_loop3A_237 {strides = array<i32>} : memref<64x200xf32, #tpu.memory_space<vmem>>, vector<16xf32>,
      %parallel_loop3A_241 = arith.index_cast %parallel_loop3A_184 : i32 to index
      %parallel_loop3A_242 = arith.constant 128 : index
      %parallel_loop3A_243 = tpu.vector_load %arg6[%parallel_loop3A_241, %parallel_loop3A_242] {strides = array<i32>} : memref<64x200xi32, #tpu.memory_space<vmem>>, vector<16xi32>,
      %parallel_loop3A_244 = tpu.vector_load_idx %arg5[%parallel_loop3A_243] : memref<200xf32, #tpu.memory_space<vmem>>[vector<16xi32>], vector<16xf32>,
      %parallel_loop3A_245 = arith.index_cast %parallel_loop3A_184 : i32 to index
      %parallel_loop3A_246 = arith.constant 128 : index
      %parallel_loop3A_247 = tpu.vector_load %arg8[%parallel_loop3A_245, %parallel_loop3A_246] {strides = array<i32>} : memref<64x200xf32, #tpu.memory_space<vmem>>, vector<16xf32>,
      tpu.vector_store %arg8[%parallel_loop3A_245, %parallel_loop3A_246], %parallel_loop3A_244 {strides = array<i32>} : memref<64x200xf32, #tpu.memory_space<vmem>>, vector<16xf32>,
      %parallel_loop3A_248 = arith.index_cast %parallel_loop3A_184 : i32 to index
      %parallel_loop3A_249 = arith.constant 144 : index
      %parallel_loop3A_250 = tpu.vector_load %arg6[%parallel_loop3A_248, %parallel_loop3A_249] {strides = array<i32>} : memref<64x200xi32, #tpu.memory_space<vmem>>, vector<16xi32>,
      %parallel_loop3A_251 = tpu.vector_load_idx %arg5[%parallel_loop3A_250] : memref<200xf32, #tpu.memory_space<vmem>>[vector<16xi32>], vector<16xf32>,
      %parallel_loop3A_252 = arith.index_cast %parallel_loop3A_184 : i32 to index
      %parallel_loop3A_253 = arith.constant 144 : index
      %parallel_loop3A_254 = tpu.vector_load %arg8[%parallel_loop3A_252, %parallel_loop3A_253] {strides = array<i32>} : memref<64x200xf32, #tpu.memory_space<vmem>>, vector<16xf32>,
      tpu.vector_store %arg8[%parallel_loop3A_252, %parallel_loop3A_253], %parallel_loop3A_251 {strides = array<i32>} : memref<64x200xf32, #tpu.memory_space<vmem>>, vector<16xf32>,
      %parallel_loop3A_255 = arith.index_cast %parallel_loop3A_184 : i32 to index
      %parallel_loop3A_256 = arith.constant 160 : index
      %parallel_loop3A_257 = tpu.vector_load %arg6[%parallel_loop3A_255, %parallel_loop3A_256] {strides = array<i32>} : memref<64x200xi32, #tpu.memory_space<vmem>>, vector<16xi32>,
      %parallel_loop3A_258 = tpu.vector_load_idx %arg5[%parallel_loop3A_257] : memref<200xf32, #tpu.memory_space<vmem>>[vector<16xi32>], vector<16xf32>,
      %parallel_loop3A_259 = arith.index_cast %parallel_loop3A_184 : i32 to index
      %parallel_loop3A_260 = arith.constant 160 : index
      %parallel_loop3A_261 = tpu.vector_load %arg8[%parallel_loop3A_259, %parallel_loop3A_260] {strides = array<i32>} : memref<64x200xf32, #tpu.memory_space<vmem>>, vector<16xf32>,
      tpu.vector_store %arg8[%parallel_loop3A_259, %parallel_loop3A_260], %parallel_loop3A_258 {strides = array<i32>} : memref<64x200xf32, #tpu.memory_space<vmem>>, vector<16xf32>,
      %parallel_loop3A_262 = arith.index_cast %parallel_loop3A_184 : i32 to index
      %parallel_loop3A_263 = arith.constant 176 : index
      %parallel_loop3A_264 = tpu.vector_load %arg6[%parallel_loop3A_262, %parallel_loop3A_263] {strides = array<i32>} : memref<64x200xi32, #tpu.memory_space<vmem>>, vector<16xi32>,
      %parallel_loop3A_265 = tpu.vector_load_idx %arg5[%parallel_loop3A_264] : memref<200xf32, #tpu.memory_space<vmem>>[vector<16xi32>], vector<16xf32>,
      %parallel_loop3A_266 = arith.index_cast %parallel_loop3A_184 : i32 to index
      %parallel_loop3A_267 = arith.constant 176 : index
      %parallel_loop3A_268 = tpu.vector_load %arg8[%parallel_loop3A_266, %parallel_loop3A_267] {strides = array<i32>} : memref<64x200xf32, #tpu.memory_space<vmem>>, vector<16xf32>,
      tpu.vector_store %arg8[%parallel_loop3A_266, %parallel_loop3A_267], %parallel_loop3A_265 {strides = array<i32>} : memref<64x200xf32, #tpu.memory_space<vmem>>, vector<16xf32>,
      %parallel_loop3A_269 = arith.index_cast %parallel_loop3A_184 : i32 to index
      %parallel_loop3A_270 = arith.constant 184 : index
      %parallel_loop3A_271 = tpu.vector_load %arg6[%parallel_loop3A_269, %parallel_loop3A_270] {strides = array<i32>} : memref<64x200xi32, #tpu.memory_space<vmem>>, vector<16xi32>,
      %parallel_loop3A_272 = tpu.vector_load_idx %arg5[%parallel_loop3A_271] : memref<200xf32, #tpu.memory_space<vmem>>[vector<16xi32>], vector<16xf32>,
      %parallel_loop3A_273 = arith.index_cast %parallel_loop3A_184 : i32 to index
      %parallel_loop3A_274 = arith.constant 184 : index
      %parallel_loop3A_275 = tpu.vector_load %arg8[%parallel_loop3A_273, %parallel_loop3A_274] {strides = array<i32>} : memref<64x200xf32, #tpu.memory_space<vmem>>, vector<16xf32>,
      tpu.vector_store %arg8[%parallel_loop3A_273, %parallel_loop3A_274], %parallel_loop3A_272 {strides = array<i32>} : memref<64x200xf32, #tpu.memory_space<vmem>>, vector<16xf32>,
    } {sc.loop_unroll_factor = 2 : i64, sc.parallel_access}
    %add3A_153 = arith.constant 384 : i32
    %add3A_154 = arith.addi %mul3A_2, %add3A_153 : i32
    %dma_start3A_155 = arith.constant 0 : i32
    %dma_start3A_156 = tpu.memref_slice %arg4[%add3A_154, %dma_start3A_155] : memref<16384x200xf32, #tpu.memory_space<hbm>> -> memref<64x200xf32, #tpu.memory_space<hbm>>
    %dma_start3A_157 = arith.constant 0 : i32
    %dma_start3A_158 = tpu.memref_slice %arg4[%add3A_154, %dma_start3A_157] : memref<16384x200xf32, #tpu.memory_space<hbm>> -> memref<64x200xf32, #tpu.memory_space<hbm>>
    tpu.enqueue_dma source(%arg8 : memref<64x200xf32, #tpu.memory_space<vmem>>) target(%dma_start3A_158 : memref<64x200xf32, #tpu.memory_space<hbm>>) target_semaphore(%arg12 : memref<!tpu.dma_semaphore, #tpu.memory_space<semaphore_mem>>)
    %dma_wait3A_159 = arith.constant 0 : i32
    %dma_wait3A_160 = tpu.memref_slice %arg2[%add3A_137, %dma_wait3A_159] : memref<16384x200xi32, #tpu.memory_space<hbm>> -> memref<64x200xi32, #tpu.memory_space<hbm>>
    %dma_wait3A_161 = arith.constant 0 : i32
    %dma_wait3A_162 = tpu.memref_slice %arg2[%add3A_137, %dma_wait3A_161] : memref<16384x200xi32, #tpu.memory_space<hbm>> -> memref<64x200xi32, #tpu.memory_space<hbm>>
    tpu.wait_dma2 semaphore(%arg11 : memref<!tpu.dma_semaphore, #tpu.memory_space<semaphore_mem>>) src(%dma_wait3A_162 : memref<64x200xi32, #tpu.memory_space<hbm>>) dst(%arg7 : memref<64x200xi32, #tpu.memory_space<vmem>>)
    %dma_wait3A_163 = arith.constant 0 : i32
    %dma_wait3A_164 = tpu.memref_slice %arg4[%add3A_131, %dma_wait3A_163] : memref<16384x200xf32, #tpu.memory_space<hbm>> -> memref<64x200xf32, #tpu.memory_space<hbm>>
    %dma_wait3A_165 = arith.constant 0 : i32
    %dma_wait3A_166 = tpu.memref_slice %arg4[%add3A_131, %dma_wait3A_165] : memref<16384x200xf32, #tpu.memory_space<hbm>> -> memref<64x200xf32, #tpu.memory_space<hbm>>
    tpu.wait_dma2 semaphore(%arg13 : memref<!tpu.dma_semaphore, #tpu.memory_space<semaphore_mem>>) src(%arg9 : memref<64x200xf32, #tpu.memory_space<vmem>>) dst(%dma_wait3A_166 : memref<64x200xf32, #tpu.memory_space<hbm>>)
    %parallel_loop3A_167 = arith.constant 0 : i32
    %parallel_loop3A_168 = arith.constant 64 : i32
    %parallel_loop3A_169 = arith.constant 1 : i32
    scf.for %parallel_loop3A_184 = %parallel_loop3A_167 to %parallel_loop3A_168 step %parallel_loop3A_169  : i32 {
      %parallel_loop3A_185 = arith.index_cast %parallel_loop3A_184 : i32 to index
      %parallel_loop3A_186 = arith.constant 0 : index
      %parallel_loop3A_187 = tpu.vector_load %arg7[%parallel_loop3A_185, %parallel_loop3A_186] {strides = array<i32>} : memref<64x200xi32, #tpu.memory_space<vmem>>, vector<16xi32>,
      %parallel_loop3A_188 = tpu.vector_load_idx %arg5[%parallel_loop3A_187] : memref<200xf32, #tpu.memory_space<vmem>>[vector<16xi32>], vector<16xf32>,
      %parallel_loop3A_189 = arith.index_cast %parallel_loop3A_184 : i32 to index
      %parallel_loop3A_190 = arith.constant 0 : index
      %parallel_loop3A_191 = tpu.vector_load %arg9[%parallel_loop3A_189, %parallel_loop3A_190] {strides = array<i32>} : memref<64x200xf32, #tpu.memory_space<vmem>>, vector<16xf32>,
      tpu.vector_store %arg9[%parallel_loop3A_189, %parallel_loop3A_190], %parallel_loop3A_188 {strides = array<i32>} : memref<64x200xf32, #tpu.memory_space<vmem>>, vector<16xf32>,
      %parallel_loop3A_192 = arith.index_cast %parallel_loop3A_184 : i32 to index
      %parallel_loop3A_193 = arith.constant 16 : index
      %parallel_loop3A_194 = tpu.vector_load %arg7[%parallel_loop3A_192, %parallel_loop3A_193] {strides = array<i32>} : memref<64x200xi32, #tpu.memory_space<vmem>>, vector<16xi32>,
      %parallel_loop3A_195 = tpu.vector_load_idx %arg5[%parallel_loop3A_194] : memref<200xf32, #tpu.memory_space<vmem>>[vector<16xi32>], vector<16xf32>,
      %parallel_loop3A_196 = arith.index_cast %parallel_loop3A_184 : i32 to index
      %parallel_loop3A_197 = arith.constant 16 : index
      %parallel_loop3A_198 = tpu.vector_load %arg9[%parallel_loop3A_196, %parallel_loop3A_197] {strides = array<i32>} : memref<64x200xf32, #tpu.memory_space<vmem>>, vector<16xf32>,
      tpu.vector_store %arg9[%parallel_loop3A_196, %parallel_loop3A_197], %parallel_loop3A_195 {strides = array<i32>} : memref<64x200xf32, #tpu.memory_space<vmem>>, vector<16xf32>,
      %parallel_loop3A_199 = arith.index_cast %parallel_loop3A_184 : i32 to index
      %parallel_loop3A_200 = arith.constant 32 : index
      %parallel_loop3A_201 = tpu.vector_load %arg7[%parallel_loop3A_199, %parallel_loop3A_200] {strides = array<i32>} : memref<64x200xi32, #tpu.memory_space<vmem>>, vector<16xi32>,
      %parallel_loop3A_202 = tpu.vector_load_idx %arg5[%parallel_loop3A_201] : memref<200xf32, #tpu.memory_space<vmem>>[vector<16xi32>], vector<16xf32>,
      %parallel_loop3A_203 = arith.index_cast %parallel_loop3A_184 : i32 to index
      %parallel_loop3A_204 = arith.constant 32 : index
      %parallel_loop3A_205 = tpu.vector_load %arg9[%parallel_loop3A_203, %parallel_loop3A_204] {strides = array<i32>} : memref<64x200xf32, #tpu.memory_space<vmem>>, vector<16xf32>,
      tpu.vector_store %arg9[%parallel_loop3A_203, %parallel_loop3A_204], %parallel_loop3A_202 {strides = array<i32>} : memref<64x200xf32, #tpu.memory_space<vmem>>, vector<16xf32>,
      %parallel_loop3A_206 = arith.index_cast %parallel_loop3A_184 : i32 to index
      %parallel_loop3A_207 = arith.constant 48 : index
      %parallel_loop3A_208 = tpu.vector_load %arg7[%parallel_loop3A_206, %parallel_loop3A_207] {strides = array<i32>} : memref<64x200xi32, #tpu.memory_space<vmem>>, vector<16xi32>,
      %parallel_loop3A_209 = tpu.vector_load_idx %arg5[%parallel_loop3A_208] : memref<200xf32, #tpu.memory_space<vmem>>[vector<16xi32>], vector<16xf32>,
      %parallel_loop3A_210 = arith.index_cast %parallel_loop3A_184 : i32 to index
      %parallel_loop3A_211 = arith.constant 48 : index
      %parallel_loop3A_212 = tpu.vector_load %arg9[%parallel_loop3A_210, %parallel_loop3A_211] {strides = array<i32>} : memref<64x200xf32, #tpu.memory_space<vmem>>, vector<16xf32>,
      tpu.vector_store %arg9[%parallel_loop3A_210, %parallel_loop3A_211], %parallel_loop3A_209 {strides = array<i32>} : memref<64x200xf32, #tpu.memory_space<vmem>>, vector<16xf32>,
      %parallel_loop3A_213 = arith.index_cast %parallel_loop3A_184 : i32 to index
      %parallel_loop3A_214 = arith.constant 64 : index
      %parallel_loop3A_215 = tpu.vector_load %arg7[%parallel_loop3A_213, %parallel_loop3A_214] {strides = array<i32>} : memref<64x200xi32, #tpu.memory_space<vmem>>, vector<16xi32>,
      %parallel_loop3A_216 = tpu.vector_load_idx %arg5[%parallel_loop3A_215] : memref<200xf32, #tpu.memory_space<vmem>>[vector<16xi32>], vector<16xf32>,
      %parallel_loop3A_217 = arith.index_cast %parallel_loop3A_184 : i32 to index
      %parallel_loop3A_218 = arith.constant 64 : index
      %parallel_loop3A_219 = tpu.vector_load %arg9[%parallel_loop3A_217, %parallel_loop3A_218] {strides = array<i32>} : memref<64x200xf32, #tpu.memory_space<vmem>>, vector<16xf32>,
      tpu.vector_store %arg9[%parallel_loop3A_217, %parallel_loop3A_218], %parallel_loop3A_216 {strides = array<i32>} : memref<64x200xf32, #tpu.memory_space<vmem>>, vector<16xf32>,
      %parallel_loop3A_220 = arith.index_cast %parallel_loop3A_184 : i32 to index
      %parallel_loop3A_221 = arith.constant 80 : index
      %parallel_loop3A_222 = tpu.vector_load %arg7[%parallel_loop3A_220, %parallel_loop3A_221] {strides = array<i32>} : memref<64x200xi32, #tpu.memory_space<vmem>>, vector<16xi32>,
      %parallel_loop3A_223 = tpu.vector_load_idx %arg5[%parallel_loop3A_222] : memref<200xf32, #tpu.memory_space<vmem>>[vector<16xi32>], vector<16xf32>,
      %parallel_loop3A_224 = arith.index_cast %parallel_loop3A_184 : i32 to index
      %parallel_loop3A_225 = arith.constant 80 : index
      %parallel_loop3A_226 = tpu.vector_load %arg9[%parallel_loop3A_224, %parallel_loop3A_225] {strides = array<i32>} : memref<64x200xf32, #tpu.memory_space<vmem>>, vector<16xf32>,
      tpu.vector_store %arg9[%parallel_loop3A_224, %parallel_loop3A_225], %parallel_loop3A_223 {strides = array<i32>} : memref<64x200xf32, #tpu.memory_space<vmem>>, vector<16xf32>,
      %parallel_loop3A_227 = arith.index_cast %parallel_loop3A_184 : i32 to index
      %parallel_loop3A_228 = arith.constant 96 : index
      %parallel_loop3A_229 = tpu.vector_load %arg7[%parallel_loop3A_227, %parallel_loop3A_228] {strides = array<i32>} : memref<64x200xi32, #tpu.memory_space<vmem>>, vector<16xi32>,
      %parallel_loop3A_230 = tpu.vector_load_idx %arg5[%parallel_loop3A_229] : memref<200xf32, #tpu.memory_space<vmem>>[vector<16xi32>], vector<16xf32>,
      %parallel_loop3A_231 = arith.index_cast %parallel_loop3A_184 : i32 to index
      %parallel_loop3A_232 = arith.constant 96 : index
      %parallel_loop3A_233 = tpu.vector_load %arg9[%parallel_loop3A_231, %parallel_loop3A_232] {strides = array<i32>} : memref<64x200xf32, #tpu.memory_space<vmem>>, vector<16xf32>,
      tpu.vector_store %arg9[%parallel_loop3A_231, %parallel_loop3A_232], %parallel_loop3A_230 {strides = array<i32>} : memref<64x200xf32, #tpu.memory_space<vmem>>, vector<16xf32>,
      %parallel_loop3A_234 = arith.index_cast %parallel_loop3A_184 : i32 to index
      %parallel_loop3A_235 = arith.constant 112 : index
      %parallel_loop3A_236 = tpu.vector_load %arg7[%parallel_loop3A_234, %parallel_loop3A_235] {strides = array<i32>} : memref<64x200xi32, #tpu.memory_space<vmem>>, vector<16xi32>,
      %parallel_loop3A_237 = tpu.vector_load_idx %arg5[%parallel_loop3A_236] : memref<200xf32, #tpu.memory_space<vmem>>[vector<16xi32>], vector<16xf32>,
      %parallel_loop3A_238 = arith.index_cast %parallel_loop3A_184 : i32 to index
      %parallel_loop3A_239 = arith.constant 112 : index
      %parallel_loop3A_240 = tpu.vector_load %arg9[%parallel_loop3A_238, %parallel_loop3A_239] {strides = array<i32>} : memref<64x200xf32, #tpu.memory_space<vmem>>, vector<16xf32>,
      tpu.vector_store %arg9[%parallel_loop3A_238, %parallel_loop3A_239], %parallel_loop3A_237 {strides = array<i32>} : memref<64x200xf32, #tpu.memory_space<vmem>>, vector<16xf32>,
      %parallel_loop3A_241 = arith.index_cast %parallel_loop3A_184 : i32 to index
      %parallel_loop3A_242 = arith.constant 128 : index
      %parallel_loop3A_243 = tpu.vector_load %arg7[%parallel_loop3A_241, %parallel_loop3A_242] {strides = array<i32>} : memref<64x200xi32, #tpu.memory_space<vmem>>, vector<16xi32>,
      %parallel_loop3A_244 = tpu.vector_load_idx %arg5[%parallel_loop3A_243] : memref<200xf32, #tpu.memory_space<vmem>>[vector<16xi32>], vector<16xf32>,
      %parallel_loop3A_245 = arith.index_cast %parallel_loop3A_184 : i32 to index
      %parallel_loop3A_246 = arith.constant 128 : index
      %parallel_loop3A_247 = tpu.vector_load %arg9[%parallel_loop3A_245, %parallel_loop3A_246] {strides = array<i32>} : memref<64x200xf32, #tpu.memory_space<vmem>>, vector<16xf32>,
      tpu.vector_store %arg9[%parallel_loop3A_245, %parallel_loop3A_246], %parallel_loop3A_244 {strides = array<i32>} : memref<64x200xf32, #tpu.memory_space<vmem>>, vector<16xf32>,
      %parallel_loop3A_248 = arith.index_cast %parallel_loop3A_184 : i32 to index
      %parallel_loop3A_249 = arith.constant 144 : index
      %parallel_loop3A_250 = tpu.vector_load %arg7[%parallel_loop3A_248, %parallel_loop3A_249] {strides = array<i32>} : memref<64x200xi32, #tpu.memory_space<vmem>>, vector<16xi32>,
      %parallel_loop3A_251 = tpu.vector_load_idx %arg5[%parallel_loop3A_250] : memref<200xf32, #tpu.memory_space<vmem>>[vector<16xi32>], vector<16xf32>,
      %parallel_loop3A_252 = arith.index_cast %parallel_loop3A_184 : i32 to index
      %parallel_loop3A_253 = arith.constant 144 : index
      %parallel_loop3A_254 = tpu.vector_load %arg9[%parallel_loop3A_252, %parallel_loop3A_253] {strides = array<i32>} : memref<64x200xf32, #tpu.memory_space<vmem>>, vector<16xf32>,
      tpu.vector_store %arg9[%parallel_loop3A_252, %parallel_loop3A_253], %parallel_loop3A_251 {strides = array<i32>} : memref<64x200xf32, #tpu.memory_space<vmem>>, vector<16xf32>,
      %parallel_loop3A_255 = arith.index_cast %parallel_loop3A_184 : i32 to index
      %parallel_loop3A_256 = arith.constant 160 : index
      %parallel_loop3A_257 = tpu.vector_load %arg7[%parallel_loop3A_255, %parallel_loop3A_256] {strides = array<i32>} : memref<64x200xi32, #tpu.memory_space<vmem>>, vector<16xi32>,
      %parallel_loop3A_258 = tpu.vector_load_idx %arg5[%parallel_loop3A_257] : memref<200xf32, #tpu.memory_space<vmem>>[vector<16xi32>], vector<16xf32>,
      %parallel_loop3A_259 = arith.index_cast %parallel_loop3A_184 : i32 to index
      %parallel_loop3A_260 = arith.constant 160 : index
      %parallel_loop3A_261 = tpu.vector_load %arg9[%parallel_loop3A_259, %parallel_loop3A_260] {strides = array<i32>} : memref<64x200xf32, #tpu.memory_space<vmem>>, vector<16xf32>,
      tpu.vector_store %arg9[%parallel_loop3A_259, %parallel_loop3A_260], %parallel_loop3A_258 {strides = array<i32>} : memref<64x200xf32, #tpu.memory_space<vmem>>, vector<16xf32>,
      %parallel_loop3A_262 = arith.index_cast %parallel_loop3A_184 : i32 to index
      %parallel_loop3A_263 = arith.constant 176 : index
      %parallel_loop3A_264 = tpu.vector_load %arg7[%parallel_loop3A_262, %parallel_loop3A_263] {strides = array<i32>} : memref<64x200xi32, #tpu.memory_space<vmem>>, vector<16xi32>,
      %parallel_loop3A_265 = tpu.vector_load_idx %arg5[%parallel_loop3A_264] : memref<200xf32, #tpu.memory_space<vmem>>[vector<16xi32>], vector<16xf32>,
      %parallel_loop3A_266 = arith.index_cast %parallel_loop3A_184 : i32 to index
      %parallel_loop3A_267 = arith.constant 176 : index
      %parallel_loop3A_268 = tpu.vector_load %arg9[%parallel_loop3A_266, %parallel_loop3A_267] {strides = array<i32>} : memref<64x200xf32, #tpu.memory_space<vmem>>, vector<16xf32>,
      tpu.vector_store %arg9[%parallel_loop3A_266, %parallel_loop3A_267], %parallel_loop3A_265 {strides = array<i32>} : memref<64x200xf32, #tpu.memory_space<vmem>>, vector<16xf32>,
      %parallel_loop3A_269 = arith.index_cast %parallel_loop3A_184 : i32 to index
      %parallel_loop3A_270 = arith.constant 184 : index
      %parallel_loop3A_271 = tpu.vector_load %arg7[%parallel_loop3A_269, %parallel_loop3A_270] {strides = array<i32>} : memref<64x200xi32, #tpu.memory_space<vmem>>, vector<16xi32>,
      %parallel_loop3A_272 = tpu.vector_load_idx %arg5[%parallel_loop3A_271] : memref<200xf32, #tpu.memory_space<vmem>>[vector<16xi32>], vector<16xf32>,
      %parallel_loop3A_273 = arith.index_cast %parallel_loop3A_184 : i32 to index
      %parallel_loop3A_274 = arith.constant 184 : index
      %parallel_loop3A_275 = tpu.vector_load %arg9[%parallel_loop3A_273, %parallel_loop3A_274] {strides = array<i32>} : memref<64x200xf32, #tpu.memory_space<vmem>>, vector<16xf32>,
      tpu.vector_store %arg9[%parallel_loop3A_273, %parallel_loop3A_274], %parallel_loop3A_272 {strides = array<i32>} : memref<64x200xf32, #tpu.memory_space<vmem>>, vector<16xf32>,
    } {sc.loop_unroll_factor = 2 : i64, sc.parallel_access}
    %add3A_170 = arith.constant 448 : i32
    %add3A_171 = arith.addi %mul3A_2, %add3A_170 : i32
    %dma_start3A_172 = arith.constant 0 : i32
    %dma_start3A_173 = tpu.memref_slice %arg4[%add3A_171, %dma_start3A_172] : memref<16384x200xf32, #tpu.memory_space<hbm>> -> memref<64x200xf32, #tpu.memory_space<hbm>>
    %dma_start3A_174 = arith.constant 0 : i32
    %dma_start3A_175 = tpu.memref_slice %arg4[%add3A_171, %dma_start3A_174] : memref<16384x200xf32, #tpu.memory_space<hbm>> -> memref<64x200xf32, #tpu.memory_space<hbm>>
    tpu.enqueue_dma source(%arg9 : memref<64x200xf32, #tpu.memory_space<vmem>>) target(%dma_start3A_175 : memref<64x200xf32, #tpu.memory_space<hbm>>) target_semaphore(%arg13 : memref<!tpu.dma_semaphore, #tpu.memory_space<semaphore_mem>>)
    %dma_wait3A_176 = arith.constant 0 : i32
    %dma_wait3A_177 = tpu.memref_slice %arg4[%add3A_154, %dma_wait3A_176] : memref<16384x200xf32, #tpu.memory_space<hbm>> -> memref<64x200xf32, #tpu.memory_space<hbm>>
    %dma_wait3A_178 = arith.constant 0 : i32
    %dma_wait3A_179 = tpu.memref_slice %arg4[%add3A_154, %dma_wait3A_178] : memref<16384x200xf32, #tpu.memory_space<hbm>> -> memref<64x200xf32, #tpu.memory_space<hbm>>
    tpu.wait_dma2 semaphore(%arg12 : memref<!tpu.dma_semaphore, #tpu.memory_space<semaphore_mem>>) src(%arg8 : memref<64x200xf32, #tpu.memory_space<vmem>>) dst(%dma_wait3A_179 : memref<64x200xf32, #tpu.memory_space<hbm>>)
    %dma_wait3A_180 = arith.constant 0 : i32
    %dma_wait3A_181 = tpu.memref_slice %arg4[%add3A_171, %dma_wait3A_180] : memref<16384x200xf32, #tpu.memory_space<hbm>> -> memref<64x200xf32, #tpu.memory_space<hbm>>
    %dma_wait3A_182 = arith.constant 0 : i32
    %dma_wait3A_183 = tpu.memref_slice %arg4[%add3A_171, %dma_wait3A_182] : memref<16384x200xf32, #tpu.memory_space<hbm>> -> memref<64x200xf32, #tpu.memory_space<hbm>>
    tpu.wait_dma2 semaphore(%arg13 : memref<!tpu.dma_semaphore, #tpu.memory_space<semaphore_mem>>) src(%arg9 : memref<64x200xf32, #tpu.memory_space<vmem>>) dst(%dma_wait3A_183 : memref<64x200xf32, #tpu.memory_space<hbm>>)
    return
  }
}

</mosaic_0001>

<sc_bundles>
// kernel: kernel.3.cloned.1.call-start
scs
__scs_entry_jumppad:
0x0: {  	(pc) =	sbr.rel $0x88, $3  }
0x1: {  	(tag) =	ssettag $0x0;
	lr =	simm.s32 $0x1  }
0x2: {  	[smem:$0x3F9F] =	sst lr;
	_ =	strace $0xD0000000  }
0x3: {  	_ = 	snop  }
0x4: {  	_ = 	snop  }
0x5: {  	_ = 	snop  }
0x6: {  	_ = 	snop  }
0x7: {  	_ = 	snop  }
__scs_overlays_trampoline_lowered:
0x8: {  	[smem:$0x3FAE] =	sst s0  }
0x9: {  	[smem:$0x3FAF] =	sst s1  }
0xa: {  	[smem:$0x3FB0] =	sst s2  }
0xb: {  	[smem:$0x3FB1] =	sst s3  }
0xc: {  	[smem:$0x3FB2] =	sst s4  }
0xd: {  	[smem:$0x3FB3] =	sst s5  }
0xe: {  	[smem:$0x3FB4] =	sst s6  }
0xf: {  	[smem:$0x3FB5] =	sst s7  }
0x10: {  	[smem:$0x3FB6] =	sst s8  }
0x11: {  	[smem:$0x3FB7] =	sst s9;
	s0 =	simm.s32 @!p0 $0x0  }
0x12: {  	s1 =	sld [smem:$0x3F9D];
	s0 =	simm.s32 @p0 $0x1  }
0x13: {  	[smem:$0x3FB8] =	sst s0;
	s0 =	simm.s32 @!p1 $0x0  }
0x14: {  	s2 =	sld [smem:$0x3F9C];
	s0 =	simm.s32 @p1 $0x1  }
0x15: {  	[smem:$0x3FB9] =	sst s0;
	s0 =	simm.s32 @!p2 $0x0  }
0x16: {  	s3 =	sld [smem:$0x3FDB];
	s0 =	simm.s32 @p2 $0x1  }
0x17: {  	s4 =	simm.s32 $0x1BF5;
	[smem:$0x3FBB] =	sst s0  }
0x18: {  	s0 =	sld [smem:$0x3F9E];
	_ =	swait.ge [sflag:s4], $0x0  }
0x19: {  	s7 =	sld [smem:$0x3F9F]  }
0x1a: {  	s8 =	sadd.s32 $0xFFFFE003, lr  }
0x1b: {  	s9 =	sadd.s32 $0xFFFFFEF7, lr;
	s5 =	simm.s32 $0xFFFFFFFF;
	p2 =	slt.u32 s8, $0xFFFFF086  }
0x1c: {  	p1 =	slt.u32 s9, $0xF7A;
	s5 =	simm.s32 @!p2 $0x0  }
0x1d: {  	s5 =	simm.s32 @p1 $0x1;
	p0 =	seq.s32 s7, s2  }
0x1e: {  	s7 =	smul.u32 @!p0 $0xF7A, s2;
	p2 =	seq.s32 @!p0 s5, $0x0  }
0x1f: {  	s9 =	smul.u32 $0xF7A, s1;
	s8 =	simm.s32 @!p0 $0x1BF5;
	p2 =	por !p2, p0  }
0x20: {  	[sflag:s8] =	ssyncset.s32 @!p0 $0xFFFFF086;
	s6 =	sadd.s32 @!p0 s3, s7;
	s7 =	simm.s32 @!p0 $0x108  }
0x21: {  	s3 =	sadd.s32 s3, s9;
	s6 =	sadd.s32 @!p0 $0x88, s6;
	s7 =	simm.s32 @p2 $0x1082  }
0x22: {  	[simem:s7], [sflag:s8] =	dma.local @!p0 [hbm:s6], $0xF7A  }
0x23: {  	s9 =	sor.u32 $0xD0000000, s2;
	s6 =	simm.s32 $0x108;
	_ =	swait.ge @!p0 [sflag:s8], $0x0  }
0x24: {  	s3 =	sadd.s32 $0x88, s3;
	s6 =	simm.s32 @!p1 $0x1082;
	[sflag:s4] =	ssyncset.s32 $0xFFFFF086  }
0x25: {  	[simem:s6], [sflag:s4] =	dma.local [hbm:s3], $0xF7A  }
0x26: {  	[smem:$0x3F9F] =	sst s1;
	(tag) =	ssettag s2;
	_ =	strace s9  }
0x27: {  	s1 =	sld [smem:$0x3FAF]  }
0x28: {  	s2 =	sld [smem:$0x3FB0]  }
0x29: {  	s4 =	sld [smem:$0x3FB2]  }
0x2a: {  	p0 =	seq.s32 s5, $0x0;
	s5 =	sld [smem:$0x3FB3]  }
0x2b: {  	s6 =	sld [smem:$0x3FB4]  }
0x2c: {  	s7 =	sld [smem:$0x3FB5]  }
0x2d: {  	s3 =	simm.s32 $0x108;
	s8 =	sld [smem:$0x3FB6]  }
0x2e: {  	s3 =	simm.s32 @!p0 $0x1082;
	s9 =	sld [smem:$0x3FB7]  }
0x2f: {  	lr =	sadd.s32 s0, s3;
	s0 =	sld [smem:$0x3FAE]  }
0x30: {  	s3 =	sld [smem:$0x3FB1]  }
0x31: {  	[smem:$0x3FBA] =	sst s10  }
0x32: {  	s10 =	sld [smem:$0x3FB8];
	_ =	sdelay $0x3  }
0x33: {  	p0 =	seq.s32 s10, $0x1;
	s10 =	sld [smem:$0x3FBA];
	_ =	sdelay $0x3  }
0x34: {  	[smem:$0x3FBA] =	sst s10  }
0x35: {  	s10 =	sld [smem:$0x3FB9];
	_ =	sdelay $0x3  }
0x36: {  	p1 =	seq.s32 s10, $0x1;
	s10 =	sld [smem:$0x3FBA];
	_ =	sdelay $0x3  }
0x37: {  	[smem:$0x3FBA] =	sst s10  }
0x38: {  	s10 =	sld [smem:$0x3FBB]  }
0x39: {  	_ = 	snop;
	(pc) =	sbr.ind lr, $3  }
0x3a: {  	_ = 	snop  }
0x3b: {  	_ = 	snop  }
0x3c: {  	p2 =	seq.s32 s10, $0x1;
	s10 =	sld [smem:$0x3FBA]  }
0x3d: {  	_ =	shalt  }
0x3e: {  	_ =	shalt  }
0x3f: {  	_ =	shalt  }
0x40: {  	_ =	shalt  }
0x41: {  	_ =	shalt  }
0x42: {  	_ =	shalt  }
0x43: {  	_ =	shalt  }
0x44: {  	_ =	shalt  }
0x45: {  	_ =	shalt  }
0x46: {  	_ =	shalt  }
0x47: {  	_ =	shalt  }
0x48: {  	_ =	shalt  }
0x49: {  	_ =	shalt  }
0x4a: {  	_ =	shalt  }
0x4b: {  	_ =	shalt  }
0x4c: {  	_ =	shalt  }
0x4d: {  	_ =	shalt  }
0x4e: {  	_ =	shalt  }
0x4f: {  	_ =	shalt  }
0x50: {  	_ =	shalt  }
0x51: {  	_ =	shalt  }
0x52: {  	_ =	shalt  }
0x53: {  	_ =	shalt  }
0x54: {  	_ =	shalt  }
0x55: {  	_ =	shalt  }
0x56: {  	_ =	shalt  }
0x57: {  	_ =	shalt  }
0x58: {  	_ =	shalt  }
0x59: {  	_ =	shalt  }
0x5a: {  	_ =	shalt  }
0x5b: {  	_ =	shalt  }
0x5c: {  	_ =	shalt  }
0x5d: {  	_ =	shalt  }
0x5e: {  	_ =	shalt  }
0x5f: {  	_ =	shalt  }
0x60: {  	_ =	shalt  }
0x61: {  	_ =	shalt  }
0x62: {  	_ =	shalt  }
0x63: {  	_ =	shalt  }
0x64: {  	_ =	shalt  }
0x65: {  	_ =	shalt  }
0x66: {  	_ =	shalt  }
0x67: {  	_ =	shalt  }
0x68: {  	_ =	shalt  }
0x69: {  	_ =	shalt  }
0x6a: {  	_ =	shalt  }
0x6b: {  	_ =	shalt  }
0x6c: {  	_ =	shalt  }
0x6d: {  	_ =	shalt  }
0x6e: {  	_ =	shalt  }
0x6f: {  	_ =	shalt  }
0x70: {  	_ =	shalt  }
0x71: {  	_ =	shalt  }
0x72: {  	_ =	shalt  }
0x73: {  	_ =	shalt  }
0x74: {  	_ =	shalt  }
0x75: {  	_ =	shalt  }
0x76: {  	_ =	shalt  }
0x77: {  	_ =	shalt  }
0x78: {  	_ =	shalt  }
0x79: {  	_ =	shalt  }
0x7a: {  	_ =	shalt  }
0x7b: {  	_ =	shalt  }
0x7c: {  	_ =	shalt  }
0x7d: {  	_ =	shalt  }
0x7e: {  	_ =	shalt  }
0x7f: {  	_ =	shalt  }
0x80: {  	_ =	shalt  }
0x81: {  	_ =	shalt  }
0x82: {  	_ =	shalt  }
0x83: {  	_ =	shalt  }
0x84: {  	_ =	shalt  }
0x85: {  	_ =	shalt  }
0x86: {  	_ =	shalt  }
0x87: {  	_ =	shalt  }
.Lfunc_end0:
.L_simem_size_0:
called_computation_lowered:
.L_overlay_start_0:
0x88: {  	s2 =	sld [smem:$0x3FD9]  }
0x89: {  	s3 =	sld [smem:$0x3FFE];
	_ =	sdelay $0x1  }
0x8a: {  	s1 =	srdreg.scid  }
0x8b: {  	s0 =	sand.u32 $0x1, s1  }
0x8c: {  	s17 =	sshll.u32 s0, $0xA;
	s2 =	sadd.s32 s3, s2  }
0x8d: {  	s2 =	sadd.s32 s2, s17  }
0x8e: {  	[smem:$0x3FC6] =	sst s2  }
0x8f: {  	_ = 	snop  }
0x90: {  	s2 =	sld [smem:$0x3FC8];
	(tm) =	ssettm $0x1  }
0x91: {  	s18 =	sld [smem:$0x3FFB];
	_ =	sdelay $0x3  }
0x92: {  	_ =	strace s18  }
0x93: {  	s3 =	sld [smem:$0x3FFC];
	_ =	sdelay $0x3  }
0x94: {  	_ =	strace s3  }
0x95: {  	s3 =	sld [smem:$0x3FFD];
	_ =	sdelay $0x3  }
0x96: {  	_ =	strace s3  }
0x97: {  	_ =	strace $0x8FFFFFFF  }
0x98: {  	s19 =	sld [smem:$0x3FDB];
	_ =	sdelay $0x1  }
0x99: {  	s4 =	simm.s32 $_scs_section_size  }
0x9a: {  	s5 =	simm.s32 $_size__tile_overlayer_lowered;
	s6 =	simm.s32 $_tile_overlayer_lowered  }
0x9b: {  	s22 =	simm.s32 $0x1BFF;
	s21 =	sshll.u32 s6, $0x1;
	s3 =	sadd.s32 s4, s19  }
0x9c: {  	s7 =	simm.s32 $0x0;
	s20 =	sshll.u32 s5, $0x1;
	s5 =	sadd.s32 s21, s3  }
0x9d: {  	[timem:s7], [sflag:s22] =	dma.local [hbm:s5], s20  }
0x9e: {  	_ =	swait.ge [sflag:s22], s20  }
0x9f: {  	s4 =	ssub.s32 $0x0, s20;
	[sflag:s22] =	ssyncset.done $0x0  }
0xa0: {  	[sflag:s22] =	ssyncadd.s32 s4;
	_ =	sdelay $0x1  }
0xa1: {  	s23 =	simm.s32 $0x1B8B  }
0xa2: {  	_ =	swait.ge [sflag:s23], $0x1  }
0xa3: {  	[sflag:s23] =	ssyncset.done $0x0  }
0xa4: {  	s25 =	simm.s32 $0x1B8E;
	s24 =	sld [smem:$0x3FFE];
	[sflag:s23] =	ssyncadd.s32 $0xFFFFFFFF  }
0xa5: {  	s26 =	simm.s32 $execute0_lowered;
	[smem:$0x3FD2] =	sst s25  }
0xa6: {  	s5 =	sshll.u32 s26, $0x1;
	_ =	strace $0x80000046;
	[dreg:$0x1] =	wrdreg $0xFFFFFFFF  }
0xa7: {  	s28 =	simm.s32 $_size_execute0_lowered;
	s3 =	sadd.s32 s3, s5;
	[dreg:$0x0] =	wrdreg $0x0  }
0xa8: {  	s5 =	sshll.u32 s28, $0x1;
	[dreg:$0x2] =	wrdreg s3  }
0xa9: {  	[dreg:$0x3] =	wrdreg s5  }
0xaa: {  	[dreg:$0x4] =	wrdreg $0xC0  }
0xab: {  	_ =	task [dreg:s7], $0x5FFFF  }
0xac: {  	[dreg:$0x1] =	wrdreg $0xFFFFFFFF  }
0xad: {  	[dreg:$0x0] =	wrdreg $0x60  }
0xae: {  	[dreg:$0x2] =	wrdreg s24  }
0xaf: {  	[dreg:$0x3] =	wrdreg s2  }
0xb0: {  	[dreg:$0x4] =	wrdreg $0x9  }
0xb1: {  	_ =	task.clear_ibuf [dreg:s7], $0x5FFFF;
	_ =	strace $0x90000046  }
0xb2: {  	s29 =	simm.s32 $0x9;
	_ =	strace $0x80000048  }
0xb3: {  	_ =	swait.ge [sflag:s29], $0x1  }
0xb4: {  	[sflag:s29] =	ssyncadd.s32 $0xFFFFFFFF  }
0xb5: {  	_ =	strace $0x90000048  }
0xb6: {  	_ =	sfence  }
0xb7: {  	s30 =	sld [smem:$0x0];
	_ =	sdelay $0x2  }
0xb8: {  	s31 =	sshll.u32 s1, $0xD;
	s1 =	sshrl.u32 s1, $0x2  }
0xb9: {  	s3 =	sand.u32 $0x4000, s31;
	s1 =	sadd.s32 s1, s30  }
0xba: {  	s0 =	sor.u32 s3, s0;
	s1 =	sshll.u32 s1, $0x11  }
0xbb: {  	s0 =	sor.u32 s1, s0  }
0xbc: {  	s0 =	sadd.s32 $0x8F2B, s0  }
0xbd: {  	[sflag:s0] =	ssyncadd.remote.s32 $0x1  }
0xbe: {  	_ =	sfence.sel $0xFFFF  }
0xbf: {  	[dreg:$0x0] =	wrdreg $0xFFFFFFFF;
	(pc) =	sbr.abs _section_cstart, $3  }
0xc0: {  	[dreg:$0x1] =	wrdreg $0xFFFFFFFF  }
0xc1: {  	_ =	task.clear_ibuf [dreg:s7], $0x2FFFF;
	_ =	strace $0x9FFFFFFF  }
0xc2: {  	(tm) =	ssettm $0x7FFFFFFF  }
0xc3: {  	_ =	shalt  }
tec
execute0_lowered:
.L_overlay_start_1:
0x0: {  	(tag) =	ssettag $0x1  }
0x1: {  	s0 =	rddreg [dreg:$0x0]  }
0x2: {  	s3 =	simm.s32 $0x0;
	s1 =	srdreg.scid;
	s4 =	stileid.u32  }
0x3: {  	s28 =	simm.s32 $0xC100;
	s29 =	simm.s32 $0x3;
	s30 =	simm.s32 $0x4  }
0x4: {  	s31 =	simm.s32 $0x0;
	[smem:$0x7FF] =	sst s3;
	s1 =	sand.u32 $0x1, s1  }
0x5: {  	s4 =	sshll.u32 s4, $0xF;
	s5 =	sadd.s32 $0x400, s0;
	s2 =	ssub.s32 $0x2, s1  }
0x6: {  	s0 =	sadd.s32 $0x80400, s0;
	s1 =	sshll.u32 s1, $0xE;
	s6 =	sshrl.u32 s2, $0x1  }
0x7: {  	_ =	strace $0x80000047;
	s1 =	sor.u32 s1, s4;
	s2 =	ssub.s32 s2, s6  }
0x8: {  	s4 =	sor.u32 $0x800, s1;
	s18 =	sadd.s32 s5, s1;
	s20 =	sor.u32 $0x1000, s1  }
0x9: {  	s7 =	sadd.s32 s0, s1;
	s22 =	sor.u32 $0x1800, s1;
	s24 =	sor.u32 $0x2000, s1  }
0xa: {  	s25 =	sor.u32 $0x2800, s1;
	s26 =	sor.u32 $0x3000, s1;
	[dreg:$0x3] =	wrdreg s18  }
0xb: {  	s1 =	sor.u32 $0x3800, s1;
	s19 =	sadd.s32 s5, s4;
	[dreg:$0x5] =	wrdreg s7  }
0xc: {  	s21 =	sadd.s32 s5, s20;
	s4 =	sadd.s32 s0, s4;
	s23 =	sadd.s32 s5, s22  }
0xd: {  	s10 =	sadd.s32 s0, s20;
	s11 =	sadd.s32 s5, s24;
	s12 =	sadd.s32 s0, s22  }
0xe: {  	s13 =	sadd.s32 s5, s25;
	s14 =	sadd.s32 s0, s24;
	s15 =	sadd.s32 s5, s26  }
0xf: {  	s16 =	sadd.s32 s0, s25;
	s17 =	sadd.s32 s5, s1;
	[dreg:$0x4] =	wrdreg s19  }
0x10: {  	s18 =	sadd.s32 s0, s26;
	s20 =	smax.u32 s2, $0x1;
	[dreg:$0x6] =	wrdreg s21  }
0x11: {  	s22 =	simm.s32 $0x100;
	s24 =	simm.s32 $0x1;
	[dreg:$0x7] =	wrdreg s4  }
0x12: {  	s25 =	simm.s32 $0x8100;
	s26 =	simm.s32 $0x2;
	[dreg:$0x8] =	wrdreg s23  }
0x13: {  	s19 =	sadd.s32 s0, s1;
	s21 =	simm.s32 $0x5;
	s23 =	simm.s32 $0x4100  }
.LBB2_1:
0x14: {  	s0 =	rddreg [dreg:$0x1]  }
0x15: {  	[tilespmem:s3], [sflag:$0x5] =	stream.linear.gather [hbm4b:s0+s3], $0x100, $0x38;
	[tilespmem:$0x10100] =	vst v63  }
0x16: {  	_ =	swait.ge [sflag:s21], $0x100  }
0x17: {  	[sflag:s21] =	ssyncset.done $0x0  }
0x18: {  	s4 =	rddreg [dreg:$0x3];
	[sflag:s21] =	ssyncadd.s32 $0xFFFFFF00  }
0x19: {  	[tilespmem:s22], [sflag:$0x1] =	stream.linear.gather [hbm4b:s4+s3], $0x4000, $0x38;
	[tilespmem:$0x10100] =	vst v63  }
0x1a: {  	s5 =	rddreg [dreg:$0x4]  }
0x1b: {  	[tilespmem:s23], [sflag:$0x2] =	stream.linear.gather [hbm4b:s5+s3], $0x4000, $0x38;
	[tilespmem:$0x10100] =	vst v63  }
0x1c: {  	_ =	swait.ge [sflag:s24], $0x4000  }
0x1d: {  	s6 =	sand.u32 $0x3800, s3;
	s1 =	sand.u32 $0x300, s3;
	[sflag:s24] =	ssyncset.done $0x0  }
0x1e: {  	s0 =	sor.u32 s1, s6;
	[sflag:s24] =	ssyncadd.s32 $0xFFFFC000  }
0x1f: {  	v1 =	vld [tilespmem:s0+$0x100];
	_ =	sdelay $0x1  }
0x20: {  	v0 =	vld [tilespmem:s0+$0x180];
	_ =	sdelay $0x2  }
0x21: {  	v2 =	vld [tilespmem:s0+$0x190]  }
0x22: {  	v3 =	vld [tilespmem:s0+$0x110]  }
0x23: {  	v4 =	vld [tilespmem:s0+$0x120]  }
0x24: {  	v1 =	vld.idx.msk [tilespmem:v1+s3+$0x0], $0xffff  }
0x25: {  	v5 =	vld [tilespmem:s0+$0x130]  }
0x26: {  	v0 =	vld.idx.msk [tilespmem:v0+s3+$0x0], $0xffff  }
0x27: {  	v6 =	vld [tilespmem:s0+$0x140]  }
0x28: {  	v7 =	vld [tilespmem:s0+$0x150]  }
0x29: {  	v8 =	vld [tilespmem:s0+$0x160];
	[tilespmem:s0+$0x8100] =	vst v1  }
0x2a: {  	v1 =	vld.idx.msk [tilespmem:v3+s3+$0x0], $0xffff  }
0x2b: {  	s7 =	simm.s32 $0x100;
	s2 =	simm.s32 $0x200;
	[tilespmem:s0+$0x8180] =	vst v0;
	v0 =	vld [tilespmem:s0+$0x1A0]  }
0x2c: {  	s2 =	sand.u32 $0x3800, s2;
	s1 =	sand.u32 $0x300, s7;
	v9 =	vld [tilespmem:s0+$0x170]  }
0x2d: {  	s2 =	sor.u32 s1, s2;
	v2 =	vld.idx.msk [tilespmem:v2+s3+$0x0], $0xffff  }
0x2e: {  	v11 =	vld [tilespmem:s2+$0x110]  }
0x2f: {  	v12 =	vld [tilespmem:s2+$0x120];
	[tilespmem:s0+$0x8110] =	vst v1  }
0x30: {  	v1 =	vld.idx.msk [tilespmem:v4+s3+$0x0], $0xffff  }
0x31: {  	v13 =	vld [tilespmem:s2+$0x130]  }
0x32: {  	[tilespmem:s0+$0x8190] =	vst v2;
	v2 =	vld [tilespmem:s0+$0x1B0]  }
0x33: {  	v0 =	vld.idx.msk [tilespmem:v0+s3+$0x0], $0xffff  }
0x34: {  	v14 =	vld [tilespmem:s2+$0x190]  }
0x35: {  	v15 =	vld [tilespmem:s2+$0x140];
	[tilespmem:s0+$0x8120] =	vst v1  }
0x36: {  	v1 =	vld.idx.msk [tilespmem:v5+s3+$0x0], $0xffff  }
0x37: {  	v16 =	vld [tilespmem:s2+$0x150]  }
0x38: {  	s8 =	simm.s32 $0x200;
	s4 =	simm.s32 $0x400;
	[tilespmem:s0+$0x81A0] =	vst v0;
	v0 =	vld [tilespmem:s0+$0x1C0]  }
0x39: {  	s1 =	sand.u32 $0x300, s8;
	s4 =	sand.u32 $0x3800, s4;
	v17 =	vld [tilespmem:s2+$0x170]  }
0x3a: {  	s1 =	sor.u32 s1, s4;
	v2 =	vld.idx.msk [tilespmem:v2+s3+$0x0], $0xffff  }
0x3b: {  	v18 =	vld [tilespmem:s1+$0x130];
	[tilespmem:s0+$0x8130] =	vst v1  }
0x3c: {  	v6 =	vld.idx.msk [tilespmem:v6+s3+$0x0], $0xffff  }
0x3d: {  	v19 =	vld [tilespmem:s1+$0x190]  }
0x3e: {  	v3 =	vld [tilespmem:s0+$0x1D0]  }
0x3f: {  	v20 =	vld [tilespmem:s1+$0x140];
	[tilespmem:s0+$0x81B0] =	vst v2  }
0x40: {  	v0 =	vld.idx.msk [tilespmem:v0+s3+$0x0], $0xffff  }
0x41: {  	s9 =	simm.s32 $0x300;
	s5 =	simm.s32 $0x600;
	v21 =	vld [tilespmem:s1+$0x150];
	[tilespmem:s0+$0x8140] =	vst v6  }
0x42: {  	s4 =	sand.u32 $0x300, s9;
	s5 =	sand.u32 $0x3800, s5;
	v6 =	vld.idx.msk [tilespmem:v7+s3+$0x0], $0xffff  }
0x43: {  	s4 =	sor.u32 s4, s5;
	v22 =	vld [tilespmem:s1+$0x170]  }
0x44: {  	v61 =	vld [tilespmem:s4+$0x140]  }
0x45: {  	v23 =	vld [tilespmem:s4+$0x150];
	[tilespmem:s0+$0x81C0] =	vst v0  }
0x46: {  	v10 =	vld.idx.msk [tilespmem:v3+s3+$0x0], $0xffff  }
0x47: {  	v0 =	vld [tilespmem:s0+$0x1E0];
	[tilespmem:s0+$0x8150] =	vst v6  }
0x48: {  	v6 =	vld.idx.msk [tilespmem:v8+s3+$0x0], $0xffff  }
0x49: {  	v8 =	vld [tilespmem:s2+$0x180]  }
0x4a: {  	v24 =	vld [tilespmem:s1+$0x5A0]  }
0x4b: {  	[tilespmem:s0+$0x81D0] =	vst v10;
	v10 =	vld [tilespmem:s2+$0x100]  }
0x4c: {  	v63 =	vld [tilespmem:s4+$0x1C0]  }
0x4d: {  	v4 =	vld [tilespmem:s0+$0x500]  }
0x4e: {  	v5 =	vld [tilespmem:s0+$0x510]  }
0x4f: {  	v7 =	vld [tilespmem:s0+$0x1F0]  }
0x50: {  	v0 =	vld.idx.msk [tilespmem:v0+s3+$0x0], $0xffff  }
0x51: {  	v8 =	vld.idx.msk [tilespmem:v8+s3+$0x0], $0xffff  }
0x52: {  	v1 =	vld [tilespmem:s0+$0x520]  }
0x53: {  	v10 =	vld.idx.msk [tilespmem:v10+s3+$0x0], $0xffff  }
0x54: {  	v2 =	vld [tilespmem:s0+$0x530]  }
0x55: {  	[tilespmem:s0+$0x81E0] =	vst v0;
	v0 =	vld [tilespmem:s0+$0x580]  }
0x56: {  	[tilespmem:s2+$0x8180] =	vst v8;
	v8 =	vld [tilespmem:s2+$0x1A0]  }
0x57: {  	v7 =	vld.idx.msk [tilespmem:v7+s3+$0x0], $0xffff  }
0x58: {  	[tilespmem:s2+$0x8100] =	vst v10;
	v10 =	vld.idx.msk [tilespmem:v14+s3+$0x0], $0xffff  }
0x59: {  	v3 =	vld [tilespmem:s0+$0x538];
	[tilespmem:s0+$0x8160] =	vst v6  }
0x5a: {  	v9 =	vld.idx.msk [tilespmem:v9+s3+$0x0], $0xffff  }
0x5b: {  	v11 =	vld.idx.msk [tilespmem:v11+s3+$0x0], $0xffff  }
0x5c: {  	[tilespmem:s0+$0x81F0] =	vst v7;
	v7 =	vld [tilespmem:s0+$0x590]  }
0x5d: {  	[tilespmem:s2+$0x8190] =	vst v10;
	v10 =	vld [tilespmem:s2+$0x1B0]  }
0x5e: {  	v8 =	vld.idx.msk [tilespmem:v8+s3+$0x0], $0xffff  }
0x5f: {  	[tilespmem:s0+$0x8170] =	vst v9;
	v0 =	vld.idx.msk [tilespmem:v0+s3+$0x0], $0xffff  }
0x60: {  	v9 =	vld [tilespmem:s2+$0x530];
	[tilespmem:s2+$0x8110] =	vst v11  }
0x61: {  	v6 =	vld.idx.msk [tilespmem:v12+s3+$0x0], $0xffff  }
0x62: {  	v4 =	vld.idx.msk [tilespmem:v4+s3+$0x0], $0xffff  }
0x63: {  	[tilespmem:s2+$0x81A0] =	vst v8;
	v8 =	vld [tilespmem:s2+$0x1C0]  }
0x64: {  	[tilespmem:s0+$0x8580] =	vst v0;
	v0 =	vld [tilespmem:s0+$0x5A0]  }
0x65: {  	v10 =	vld.idx.msk [tilespmem:v10+s3+$0x0], $0xffff  }
0x66: {  	v7 =	vld.idx.msk [tilespmem:v7+s3+$0x0], $0xffff;
	[tilespmem:s2+$0x8120] =	vst v6  }
0x67: {  	v6 =	vld.idx.msk [tilespmem:v13+s3+$0x0], $0xffff  }
0x68: {  	v14 =	vld [tilespmem:s2+$0x160];
	[tilespmem:s0+$0x8500] =	vst v4  }
0x69: {  	v5 =	vld.idx.msk [tilespmem:v5+s3+$0x0], $0xffff  }
0x6a: {  	[tilespmem:s2+$0x81B0] =	vst v10;
	v10 =	vld [tilespmem:s2+$0x1D0]  }
0x6b: {  	[tilespmem:s0+$0x8590] =	vst v7;
	v8 =	vld.idx.msk [tilespmem:v8+s3+$0x0], $0xffff  }
0x6c: {  	v7 =	vld [tilespmem:s0+$0x5B0];
	[tilespmem:s2+$0x8130] =	vst v6  }
0x6d: {  	v6 =	vld.idx.msk [tilespmem:v15+s3+$0x0], $0xffff  }
0x6e: {  	v12 =	vld [tilespmem:s2+$0x500]  }
0x6f: {  	v0 =	vld.idx.msk [tilespmem:v0+s3+$0x0], $0xffff  }
0x70: {  	[tilespmem:s2+$0x81C0] =	vst v8;
	v8 =	vld [tilespmem:s2+$0x1E0]  }
0x71: {  	v13 =	vld [tilespmem:s2+$0x510]  }
0x72: {  	[tilespmem:s2+$0x8140] =	vst v6;
	v10 =	vld.idx.msk [tilespmem:v10+s3+$0x0], $0xffff  }
0x73: {  	v4 =	vld.idx.msk [tilespmem:v16+s3+$0x0], $0xffff  }
0x74: {  	v15 =	vld [tilespmem:s2+$0x520];
	[tilespmem:s0+$0x85A0] =	vst v0  }
0x75: {  	v7 =	vld.idx.msk [tilespmem:v7+s3+$0x0], $0xffff  }
0x76: {  	v6 =	vld [tilespmem:s2+$0x1F0]  }
0x77: {  	[tilespmem:s2+$0x81D0] =	vst v10;
	v10 =	vld [tilespmem:s1+$0x100]  }
0x78: {  	[tilespmem:s2+$0x8150] =	vst v4;
	v4 =	vld.idx.msk [tilespmem:v8+s3+$0x0], $0xffff  }
0x79: {  	v0 =	vld [tilespmem:s0+$0x5B8]  }
0x7a: {  	[tilespmem:s0+$0x85B0] =	vst v7;
	v7 =	vld.idx.msk [tilespmem:v14+s3+$0x0], $0xffff  }
0x7b: {  	v8 =	vld [tilespmem:s1+$0x180]  }
0x7c: {  	v14 =	vld [tilespmem:s1+$0x110]  }
0x7d: {  	[tilespmem:s2+$0x81E0] =	vst v4;
	v4 =	vld [tilespmem:s2+$0x580]  }
0x7e: {  	v6 =	vld.idx.msk [tilespmem:v6+s3+$0x0], $0xffff  }
0x7f: {  	v10 =	vld.idx.msk [tilespmem:v10+s3+$0x0], $0xffff  }
0x80: {  	v16 =	vld [tilespmem:s1+$0x120]  }
0x81: {  	v11 =	vld.idx.msk [tilespmem:v0+s3+$0x0], $0xffff  }
0x82: {  	v0 =	vld [tilespmem:s2+$0x538]  }
0x83: {  	v8 =	vld.idx.msk [tilespmem:v8+s3+$0x0], $0xffff;
	[tilespmem:s2+$0x81F0] =	vst v6  }
0x84: {  	v6 =	vld [tilespmem:s2+$0x590];
	[tilespmem:s1+$0x8100] =	vst v10  }
0x85: {  	v14 =	vld.idx.msk [tilespmem:v14+s3+$0x0], $0xffff  }
0x86: {  	v4 =	vld.idx.msk [tilespmem:v4+s3+$0x0], $0xffff  }
0x87: {  	[tilespmem:s0+$0x85B8] =	vst v11;
	v11 =	vld [tilespmem:s4+$0x538]  }
0x88: {  	[tilespmem:s1+$0x8180] =	vst v8;
	v8 =	vld [tilespmem:s1+$0x1A0]  }
0x89: {  	[tilespmem:s2+$0x8160] =	vst v7;
	v10 =	vld.idx.msk [tilespmem:v19+s3+$0x0], $0xffff  }
0x8a: {  	[tilespmem:s1+$0x8110] =	vst v14;
	v14 =	vld.idx.msk [tilespmem:v17+s3+$0x0], $0xffff  }
0x8b: {  	[tilespmem:s2+$0x8580] =	vst v4;
	v4 =	vld [tilespmem:s2+$0x5A0]  }
0x8c: {  	v7 =	vld.idx.msk [tilespmem:v16+s3+$0x0], $0xffff  }
0x8d: {  	v6 =	vld.idx.msk [tilespmem:v6+s3+$0x0], $0xffff  }
0x8e: {  	[tilespmem:s1+$0x8190] =	vst v10;
	v10 =	vld [tilespmem:s1+$0x1B0]  }
0x8f: {  	v19 =	vld [tilespmem:s1+$0x160]  }
0x90: {  	v8 =	vld.idx.msk [tilespmem:v8+s3+$0x0], $0xffff  }
0x91: {  	v16 =	vld [tilespmem:s1+$0x500];
	[tilespmem:s2+$0x8170] =	vst v14  }
0x92: {  	[tilespmem:s1+$0x8120] =	vst v7;
	v7 =	vld.idx.msk [tilespmem:v12+s3+$0x0], $0xffff  }
0x93: {  	[tilespmem:s2+$0x8590] =	vst v6;
	v6 =	vld [tilespmem:s2+$0x5B0]  }
0x94: {  	v4 =	vld.idx.msk [tilespmem:v4+s3+$0x0], $0xffff  }
0x95: {  	[tilespmem:s1+$0x81A0] =	vst v8;
	v8 =	vld [tilespmem:s1+$0x1C0]  }
0x96: {  	[tilespmem:s0+$0x8510] =	vst v5;
	v5 =	vld.idx.msk [tilespmem:v10+s3+$0x0], $0xffff  }
0x97: {  	v10 =	vld.idx.msk [tilespmem:v1+s3+$0x0], $0xffff  }
0x98: {  	v1 =	vld.idx.msk [tilespmem:v18+s3+$0x0], $0xffff;
	[tilespmem:s2+$0x8500] =	vst v7  }
0x99: {  	v7 =	vld.idx.msk [tilespmem:v13+s3+$0x0], $0xffff  }
0x9a: {  	[tilespmem:s2+$0x85A0] =	vst v4;
	v4 =	vld [tilespmem:s2+$0x5B8]  }
0x9b: {  	[tilespmem:s1+$0x81B0] =	vst v5;
	v5 =	vld [tilespmem:s1+$0x1D0]  }
0x9c: {  	v6 =	vld.idx.msk [tilespmem:v6+s3+$0x0], $0xffff  }
0x9d: {  	v8 =	vld.idx.msk [tilespmem:v8+s3+$0x0], $0xffff  }
0x9e: {  	v12 =	vld [tilespmem:s1+$0x510];
	[tilespmem:s1+$0x8130] =	vst v1  }
0x9f: {  	v14 =	vld.idx.msk [tilespmem:v20+s3+$0x0], $0xffff  }
0xa0: {  	v13 =	vld [tilespmem:s1+$0x520];
	[tilespmem:s2+$0x8510] =	vst v7  }
0xa1: {  	v7 =	vld [tilespmem:s4+$0x180];
	[tilespmem:s2+$0x85B0] =	vst v6  }
0xa2: {  	[tilespmem:s1+$0x81C0] =	vst v8;
	v8 =	vld [tilespmem:s1+$0x1E0]  }
0xa3: {  	v17 =	vld.idx.msk [tilespmem:v4+s3+$0x0], $0xffff  }
0xa4: {  	[tilespmem:s1+$0x8140] =	vst v14;
	v5 =	vld.idx.msk [tilespmem:v5+s3+$0x0], $0xffff  }
0xa5: {  	v4 =	vld.idx.msk [tilespmem:v21+s3+$0x0], $0xffff  }
0xa6: {  	v1 =	vld [tilespmem:s1+$0x530]  }
0xa7: {  	[tilespmem:s0+$0x8520] =	vst v10;
	v10 =	vld [tilespmem:s4+$0x110]  }
0xa8: {  	v60 =	vld.idx.msk [tilespmem:v2+s3+$0x0], $0xffff  }
0xa9: {  	[tilespmem:s1+$0x81D0] =	vst v5;
	v5 =	vld [tilespmem:s1+$0x1F0]  }
0xaa: {  	[tilespmem:s1+$0x8150] =	vst v4;
	v4 =	vld.idx.msk [tilespmem:v8+s3+$0x0], $0xffff  }
0xab: {  	v8 =	vld [tilespmem:s4+$0x100]  }
0xac: {  	v2 =	vld [tilespmem:s1+$0x538]  }
0xad: {  	v7 =	vld.idx.msk [tilespmem:v7+s3+$0x0], $0xffff  }
0xae: {  	v6 =	vld.idx.msk [tilespmem:v19+s3+$0x0], $0xffff  }
0xaf: {  	[tilespmem:s1+$0x81E0] =	vst v4;
	v4 =	vld [tilespmem:s1+$0x580]  }
0xb0: {  	v19 =	vld [tilespmem:s4+$0x190]  }
0xb1: {  	v5 =	vld.idx.msk [tilespmem:v5+s3+$0x0], $0xffff  }
0xb2: {  	v18 =	vld.idx.msk [tilespmem:v15+s3+$0x0], $0xffff  }
0xb3: {  	v8 =	vld.idx.msk [tilespmem:v8+s3+$0x0], $0xffff  }
0xb4: {  	v15 =	vld [tilespmem:s4+$0x130]  }
0xb5: {  	[tilespmem:s4+$0x8180] =	vst v7;
	v7 =	vld [tilespmem:s4+$0x1A0]  }
0xb6: {  	[tilespmem:s1+$0x81F0] =	vst v5;
	v5 =	vld [tilespmem:s1+$0x590]  }
0xb7: {  	v4 =	vld.idx.msk [tilespmem:v4+s3+$0x0], $0xffff  }
0xb8: {  	[tilespmem:s4+$0x8100] =	vst v8;
	v8 =	vld.idx.msk [tilespmem:v19+s3+$0x0], $0xffff  }
0xb9: {  	v14 =	vld [tilespmem:s4+$0x120]  }
0xba: {  	v19 =	vld.idx.msk [tilespmem:v10+s3+$0x0], $0xffff  }
0xbb: {  	v10 =	vld [tilespmem:s4+$0x160]  }
0xbc: {  	[tilespmem:s1+$0x8580] =	vst v4;
	v4 =	vld [tilespmem:s4+$0x170]  }
0xbd: {  	[tilespmem:s4+$0x8190] =	vst v8;
	v8 =	vld [tilespmem:s4+$0x1B0]  }
0xbe: {  	v5 =	vld.idx.msk [tilespmem:v5+s3+$0x0], $0xffff  }
0xbf: {  	v7 =	vld.idx.msk [tilespmem:v7+s3+$0x0], $0xffff  }
0xc0: {  	[tilespmem:s4+$0x8110] =	vst v19;
	v19 =	vld [tilespmem:s1+$0x5B0]  }
0xc1: {  	[tilespmem:s1+$0x8160] =	vst v6;
	v6 =	vld.idx.msk [tilespmem:v14+s3+$0x0], $0xffff  }
0xc2: {  	v14 =	vld.idx.msk [tilespmem:v22+s3+$0x0], $0xffff  }
0xc3: {  	[tilespmem:s1+$0x8590] =	vst v5;
	v5 =	vld [tilespmem:s4+$0x500]  }
0xc4: {  	v62 =	vld.idx.msk [tilespmem:v24+s3+$0x0], $0xffff  }
0xc5: {  	[tilespmem:s4+$0x81A0] =	vst v7;
	v7 =	vld [tilespmem:s4+$0x510]  }
0xc6: {  	[tilespmem:s4+$0x8120] =	vst v6;
	v6 =	vld.idx.msk [tilespmem:v8+s3+$0x0], $0xffff  }
0xc7: {  	[tilespmem:s1+$0x8170] =	vst v14;
	v8 =	vld.idx.msk [tilespmem:v15+s3+$0x0], $0xffff  }
0xc8: {  	v14 =	vld.idx.msk [tilespmem:v16+s3+$0x0], $0xffff  }
0xc9: {  	v15 =	vld [tilespmem:s1+$0x5B8];
	[tilespmem:s1+$0x85A0] =	vst v62  }
0xca: {  	v16 =	vld.idx.msk [tilespmem:v19+s3+$0x0], $0xffff  }
0xcb: {  	[tilespmem:s4+$0x81B0] =	vst v6;
	v19 =	vld [tilespmem:s4+$0x1D0]  }
0xcc: {  	[tilespmem:s4+$0x8130] =	vst v8;
	v8 =	vld [tilespmem:s4+$0x520]  }
0xcd: {  	v6 =	vld.idx.msk [tilespmem:v63+s3+$0x0], $0xffff  }
0xce: {  	[tilespmem:s1+$0x8500] =	vst v14;
	v21 =	vld.idx.msk [tilespmem:v61+s3+$0x0], $0xffff  }
0xcf: {  	v12 =	vld.idx.msk [tilespmem:v12+s3+$0x0], $0xffff  }
0xd0: {  	v14 =	vld [tilespmem:s4+$0x1E0];
	[tilespmem:s1+$0x85B0] =	vst v16  }
0xd1: {  	[tilespmem:s0+$0x8530] =	vst v60;
	v16 =	vld.idx.msk [tilespmem:v15+s3+$0x0], $0xffff  }
0xd2: {  	[tilespmem:s4+$0x81C0] =	vst v6;
	v6 =	vld [tilespmem:s4+$0x530]  }
0xd3: {  	[tilespmem:s4+$0x8140] =	vst v21;
	v19 =	vld.idx.msk [tilespmem:v19+s3+$0x0], $0xffff  }
0xd4: {  	[tilespmem:s1+$0x8510] =	vst v12;
	v15 =	vld.idx.msk [tilespmem:v23+s3+$0x0], $0xffff  }
0xd5: {  	[tilespmem:s2+$0x8520] =	vst v18;
	v13 =	vld.idx.msk [tilespmem:v13+s3+$0x0], $0xffff  }
0xd6: {  	[tilespmem:s2+$0x85B8] =	vst v17;
	v12 =	vld.idx.msk [tilespmem:v9+s3+$0x0], $0xffff  }
0xd7: {  	v9 =	vld.idx.msk [tilespmem:v3+s3+$0x0], $0xffff;
	[tilespmem:s1+$0x85B8] =	vst v16  }
0xd8: {  	s6 =	simm.s32 $0x400;
	s7 =	simm.s32 $0x800;
	s5 =	simm.s32 $0x6;
	v16 =	vld [tilespmem:s4+$0x1F0];
	[tilespmem:s4+$0x81D0] =	vst v19  }
.LBB2_2:
0xd9: {  	s8 =	sand.u32 $0x3800, s7;
	s9 =	sand.u32 $0x300, s6;
	s5 =	sadd.s32 $0x2, s5;
	[tilespmem:s4+$0x8150] =	vst v15;
	v14 =	vld.idx.msk [tilespmem:v14+s3+$0x0], $0xffff  }
0xda: {  	s8 =	sor.u32 s9, s8;
	p0 =	slt.u32 s5, $0x3E;
	v10 =	vld.idx.msk [tilespmem:v10+s3+$0x0], $0xffff;
	[tilespmem:s1+$0x8520] =	vst v13  }
0xdb: {  	v13 =	vld [tilespmem:s8+$0x180];
	[tilespmem:s2+$0x8530] =	vst v12;
	v3 =	vmov v11  }
0xdc: {  	v11 =	vld [tilespmem:s8+$0x100]  }
0xdd: {  	v12 =	vld [tilespmem:s8+$0x110];
	[tilespmem:s0+$0x8538] =	vst v9;
	s0 =	smov.u32 s2;
	s2 =	smov.u32 s1;
	s1 =	smov.u32 s4  }
0xde: {  	s4 =	smov.u32 s8;
	v9 =	vld [tilespmem:s8+$0x120]  }
0xdf: {  	[tilespmem:s1+$0x81E0] =	vst v14;
	v14 =	vld [tilespmem:s1+$0x580]  }
0xe0: {  	[tilespmem:s1+$0x8160] =	vst v10;
	v10 =	vld.idx.msk [tilespmem:v16+s3+$0x0], $0xffff  }
0xe1: {  	v15 =	vld [tilespmem:s4+$0x130]  }
0xe2: {  	v16 =	vld [tilespmem:s4+$0x190]  }
0xe3: {  	v13 =	vld.idx.msk [tilespmem:v13+s3+$0x0], $0xffff  }
0xe4: {  	v11 =	vld.idx.msk [tilespmem:v11+s3+$0x0], $0xffff  }
0xe5: {  	v17 =	vld [tilespmem:s4+$0x140]  }
0xe6: {  	[tilespmem:s1+$0x81F0] =	vst v10;
	v18 =	vld [tilespmem:s1+$0x590]  }
0xe7: {  	v14 =	vld.idx.msk [tilespmem:v14+s3+$0x0], $0xffff  }
0xe8: {  	v19 =	vld [tilespmem:s4+$0x150]  }
0xe9: {  	[tilespmem:s4+$0x8180] =	vst v13;
	v13 =	vld [tilespmem:s4+$0x1A0]  }
0xea: {  	[tilespmem:s4+$0x8100] =	vst v11;
	v11 =	vld.idx.msk [tilespmem:v16+s3+$0x0], $0xffff  }
0xeb: {  	v12 =	vld.idx.msk [tilespmem:v12+s3+$0x0], $0xffff  }
0xec: {  	v10 =	vld [tilespmem:s4+$0x160]  }
0xed: {  	[tilespmem:s1+$0x8580] =	vst v14;
	v14 =	vld [tilespmem:s1+$0x5A0]  }
0xee: {  	v16 =	vld.idx.msk [tilespmem:v18+s3+$0x0], $0xffff  }
0xef: {  	v18 =	vld [tilespmem:s4+$0x170]  }
0xf0: {  	[tilespmem:s4+$0x8190] =	vst v11;
	v11 =	vld [tilespmem:s4+$0x1B0]  }
0xf1: {  	[tilespmem:s4+$0x8110] =	vst v12;
	v12 =	vld.idx.msk [tilespmem:v13+s3+$0x0], $0xffff  }
0xf2: {  	v9 =	vld.idx.msk [tilespmem:v9+s3+$0x0], $0xffff  }
0xf3: {  	v13 =	vld.idx.msk [tilespmem:v4+s3+$0x0], $0xffff  }
0xf4: {  	[tilespmem:s1+$0x8590] =	vst v16;
	v16 =	vld [tilespmem:s1+$0x5B0];
	v4 =	vmov v18  }
0xf5: {  	v14 =	vld.idx.msk [tilespmem:v14+s3+$0x0], $0xffff  }
0xf6: {  	v18 =	vld [tilespmem:s4+$0x500]  }
0xf7: {  	[tilespmem:s4+$0x81A0] =	vst v12;
	v12 =	vld [tilespmem:s4+$0x1C0]  }
0xf8: {  	[tilespmem:s4+$0x8120] =	vst v9;
	v9 =	vld.idx.msk [tilespmem:v11+s3+$0x0], $0xffff  }
0xf9: {  	v11 =	vld.idx.msk [tilespmem:v15+s3+$0x0], $0xffff;
	[tilespmem:s1+$0x8170] =	vst v13  }
0xfa: {  	v13 =	vld.idx.msk [tilespmem:v5+s3+$0x0], $0xffff  }
0xfb: {  	[tilespmem:s1+$0x85A0] =	vst v14;
	v14 =	vld [tilespmem:s1+$0x5B8];
	v5 =	vmov v18  }
0xfc: {  	v15 =	vld.idx.msk [tilespmem:v16+s3+$0x0], $0xffff  }
0xfd: {  	v16 =	vld [tilespmem:s4+$0x510]  }
0xfe: {  	[tilespmem:s4+$0x81B0] =	vst v9;
	v9 =	vld [tilespmem:s4+$0x1D0]  }
0xff: {  	[tilespmem:s4+$0x8130] =	vst v11;
	v11 =	vld.idx.msk [tilespmem:v12+s3+$0x0], $0xffff  }
0x100: {  	v12 =	vld.idx.msk [tilespmem:v17+s3+$0x0], $0xffff;
	[tilespmem:s1+$0x8500] =	vst v13  }
0x101: {  	v13 =	vld.idx.msk [tilespmem:v7+s3+$0x0], $0xffff  }
0x102: {  	v17 =	vld [tilespmem:s4+$0x520];
	[tilespmem:s1+$0x85B0] =	vst v15;
	v7 =	vmov v16  }
0x103: {  	v16 =	vld.idx.msk [tilespmem:v14+s3+$0x0], $0xffff  }
0x104: {  	v18 =	vld [tilespmem:s4+$0x530]  }
0x105: {  	[tilespmem:s4+$0x81C0] =	vst v11;
	v14 =	vld [tilespmem:s4+$0x1E0]  }
0x106: {  	[tilespmem:s4+$0x8140] =	vst v12;
	v20 =	vld.idx.msk [tilespmem:v9+s3+$0x0], $0xffff  }
0x107: {  	v15 =	vld.idx.msk [tilespmem:v19+s3+$0x0], $0xffff;
	[tilespmem:s1+$0x8510] =	vst v13  }
.Ltmp0:
0x108: {  	v13 =	vld.idx.msk [tilespmem:v8+s3+$0x0], $0xffff;
	v8 =	vmov v17;
	(pc) =	sbr.rel @p0 .LBB2_2-.Ltmp0, $4  }
0x109: {  	[tilespmem:s1+$0x85B8] =	vst v16;
	v12 =	vld.idx.msk [tilespmem:v1+s3+$0x0], $0xffff;
	v1 =	vmov v6;
	v6 =	vmov v18  }
0x10a: {  	v11 =	vld [tilespmem:s4+$0x538]  }
0x10b: {  	v9 =	vld.idx.msk [tilespmem:v0+s3+$0x0], $0xffff;
	v0 =	vmov v2;
	v2 =	vmov v3  }
0x10c: {  	s6 =	sadd.s32 $0x100, s6;
	s7 =	sadd.s32 $0x200, s7;
	[tilespmem:s4+$0x81D0] =	vst v20;
	v16 =	vld [tilespmem:s4+$0x1F0]  }
0x10d: {  	_ =	sdelay $0x3  }
0x10e: {  	v3 =	vld.idx.msk [tilespmem:v14+s3+$0x0], $0xffff;
	_ =	sdelay $0x2  }
0x10f: {  	[tilespmem:s4+$0x8150] =	vst v15  }
0x110: {  	v10 =	vld.idx.msk [tilespmem:v10+s3+$0x0], $0xffff  }
0x111: {  	[tilespmem:s4+$0x81E0] =	vst v3;
	v3 =	vld [tilespmem:s4+$0x580];
	_ =	sdelay $0x1  }
0x112: {  	v14 =	vld.idx.msk [tilespmem:v16+s3+$0x0], $0xffff;
	_ =	sdelay $0x2  }
0x113: {  	[tilespmem:s4+$0x8160] =	vst v10  }
0x114: {  	v4 =	vld.idx.msk [tilespmem:v4+s3+$0x0], $0xffff  }
0x115: {  	[tilespmem:s4+$0x81F0] =	vst v14;
	v14 =	vld [tilespmem:s4+$0x590]  }
0x116: {  	v3 =	vld.idx.msk [tilespmem:v3+s3+$0x0], $0xffff;
	_ =	sdelay $0x3  }
0x117: {  	[tilespmem:s4+$0x8170] =	vst v4  }
0x118: {  	[tilespmem:s4+$0x8580] =	vst v3;
	v3 =	vld [tilespmem:s4+$0x5A0]  }
0x119: {  	v4 =	vld.idx.msk [tilespmem:v5+s3+$0x0], $0xffff  }
0x11a: {  	v10 =	vld.idx.msk [tilespmem:v14+s3+$0x0], $0xffff;
	_ =	sdelay $0x3  }
0x11b: {  	[tilespmem:s4+$0x8500] =	vst v4  }
0x11c: {  	v4 =	vld.idx.msk [tilespmem:v7+s3+$0x0], $0xffff;
	[tilespmem:s4+$0x8590] =	vst v10  }
0x11d: {  	v3 =	vld.idx.msk [tilespmem:v3+s3+$0x0], $0xffff;
	_ =	sdelay $0x1  }
0x11e: {  	v5 =	vld [tilespmem:s4+$0x5B0];
	_ =	sdelay $0x1  }
0x11f: {  	[tilespmem:s4+$0x8510] =	vst v4  }
0x120: {  	[tilespmem:s4+$0x85A0] =	vst v3;
	v3 =	vld.idx.msk [tilespmem:v8+s3+$0x0], $0xffff;
	_ =	sdelay $0x2  }
0x121: {  	[tilespmem:s1+$0x8520] =	vst v13;
	v4 =	vld [tilespmem:s4+$0x5B8]  }
0x122: {  	v1 =	vld.idx.msk [tilespmem:v1+s3+$0x0], $0xffff  }
0x123: {  	v5 =	vld.idx.msk [tilespmem:v5+s3+$0x0], $0xffff;
	[tilespmem:s4+$0x8520] =	vst v3  }
0x124: {  	v3 =	vld.idx.msk [tilespmem:v6+s3+$0x0], $0xffff;
	_ =	sdelay $0x1  }
0x125: {  	[tilespmem:s2+$0x8530] =	vst v12  }
0x126: {  	v0 =	vld.idx.msk [tilespmem:v0+s3+$0x0], $0xffff;
	[tilespmem:s1+$0x8530] =	vst v1  }
0x127: {  	v1 =	vld.idx.msk [tilespmem:v2+s3+$0x0], $0xffff;
	[tilespmem:s4+$0x85B0] =	vst v5  }
0x128: {  	v4 =	vld.idx.msk [tilespmem:v4+s3+$0x0], $0xffff;
	[tilespmem:s4+$0x8530] =	vst v3  }
0x129: {  	v2 =	vld.idx.msk [tilespmem:v11+s3+$0x0], $0xffff  }
0x12a: {  	[tilespmem:s0+$0x8538] =	vst v9  }
0x12b: {  	[tilespmem:s2+$0x8538] =	vst v0  }
0x12c: {  	[tilespmem:s1+$0x8538] =	vst v1  }
0x12d: {  	[tilespmem:s4+$0x85B8] =	vst v4  }
0x12e: {  	[tilespmem:s4+$0x8538] =	vst v2  }
0x12f: {  	s9 =	simm.s32 $0x0;
	s1 =	rddreg [dreg:$0x5]  }
0x130: {  	[hbm4b:s1+s9] =	stream.linear.scatter [tilespmem:s25], [sflag:$0x3], $0x4000, $0x38;
	[tilespmem:$0x10100] =	vst v63  }
0x131: {  	s2 =	rddreg [dreg:$0x6]  }
0x132: {  	[tilespmem:s22], [sflag:$0x1] =	stream.linear.gather [hbm4b:s2+s9], $0x4000, $0x38;
	[tilespmem:$0x10100] =	vst v63  }
0x133: {  	_ =	swait.ge [sflag:s26], $0x4000  }
0x134: {  	s0 =	sand.u32 $0x300, s9;
	s4 =	sand.u32 $0x3800, s9;
	[sflag:s26] =	ssyncset.done $0x0  }
0x135: {  	s0 =	sor.u32 s0, s4;
	[sflag:s26] =	ssyncadd.s32 $0xFFFFC000  }
0x136: {  	v1 =	vld [tilespmem:s0+$0x4100];
	_ =	sdelay $0x1  }
0x137: {  	v0 =	vld [tilespmem:s0+$0x4180];
	_ =	sdelay $0x2  }
0x138: {  	v2 =	vld [tilespmem:s0+$0x4190]  }
0x139: {  	v3 =	vld [tilespmem:s0+$0x4110]  }
0x13a: {  	v4 =	vld [tilespmem:s0+$0x4120]  }
0x13b: {  	v1 =	vld.idx.msk [tilespmem:v1+s3+$0x0], $0xffff  }
0x13c: {  	v5 =	vld [tilespmem:s0+$0x4130]  }
0x13d: {  	v0 =	vld.idx.msk [tilespmem:v0+s3+$0x0], $0xffff  }
0x13e: {  	v6 =	vld [tilespmem:s0+$0x4140]  }
0x13f: {  	v7 =	vld [tilespmem:s0+$0x4150]  }
0x140: {  	v8 =	vld [tilespmem:s0+$0x4160];
	[tilespmem:s0+$0xC100] =	vst v1  }
0x141: {  	v1 =	vld.idx.msk [tilespmem:v3+s3+$0x0], $0xffff  }
0x142: {  	s5 =	simm.s32 $0x100;
	s6 =	simm.s32 $0x200;
	[tilespmem:s0+$0xC180] =	vst v0;
	v0 =	vld [tilespmem:s0+$0x41A0]  }
0x143: {  	s1 =	sand.u32 $0x300, s5;
	s2 =	sand.u32 $0x3800, s6;
	v9 =	vld [tilespmem:s0+$0x4170]  }
0x144: {  	s2 =	sor.u32 s1, s2;
	v2 =	vld.idx.msk [tilespmem:v2+s3+$0x0], $0xffff  }
0x145: {  	v11 =	vld [tilespmem:s2+$0x4110]  }
0x146: {  	v12 =	vld [tilespmem:s2+$0x4120];
	[tilespmem:s0+$0xC110] =	vst v1  }
0x147: {  	v1 =	vld.idx.msk [tilespmem:v4+s3+$0x0], $0xffff  }
0x148: {  	v13 =	vld [tilespmem:s2+$0x4130]  }
0x149: {  	[tilespmem:s0+$0xC190] =	vst v2;
	v2 =	vld [tilespmem:s0+$0x41B0]  }
0x14a: {  	v0 =	vld.idx.msk [tilespmem:v0+s3+$0x0], $0xffff  }
0x14b: {  	v14 =	vld [tilespmem:s2+$0x4190]  }
0x14c: {  	v15 =	vld [tilespmem:s2+$0x4140];
	[tilespmem:s0+$0xC120] =	vst v1  }
0x14d: {  	v1 =	vld.idx.msk [tilespmem:v5+s3+$0x0], $0xffff  }
0x14e: {  	v16 =	vld [tilespmem:s2+$0x4150]  }
0x14f: {  	s7 =	simm.s32 $0x200;
	s8 =	simm.s32 $0x400;
	[tilespmem:s0+$0xC1A0] =	vst v0;
	v0 =	vld [tilespmem:s0+$0x41C0]  }
0x150: {  	s4 =	sand.u32 $0x3800, s8;
	s1 =	sand.u32 $0x300, s7;
	v17 =	vld [tilespmem:s2+$0x4170]  }
0x151: {  	s1 =	sor.u32 s1, s4;
	v2 =	vld.idx.msk [tilespmem:v2+s3+$0x0], $0xffff  }
0x152: {  	v18 =	vld [tilespmem:s1+$0x4130];
	[tilespmem:s0+$0xC130] =	vst v1  }
0x153: {  	v6 =	vld.idx.msk [tilespmem:v6+s3+$0x0], $0xffff  }
0x154: {  	v19 =	vld [tilespmem:s1+$0x4190]  }
0x155: {  	v3 =	vld [tilespmem:s0+$0x41D0]  }
0x156: {  	v20 =	vld [tilespmem:s1+$0x4140];
	[tilespmem:s0+$0xC1B0] =	vst v2  }
0x157: {  	v0 =	vld.idx.msk [tilespmem:v0+s3+$0x0], $0xffff  }
0x158: {  	s5 =	simm.s32 $0x600;
	s9 =	simm.s32 $0x300;
	v21 =	vld [tilespmem:s1+$0x4150];
	[tilespmem:s0+$0xC140] =	vst v6  }
0x159: {  	s5 =	sand.u32 $0x3800, s5;
	s4 =	sand.u32 $0x300, s9;
	v6 =	vld.idx.msk [tilespmem:v7+s3+$0x0], $0xffff  }
0x15a: {  	s4 =	sor.u32 s4, s5;
	v22 =	vld [tilespmem:s1+$0x4170]  }
0x15b: {  	v61 =	vld [tilespmem:s4+$0x4140]  }
0x15c: {  	v23 =	vld [tilespmem:s4+$0x4150];
	[tilespmem:s0+$0xC1C0] =	vst v0  }
0x15d: {  	v10 =	vld.idx.msk [tilespmem:v3+s3+$0x0], $0xffff  }
0x15e: {  	v0 =	vld [tilespmem:s0+$0x41E0];
	[tilespmem:s0+$0xC150] =	vst v6  }
0x15f: {  	v6 =	vld.idx.msk [tilespmem:v8+s3+$0x0], $0xffff  }
0x160: {  	v8 =	vld [tilespmem:s2+$0x4180]  }
0x161: {  	v24 =	vld [tilespmem:s1+$0x45A0]  }
0x162: {  	[tilespmem:s0+$0xC1D0] =	vst v10;
	v10 =	vld [tilespmem:s2+$0x4100]  }
0x163: {  	v63 =	vld [tilespmem:s4+$0x41C0]  }
0x164: {  	v4 =	vld [tilespmem:s0+$0x4500]  }
0x165: {  	v5 =	vld [tilespmem:s0+$0x4510]  }
0x166: {  	v7 =	vld [tilespmem:s0+$0x41F0]  }
0x167: {  	v0 =	vld.idx.msk [tilespmem:v0+s3+$0x0], $0xffff  }
0x168: {  	v8 =	vld.idx.msk [tilespmem:v8+s3+$0x0], $0xffff  }
0x169: {  	v1 =	vld [tilespmem:s0+$0x4520]  }
0x16a: {  	v10 =	vld.idx.msk [tilespmem:v10+s3+$0x0], $0xffff  }
0x16b: {  	v2 =	vld [tilespmem:s0+$0x4530]  }
0x16c: {  	[tilespmem:s0+$0xC1E0] =	vst v0;
	v0 =	vld [tilespmem:s0+$0x4580]  }
0x16d: {  	[tilespmem:s2+$0xC180] =	vst v8;
	v8 =	vld [tilespmem:s2+$0x41A0]  }
0x16e: {  	v7 =	vld.idx.msk [tilespmem:v7+s3+$0x0], $0xffff  }
0x16f: {  	[tilespmem:s2+$0xC100] =	vst v10;
	v10 =	vld.idx.msk [tilespmem:v14+s3+$0x0], $0xffff  }
0x170: {  	v3 =	vld [tilespmem:s0+$0x4538];
	[tilespmem:s0+$0xC160] =	vst v6  }
0x171: {  	v9 =	vld.idx.msk [tilespmem:v9+s3+$0x0], $0xffff  }
0x172: {  	v11 =	vld.idx.msk [tilespmem:v11+s3+$0x0], $0xffff  }
0x173: {  	[tilespmem:s0+$0xC1F0] =	vst v7;
	v7 =	vld [tilespmem:s0+$0x4590]  }
0x174: {  	[tilespmem:s2+$0xC190] =	vst v10;
	v10 =	vld [tilespmem:s2+$0x41B0]  }
0x175: {  	v8 =	vld.idx.msk [tilespmem:v8+s3+$0x0], $0xffff  }
0x176: {  	[tilespmem:s0+$0xC170] =	vst v9;
	v0 =	vld.idx.msk [tilespmem:v0+s3+$0x0], $0xffff  }
0x177: {  	v9 =	vld [tilespmem:s2+$0x4530];
	[tilespmem:s2+$0xC110] =	vst v11  }
0x178: {  	v6 =	vld.idx.msk [tilespmem:v12+s3+$0x0], $0xffff  }
0x179: {  	v4 =	vld.idx.msk [tilespmem:v4+s3+$0x0], $0xffff  }
0x17a: {  	[tilespmem:s2+$0xC1A0] =	vst v8;
	v8 =	vld [tilespmem:s2+$0x41C0]  }
0x17b: {  	[tilespmem:s0+$0xC580] =	vst v0;
	v0 =	vld [tilespmem:s0+$0x45A0]  }
0x17c: {  	v10 =	vld.idx.msk [tilespmem:v10+s3+$0x0], $0xffff  }
0x17d: {  	v7 =	vld.idx.msk [tilespmem:v7+s3+$0x0], $0xffff;
	[tilespmem:s2+$0xC120] =	vst v6  }
0x17e: {  	v6 =	vld.idx.msk [tilespmem:v13+s3+$0x0], $0xffff  }
0x17f: {  	v14 =	vld [tilespmem:s2+$0x4160];
	[tilespmem:s0+$0xC500] =	vst v4  }
0x180: {  	v5 =	vld.idx.msk [tilespmem:v5+s3+$0x0], $0xffff  }
0x181: {  	[tilespmem:s2+$0xC1B0] =	vst v10;
	v10 =	vld [tilespmem:s2+$0x41D0]  }
0x182: {  	[tilespmem:s0+$0xC590] =	vst v7;
	v8 =	vld.idx.msk [tilespmem:v8+s3+$0x0], $0xffff  }
0x183: {  	v7 =	vld [tilespmem:s0+$0x45B0];
	[tilespmem:s2+$0xC130] =	vst v6  }
0x184: {  	v6 =	vld.idx.msk [tilespmem:v15+s3+$0x0], $0xffff  }
0x185: {  	v12 =	vld [tilespmem:s2+$0x4500]  }
0x186: {  	v0 =	vld.idx.msk [tilespmem:v0+s3+$0x0], $0xffff  }
0x187: {  	[tilespmem:s2+$0xC1C0] =	vst v8;
	v8 =	vld [tilespmem:s2+$0x41E0]  }
0x188: {  	v13 =	vld [tilespmem:s2+$0x4510]  }
0x189: {  	[tilespmem:s2+$0xC140] =	vst v6;
	v10 =	vld.idx.msk [tilespmem:v10+s3+$0x0], $0xffff  }
0x18a: {  	v4 =	vld.idx.msk [tilespmem:v16+s3+$0x0], $0xffff  }
0x18b: {  	v15 =	vld [tilespmem:s2+$0x4520];
	[tilespmem:s0+$0xC5A0] =	vst v0  }
0x18c: {  	v7 =	vld.idx.msk [tilespmem:v7+s3+$0x0], $0xffff  }
0x18d: {  	v6 =	vld [tilespmem:s2+$0x41F0]  }
0x18e: {  	[tilespmem:s2+$0xC1D0] =	vst v10;
	v10 =	vld [tilespmem:s1+$0x4100]  }
0x18f: {  	[tilespmem:s2+$0xC150] =	vst v4;
	v4 =	vld.idx.msk [tilespmem:v8+s3+$0x0], $0xffff  }
0x190: {  	v0 =	vld [tilespmem:s0+$0x45B8]  }
0x191: {  	[tilespmem:s0+$0xC5B0] =	vst v7;
	v7 =	vld.idx.msk [tilespmem:v14+s3+$0x0], $0xffff  }
0x192: {  	v8 =	vld [tilespmem:s1+$0x4180]  }
0x193: {  	v14 =	vld [tilespmem:s1+$0x4110]  }
0x194: {  	[tilespmem:s2+$0xC1E0] =	vst v4;
	v4 =	vld [tilespmem:s2+$0x4580]  }
0x195: {  	v6 =	vld.idx.msk [tilespmem:v6+s3+$0x0], $0xffff  }
0x196: {  	v10 =	vld.idx.msk [tilespmem:v10+s3+$0x0], $0xffff  }
0x197: {  	v16 =	vld [tilespmem:s1+$0x4120]  }
0x198: {  	v11 =	vld.idx.msk [tilespmem:v0+s3+$0x0], $0xffff  }
0x199: {  	v0 =	vld [tilespmem:s2+$0x4538]  }
0x19a: {  	v8 =	vld.idx.msk [tilespmem:v8+s3+$0x0], $0xffff;
	[tilespmem:s2+$0xC1F0] =	vst v6  }
0x19b: {  	v6 =	vld [tilespmem:s2+$0x4590];
	[tilespmem:s1+$0xC100] =	vst v10  }
0x19c: {  	v14 =	vld.idx.msk [tilespmem:v14+s3+$0x0], $0xffff  }
0x19d: {  	v4 =	vld.idx.msk [tilespmem:v4+s3+$0x0], $0xffff  }
0x19e: {  	[tilespmem:s0+$0xC5B8] =	vst v11;
	v11 =	vld [tilespmem:s4+$0x4538]  }
0x19f: {  	[tilespmem:s1+$0xC180] =	vst v8;
	v8 =	vld [tilespmem:s1+$0x41A0]  }
0x1a0: {  	[tilespmem:s2+$0xC160] =	vst v7;
	v10 =	vld.idx.msk [tilespmem:v19+s3+$0x0], $0xffff  }
0x1a1: {  	[tilespmem:s1+$0xC110] =	vst v14;
	v14 =	vld.idx.msk [tilespmem:v17+s3+$0x0], $0xffff  }
0x1a2: {  	[tilespmem:s2+$0xC580] =	vst v4;
	v4 =	vld [tilespmem:s2+$0x45A0]  }
0x1a3: {  	v7 =	vld.idx.msk [tilespmem:v16+s3+$0x0], $0xffff  }
0x1a4: {  	v6 =	vld.idx.msk [tilespmem:v6+s3+$0x0], $0xffff  }
0x1a5: {  	[tilespmem:s1+$0xC190] =	vst v10;
	v10 =	vld [tilespmem:s1+$0x41B0]  }
0x1a6: {  	v19 =	vld [tilespmem:s1+$0x4160]  }
0x1a7: {  	v8 =	vld.idx.msk [tilespmem:v8+s3+$0x0], $0xffff  }
0x1a8: {  	v16 =	vld [tilespmem:s1+$0x4500];
	[tilespmem:s2+$0xC170] =	vst v14  }
0x1a9: {  	[tilespmem:s1+$0xC120] =	vst v7;
	v7 =	vld.idx.msk [tilespmem:v12+s3+$0x0], $0xffff  }
0x1aa: {  	[tilespmem:s2+$0xC590] =	vst v6;
	v6 =	vld [tilespmem:s2+$0x45B0]  }
0x1ab: {  	v4 =	vld.idx.msk [tilespmem:v4+s3+$0x0], $0xffff  }
0x1ac: {  	[tilespmem:s1+$0xC1A0] =	vst v8;
	v8 =	vld [tilespmem:s1+$0x41C0]  }
0x1ad: {  	[tilespmem:s0+$0xC510] =	vst v5;
	v5 =	vld.idx.msk [tilespmem:v10+s3+$0x0], $0xffff  }
0x1ae: {  	v10 =	vld.idx.msk [tilespmem:v1+s3+$0x0], $0xffff  }
0x1af: {  	v1 =	vld.idx.msk [tilespmem:v18+s3+$0x0], $0xffff;
	[tilespmem:s2+$0xC500] =	vst v7  }
0x1b0: {  	v7 =	vld.idx.msk [tilespmem:v13+s3+$0x0], $0xffff  }
0x1b1: {  	[tilespmem:s2+$0xC5A0] =	vst v4;
	v4 =	vld [tilespmem:s2+$0x45B8]  }
0x1b2: {  	[tilespmem:s1+$0xC1B0] =	vst v5;
	v5 =	vld [tilespmem:s1+$0x41D0]  }
0x1b3: {  	v6 =	vld.idx.msk [tilespmem:v6+s3+$0x0], $0xffff  }
0x1b4: {  	v8 =	vld.idx.msk [tilespmem:v8+s3+$0x0], $0xffff  }
0x1b5: {  	v12 =	vld [tilespmem:s1+$0x4510];
	[tilespmem:s1+$0xC130] =	vst v1  }
0x1b6: {  	v14 =	vld.idx.msk [tilespmem:v20+s3+$0x0], $0xffff  }
0x1b7: {  	v13 =	vld [tilespmem:s1+$0x4520];
	[tilespmem:s2+$0xC510] =	vst v7  }
0x1b8: {  	v7 =	vld [tilespmem:s4+$0x4180];
	[tilespmem:s2+$0xC5B0] =	vst v6  }
0x1b9: {  	[tilespmem:s1+$0xC1C0] =	vst v8;
	v8 =	vld [tilespmem:s1+$0x41E0]  }
0x1ba: {  	v17 =	vld.idx.msk [tilespmem:v4+s3+$0x0], $0xffff  }
0x1bb: {  	[tilespmem:s1+$0xC140] =	vst v14;
	v5 =	vld.idx.msk [tilespmem:v5+s3+$0x0], $0xffff  }
0x1bc: {  	v4 =	vld.idx.msk [tilespmem:v21+s3+$0x0], $0xffff  }
0x1bd: {  	v1 =	vld [tilespmem:s1+$0x4530]  }
0x1be: {  	[tilespmem:s0+$0xC520] =	vst v10;
	v10 =	vld [tilespmem:s4+$0x4110]  }
0x1bf: {  	v60 =	vld.idx.msk [tilespmem:v2+s3+$0x0], $0xffff  }
0x1c0: {  	[tilespmem:s1+$0xC1D0] =	vst v5;
	v5 =	vld [tilespmem:s1+$0x41F0]  }
0x1c1: {  	[tilespmem:s1+$0xC150] =	vst v4;
	v4 =	vld.idx.msk [tilespmem:v8+s3+$0x0], $0xffff  }
0x1c2: {  	v8 =	vld [tilespmem:s4+$0x4100]  }
0x1c3: {  	v2 =	vld [tilespmem:s1+$0x4538]  }
0x1c4: {  	v7 =	vld.idx.msk [tilespmem:v7+s3+$0x0], $0xffff  }
0x1c5: {  	v6 =	vld.idx.msk [tilespmem:v19+s3+$0x0], $0xffff  }
0x1c6: {  	[tilespmem:s1+$0xC1E0] =	vst v4;
	v4 =	vld [tilespmem:s1+$0x4580]  }
0x1c7: {  	v19 =	vld [tilespmem:s4+$0x4190]  }
0x1c8: {  	v5 =	vld.idx.msk [tilespmem:v5+s3+$0x0], $0xffff  }
0x1c9: {  	v18 =	vld.idx.msk [tilespmem:v15+s3+$0x0], $0xffff  }
0x1ca: {  	v8 =	vld.idx.msk [tilespmem:v8+s3+$0x0], $0xffff  }
0x1cb: {  	v15 =	vld [tilespmem:s4+$0x4130]  }
0x1cc: {  	[tilespmem:s4+$0xC180] =	vst v7;
	v7 =	vld [tilespmem:s4+$0x41A0]  }
0x1cd: {  	[tilespmem:s1+$0xC1F0] =	vst v5;
	v5 =	vld [tilespmem:s1+$0x4590]  }
0x1ce: {  	v4 =	vld.idx.msk [tilespmem:v4+s3+$0x0], $0xffff  }
0x1cf: {  	[tilespmem:s4+$0xC100] =	vst v8;
	v8 =	vld.idx.msk [tilespmem:v19+s3+$0x0], $0xffff  }
0x1d0: {  	v14 =	vld [tilespmem:s4+$0x4120]  }
0x1d1: {  	v19 =	vld.idx.msk [tilespmem:v10+s3+$0x0], $0xffff  }
0x1d2: {  	v10 =	vld [tilespmem:s4+$0x4160]  }
0x1d3: {  	[tilespmem:s1+$0xC580] =	vst v4;
	v4 =	vld [tilespmem:s4+$0x4170]  }
0x1d4: {  	[tilespmem:s4+$0xC190] =	vst v8;
	v8 =	vld [tilespmem:s4+$0x41B0]  }
0x1d5: {  	v5 =	vld.idx.msk [tilespmem:v5+s3+$0x0], $0xffff  }
0x1d6: {  	v7 =	vld.idx.msk [tilespmem:v7+s3+$0x0], $0xffff  }
0x1d7: {  	[tilespmem:s4+$0xC110] =	vst v19;
	v19 =	vld [tilespmem:s1+$0x45B0]  }
0x1d8: {  	[tilespmem:s1+$0xC160] =	vst v6;
	v6 =	vld.idx.msk [tilespmem:v14+s3+$0x0], $0xffff  }
0x1d9: {  	v14 =	vld.idx.msk [tilespmem:v22+s3+$0x0], $0xffff  }
0x1da: {  	[tilespmem:s1+$0xC590] =	vst v5;
	v5 =	vld [tilespmem:s4+$0x4500]  }
0x1db: {  	v62 =	vld.idx.msk [tilespmem:v24+s3+$0x0], $0xffff  }
0x1dc: {  	[tilespmem:s4+$0xC1A0] =	vst v7;
	v7 =	vld [tilespmem:s4+$0x4510]  }
0x1dd: {  	[tilespmem:s4+$0xC120] =	vst v6;
	v6 =	vld.idx.msk [tilespmem:v8+s3+$0x0], $0xffff  }
0x1de: {  	[tilespmem:s1+$0xC170] =	vst v14;
	v8 =	vld.idx.msk [tilespmem:v15+s3+$0x0], $0xffff  }
0x1df: {  	v14 =	vld.idx.msk [tilespmem:v16+s3+$0x0], $0xffff  }
0x1e0: {  	v15 =	vld [tilespmem:s1+$0x45B8];
	[tilespmem:s1+$0xC5A0] =	vst v62  }
0x1e1: {  	v16 =	vld.idx.msk [tilespmem:v19+s3+$0x0], $0xffff  }
0x1e2: {  	[tilespmem:s4+$0xC1B0] =	vst v6;
	v19 =	vld [tilespmem:s4+$0x41D0]  }
0x1e3: {  	[tilespmem:s4+$0xC130] =	vst v8;
	v8 =	vld [tilespmem:s4+$0x4520]  }
0x1e4: {  	v6 =	vld.idx.msk [tilespmem:v63+s3+$0x0], $0xffff  }
0x1e5: {  	[tilespmem:s1+$0xC500] =	vst v14;
	v21 =	vld.idx.msk [tilespmem:v61+s3+$0x0], $0xffff  }
0x1e6: {  	v12 =	vld.idx.msk [tilespmem:v12+s3+$0x0], $0xffff  }
0x1e7: {  	v14 =	vld [tilespmem:s4+$0x41E0];
	[tilespmem:s1+$0xC5B0] =	vst v16  }
0x1e8: {  	[tilespmem:s0+$0xC530] =	vst v60;
	v16 =	vld.idx.msk [tilespmem:v15+s3+$0x0], $0xffff  }
0x1e9: {  	[tilespmem:s4+$0xC1C0] =	vst v6;
	v6 =	vld [tilespmem:s4+$0x4530]  }
0x1ea: {  	[tilespmem:s4+$0xC140] =	vst v21;
	v19 =	vld.idx.msk [tilespmem:v19+s3+$0x0], $0xffff  }
0x1eb: {  	[tilespmem:s1+$0xC510] =	vst v12;
	v15 =	vld.idx.msk [tilespmem:v23+s3+$0x0], $0xffff  }
0x1ec: {  	[tilespmem:s2+$0xC520] =	vst v18;
	v13 =	vld.idx.msk [tilespmem:v13+s3+$0x0], $0xffff  }
0x1ed: {  	[tilespmem:s2+$0xC5B8] =	vst v17;
	v12 =	vld.idx.msk [tilespmem:v9+s3+$0x0], $0xffff  }
0x1ee: {  	v9 =	vld.idx.msk [tilespmem:v3+s3+$0x0], $0xffff;
	[tilespmem:s1+$0xC5B8] =	vst v16  }
0x1ef: {  	s6 =	simm.s32 $0x400;
	s7 =	simm.s32 $0x800;
	s5 =	simm.s32 $0x6;
	v16 =	vld [tilespmem:s4+$0x41F0];
	[tilespmem:s4+$0xC1D0] =	vst v19  }
.LBB2_4:
0x1f0: {  	s8 =	sand.u32 $0x3800, s7;
	s9 =	sand.u32 $0x300, s6;
	s5 =	sadd.s32 $0x2, s5;
	[tilespmem:s4+$0xC150] =	vst v15;
	v14 =	vld.idx.msk [tilespmem:v14+s3+$0x0], $0xffff  }
0x1f1: {  	s8 =	sor.u32 s9, s8;
	p0 =	slt.u32 s5, $0x3E;
	v10 =	vld.idx.msk [tilespmem:v10+s3+$0x0], $0xffff;
	[tilespmem:s1+$0xC520] =	vst v13  }
0x1f2: {  	v13 =	vld [tilespmem:s8+$0x4180];
	[tilespmem:s2+$0xC530] =	vst v12;
	v3 =	vmov v11  }
0x1f3: {  	v11 =	vld [tilespmem:s8+$0x4100]  }
0x1f4: {  	v12 =	vld [tilespmem:s8+$0x4110];
	[tilespmem:s0+$0xC538] =	vst v9;
	s0 =	smov.u32 s2;
	s2 =	smov.u32 s1;
	s1 =	smov.u32 s4  }
0x1f5: {  	s4 =	smov.u32 s8;
	v9 =	vld [tilespmem:s8+$0x4120]  }
0x1f6: {  	[tilespmem:s1+$0xC1E0] =	vst v14;
	v14 =	vld [tilespmem:s1+$0x4580]  }
0x1f7: {  	[tilespmem:s1+$0xC160] =	vst v10;
	v10 =	vld.idx.msk [tilespmem:v16+s3+$0x0], $0xffff  }
0x1f8: {  	v15 =	vld [tilespmem:s4+$0x4130]  }
0x1f9: {  	v16 =	vld [tilespmem:s4+$0x4190]  }
0x1fa: {  	v13 =	vld.idx.msk [tilespmem:v13+s3+$0x0], $0xffff  }
0x1fb: {  	v11 =	vld.idx.msk [tilespmem:v11+s3+$0x0], $0xffff  }
0x1fc: {  	v17 =	vld [tilespmem:s4+$0x4140]  }
0x1fd: {  	[tilespmem:s1+$0xC1F0] =	vst v10;
	v18 =	vld [tilespmem:s1+$0x4590]  }
0x1fe: {  	v14 =	vld.idx.msk [tilespmem:v14+s3+$0x0], $0xffff  }
0x1ff: {  	v19 =	vld [tilespmem:s4+$0x4150]  }
0x200: {  	[tilespmem:s4+$0xC180] =	vst v13;
	v13 =	vld [tilespmem:s4+$0x41A0]  }
0x201: {  	[tilespmem:s4+$0xC100] =	vst v11;
	v11 =	vld.idx.msk [tilespmem:v16+s3+$0x0], $0xffff  }
0x202: {  	v12 =	vld.idx.msk [tilespmem:v12+s3+$0x0], $0xffff  }
0x203: {  	v10 =	vld [tilespmem:s4+$0x4160]  }
0x204: {  	[tilespmem:s1+$0xC580] =	vst v14;
	v14 =	vld [tilespmem:s1+$0x45A0]  }
0x205: {  	v16 =	vld.idx.msk [tilespmem:v18+s3+$0x0], $0xffff  }
0x206: {  	v18 =	vld [tilespmem:s4+$0x4170]  }
0x207: {  	[tilespmem:s4+$0xC190] =	vst v11;
	v11 =	vld [tilespmem:s4+$0x41B0]  }
0x208: {  	[tilespmem:s4+$0xC110] =	vst v12;
	v12 =	vld.idx.msk [tilespmem:v13+s3+$0x0], $0xffff  }
0x209: {  	v9 =	vld.idx.msk [tilespmem:v9+s3+$0x0], $0xffff  }
0x20a: {  	v13 =	vld.idx.msk [tilespmem:v4+s3+$0x0], $0xffff  }
0x20b: {  	[tilespmem:s1+$0xC590] =	vst v16;
	v16 =	vld [tilespmem:s1+$0x45B0];
	v4 =	vmov v18  }
0x20c: {  	v14 =	vld.idx.msk [tilespmem:v14+s3+$0x0], $0xffff  }
0x20d: {  	v18 =	vld [tilespmem:s4+$0x4500]  }
0x20e: {  	[tilespmem:s4+$0xC1A0] =	vst v12;
	v12 =	vld [tilespmem:s4+$0x41C0]  }
0x20f: {  	[tilespmem:s4+$0xC120] =	vst v9;
	v9 =	vld.idx.msk [tilespmem:v11+s3+$0x0], $0xffff  }
0x210: {  	v11 =	vld.idx.msk [tilespmem:v15+s3+$0x0], $0xffff;
	[tilespmem:s1+$0xC170] =	vst v13  }
0x211: {  	v13 =	vld.idx.msk [tilespmem:v5+s3+$0x0], $0xffff  }
0x212: {  	[tilespmem:s1+$0xC5A0] =	vst v14;
	v14 =	vld [tilespmem:s1+$0x45B8];
	v5 =	vmov v18  }
0x213: {  	v15 =	vld.idx.msk [tilespmem:v16+s3+$0x0], $0xffff  }
0x214: {  	v16 =	vld [tilespmem:s4+$0x4510]  }
0x215: {  	[tilespmem:s4+$0xC1B0] =	vst v9;
	v9 =	vld [tilespmem:s4+$0x41D0]  }
0x216: {  	[tilespmem:s4+$0xC130] =	vst v11;
	v11 =	vld.idx.msk [tilespmem:v12+s3+$0x0], $0xffff  }
0x217: {  	v12 =	vld.idx.msk [tilespmem:v17+s3+$0x0], $0xffff;
	[tilespmem:s1+$0xC500] =	vst v13  }
0x218: {  	v13 =	vld.idx.msk [tilespmem:v7+s3+$0x0], $0xffff  }
0x219: {  	v17 =	vld [tilespmem:s4+$0x4520];
	[tilespmem:s1+$0xC5B0] =	vst v15;
	v7 =	vmov v16  }
0x21a: {  	v16 =	vld.idx.msk [tilespmem:v14+s3+$0x0], $0xffff  }
0x21b: {  	v18 =	vld [tilespmem:s4+$0x4530]  }
0x21c: {  	[tilespmem:s4+$0xC1C0] =	vst v11;
	v14 =	vld [tilespmem:s4+$0x41E0]  }
0x21d: {  	[tilespmem:s4+$0xC140] =	vst v12;
	v20 =	vld.idx.msk [tilespmem:v9+s3+$0x0], $0xffff  }
0x21e: {  	v15 =	vld.idx.msk [tilespmem:v19+s3+$0x0], $0xffff;
	[tilespmem:s1+$0xC510] =	vst v13  }
.Ltmp1:
0x21f: {  	v13 =	vld.idx.msk [tilespmem:v8+s3+$0x0], $0xffff;
	v8 =	vmov v17;
	(pc) =	sbr.rel @p0 .LBB2_4-.Ltmp1, $4  }
0x220: {  	[tilespmem:s1+$0xC5B8] =	vst v16;
	v12 =	vld.idx.msk [tilespmem:v1+s3+$0x0], $0xffff;
	v1 =	vmov v6;
	v6 =	vmov v18  }
0x221: {  	v11 =	vld [tilespmem:s4+$0x4538]  }
0x222: {  	v9 =	vld.idx.msk [tilespmem:v0+s3+$0x0], $0xffff;
	v0 =	vmov v2;
	v2 =	vmov v3  }
0x223: {  	s6 =	sadd.s32 $0x100, s6;
	s7 =	sadd.s32 $0x200, s7;
	[tilespmem:s4+$0xC1D0] =	vst v20;
	v16 =	vld [tilespmem:s4+$0x41F0]  }
0x224: {  	_ =	sdelay $0x3  }
0x225: {  	v3 =	vld.idx.msk [tilespmem:v14+s3+$0x0], $0xffff;
	_ =	sdelay $0x2  }
0x226: {  	[tilespmem:s4+$0xC150] =	vst v15  }
0x227: {  	v10 =	vld.idx.msk [tilespmem:v10+s3+$0x0], $0xffff  }
0x228: {  	[tilespmem:s4+$0xC1E0] =	vst v3;
	v3 =	vld [tilespmem:s4+$0x4580];
	_ =	sdelay $0x1  }
0x229: {  	v14 =	vld.idx.msk [tilespmem:v16+s3+$0x0], $0xffff;
	_ =	sdelay $0x2  }
0x22a: {  	[tilespmem:s4+$0xC160] =	vst v10  }
0x22b: {  	v4 =	vld.idx.msk [tilespmem:v4+s3+$0x0], $0xffff  }
0x22c: {  	[tilespmem:s4+$0xC1F0] =	vst v14;
	v14 =	vld [tilespmem:s4+$0x4590]  }
0x22d: {  	v3 =	vld.idx.msk [tilespmem:v3+s3+$0x0], $0xffff;
	_ =	sdelay $0x3  }
0x22e: {  	[tilespmem:s4+$0xC170] =	vst v4  }
0x22f: {  	[tilespmem:s4+$0xC580] =	vst v3;
	v3 =	vld [tilespmem:s4+$0x45A0]  }
0x230: {  	v4 =	vld.idx.msk [tilespmem:v5+s3+$0x0], $0xffff  }
0x231: {  	v10 =	vld.idx.msk [tilespmem:v14+s3+$0x0], $0xffff;
	_ =	sdelay $0x3  }
0x232: {  	[tilespmem:s4+$0xC500] =	vst v4  }
0x233: {  	v4 =	vld.idx.msk [tilespmem:v7+s3+$0x0], $0xffff;
	[tilespmem:s4+$0xC590] =	vst v10  }
0x234: {  	v3 =	vld.idx.msk [tilespmem:v3+s3+$0x0], $0xffff;
	_ =	sdelay $0x1  }
0x235: {  	v5 =	vld [tilespmem:s4+$0x45B0];
	_ =	sdelay $0x1  }
0x236: {  	[tilespmem:s4+$0xC510] =	vst v4  }
0x237: {  	[tilespmem:s4+$0xC5A0] =	vst v3;
	v3 =	vld.idx.msk [tilespmem:v8+s3+$0x0], $0xffff;
	_ =	sdelay $0x2  }
0x238: {  	[tilespmem:s1+$0xC520] =	vst v13;
	v4 =	vld [tilespmem:s4+$0x45B8]  }
0x239: {  	v1 =	vld.idx.msk [tilespmem:v1+s3+$0x0], $0xffff  }
0x23a: {  	v5 =	vld.idx.msk [tilespmem:v5+s3+$0x0], $0xffff;
	[tilespmem:s4+$0xC520] =	vst v3  }
0x23b: {  	v3 =	vld.idx.msk [tilespmem:v6+s3+$0x0], $0xffff;
	_ =	sdelay $0x1  }
0x23c: {  	[tilespmem:s2+$0xC530] =	vst v12  }
0x23d: {  	v0 =	vld.idx.msk [tilespmem:v0+s3+$0x0], $0xffff;
	[tilespmem:s1+$0xC530] =	vst v1  }
0x23e: {  	v1 =	vld.idx.msk [tilespmem:v2+s3+$0x0], $0xffff;
	[tilespmem:s4+$0xC5B0] =	vst v5  }
0x23f: {  	v4 =	vld.idx.msk [tilespmem:v4+s3+$0x0], $0xffff;
	[tilespmem:s4+$0xC530] =	vst v3  }
0x240: {  	v2 =	vld.idx.msk [tilespmem:v11+s3+$0x0], $0xffff  }
0x241: {  	[tilespmem:s0+$0xC538] =	vst v9  }
0x242: {  	[tilespmem:s2+$0xC538] =	vst v0  }
0x243: {  	[tilespmem:s1+$0xC538] =	vst v1  }
0x244: {  	[tilespmem:s4+$0xC5B8] =	vst v4  }
0x245: {  	[tilespmem:s4+$0xC538] =	vst v2  }
0x246: {  	s9 =	simm.s32 $0x0;
	s1 =	rddreg [dreg:$0x7]  }
0x247: {  	[hbm4b:s1+s9] =	stream.linear.scatter [tilespmem:s28], [sflag:$0x4], $0x4000, $0x38;
	[tilespmem:$0x10100] =	vst v63  }
0x248: {  	s2 =	rddreg [dreg:$0x8]  }
0x249: {  	[tilespmem:s23], [sflag:$0x2] =	stream.linear.gather [hbm4b:s2+s9], $0x4000, $0x38;
	[tilespmem:$0x10100] =	vst v63  }
0x24a: {  	_ =	swait.ge [sflag:s24], $0x4000  }
0x24b: {  	[sflag:s24] =	ssyncset.done $0x0  }
0x24c: {  	[sflag:s24] =	ssyncadd.s32 $0xFFFFC000  }
0x24d: {  	_ =	swait.ge [sflag:s29], $0x4000  }
0x24e: {  	s0 =	sand.u32 $0x300, s9;
	s4 =	sand.u32 $0x3800, s9;
	[sflag:s29] =	ssyncset.done $0x0  }
0x24f: {  	s0 =	sor.u32 s0, s4;
	[sflag:s29] =	ssyncadd.s32 $0xFFFFC000  }
0x250: {  	v1 =	vld [tilespmem:s0+$0x100];
	_ =	sdelay $0x1  }
0x251: {  	v0 =	vld [tilespmem:s0+$0x180];
	_ =	sdelay $0x2  }
0x252: {  	v2 =	vld [tilespmem:s0+$0x190]  }
0x253: {  	v3 =	vld [tilespmem:s0+$0x110]  }
0x254: {  	v4 =	vld [tilespmem:s0+$0x120]  }
0x255: {  	v1 =	vld.idx.msk [tilespmem:v1+s3+$0x0], $0xffff  }
0x256: {  	v5 =	vld [tilespmem:s0+$0x130]  }
0x257: {  	v0 =	vld.idx.msk [tilespmem:v0+s3+$0x0], $0xffff  }
0x258: {  	v6 =	vld [tilespmem:s0+$0x140]  }
0x259: {  	v7 =	vld [tilespmem:s0+$0x150]  }
0x25a: {  	v8 =	vld [tilespmem:s0+$0x160];
	[tilespmem:s0+$0x8100] =	vst v1  }
0x25b: {  	v1 =	vld.idx.msk [tilespmem:v3+s3+$0x0], $0xffff  }
0x25c: {  	s5 =	simm.s32 $0x100;
	s6 =	simm.s32 $0x200;
	[tilespmem:s0+$0x8180] =	vst v0;
	v0 =	vld [tilespmem:s0+$0x1A0]  }
0x25d: {  	s1 =	sand.u32 $0x300, s5;
	s2 =	sand.u32 $0x3800, s6;
	v9 =	vld [tilespmem:s0+$0x170]  }
0x25e: {  	s2 =	sor.u32 s1, s2;
	v2 =	vld.idx.msk [tilespmem:v2+s3+$0x0], $0xffff  }
0x25f: {  	v11 =	vld [tilespmem:s2+$0x110]  }
0x260: {  	v12 =	vld [tilespmem:s2+$0x120];
	[tilespmem:s0+$0x8110] =	vst v1  }
0x261: {  	v1 =	vld.idx.msk [tilespmem:v4+s3+$0x0], $0xffff  }
0x262: {  	v13 =	vld [tilespmem:s2+$0x130]  }
0x263: {  	[tilespmem:s0+$0x8190] =	vst v2;
	v2 =	vld [tilespmem:s0+$0x1B0]  }
0x264: {  	v0 =	vld.idx.msk [tilespmem:v0+s3+$0x0], $0xffff  }
0x265: {  	v14 =	vld [tilespmem:s2+$0x190]  }
0x266: {  	v15 =	vld [tilespmem:s2+$0x140];
	[tilespmem:s0+$0x8120] =	vst v1  }
0x267: {  	v1 =	vld.idx.msk [tilespmem:v5+s3+$0x0], $0xffff  }
0x268: {  	v16 =	vld [tilespmem:s2+$0x150]  }
0x269: {  	s7 =	simm.s32 $0x200;
	s8 =	simm.s32 $0x400;
	[tilespmem:s0+$0x81A0] =	vst v0;
	v0 =	vld [tilespmem:s0+$0x1C0]  }
0x26a: {  	s4 =	sand.u32 $0x3800, s8;
	s1 =	sand.u32 $0x300, s7;
	v17 =	vld [tilespmem:s2+$0x170]  }
0x26b: {  	s1 =	sor.u32 s1, s4;
	v2 =	vld.idx.msk [tilespmem:v2+s3+$0x0], $0xffff  }
0x26c: {  	v18 =	vld [tilespmem:s1+$0x130];
	[tilespmem:s0+$0x8130] =	vst v1  }
0x26d: {  	v6 =	vld.idx.msk [tilespmem:v6+s3+$0x0], $0xffff  }
0x26e: {  	v19 =	vld [tilespmem:s1+$0x190]  }
0x26f: {  	v3 =	vld [tilespmem:s0+$0x1D0]  }
0x270: {  	v20 =	vld [tilespmem:s1+$0x140];
	[tilespmem:s0+$0x81B0] =	vst v2  }
0x271: {  	v0 =	vld.idx.msk [tilespmem:v0+s3+$0x0], $0xffff  }
0x272: {  	s5 =	simm.s32 $0x600;
	s9 =	simm.s32 $0x300;
	v21 =	vld [tilespmem:s1+$0x150];
	[tilespmem:s0+$0x8140] =	vst v6  }
0x273: {  	s5 =	sand.u32 $0x3800, s5;
	s4 =	sand.u32 $0x300, s9;
	v6 =	vld.idx.msk [tilespmem:v7+s3+$0x0], $0xffff  }
0x274: {  	s4 =	sor.u32 s4, s5;
	v22 =	vld [tilespmem:s1+$0x170]  }
0x275: {  	v61 =	vld [tilespmem:s4+$0x140]  }
0x276: {  	v23 =	vld [tilespmem:s4+$0x150];
	[tilespmem:s0+$0x81C0] =	vst v0  }
0x277: {  	v10 =	vld.idx.msk [tilespmem:v3+s3+$0x0], $0xffff  }
0x278: {  	v0 =	vld [tilespmem:s0+$0x1E0];
	[tilespmem:s0+$0x8150] =	vst v6  }
0x279: {  	v6 =	vld.idx.msk [tilespmem:v8+s3+$0x0], $0xffff  }
0x27a: {  	v8 =	vld [tilespmem:s2+$0x180]  }
0x27b: {  	v24 =	vld [tilespmem:s1+$0x5A0]  }
0x27c: {  	[tilespmem:s0+$0x81D0] =	vst v10;
	v10 =	vld [tilespmem:s2+$0x100]  }
0x27d: {  	v63 =	vld [tilespmem:s4+$0x1C0]  }
0x27e: {  	v4 =	vld [tilespmem:s0+$0x500]  }
0x27f: {  	v5 =	vld [tilespmem:s0+$0x510]  }
0x280: {  	v7 =	vld [tilespmem:s0+$0x1F0]  }
0x281: {  	v0 =	vld.idx.msk [tilespmem:v0+s3+$0x0], $0xffff  }
0x282: {  	v8 =	vld.idx.msk [tilespmem:v8+s3+$0x0], $0xffff  }
0x283: {  	v1 =	vld [tilespmem:s0+$0x520]  }
0x284: {  	v10 =	vld.idx.msk [tilespmem:v10+s3+$0x0], $0xffff  }
0x285: {  	v2 =	vld [tilespmem:s0+$0x530]  }
0x286: {  	[tilespmem:s0+$0x81E0] =	vst v0;
	v0 =	vld [tilespmem:s0+$0x580]  }
0x287: {  	[tilespmem:s2+$0x8180] =	vst v8;
	v8 =	vld [tilespmem:s2+$0x1A0]  }
0x288: {  	v7 =	vld.idx.msk [tilespmem:v7+s3+$0x0], $0xffff  }
0x289: {  	[tilespmem:s2+$0x8100] =	vst v10;
	v10 =	vld.idx.msk [tilespmem:v14+s3+$0x0], $0xffff  }
0x28a: {  	v3 =	vld [tilespmem:s0+$0x538];
	[tilespmem:s0+$0x8160] =	vst v6  }
0x28b: {  	v9 =	vld.idx.msk [tilespmem:v9+s3+$0x0], $0xffff  }
0x28c: {  	v11 =	vld.idx.msk [tilespmem:v11+s3+$0x0], $0xffff  }
0x28d: {  	[tilespmem:s0+$0x81F0] =	vst v7;
	v7 =	vld [tilespmem:s0+$0x590]  }
0x28e: {  	[tilespmem:s2+$0x8190] =	vst v10;
	v10 =	vld [tilespmem:s2+$0x1B0]  }
0x28f: {  	v8 =	vld.idx.msk [tilespmem:v8+s3+$0x0], $0xffff  }
0x290: {  	[tilespmem:s0+$0x8170] =	vst v9;
	v0 =	vld.idx.msk [tilespmem:v0+s3+$0x0], $0xffff  }
0x291: {  	v9 =	vld [tilespmem:s2+$0x530];
	[tilespmem:s2+$0x8110] =	vst v11  }
0x292: {  	v6 =	vld.idx.msk [tilespmem:v12+s3+$0x0], $0xffff  }
0x293: {  	v4 =	vld.idx.msk [tilespmem:v4+s3+$0x0], $0xffff  }
0x294: {  	[tilespmem:s2+$0x81A0] =	vst v8;
	v8 =	vld [tilespmem:s2+$0x1C0]  }
0x295: {  	[tilespmem:s0+$0x8580] =	vst v0;
	v0 =	vld [tilespmem:s0+$0x5A0]  }
0x296: {  	v10 =	vld.idx.msk [tilespmem:v10+s3+$0x0], $0xffff  }
0x297: {  	v7 =	vld.idx.msk [tilespmem:v7+s3+$0x0], $0xffff;
	[tilespmem:s2+$0x8120] =	vst v6  }
0x298: {  	v6 =	vld.idx.msk [tilespmem:v13+s3+$0x0], $0xffff  }
0x299: {  	v14 =	vld [tilespmem:s2+$0x160];
	[tilespmem:s0+$0x8500] =	vst v4  }
0x29a: {  	v5 =	vld.idx.msk [tilespmem:v5+s3+$0x0], $0xffff  }
0x29b: {  	[tilespmem:s2+$0x81B0] =	vst v10;
	v10 =	vld [tilespmem:s2+$0x1D0]  }
0x29c: {  	[tilespmem:s0+$0x8590] =	vst v7;
	v8 =	vld.idx.msk [tilespmem:v8+s3+$0x0], $0xffff  }
0x29d: {  	v7 =	vld [tilespmem:s0+$0x5B0];
	[tilespmem:s2+$0x8130] =	vst v6  }
0x29e: {  	v6 =	vld.idx.msk [tilespmem:v15+s3+$0x0], $0xffff  }
0x29f: {  	v12 =	vld [tilespmem:s2+$0x500]  }
0x2a0: {  	v0 =	vld.idx.msk [tilespmem:v0+s3+$0x0], $0xffff  }
0x2a1: {  	[tilespmem:s2+$0x81C0] =	vst v8;
	v8 =	vld [tilespmem:s2+$0x1E0]  }
0x2a2: {  	v13 =	vld [tilespmem:s2+$0x510]  }
0x2a3: {  	[tilespmem:s2+$0x8140] =	vst v6;
	v10 =	vld.idx.msk [tilespmem:v10+s3+$0x0], $0xffff  }
0x2a4: {  	v4 =	vld.idx.msk [tilespmem:v16+s3+$0x0], $0xffff  }
0x2a5: {  	v15 =	vld [tilespmem:s2+$0x520];
	[tilespmem:s0+$0x85A0] =	vst v0  }
0x2a6: {  	v7 =	vld.idx.msk [tilespmem:v7+s3+$0x0], $0xffff  }
0x2a7: {  	v6 =	vld [tilespmem:s2+$0x1F0]  }
0x2a8: {  	[tilespmem:s2+$0x81D0] =	vst v10;
	v10 =	vld [tilespmem:s1+$0x100]  }
0x2a9: {  	[tilespmem:s2+$0x8150] =	vst v4;
	v4 =	vld.idx.msk [tilespmem:v8+s3+$0x0], $0xffff  }
0x2aa: {  	v0 =	vld [tilespmem:s0+$0x5B8]  }
0x2ab: {  	[tilespmem:s0+$0x85B0] =	vst v7;
	v7 =	vld.idx.msk [tilespmem:v14+s3+$0x0], $0xffff  }
0x2ac: {  	v8 =	vld [tilespmem:s1+$0x180]  }
0x2ad: {  	v14 =	vld [tilespmem:s1+$0x110]  }
0x2ae: {  	[tilespmem:s2+$0x81E0] =	vst v4;
	v4 =	vld [tilespmem:s2+$0x580]  }
0x2af: {  	v6 =	vld.idx.msk [tilespmem:v6+s3+$0x0], $0xffff  }
0x2b0: {  	v10 =	vld.idx.msk [tilespmem:v10+s3+$0x0], $0xffff  }
0x2b1: {  	v16 =	vld [tilespmem:s1+$0x120]  }
0x2b2: {  	v11 =	vld.idx.msk [tilespmem:v0+s3+$0x0], $0xffff  }
0x2b3: {  	v0 =	vld [tilespmem:s2+$0x538]  }
0x2b4: {  	v8 =	vld.idx.msk [tilespmem:v8+s3+$0x0], $0xffff;
	[tilespmem:s2+$0x81F0] =	vst v6  }
0x2b5: {  	v6 =	vld [tilespmem:s2+$0x590];
	[tilespmem:s1+$0x8100] =	vst v10  }
0x2b6: {  	v14 =	vld.idx.msk [tilespmem:v14+s3+$0x0], $0xffff  }
0x2b7: {  	v4 =	vld.idx.msk [tilespmem:v4+s3+$0x0], $0xffff  }
0x2b8: {  	[tilespmem:s0+$0x85B8] =	vst v11;
	v11 =	vld [tilespmem:s4+$0x538]  }
0x2b9: {  	[tilespmem:s1+$0x8180] =	vst v8;
	v8 =	vld [tilespmem:s1+$0x1A0]  }
0x2ba: {  	[tilespmem:s2+$0x8160] =	vst v7;
	v10 =	vld.idx.msk [tilespmem:v19+s3+$0x0], $0xffff  }
0x2bb: {  	[tilespmem:s1+$0x8110] =	vst v14;
	v14 =	vld.idx.msk [tilespmem:v17+s3+$0x0], $0xffff  }
0x2bc: {  	[tilespmem:s2+$0x8580] =	vst v4;
	v4 =	vld [tilespmem:s2+$0x5A0]  }
0x2bd: {  	v7 =	vld.idx.msk [tilespmem:v16+s3+$0x0], $0xffff  }
0x2be: {  	v6 =	vld.idx.msk [tilespmem:v6+s3+$0x0], $0xffff  }
0x2bf: {  	[tilespmem:s1+$0x8190] =	vst v10;
	v10 =	vld [tilespmem:s1+$0x1B0]  }
0x2c0: {  	v19 =	vld [tilespmem:s1+$0x160]  }
0x2c1: {  	v8 =	vld.idx.msk [tilespmem:v8+s3+$0x0], $0xffff  }
0x2c2: {  	v16 =	vld [tilespmem:s1+$0x500];
	[tilespmem:s2+$0x8170] =	vst v14  }
0x2c3: {  	[tilespmem:s1+$0x8120] =	vst v7;
	v7 =	vld.idx.msk [tilespmem:v12+s3+$0x0], $0xffff  }
0x2c4: {  	[tilespmem:s2+$0x8590] =	vst v6;
	v6 =	vld [tilespmem:s2+$0x5B0]  }
0x2c5: {  	v4 =	vld.idx.msk [tilespmem:v4+s3+$0x0], $0xffff  }
0x2c6: {  	[tilespmem:s1+$0x81A0] =	vst v8;
	v8 =	vld [tilespmem:s1+$0x1C0]  }
0x2c7: {  	[tilespmem:s0+$0x8510] =	vst v5;
	v5 =	vld.idx.msk [tilespmem:v10+s3+$0x0], $0xffff  }
0x2c8: {  	v10 =	vld.idx.msk [tilespmem:v1+s3+$0x0], $0xffff  }
0x2c9: {  	v1 =	vld.idx.msk [tilespmem:v18+s3+$0x0], $0xffff;
	[tilespmem:s2+$0x8500] =	vst v7  }
0x2ca: {  	v7 =	vld.idx.msk [tilespmem:v13+s3+$0x0], $0xffff  }
0x2cb: {  	[tilespmem:s2+$0x85A0] =	vst v4;
	v4 =	vld [tilespmem:s2+$0x5B8]  }
0x2cc: {  	[tilespmem:s1+$0x81B0] =	vst v5;
	v5 =	vld [tilespmem:s1+$0x1D0]  }
0x2cd: {  	v6 =	vld.idx.msk [tilespmem:v6+s3+$0x0], $0xffff  }
0x2ce: {  	v8 =	vld.idx.msk [tilespmem:v8+s3+$0x0], $0xffff  }
0x2cf: {  	v12 =	vld [tilespmem:s1+$0x510];
	[tilespmem:s1+$0x8130] =	vst v1  }
0x2d0: {  	v14 =	vld.idx.msk [tilespmem:v20+s3+$0x0], $0xffff  }
0x2d1: {  	v13 =	vld [tilespmem:s1+$0x520];
	[tilespmem:s2+$0x8510] =	vst v7  }
0x2d2: {  	v7 =	vld [tilespmem:s4+$0x180];
	[tilespmem:s2+$0x85B0] =	vst v6  }
0x2d3: {  	[tilespmem:s1+$0x81C0] =	vst v8;
	v8 =	vld [tilespmem:s1+$0x1E0]  }
0x2d4: {  	v17 =	vld.idx.msk [tilespmem:v4+s3+$0x0], $0xffff  }
0x2d5: {  	[tilespmem:s1+$0x8140] =	vst v14;
	v5 =	vld.idx.msk [tilespmem:v5+s3+$0x0], $0xffff  }
0x2d6: {  	v4 =	vld.idx.msk [tilespmem:v21+s3+$0x0], $0xffff  }
0x2d7: {  	v1 =	vld [tilespmem:s1+$0x530]  }
0x2d8: {  	[tilespmem:s0+$0x8520] =	vst v10;
	v10 =	vld [tilespmem:s4+$0x110]  }
0x2d9: {  	v60 =	vld.idx.msk [tilespmem:v2+s3+$0x0], $0xffff  }
0x2da: {  	[tilespmem:s1+$0x81D0] =	vst v5;
	v5 =	vld [tilespmem:s1+$0x1F0]  }
0x2db: {  	[tilespmem:s1+$0x8150] =	vst v4;
	v4 =	vld.idx.msk [tilespmem:v8+s3+$0x0], $0xffff  }
0x2dc: {  	v8 =	vld [tilespmem:s4+$0x100]  }
0x2dd: {  	v2 =	vld [tilespmem:s1+$0x538]  }
0x2de: {  	v7 =	vld.idx.msk [tilespmem:v7+s3+$0x0], $0xffff  }
0x2df: {  	v6 =	vld.idx.msk [tilespmem:v19+s3+$0x0], $0xffff  }
0x2e0: {  	[tilespmem:s1+$0x81E0] =	vst v4;
	v4 =	vld [tilespmem:s1+$0x580]  }
0x2e1: {  	v19 =	vld [tilespmem:s4+$0x190]  }
0x2e2: {  	v5 =	vld.idx.msk [tilespmem:v5+s3+$0x0], $0xffff  }
0x2e3: {  	v18 =	vld.idx.msk [tilespmem:v15+s3+$0x0], $0xffff  }
0x2e4: {  	v8 =	vld.idx.msk [tilespmem:v8+s3+$0x0], $0xffff  }
0x2e5: {  	v15 =	vld [tilespmem:s4+$0x130]  }
0x2e6: {  	[tilespmem:s4+$0x8180] =	vst v7;
	v7 =	vld [tilespmem:s4+$0x1A0]  }
0x2e7: {  	[tilespmem:s1+$0x81F0] =	vst v5;
	v5 =	vld [tilespmem:s1+$0x590]  }
0x2e8: {  	v4 =	vld.idx.msk [tilespmem:v4+s3+$0x0], $0xffff  }
0x2e9: {  	[tilespmem:s4+$0x8100] =	vst v8;
	v8 =	vld.idx.msk [tilespmem:v19+s3+$0x0], $0xffff  }
0x2ea: {  	v14 =	vld [tilespmem:s4+$0x120]  }
0x2eb: {  	v19 =	vld.idx.msk [tilespmem:v10+s3+$0x0], $0xffff  }
0x2ec: {  	v10 =	vld [tilespmem:s4+$0x160]  }
0x2ed: {  	[tilespmem:s1+$0x8580] =	vst v4;
	v4 =	vld [tilespmem:s4+$0x170]  }
0x2ee: {  	[tilespmem:s4+$0x8190] =	vst v8;
	v8 =	vld [tilespmem:s4+$0x1B0]  }
0x2ef: {  	v5 =	vld.idx.msk [tilespmem:v5+s3+$0x0], $0xffff  }
0x2f0: {  	v7 =	vld.idx.msk [tilespmem:v7+s3+$0x0], $0xffff  }
0x2f1: {  	[tilespmem:s4+$0x8110] =	vst v19;
	v19 =	vld [tilespmem:s1+$0x5B0]  }
0x2f2: {  	[tilespmem:s1+$0x8160] =	vst v6;
	v6 =	vld.idx.msk [tilespmem:v14+s3+$0x0], $0xffff  }
0x2f3: {  	v14 =	vld.idx.msk [tilespmem:v22+s3+$0x0], $0xffff  }
0x2f4: {  	[tilespmem:s1+$0x8590] =	vst v5;
	v5 =	vld [tilespmem:s4+$0x500]  }
0x2f5: {  	v62 =	vld.idx.msk [tilespmem:v24+s3+$0x0], $0xffff  }
0x2f6: {  	[tilespmem:s4+$0x81A0] =	vst v7;
	v7 =	vld [tilespmem:s4+$0x510]  }
0x2f7: {  	[tilespmem:s4+$0x8120] =	vst v6;
	v6 =	vld.idx.msk [tilespmem:v8+s3+$0x0], $0xffff  }
0x2f8: {  	[tilespmem:s1+$0x8170] =	vst v14;
	v8 =	vld.idx.msk [tilespmem:v15+s3+$0x0], $0xffff  }
0x2f9: {  	v14 =	vld.idx.msk [tilespmem:v16+s3+$0x0], $0xffff  }
0x2fa: {  	v15 =	vld [tilespmem:s1+$0x5B8];
	[tilespmem:s1+$0x85A0] =	vst v62  }
0x2fb: {  	v16 =	vld.idx.msk [tilespmem:v19+s3+$0x0], $0xffff  }
0x2fc: {  	[tilespmem:s4+$0x81B0] =	vst v6;
	v19 =	vld [tilespmem:s4+$0x1D0]  }
0x2fd: {  	[tilespmem:s4+$0x8130] =	vst v8;
	v8 =	vld [tilespmem:s4+$0x520]  }
0x2fe: {  	v6 =	vld.idx.msk [tilespmem:v63+s3+$0x0], $0xffff  }
0x2ff: {  	[tilespmem:s1+$0x8500] =	vst v14;
	v21 =	vld.idx.msk [tilespmem:v61+s3+$0x0], $0xffff  }
0x300: {  	v12 =	vld.idx.msk [tilespmem:v12+s3+$0x0], $0xffff  }
0x301: {  	v14 =	vld [tilespmem:s4+$0x1E0];
	[tilespmem:s1+$0x85B0] =	vst v16  }
0x302: {  	[tilespmem:s0+$0x8530] =	vst v60;
	v16 =	vld.idx.msk [tilespmem:v15+s3+$0x0], $0xffff  }
0x303: {  	[tilespmem:s4+$0x81C0] =	vst v6;
	v6 =	vld [tilespmem:s4+$0x530]  }
0x304: {  	[tilespmem:s4+$0x8140] =	vst v21;
	v19 =	vld.idx.msk [tilespmem:v19+s3+$0x0], $0xffff  }
0x305: {  	[tilespmem:s1+$0x8510] =	vst v12;
	v15 =	vld.idx.msk [tilespmem:v23+s3+$0x0], $0xffff  }
0x306: {  	[tilespmem:s2+$0x8520] =	vst v18;
	v13 =	vld.idx.msk [tilespmem:v13+s3+$0x0], $0xffff  }
0x307: {  	[tilespmem:s2+$0x85B8] =	vst v17;
	v12 =	vld.idx.msk [tilespmem:v9+s3+$0x0], $0xffff  }
0x308: {  	v9 =	vld.idx.msk [tilespmem:v3+s3+$0x0], $0xffff;
	[tilespmem:s1+$0x85B8] =	vst v16  }
0x309: {  	s6 =	simm.s32 $0x400;
	s7 =	simm.s32 $0x800;
	s5 =	simm.s32 $0x6;
	v16 =	vld [tilespmem:s4+$0x1F0];
	[tilespmem:s4+$0x81D0] =	vst v19  }
.LBB2_6:
0x30a: {  	s8 =	sand.u32 $0x3800, s7;
	s9 =	sand.u32 $0x300, s6;
	s5 =	sadd.s32 $0x2, s5;
	[tilespmem:s4+$0x8150] =	vst v15;
	v14 =	vld.idx.msk [tilespmem:v14+s3+$0x0], $0xffff  }
0x30b: {  	s8 =	sor.u32 s9, s8;
	p0 =	slt.u32 s5, $0x3E;
	v10 =	vld.idx.msk [tilespmem:v10+s3+$0x0], $0xffff;
	[tilespmem:s1+$0x8520] =	vst v13  }
0x30c: {  	v13 =	vld [tilespmem:s8+$0x180];
	[tilespmem:s2+$0x8530] =	vst v12;
	v3 =	vmov v11  }
0x30d: {  	v11 =	vld [tilespmem:s8+$0x100]  }
0x30e: {  	v12 =	vld [tilespmem:s8+$0x110];
	[tilespmem:s0+$0x8538] =	vst v9;
	s0 =	smov.u32 s2;
	s2 =	smov.u32 s1;
	s1 =	smov.u32 s4  }
0x30f: {  	s4 =	smov.u32 s8;
	v9 =	vld [tilespmem:s8+$0x120]  }
0x310: {  	[tilespmem:s1+$0x81E0] =	vst v14;
	v14 =	vld [tilespmem:s1+$0x580]  }
0x311: {  	[tilespmem:s1+$0x8160] =	vst v10;
	v10 =	vld.idx.msk [tilespmem:v16+s3+$0x0], $0xffff  }
0x312: {  	v15 =	vld [tilespmem:s4+$0x130]  }
0x313: {  	v16 =	vld [tilespmem:s4+$0x190]  }
0x314: {  	v13 =	vld.idx.msk [tilespmem:v13+s3+$0x0], $0xffff  }
0x315: {  	v11 =	vld.idx.msk [tilespmem:v11+s3+$0x0], $0xffff  }
0x316: {  	v17 =	vld [tilespmem:s4+$0x140]  }
0x317: {  	[tilespmem:s1+$0x81F0] =	vst v10;
	v18 =	vld [tilespmem:s1+$0x590]  }
0x318: {  	v14 =	vld.idx.msk [tilespmem:v14+s3+$0x0], $0xffff  }
0x319: {  	v19 =	vld [tilespmem:s4+$0x150]  }
0x31a: {  	[tilespmem:s4+$0x8180] =	vst v13;
	v13 =	vld [tilespmem:s4+$0x1A0]  }
0x31b: {  	[tilespmem:s4+$0x8100] =	vst v11;
	v11 =	vld.idx.msk [tilespmem:v16+s3+$0x0], $0xffff  }
0x31c: {  	v12 =	vld.idx.msk [tilespmem:v12+s3+$0x0], $0xffff  }
0x31d: {  	v10 =	vld [tilespmem:s4+$0x160]  }
0x31e: {  	[tilespmem:s1+$0x8580] =	vst v14;
	v14 =	vld [tilespmem:s1+$0x5A0]  }
0x31f: {  	v16 =	vld.idx.msk [tilespmem:v18+s3+$0x0], $0xffff  }
0x320: {  	v18 =	vld [tilespmem:s4+$0x170]  }
0x321: {  	[tilespmem:s4+$0x8190] =	vst v11;
	v11 =	vld [tilespmem:s4+$0x1B0]  }
0x322: {  	[tilespmem:s4+$0x8110] =	vst v12;
	v12 =	vld.idx.msk [tilespmem:v13+s3+$0x0], $0xffff  }
0x323: {  	v9 =	vld.idx.msk [tilespmem:v9+s3+$0x0], $0xffff  }
0x324: {  	v13 =	vld.idx.msk [tilespmem:v4+s3+$0x0], $0xffff  }
0x325: {  	[tilespmem:s1+$0x8590] =	vst v16;
	v16 =	vld [tilespmem:s1+$0x5B0];
	v4 =	vmov v18  }
0x326: {  	v14 =	vld.idx.msk [tilespmem:v14+s3+$0x0], $0xffff  }
0x327: {  	v18 =	vld [tilespmem:s4+$0x500]  }
0x328: {  	[tilespmem:s4+$0x81A0] =	vst v12;
	v12 =	vld [tilespmem:s4+$0x1C0]  }
0x329: {  	[tilespmem:s4+$0x8120] =	vst v9;
	v9 =	vld.idx.msk [tilespmem:v11+s3+$0x0], $0xffff  }
0x32a: {  	v11 =	vld.idx.msk [tilespmem:v15+s3+$0x0], $0xffff;
	[tilespmem:s1+$0x8170] =	vst v13  }
0x32b: {  	v13 =	vld.idx.msk [tilespmem:v5+s3+$0x0], $0xffff  }
0x32c: {  	[tilespmem:s1+$0x85A0] =	vst v14;
	v14 =	vld [tilespmem:s1+$0x5B8];
	v5 =	vmov v18  }
0x32d: {  	v15 =	vld.idx.msk [tilespmem:v16+s3+$0x0], $0xffff  }
0x32e: {  	v16 =	vld [tilespmem:s4+$0x510]  }
0x32f: {  	[tilespmem:s4+$0x81B0] =	vst v9;
	v9 =	vld [tilespmem:s4+$0x1D0]  }
0x330: {  	[tilespmem:s4+$0x8130] =	vst v11;
	v11 =	vld.idx.msk [tilespmem:v12+s3+$0x0], $0xffff  }
0x331: {  	v12 =	vld.idx.msk [tilespmem:v17+s3+$0x0], $0xffff;
	[tilespmem:s1+$0x8500] =	vst v13  }
0x332: {  	v13 =	vld.idx.msk [tilespmem:v7+s3+$0x0], $0xffff  }
0x333: {  	v17 =	vld [tilespmem:s4+$0x520];
	[tilespmem:s1+$0x85B0] =	vst v15;
	v7 =	vmov v16  }
0x334: {  	v16 =	vld.idx.msk [tilespmem:v14+s3+$0x0], $0xffff  }
0x335: {  	v18 =	vld [tilespmem:s4+$0x530]  }
0x336: {  	[tilespmem:s4+$0x81C0] =	vst v11;
	v14 =	vld [tilespmem:s4+$0x1E0]  }
0x337: {  	[tilespmem:s4+$0x8140] =	vst v12;
	v20 =	vld.idx.msk [tilespmem:v9+s3+$0x0], $0xffff  }
0x338: {  	v15 =	vld.idx.msk [tilespmem:v19+s3+$0x0], $0xffff;
	[tilespmem:s1+$0x8510] =	vst v13  }
.Ltmp2:
0x339: {  	v13 =	vld.idx.msk [tilespmem:v8+s3+$0x0], $0xffff;
	v8 =	vmov v17;
	(pc) =	sbr.rel @p0 .LBB2_6-.Ltmp2, $4  }
0x33a: {  	[tilespmem:s1+$0x85B8] =	vst v16;
	v12 =	vld.idx.msk [tilespmem:v1+s3+$0x0], $0xffff;
	v1 =	vmov v6;
	v6 =	vmov v18  }
0x33b: {  	v11 =	vld [tilespmem:s4+$0x538]  }
0x33c: {  	v9 =	vld.idx.msk [tilespmem:v0+s3+$0x0], $0xffff;
	v0 =	vmov v2;
	v2 =	vmov v3  }
0x33d: {  	s6 =	sadd.s32 $0x100, s6;
	s7 =	sadd.s32 $0x200, s7;
	[tilespmem:s4+$0x81D0] =	vst v20;
	v16 =	vld [tilespmem:s4+$0x1F0]  }
0x33e: {  	_ =	sdelay $0x3  }
0x33f: {  	v3 =	vld.idx.msk [tilespmem:v14+s3+$0x0], $0xffff;
	_ =	sdelay $0x2  }
0x340: {  	[tilespmem:s4+$0x8150] =	vst v15  }
0x341: {  	v10 =	vld.idx.msk [tilespmem:v10+s3+$0x0], $0xffff  }
0x342: {  	[tilespmem:s4+$0x81E0] =	vst v3;
	v3 =	vld [tilespmem:s4+$0x580];
	_ =	sdelay $0x1  }
0x343: {  	v14 =	vld.idx.msk [tilespmem:v16+s3+$0x0], $0xffff;
	_ =	sdelay $0x2  }
0x344: {  	[tilespmem:s4+$0x8160] =	vst v10  }
0x345: {  	v4 =	vld.idx.msk [tilespmem:v4+s3+$0x0], $0xffff  }
0x346: {  	[tilespmem:s4+$0x81F0] =	vst v14;
	v14 =	vld [tilespmem:s4+$0x590]  }
0x347: {  	v3 =	vld.idx.msk [tilespmem:v3+s3+$0x0], $0xffff;
	_ =	sdelay $0x3  }
0x348: {  	[tilespmem:s4+$0x8170] =	vst v4  }
0x349: {  	[tilespmem:s4+$0x8580] =	vst v3;
	v3 =	vld [tilespmem:s4+$0x5A0]  }
0x34a: {  	v4 =	vld.idx.msk [tilespmem:v5+s3+$0x0], $0xffff  }
0x34b: {  	v10 =	vld.idx.msk [tilespmem:v14+s3+$0x0], $0xffff;
	_ =	sdelay $0x3  }
0x34c: {  	[tilespmem:s4+$0x8500] =	vst v4  }
0x34d: {  	v4 =	vld.idx.msk [tilespmem:v7+s3+$0x0], $0xffff;
	[tilespmem:s4+$0x8590] =	vst v10  }
0x34e: {  	v3 =	vld.idx.msk [tilespmem:v3+s3+$0x0], $0xffff;
	_ =	sdelay $0x1  }
0x34f: {  	v5 =	vld [tilespmem:s4+$0x5B0];
	_ =	sdelay $0x1  }
0x350: {  	[tilespmem:s4+$0x8510] =	vst v4  }
0x351: {  	[tilespmem:s4+$0x85A0] =	vst v3;
	v3 =	vld.idx.msk [tilespmem:v8+s3+$0x0], $0xffff;
	_ =	sdelay $0x2  }
0x352: {  	[tilespmem:s1+$0x8520] =	vst v13;
	v4 =	vld [tilespmem:s4+$0x5B8]  }
0x353: {  	v1 =	vld.idx.msk [tilespmem:v1+s3+$0x0], $0xffff  }
0x354: {  	v5 =	vld.idx.msk [tilespmem:v5+s3+$0x0], $0xffff;
	[tilespmem:s4+$0x8520] =	vst v3  }
0x355: {  	v3 =	vld.idx.msk [tilespmem:v6+s3+$0x0], $0xffff;
	_ =	sdelay $0x1  }
0x356: {  	[tilespmem:s2+$0x8530] =	vst v12  }
0x357: {  	v0 =	vld.idx.msk [tilespmem:v0+s3+$0x0], $0xffff;
	[tilespmem:s1+$0x8530] =	vst v1  }
0x358: {  	v1 =	vld.idx.msk [tilespmem:v2+s3+$0x0], $0xffff;
	[tilespmem:s4+$0x85B0] =	vst v5  }
0x359: {  	v4 =	vld.idx.msk [tilespmem:v4+s3+$0x0], $0xffff;
	[tilespmem:s4+$0x8530] =	vst v3  }
0x35a: {  	v2 =	vld.idx.msk [tilespmem:v11+s3+$0x0], $0xffff  }
0x35b: {  	[tilespmem:s0+$0x8538] =	vst v9  }
0x35c: {  	[tilespmem:s2+$0x8538] =	vst v0  }
0x35d: {  	[tilespmem:s1+$0x8538] =	vst v1  }
0x35e: {  	[tilespmem:s4+$0x85B8] =	vst v4  }
0x35f: {  	s2 =	simm.s32 $0x0;
	[tilespmem:s4+$0x8538] =	vst v2  }
0x360: {  	[hbm4b:s10+s2] =	stream.linear.scatter [tilespmem:s25], [sflag:$0x3], $0x4000, $0x38;
	[tilespmem:$0x10100] =	vst v63  }
0x361: {  	_ = 	snop  }
0x362: {  	[tilespmem:s22], [sflag:$0x1] =	stream.linear.gather [hbm4b:s11+s2], $0x4000, $0x38;
	[tilespmem:$0x10100] =	vst v63  }
0x363: {  	_ =	swait.ge [sflag:s26], $0x4000  }
0x364: {  	[sflag:s26] =	ssyncset.done $0x0  }
0x365: {  	[sflag:s26] =	ssyncadd.s32 $0xFFFFC000  }
0x366: {  	_ =	swait.ge [sflag:s30], $0x4000  }
0x367: {  	s0 =	sand.u32 $0x300, s2;
	s4 =	sand.u32 $0x3800, s2;
	[sflag:s30] =	ssyncset.done $0x0  }
0x368: {  	s0 =	sor.u32 s0, s4;
	[sflag:s30] =	ssyncadd.s32 $0xFFFFC000  }
0x369: {  	v1 =	vld [tilespmem:s0+$0x4100];
	_ =	sdelay $0x1  }
0x36a: {  	v0 =	vld [tilespmem:s0+$0x4180];
	_ =	sdelay $0x2  }
0x36b: {  	v2 =	vld [tilespmem:s0+$0x4190]  }
0x36c: {  	v3 =	vld [tilespmem:s0+$0x4110]  }
0x36d: {  	v4 =	vld [tilespmem:s0+$0x4120]  }
0x36e: {  	v1 =	vld.idx.msk [tilespmem:v1+s3+$0x0], $0xffff  }
0x36f: {  	v5 =	vld [tilespmem:s0+$0x4130]  }
0x370: {  	v0 =	vld.idx.msk [tilespmem:v0+s3+$0x0], $0xffff  }
0x371: {  	v6 =	vld [tilespmem:s0+$0x4140]  }
0x372: {  	v7 =	vld [tilespmem:s0+$0x4150]  }
0x373: {  	v8 =	vld [tilespmem:s0+$0x4160];
	[tilespmem:s0+$0xC100] =	vst v1  }
0x374: {  	v1 =	vld.idx.msk [tilespmem:v3+s3+$0x0], $0xffff  }
0x375: {  	s5 =	simm.s32 $0x100;
	s6 =	simm.s32 $0x200;
	[tilespmem:s0+$0xC180] =	vst v0;
	v0 =	vld [tilespmem:s0+$0x41A0]  }
0x376: {  	s1 =	sand.u32 $0x300, s5;
	s2 =	sand.u32 $0x3800, s6;
	v9 =	vld [tilespmem:s0+$0x4170]  }
0x377: {  	s2 =	sor.u32 s1, s2;
	v2 =	vld.idx.msk [tilespmem:v2+s3+$0x0], $0xffff  }
0x378: {  	v11 =	vld [tilespmem:s2+$0x4110]  }
0x379: {  	v12 =	vld [tilespmem:s2+$0x4120];
	[tilespmem:s0+$0xC110] =	vst v1  }
0x37a: {  	v1 =	vld.idx.msk [tilespmem:v4+s3+$0x0], $0xffff  }
0x37b: {  	v13 =	vld [tilespmem:s2+$0x4130]  }
0x37c: {  	[tilespmem:s0+$0xC190] =	vst v2;
	v2 =	vld [tilespmem:s0+$0x41B0]  }
0x37d: {  	v0 =	vld.idx.msk [tilespmem:v0+s3+$0x0], $0xffff  }
0x37e: {  	v14 =	vld [tilespmem:s2+$0x4190]  }
0x37f: {  	v15 =	vld [tilespmem:s2+$0x4140];
	[tilespmem:s0+$0xC120] =	vst v1  }
0x380: {  	v1 =	vld.idx.msk [tilespmem:v5+s3+$0x0], $0xffff  }
0x381: {  	v16 =	vld [tilespmem:s2+$0x4150]  }
0x382: {  	s7 =	simm.s32 $0x200;
	s8 =	simm.s32 $0x400;
	[tilespmem:s0+$0xC1A0] =	vst v0;
	v0 =	vld [tilespmem:s0+$0x41C0]  }
0x383: {  	s4 =	sand.u32 $0x3800, s8;
	s1 =	sand.u32 $0x300, s7;
	v17 =	vld [tilespmem:s2+$0x4170]  }
0x384: {  	s1 =	sor.u32 s1, s4;
	v2 =	vld.idx.msk [tilespmem:v2+s3+$0x0], $0xffff  }
0x385: {  	v18 =	vld [tilespmem:s1+$0x4130];
	[tilespmem:s0+$0xC130] =	vst v1  }
0x386: {  	v6 =	vld.idx.msk [tilespmem:v6+s3+$0x0], $0xffff  }
0x387: {  	v19 =	vld [tilespmem:s1+$0x4190]  }
0x388: {  	v3 =	vld [tilespmem:s0+$0x41D0]  }
0x389: {  	v20 =	vld [tilespmem:s1+$0x4140];
	[tilespmem:s0+$0xC1B0] =	vst v2  }
0x38a: {  	v0 =	vld.idx.msk [tilespmem:v0+s3+$0x0], $0xffff  }
0x38b: {  	s9 =	simm.s32 $0x300;
	s5 =	simm.s32 $0x600;
	v21 =	vld [tilespmem:s1+$0x4150];
	[tilespmem:s0+$0xC140] =	vst v6  }
0x38c: {  	s5 =	sand.u32 $0x3800, s5;
	s4 =	sand.u32 $0x300, s9;
	v6 =	vld.idx.msk [tilespmem:v7+s3+$0x0], $0xffff  }
0x38d: {  	s4 =	sor.u32 s4, s5;
	v22 =	vld [tilespmem:s1+$0x4170]  }
0x38e: {  	v61 =	vld [tilespmem:s4+$0x4140]  }
0x38f: {  	v23 =	vld [tilespmem:s4+$0x4150];
	[tilespmem:s0+$0xC1C0] =	vst v0  }
0x390: {  	v10 =	vld.idx.msk [tilespmem:v3+s3+$0x0], $0xffff  }
0x391: {  	v0 =	vld [tilespmem:s0+$0x41E0];
	[tilespmem:s0+$0xC150] =	vst v6  }
0x392: {  	v6 =	vld.idx.msk [tilespmem:v8+s3+$0x0], $0xffff  }
0x393: {  	v8 =	vld [tilespmem:s2+$0x4180]  }
0x394: {  	v24 =	vld [tilespmem:s1+$0x45A0]  }
0x395: {  	[tilespmem:s0+$0xC1D0] =	vst v10;
	v10 =	vld [tilespmem:s2+$0x4100]  }
0x396: {  	v63 =	vld [tilespmem:s4+$0x41C0]  }
0x397: {  	v4 =	vld [tilespmem:s0+$0x4500]  }
0x398: {  	v5 =	vld [tilespmem:s0+$0x4510]  }
0x399: {  	v7 =	vld [tilespmem:s0+$0x41F0]  }
0x39a: {  	v0 =	vld.idx.msk [tilespmem:v0+s3+$0x0], $0xffff  }
0x39b: {  	v8 =	vld.idx.msk [tilespmem:v8+s3+$0x0], $0xffff  }
0x39c: {  	v1 =	vld [tilespmem:s0+$0x4520]  }
0x39d: {  	v10 =	vld.idx.msk [tilespmem:v10+s3+$0x0], $0xffff  }
0x39e: {  	v2 =	vld [tilespmem:s0+$0x4530]  }
0x39f: {  	[tilespmem:s0+$0xC1E0] =	vst v0;
	v0 =	vld [tilespmem:s0+$0x4580]  }
0x3a0: {  	[tilespmem:s2+$0xC180] =	vst v8;
	v8 =	vld [tilespmem:s2+$0x41A0]  }
0x3a1: {  	v7 =	vld.idx.msk [tilespmem:v7+s3+$0x0], $0xffff  }
0x3a2: {  	[tilespmem:s2+$0xC100] =	vst v10;
	v10 =	vld.idx.msk [tilespmem:v14+s3+$0x0], $0xffff  }
0x3a3: {  	v3 =	vld [tilespmem:s0+$0x4538];
	[tilespmem:s0+$0xC160] =	vst v6  }
0x3a4: {  	v9 =	vld.idx.msk [tilespmem:v9+s3+$0x0], $0xffff  }
0x3a5: {  	v11 =	vld.idx.msk [tilespmem:v11+s3+$0x0], $0xffff  }
0x3a6: {  	[tilespmem:s0+$0xC1F0] =	vst v7;
	v7 =	vld [tilespmem:s0+$0x4590]  }
0x3a7: {  	[tilespmem:s2+$0xC190] =	vst v10;
	v10 =	vld [tilespmem:s2+$0x41B0]  }
0x3a8: {  	v8 =	vld.idx.msk [tilespmem:v8+s3+$0x0], $0xffff  }
0x3a9: {  	[tilespmem:s0+$0xC170] =	vst v9;
	v0 =	vld.idx.msk [tilespmem:v0+s3+$0x0], $0xffff  }
0x3aa: {  	v9 =	vld [tilespmem:s2+$0x4530];
	[tilespmem:s2+$0xC110] =	vst v11  }
0x3ab: {  	v6 =	vld.idx.msk [tilespmem:v12+s3+$0x0], $0xffff  }
0x3ac: {  	v4 =	vld.idx.msk [tilespmem:v4+s3+$0x0], $0xffff  }
0x3ad: {  	[tilespmem:s2+$0xC1A0] =	vst v8;
	v8 =	vld [tilespmem:s2+$0x41C0]  }
0x3ae: {  	[tilespmem:s0+$0xC580] =	vst v0;
	v0 =	vld [tilespmem:s0+$0x45A0]  }
0x3af: {  	v10 =	vld.idx.msk [tilespmem:v10+s3+$0x0], $0xffff  }
0x3b0: {  	v7 =	vld.idx.msk [tilespmem:v7+s3+$0x0], $0xffff;
	[tilespmem:s2+$0xC120] =	vst v6  }
0x3b1: {  	v6 =	vld.idx.msk [tilespmem:v13+s3+$0x0], $0xffff  }
0x3b2: {  	v14 =	vld [tilespmem:s2+$0x4160];
	[tilespmem:s0+$0xC500] =	vst v4  }
0x3b3: {  	v5 =	vld.idx.msk [tilespmem:v5+s3+$0x0], $0xffff  }
0x3b4: {  	[tilespmem:s2+$0xC1B0] =	vst v10;
	v10 =	vld [tilespmem:s2+$0x41D0]  }
0x3b5: {  	[tilespmem:s0+$0xC590] =	vst v7;
	v8 =	vld.idx.msk [tilespmem:v8+s3+$0x0], $0xffff  }
0x3b6: {  	v7 =	vld [tilespmem:s0+$0x45B0];
	[tilespmem:s2+$0xC130] =	vst v6  }
0x3b7: {  	v6 =	vld.idx.msk [tilespmem:v15+s3+$0x0], $0xffff  }
0x3b8: {  	v12 =	vld [tilespmem:s2+$0x4500]  }
0x3b9: {  	v0 =	vld.idx.msk [tilespmem:v0+s3+$0x0], $0xffff  }
0x3ba: {  	[tilespmem:s2+$0xC1C0] =	vst v8;
	v8 =	vld [tilespmem:s2+$0x41E0]  }
0x3bb: {  	v13 =	vld [tilespmem:s2+$0x4510]  }
0x3bc: {  	[tilespmem:s2+$0xC140] =	vst v6;
	v10 =	vld.idx.msk [tilespmem:v10+s3+$0x0], $0xffff  }
0x3bd: {  	v4 =	vld.idx.msk [tilespmem:v16+s3+$0x0], $0xffff  }
0x3be: {  	v15 =	vld [tilespmem:s2+$0x4520];
	[tilespmem:s0+$0xC5A0] =	vst v0  }
0x3bf: {  	v7 =	vld.idx.msk [tilespmem:v7+s3+$0x0], $0xffff  }
0x3c0: {  	v6 =	vld [tilespmem:s2+$0x41F0]  }
0x3c1: {  	[tilespmem:s2+$0xC1D0] =	vst v10;
	v10 =	vld [tilespmem:s1+$0x4100]  }
0x3c2: {  	[tilespmem:s2+$0xC150] =	vst v4;
	v4 =	vld.idx.msk [tilespmem:v8+s3+$0x0], $0xffff  }
0x3c3: {  	v0 =	vld [tilespmem:s0+$0x45B8]  }
0x3c4: {  	[tilespmem:s0+$0xC5B0] =	vst v7;
	v7 =	vld.idx.msk [tilespmem:v14+s3+$0x0], $0xffff  }
0x3c5: {  	v8 =	vld [tilespmem:s1+$0x4180]  }
0x3c6: {  	v14 =	vld [tilespmem:s1+$0x4110]  }
0x3c7: {  	[tilespmem:s2+$0xC1E0] =	vst v4;
	v4 =	vld [tilespmem:s2+$0x4580]  }
0x3c8: {  	v6 =	vld.idx.msk [tilespmem:v6+s3+$0x0], $0xffff  }
0x3c9: {  	v10 =	vld.idx.msk [tilespmem:v10+s3+$0x0], $0xffff  }
0x3ca: {  	v16 =	vld [tilespmem:s1+$0x4120]  }
0x3cb: {  	v11 =	vld.idx.msk [tilespmem:v0+s3+$0x0], $0xffff  }
0x3cc: {  	v0 =	vld [tilespmem:s2+$0x4538]  }
0x3cd: {  	v8 =	vld.idx.msk [tilespmem:v8+s3+$0x0], $0xffff;
	[tilespmem:s2+$0xC1F0] =	vst v6  }
0x3ce: {  	v6 =	vld [tilespmem:s2+$0x4590];
	[tilespmem:s1+$0xC100] =	vst v10  }
0x3cf: {  	v14 =	vld.idx.msk [tilespmem:v14+s3+$0x0], $0xffff  }
0x3d0: {  	v4 =	vld.idx.msk [tilespmem:v4+s3+$0x0], $0xffff  }
0x3d1: {  	[tilespmem:s0+$0xC5B8] =	vst v11;
	v11 =	vld [tilespmem:s4+$0x4538]  }
0x3d2: {  	[tilespmem:s1+$0xC180] =	vst v8;
	v8 =	vld [tilespmem:s1+$0x41A0]  }
0x3d3: {  	[tilespmem:s2+$0xC160] =	vst v7;
	v10 =	vld.idx.msk [tilespmem:v19+s3+$0x0], $0xffff  }
0x3d4: {  	[tilespmem:s1+$0xC110] =	vst v14;
	v14 =	vld.idx.msk [tilespmem:v17+s3+$0x0], $0xffff  }
0x3d5: {  	[tilespmem:s2+$0xC580] =	vst v4;
	v4 =	vld [tilespmem:s2+$0x45A0]  }
0x3d6: {  	v7 =	vld.idx.msk [tilespmem:v16+s3+$0x0], $0xffff  }
0x3d7: {  	v6 =	vld.idx.msk [tilespmem:v6+s3+$0x0], $0xffff  }
0x3d8: {  	[tilespmem:s1+$0xC190] =	vst v10;
	v10 =	vld [tilespmem:s1+$0x41B0]  }
0x3d9: {  	v19 =	vld [tilespmem:s1+$0x4160]  }
0x3da: {  	v8 =	vld.idx.msk [tilespmem:v8+s3+$0x0], $0xffff  }
0x3db: {  	v16 =	vld [tilespmem:s1+$0x4500];
	[tilespmem:s2+$0xC170] =	vst v14  }
0x3dc: {  	[tilespmem:s1+$0xC120] =	vst v7;
	v7 =	vld.idx.msk [tilespmem:v12+s3+$0x0], $0xffff  }
0x3dd: {  	[tilespmem:s2+$0xC590] =	vst v6;
	v6 =	vld [tilespmem:s2+$0x45B0]  }
0x3de: {  	v4 =	vld.idx.msk [tilespmem:v4+s3+$0x0], $0xffff  }
0x3df: {  	[tilespmem:s1+$0xC1A0] =	vst v8;
	v8 =	vld [tilespmem:s1+$0x41C0]  }
0x3e0: {  	[tilespmem:s0+$0xC510] =	vst v5;
	v5 =	vld.idx.msk [tilespmem:v10+s3+$0x0], $0xffff  }
0x3e1: {  	v10 =	vld.idx.msk [tilespmem:v1+s3+$0x0], $0xffff  }
0x3e2: {  	v1 =	vld.idx.msk [tilespmem:v18+s3+$0x0], $0xffff;
	[tilespmem:s2+$0xC500] =	vst v7  }
0x3e3: {  	v7 =	vld.idx.msk [tilespmem:v13+s3+$0x0], $0xffff  }
0x3e4: {  	[tilespmem:s2+$0xC5A0] =	vst v4;
	v4 =	vld [tilespmem:s2+$0x45B8]  }
0x3e5: {  	[tilespmem:s1+$0xC1B0] =	vst v5;
	v5 =	vld [tilespmem:s1+$0x41D0]  }
0x3e6: {  	v6 =	vld.idx.msk [tilespmem:v6+s3+$0x0], $0xffff  }
0x3e7: {  	v8 =	vld.idx.msk [tilespmem:v8+s3+$0x0], $0xffff  }
0x3e8: {  	v12 =	vld [tilespmem:s1+$0x4510];
	[tilespmem:s1+$0xC130] =	vst v1  }
0x3e9: {  	v14 =	vld.idx.msk [tilespmem:v20+s3+$0x0], $0xffff  }
0x3ea: {  	v13 =	vld [tilespmem:s1+$0x4520];
	[tilespmem:s2+$0xC510] =	vst v7  }
0x3eb: {  	v7 =	vld [tilespmem:s4+$0x4180];
	[tilespmem:s2+$0xC5B0] =	vst v6  }
0x3ec: {  	[tilespmem:s1+$0xC1C0] =	vst v8;
	v8 =	vld [tilespmem:s1+$0x41E0]  }
0x3ed: {  	v17 =	vld.idx.msk [tilespmem:v4+s3+$0x0], $0xffff  }
0x3ee: {  	[tilespmem:s1+$0xC140] =	vst v14;
	v5 =	vld.idx.msk [tilespmem:v5+s3+$0x0], $0xffff  }
0x3ef: {  	v4 =	vld.idx.msk [tilespmem:v21+s3+$0x0], $0xffff  }
0x3f0: {  	v1 =	vld [tilespmem:s1+$0x4530]  }
0x3f1: {  	[tilespmem:s0+$0xC520] =	vst v10;
	v10 =	vld [tilespmem:s4+$0x4110]  }
0x3f2: {  	v60 =	vld.idx.msk [tilespmem:v2+s3+$0x0], $0xffff  }
0x3f3: {  	[tilespmem:s1+$0xC1D0] =	vst v5;
	v5 =	vld [tilespmem:s1+$0x41F0]  }
0x3f4: {  	[tilespmem:s1+$0xC150] =	vst v4;
	v4 =	vld.idx.msk [tilespmem:v8+s3+$0x0], $0xffff  }
0x3f5: {  	v8 =	vld [tilespmem:s4+$0x4100]  }
0x3f6: {  	v2 =	vld [tilespmem:s1+$0x4538]  }
0x3f7: {  	v7 =	vld.idx.msk [tilespmem:v7+s3+$0x0], $0xffff  }
0x3f8: {  	v6 =	vld.idx.msk [tilespmem:v19+s3+$0x0], $0xffff  }
0x3f9: {  	[tilespmem:s1+$0xC1E0] =	vst v4;
	v4 =	vld [tilespmem:s1+$0x4580]  }
0x3fa: {  	v19 =	vld [tilespmem:s4+$0x4190]  }
0x3fb: {  	v5 =	vld.idx.msk [tilespmem:v5+s3+$0x0], $0xffff  }
0x3fc: {  	v18 =	vld.idx.msk [tilespmem:v15+s3+$0x0], $0xffff  }
0x3fd: {  	v8 =	vld.idx.msk [tilespmem:v8+s3+$0x0], $0xffff  }
0x3fe: {  	v15 =	vld [tilespmem:s4+$0x4130]  }
0x3ff: {  	[tilespmem:s4+$0xC180] =	vst v7;
	v7 =	vld [tilespmem:s4+$0x41A0]  }
0x400: {  	[tilespmem:s1+$0xC1F0] =	vst v5;
	v5 =	vld [tilespmem:s1+$0x4590]  }
0x401: {  	v4 =	vld.idx.msk [tilespmem:v4+s3+$0x0], $0xffff  }
0x402: {  	[tilespmem:s4+$0xC100] =	vst v8;
	v8 =	vld.idx.msk [tilespmem:v19+s3+$0x0], $0xffff  }
0x403: {  	v14 =	vld [tilespmem:s4+$0x4120]  }
0x404: {  	v19 =	vld.idx.msk [tilespmem:v10+s3+$0x0], $0xffff  }
0x405: {  	v10 =	vld [tilespmem:s4+$0x4160]  }
0x406: {  	[tilespmem:s1+$0xC580] =	vst v4;
	v4 =	vld [tilespmem:s4+$0x4170]  }
0x407: {  	[tilespmem:s4+$0xC190] =	vst v8;
	v8 =	vld [tilespmem:s4+$0x41B0]  }
0x408: {  	v5 =	vld.idx.msk [tilespmem:v5+s3+$0x0], $0xffff  }
0x409: {  	v7 =	vld.idx.msk [tilespmem:v7+s3+$0x0], $0xffff  }
0x40a: {  	[tilespmem:s4+$0xC110] =	vst v19;
	v19 =	vld [tilespmem:s1+$0x45B0]  }
0x40b: {  	[tilespmem:s1+$0xC160] =	vst v6;
	v6 =	vld.idx.msk [tilespmem:v14+s3+$0x0], $0xffff  }
0x40c: {  	v14 =	vld.idx.msk [tilespmem:v22+s3+$0x0], $0xffff  }
0x40d: {  	[tilespmem:s1+$0xC590] =	vst v5;
	v5 =	vld [tilespmem:s4+$0x4500]  }
0x40e: {  	v62 =	vld.idx.msk [tilespmem:v24+s3+$0x0], $0xffff  }
0x40f: {  	[tilespmem:s4+$0xC1A0] =	vst v7;
	v7 =	vld [tilespmem:s4+$0x4510]  }
0x410: {  	[tilespmem:s4+$0xC120] =	vst v6;
	v6 =	vld.idx.msk [tilespmem:v8+s3+$0x0], $0xffff  }
0x411: {  	[tilespmem:s1+$0xC170] =	vst v14;
	v8 =	vld.idx.msk [tilespmem:v15+s3+$0x0], $0xffff  }
0x412: {  	v14 =	vld.idx.msk [tilespmem:v16+s3+$0x0], $0xffff  }
0x413: {  	v15 =	vld [tilespmem:s1+$0x45B8];
	[tilespmem:s1+$0xC5A0] =	vst v62  }
0x414: {  	v16 =	vld.idx.msk [tilespmem:v19+s3+$0x0], $0xffff  }
0x415: {  	[tilespmem:s4+$0xC1B0] =	vst v6;
	v19 =	vld [tilespmem:s4+$0x41D0]  }
0x416: {  	[tilespmem:s4+$0xC130] =	vst v8;
	v8 =	vld [tilespmem:s4+$0x4520]  }
0x417: {  	v6 =	vld.idx.msk [tilespmem:v63+s3+$0x0], $0xffff  }
0x418: {  	[tilespmem:s1+$0xC500] =	vst v14;
	v21 =	vld.idx.msk [tilespmem:v61+s3+$0x0], $0xffff  }
0x419: {  	v12 =	vld.idx.msk [tilespmem:v12+s3+$0x0], $0xffff  }
0x41a: {  	v14 =	vld [tilespmem:s4+$0x41E0];
	[tilespmem:s1+$0xC5B0] =	vst v16  }
0x41b: {  	[tilespmem:s0+$0xC530] =	vst v60;
	v16 =	vld.idx.msk [tilespmem:v15+s3+$0x0], $0xffff  }
0x41c: {  	[tilespmem:s4+$0xC1C0] =	vst v6;
	v6 =	vld [tilespmem:s4+$0x4530]  }
0x41d: {  	[tilespmem:s4+$0xC140] =	vst v21;
	v19 =	vld.idx.msk [tilespmem:v19+s3+$0x0], $0xffff  }
0x41e: {  	[tilespmem:s1+$0xC510] =	vst v12;
	v15 =	vld.idx.msk [tilespmem:v23+s3+$0x0], $0xffff  }
0x41f: {  	[tilespmem:s2+$0xC520] =	vst v18;
	v13 =	vld.idx.msk [tilespmem:v13+s3+$0x0], $0xffff  }
0x420: {  	[tilespmem:s2+$0xC5B8] =	vst v17;
	v12 =	vld.idx.msk [tilespmem:v9+s3+$0x0], $0xffff  }
0x421: {  	v9 =	vld.idx.msk [tilespmem:v3+s3+$0x0], $0xffff;
	[tilespmem:s1+$0xC5B8] =	vst v16  }
0x422: {  	s6 =	simm.s32 $0x400;
	s7 =	simm.s32 $0x800;
	s5 =	simm.s32 $0x6;
	v16 =	vld [tilespmem:s4+$0x41F0];
	[tilespmem:s4+$0xC1D0] =	vst v19  }
.LBB2_8:
0x423: {  	s8 =	sand.u32 $0x3800, s7;
	s9 =	sand.u32 $0x300, s6;
	s5 =	sadd.s32 $0x2, s5;
	[tilespmem:s4+$0xC150] =	vst v15;
	v14 =	vld.idx.msk [tilespmem:v14+s3+$0x0], $0xffff  }
0x424: {  	s8 =	sor.u32 s9, s8;
	p0 =	slt.u32 s5, $0x3E;
	v10 =	vld.idx.msk [tilespmem:v10+s3+$0x0], $0xffff;
	[tilespmem:s1+$0xC520] =	vst v13  }
0x425: {  	v13 =	vld [tilespmem:s8+$0x4180];
	[tilespmem:s2+$0xC530] =	vst v12;
	v3 =	vmov v11  }
0x426: {  	v11 =	vld [tilespmem:s8+$0x4100]  }
0x427: {  	v12 =	vld [tilespmem:s8+$0x4110];
	[tilespmem:s0+$0xC538] =	vst v9;
	s0 =	smov.u32 s2;
	s2 =	smov.u32 s1;
	s1 =	smov.u32 s4  }
0x428: {  	s4 =	smov.u32 s8;
	v9 =	vld [tilespmem:s8+$0x4120]  }
0x429: {  	[tilespmem:s1+$0xC1E0] =	vst v14;
	v14 =	vld [tilespmem:s1+$0x4580]  }
0x42a: {  	[tilespmem:s1+$0xC160] =	vst v10;
	v10 =	vld.idx.msk [tilespmem:v16+s3+$0x0], $0xffff  }
0x42b: {  	v15 =	vld [tilespmem:s4+$0x4130]  }
0x42c: {  	v16 =	vld [tilespmem:s4+$0x4190]  }
0x42d: {  	v13 =	vld.idx.msk [tilespmem:v13+s3+$0x0], $0xffff  }
0x42e: {  	v11 =	vld.idx.msk [tilespmem:v11+s3+$0x0], $0xffff  }
0x42f: {  	v17 =	vld [tilespmem:s4+$0x4140]  }
0x430: {  	[tilespmem:s1+$0xC1F0] =	vst v10;
	v18 =	vld [tilespmem:s1+$0x4590]  }
0x431: {  	v14 =	vld.idx.msk [tilespmem:v14+s3+$0x0], $0xffff  }
0x432: {  	v19 =	vld [tilespmem:s4+$0x4150]  }
0x433: {  	[tilespmem:s4+$0xC180] =	vst v13;
	v13 =	vld [tilespmem:s4+$0x41A0]  }
0x434: {  	[tilespmem:s4+$0xC100] =	vst v11;
	v11 =	vld.idx.msk [tilespmem:v16+s3+$0x0], $0xffff  }
0x435: {  	v12 =	vld.idx.msk [tilespmem:v12+s3+$0x0], $0xffff  }
0x436: {  	v10 =	vld [tilespmem:s4+$0x4160]  }
0x437: {  	[tilespmem:s1+$0xC580] =	vst v14;
	v14 =	vld [tilespmem:s1+$0x45A0]  }
0x438: {  	v16 =	vld.idx.msk [tilespmem:v18+s3+$0x0], $0xffff  }
0x439: {  	v18 =	vld [tilespmem:s4+$0x4170]  }
0x43a: {  	[tilespmem:s4+$0xC190] =	vst v11;
	v11 =	vld [tilespmem:s4+$0x41B0]  }
0x43b: {  	[tilespmem:s4+$0xC110] =	vst v12;
	v12 =	vld.idx.msk [tilespmem:v13+s3+$0x0], $0xffff  }
0x43c: {  	v9 =	vld.idx.msk [tilespmem:v9+s3+$0x0], $0xffff  }
0x43d: {  	v13 =	vld.idx.msk [tilespmem:v4+s3+$0x0], $0xffff  }
0x43e: {  	[tilespmem:s1+$0xC590] =	vst v16;
	v16 =	vld [tilespmem:s1+$0x45B0];
	v4 =	vmov v18  }
0x43f: {  	v14 =	vld.idx.msk [tilespmem:v14+s3+$0x0], $0xffff  }
0x440: {  	v18 =	vld [tilespmem:s4+$0x4500]  }
0x441: {  	[tilespmem:s4+$0xC1A0] =	vst v12;
	v12 =	vld [tilespmem:s4+$0x41C0]  }
0x442: {  	[tilespmem:s4+$0xC120] =	vst v9;
	v9 =	vld.idx.msk [tilespmem:v11+s3+$0x0], $0xffff  }
0x443: {  	v11 =	vld.idx.msk [tilespmem:v15+s3+$0x0], $0xffff;
	[tilespmem:s1+$0xC170] =	vst v13  }
0x444: {  	v13 =	vld.idx.msk [tilespmem:v5+s3+$0x0], $0xffff  }
0x445: {  	[tilespmem:s1+$0xC5A0] =	vst v14;
	v14 =	vld [tilespmem:s1+$0x45B8];
	v5 =	vmov v18  }
0x446: {  	v15 =	vld.idx.msk [tilespmem:v16+s3+$0x0], $0xffff  }
0x447: {  	v16 =	vld [tilespmem:s4+$0x4510]  }
0x448: {  	[tilespmem:s4+$0xC1B0] =	vst v9;
	v9 =	vld [tilespmem:s4+$0x41D0]  }
0x449: {  	[tilespmem:s4+$0xC130] =	vst v11;
	v11 =	vld.idx.msk [tilespmem:v12+s3+$0x0], $0xffff  }
0x44a: {  	v12 =	vld.idx.msk [tilespmem:v17+s3+$0x0], $0xffff;
	[tilespmem:s1+$0xC500] =	vst v13  }
0x44b: {  	v13 =	vld.idx.msk [tilespmem:v7+s3+$0x0], $0xffff  }
0x44c: {  	v17 =	vld [tilespmem:s4+$0x4520];
	[tilespmem:s1+$0xC5B0] =	vst v15;
	v7 =	vmov v16  }
0x44d: {  	v16 =	vld.idx.msk [tilespmem:v14+s3+$0x0], $0xffff  }
0x44e: {  	v18 =	vld [tilespmem:s4+$0x4530]  }
0x44f: {  	[tilespmem:s4+$0xC1C0] =	vst v11;
	v14 =	vld [tilespmem:s4+$0x41E0]  }
0x450: {  	[tilespmem:s4+$0xC140] =	vst v12;
	v20 =	vld.idx.msk [tilespmem:v9+s3+$0x0], $0xffff  }
0x451: {  	v15 =	vld.idx.msk [tilespmem:v19+s3+$0x0], $0xffff;
	[tilespmem:s1+$0xC510] =	vst v13  }
.Ltmp3:
0x452: {  	v13 =	vld.idx.msk [tilespmem:v8+s3+$0x0], $0xffff;
	v8 =	vmov v17;
	(pc) =	sbr.rel @p0 .LBB2_8-.Ltmp3, $4  }
0x453: {  	[tilespmem:s1+$0xC5B8] =	vst v16;
	v12 =	vld.idx.msk [tilespmem:v1+s3+$0x0], $0xffff;
	v1 =	vmov v6;
	v6 =	vmov v18  }
0x454: {  	v11 =	vld [tilespmem:s4+$0x4538]  }
0x455: {  	v9 =	vld.idx.msk [tilespmem:v0+s3+$0x0], $0xffff;
	v0 =	vmov v2;
	v2 =	vmov v3  }
0x456: {  	s6 =	sadd.s32 $0x100, s6;
	s7 =	sadd.s32 $0x200, s7;
	[tilespmem:s4+$0xC1D0] =	vst v20;
	v16 =	vld [tilespmem:s4+$0x41F0]  }
0x457: {  	_ =	sdelay $0x3  }
0x458: {  	v3 =	vld.idx.msk [tilespmem:v14+s3+$0x0], $0xffff;
	_ =	sdelay $0x2  }
0x459: {  	[tilespmem:s4+$0xC150] =	vst v15  }
0x45a: {  	v10 =	vld.idx.msk [tilespmem:v10+s3+$0x0], $0xffff  }
0x45b: {  	[tilespmem:s4+$0xC1E0] =	vst v3;
	v3 =	vld [tilespmem:s4+$0x4580];
	_ =	sdelay $0x1  }
0x45c: {  	v14 =	vld.idx.msk [tilespmem:v16+s3+$0x0], $0xffff;
	_ =	sdelay $0x2  }
0x45d: {  	[tilespmem:s4+$0xC160] =	vst v10  }
0x45e: {  	v4 =	vld.idx.msk [tilespmem:v4+s3+$0x0], $0xffff  }
0x45f: {  	[tilespmem:s4+$0xC1F0] =	vst v14;
	v14 =	vld [tilespmem:s4+$0x4590]  }
0x460: {  	v3 =	vld.idx.msk [tilespmem:v3+s3+$0x0], $0xffff;
	_ =	sdelay $0x3  }
0x461: {  	[tilespmem:s4+$0xC170] =	vst v4  }
0x462: {  	[tilespmem:s4+$0xC580] =	vst v3;
	v3 =	vld [tilespmem:s4+$0x45A0]  }
0x463: {  	v4 =	vld.idx.msk [tilespmem:v5+s3+$0x0], $0xffff  }
0x464: {  	v10 =	vld.idx.msk [tilespmem:v14+s3+$0x0], $0xffff;
	_ =	sdelay $0x3  }
0x465: {  	[tilespmem:s4+$0xC500] =	vst v4  }
0x466: {  	v4 =	vld.idx.msk [tilespmem:v7+s3+$0x0], $0xffff;
	[tilespmem:s4+$0xC590] =	vst v10  }
0x467: {  	v3 =	vld.idx.msk [tilespmem:v3+s3+$0x0], $0xffff;
	_ =	sdelay $0x1  }
0x468: {  	v5 =	vld [tilespmem:s4+$0x45B0];
	_ =	sdelay $0x1  }
0x469: {  	[tilespmem:s4+$0xC510] =	vst v4  }
0x46a: {  	[tilespmem:s4+$0xC5A0] =	vst v3;
	v3 =	vld.idx.msk [tilespmem:v8+s3+$0x0], $0xffff;
	_ =	sdelay $0x2  }
0x46b: {  	[tilespmem:s1+$0xC520] =	vst v13;
	v4 =	vld [tilespmem:s4+$0x45B8]  }
0x46c: {  	v1 =	vld.idx.msk [tilespmem:v1+s3+$0x0], $0xffff  }
0x46d: {  	v5 =	vld.idx.msk [tilespmem:v5+s3+$0x0], $0xffff;
	[tilespmem:s4+$0xC520] =	vst v3  }
0x46e: {  	v3 =	vld.idx.msk [tilespmem:v6+s3+$0x0], $0xffff;
	_ =	sdelay $0x1  }
0x46f: {  	[tilespmem:s2+$0xC530] =	vst v12  }
0x470: {  	v0 =	vld.idx.msk [tilespmem:v0+s3+$0x0], $0xffff;
	[tilespmem:s1+$0xC530] =	vst v1  }
0x471: {  	v1 =	vld.idx.msk [tilespmem:v2+s3+$0x0], $0xffff;
	[tilespmem:s4+$0xC5B0] =	vst v5  }
0x472: {  	v4 =	vld.idx.msk [tilespmem:v4+s3+$0x0], $0xffff;
	[tilespmem:s4+$0xC530] =	vst v3  }
0x473: {  	v2 =	vld.idx.msk [tilespmem:v11+s3+$0x0], $0xffff  }
0x474: {  	[tilespmem:s0+$0xC538] =	vst v9  }
0x475: {  	[tilespmem:s2+$0xC538] =	vst v0  }
0x476: {  	[tilespmem:s1+$0xC538] =	vst v1  }
0x477: {  	[tilespmem:s4+$0xC5B8] =	vst v4  }
0x478: {  	s2 =	simm.s32 $0x0;
	[tilespmem:s4+$0xC538] =	vst v2  }
0x479: {  	[hbm4b:s12+s2] =	stream.linear.scatter [tilespmem:s28], [sflag:$0x4], $0x4000, $0x38;
	[tilespmem:$0x10100] =	vst v63  }
0x47a: {  	_ = 	snop  }
0x47b: {  	[tilespmem:s23], [sflag:$0x2] =	stream.linear.gather [hbm4b:s13+s2], $0x4000, $0x38;
	[tilespmem:$0x10100] =	vst v63  }
0x47c: {  	_ =	swait.ge [sflag:s24], $0x4000  }
0x47d: {  	[sflag:s24] =	ssyncset.done $0x0  }
0x47e: {  	[sflag:s24] =	ssyncadd.s32 $0xFFFFC000  }
0x47f: {  	_ =	swait.ge [sflag:s29], $0x4000  }
0x480: {  	s0 =	sand.u32 $0x300, s2;
	s4 =	sand.u32 $0x3800, s2;
	[sflag:s29] =	ssyncset.done $0x0  }
0x481: {  	s0 =	sor.u32 s0, s4;
	[sflag:s29] =	ssyncadd.s32 $0xFFFFC000  }
0x482: {  	v1 =	vld [tilespmem:s0+$0x100];
	_ =	sdelay $0x1  }
0x483: {  	v0 =	vld [tilespmem:s0+$0x180];
	_ =	sdelay $0x2  }
0x484: {  	v2 =	vld [tilespmem:s0+$0x190]  }
0x485: {  	v3 =	vld [tilespmem:s0+$0x110]  }
0x486: {  	v4 =	vld [tilespmem:s0+$0x120]  }
0x487: {  	v1 =	vld.idx.msk [tilespmem:v1+s3+$0x0], $0xffff  }
0x488: {  	v5 =	vld [tilespmem:s0+$0x130]  }
0x489: {  	v0 =	vld.idx.msk [tilespmem:v0+s3+$0x0], $0xffff  }
0x48a: {  	v6 =	vld [tilespmem:s0+$0x140]  }
0x48b: {  	v7 =	vld [tilespmem:s0+$0x150]  }
0x48c: {  	v8 =	vld [tilespmem:s0+$0x160];
	[tilespmem:s0+$0x8100] =	vst v1  }
0x48d: {  	v1 =	vld.idx.msk [tilespmem:v3+s3+$0x0], $0xffff  }
0x48e: {  	s5 =	simm.s32 $0x100;
	s6 =	simm.s32 $0x200;
	[tilespmem:s0+$0x8180] =	vst v0;
	v0 =	vld [tilespmem:s0+$0x1A0]  }
0x48f: {  	s1 =	sand.u32 $0x300, s5;
	s2 =	sand.u32 $0x3800, s6;
	v9 =	vld [tilespmem:s0+$0x170]  }
0x490: {  	s2 =	sor.u32 s1, s2;
	v2 =	vld.idx.msk [tilespmem:v2+s3+$0x0], $0xffff  }
0x491: {  	v11 =	vld [tilespmem:s2+$0x110]  }
0x492: {  	v12 =	vld [tilespmem:s2+$0x120];
	[tilespmem:s0+$0x8110] =	vst v1  }
0x493: {  	v1 =	vld.idx.msk [tilespmem:v4+s3+$0x0], $0xffff  }
0x494: {  	v13 =	vld [tilespmem:s2+$0x130]  }
0x495: {  	[tilespmem:s0+$0x8190] =	vst v2;
	v2 =	vld [tilespmem:s0+$0x1B0]  }
0x496: {  	v0 =	vld.idx.msk [tilespmem:v0+s3+$0x0], $0xffff  }
0x497: {  	v14 =	vld [tilespmem:s2+$0x190]  }
0x498: {  	v15 =	vld [tilespmem:s2+$0x140];
	[tilespmem:s0+$0x8120] =	vst v1  }
0x499: {  	v1 =	vld.idx.msk [tilespmem:v5+s3+$0x0], $0xffff  }
0x49a: {  	v16 =	vld [tilespmem:s2+$0x150]  }
0x49b: {  	s7 =	simm.s32 $0x200;
	s8 =	simm.s32 $0x400;
	[tilespmem:s0+$0x81A0] =	vst v0;
	v0 =	vld [tilespmem:s0+$0x1C0]  }
0x49c: {  	s4 =	sand.u32 $0x3800, s8;
	s1 =	sand.u32 $0x300, s7;
	v17 =	vld [tilespmem:s2+$0x170]  }
0x49d: {  	s1 =	sor.u32 s1, s4;
	v2 =	vld.idx.msk [tilespmem:v2+s3+$0x0], $0xffff  }
0x49e: {  	v18 =	vld [tilespmem:s1+$0x130];
	[tilespmem:s0+$0x8130] =	vst v1  }
0x49f: {  	v6 =	vld.idx.msk [tilespmem:v6+s3+$0x0], $0xffff  }
0x4a0: {  	v19 =	vld [tilespmem:s1+$0x190]  }
0x4a1: {  	v3 =	vld [tilespmem:s0+$0x1D0]  }
0x4a2: {  	v20 =	vld [tilespmem:s1+$0x140];
	[tilespmem:s0+$0x81B0] =	vst v2  }
0x4a3: {  	v0 =	vld.idx.msk [tilespmem:v0+s3+$0x0], $0xffff  }
0x4a4: {  	s9 =	simm.s32 $0x300;
	s5 =	simm.s32 $0x600;
	v21 =	vld [tilespmem:s1+$0x150];
	[tilespmem:s0+$0x8140] =	vst v6  }
0x4a5: {  	s5 =	sand.u32 $0x3800, s5;
	s4 =	sand.u32 $0x300, s9;
	v6 =	vld.idx.msk [tilespmem:v7+s3+$0x0], $0xffff  }
0x4a6: {  	s4 =	sor.u32 s4, s5;
	v22 =	vld [tilespmem:s1+$0x170]  }
0x4a7: {  	v61 =	vld [tilespmem:s4+$0x140]  }
0x4a8: {  	v23 =	vld [tilespmem:s4+$0x150];
	[tilespmem:s0+$0x81C0] =	vst v0  }
0x4a9: {  	v10 =	vld.idx.msk [tilespmem:v3+s3+$0x0], $0xffff  }
0x4aa: {  	v0 =	vld [tilespmem:s0+$0x1E0];
	[tilespmem:s0+$0x8150] =	vst v6  }
0x4ab: {  	v6 =	vld.idx.msk [tilespmem:v8+s3+$0x0], $0xffff  }
0x4ac: {  	v8 =	vld [tilespmem:s2+$0x180]  }
0x4ad: {  	v24 =	vld [tilespmem:s1+$0x5A0]  }
0x4ae: {  	[tilespmem:s0+$0x81D0] =	vst v10;
	v10 =	vld [tilespmem:s2+$0x100]  }
0x4af: {  	v63 =	vld [tilespmem:s4+$0x1C0]  }
0x4b0: {  	v4 =	vld [tilespmem:s0+$0x500]  }
0x4b1: {  	v5 =	vld [tilespmem:s0+$0x510]  }
0x4b2: {  	v7 =	vld [tilespmem:s0+$0x1F0]  }
0x4b3: {  	v0 =	vld.idx.msk [tilespmem:v0+s3+$0x0], $0xffff  }
0x4b4: {  	v8 =	vld.idx.msk [tilespmem:v8+s3+$0x0], $0xffff  }
0x4b5: {  	v1 =	vld [tilespmem:s0+$0x520]  }
0x4b6: {  	v10 =	vld.idx.msk [tilespmem:v10+s3+$0x0], $0xffff  }
0x4b7: {  	v2 =	vld [tilespmem:s0+$0x530]  }
0x4b8: {  	[tilespmem:s0+$0x81E0] =	vst v0;
	v0 =	vld [tilespmem:s0+$0x580]  }
0x4b9: {  	[tilespmem:s2+$0x8180] =	vst v8;
	v8 =	vld [tilespmem:s2+$0x1A0]  }
0x4ba: {  	v7 =	vld.idx.msk [tilespmem:v7+s3+$0x0], $0xffff  }
0x4bb: {  	[tilespmem:s2+$0x8100] =	vst v10;
	v10 =	vld.idx.msk [tilespmem:v14+s3+$0x0], $0xffff  }
0x4bc: {  	v3 =	vld [tilespmem:s0+$0x538];
	[tilespmem:s0+$0x8160] =	vst v6  }
0x4bd: {  	v9 =	vld.idx.msk [tilespmem:v9+s3+$0x0], $0xffff  }
0x4be: {  	v11 =	vld.idx.msk [tilespmem:v11+s3+$0x0], $0xffff  }
0x4bf: {  	[tilespmem:s0+$0x81F0] =	vst v7;
	v7 =	vld [tilespmem:s0+$0x590]  }
0x4c0: {  	[tilespmem:s2+$0x8190] =	vst v10;
	v10 =	vld [tilespmem:s2+$0x1B0]  }
0x4c1: {  	v8 =	vld.idx.msk [tilespmem:v8+s3+$0x0], $0xffff  }
0x4c2: {  	[tilespmem:s0+$0x8170] =	vst v9;
	v0 =	vld.idx.msk [tilespmem:v0+s3+$0x0], $0xffff  }
0x4c3: {  	v9 =	vld [tilespmem:s2+$0x530];
	[tilespmem:s2+$0x8110] =	vst v11  }
0x4c4: {  	v6 =	vld.idx.msk [tilespmem:v12+s3+$0x0], $0xffff  }
0x4c5: {  	v4 =	vld.idx.msk [tilespmem:v4+s3+$0x0], $0xffff  }
0x4c6: {  	[tilespmem:s2+$0x81A0] =	vst v8;
	v8 =	vld [tilespmem:s2+$0x1C0]  }
0x4c7: {  	[tilespmem:s0+$0x8580] =	vst v0;
	v0 =	vld [tilespmem:s0+$0x5A0]  }
0x4c8: {  	v10 =	vld.idx.msk [tilespmem:v10+s3+$0x0], $0xffff  }
0x4c9: {  	v7 =	vld.idx.msk [tilespmem:v7+s3+$0x0], $0xffff;
	[tilespmem:s2+$0x8120] =	vst v6  }
0x4ca: {  	v6 =	vld.idx.msk [tilespmem:v13+s3+$0x0], $0xffff  }
0x4cb: {  	v14 =	vld [tilespmem:s2+$0x160];
	[tilespmem:s0+$0x8500] =	vst v4  }
0x4cc: {  	v5 =	vld.idx.msk [tilespmem:v5+s3+$0x0], $0xffff  }
0x4cd: {  	[tilespmem:s2+$0x81B0] =	vst v10;
	v10 =	vld [tilespmem:s2+$0x1D0]  }
0x4ce: {  	[tilespmem:s0+$0x8590] =	vst v7;
	v8 =	vld.idx.msk [tilespmem:v8+s3+$0x0], $0xffff  }
0x4cf: {  	v7 =	vld [tilespmem:s0+$0x5B0];
	[tilespmem:s2+$0x8130] =	vst v6  }
0x4d0: {  	v6 =	vld.idx.msk [tilespmem:v15+s3+$0x0], $0xffff  }
0x4d1: {  	v12 =	vld [tilespmem:s2+$0x500]  }
0x4d2: {  	v0 =	vld.idx.msk [tilespmem:v0+s3+$0x0], $0xffff  }
0x4d3: {  	[tilespmem:s2+$0x81C0] =	vst v8;
	v8 =	vld [tilespmem:s2+$0x1E0]  }
0x4d4: {  	v13 =	vld [tilespmem:s2+$0x510]  }
0x4d5: {  	[tilespmem:s2+$0x8140] =	vst v6;
	v10 =	vld.idx.msk [tilespmem:v10+s3+$0x0], $0xffff  }
0x4d6: {  	v4 =	vld.idx.msk [tilespmem:v16+s3+$0x0], $0xffff  }
0x4d7: {  	v15 =	vld [tilespmem:s2+$0x520];
	[tilespmem:s0+$0x85A0] =	vst v0  }
0x4d8: {  	v7 =	vld.idx.msk [tilespmem:v7+s3+$0x0], $0xffff  }
0x4d9: {  	v6 =	vld [tilespmem:s2+$0x1F0]  }
0x4da: {  	[tilespmem:s2+$0x81D0] =	vst v10;
	v10 =	vld [tilespmem:s1+$0x100]  }
0x4db: {  	[tilespmem:s2+$0x8150] =	vst v4;
	v4 =	vld.idx.msk [tilespmem:v8+s3+$0x0], $0xffff  }
0x4dc: {  	v0 =	vld [tilespmem:s0+$0x5B8]  }
0x4dd: {  	[tilespmem:s0+$0x85B0] =	vst v7;
	v7 =	vld.idx.msk [tilespmem:v14+s3+$0x0], $0xffff  }
0x4de: {  	v8 =	vld [tilespmem:s1+$0x180]  }
0x4df: {  	v14 =	vld [tilespmem:s1+$0x110]  }
0x4e0: {  	[tilespmem:s2+$0x81E0] =	vst v4;
	v4 =	vld [tilespmem:s2+$0x580]  }
0x4e1: {  	v6 =	vld.idx.msk [tilespmem:v6+s3+$0x0], $0xffff  }
0x4e2: {  	v10 =	vld.idx.msk [tilespmem:v10+s3+$0x0], $0xffff  }
0x4e3: {  	v16 =	vld [tilespmem:s1+$0x120]  }
0x4e4: {  	v11 =	vld.idx.msk [tilespmem:v0+s3+$0x0], $0xffff  }
0x4e5: {  	v0 =	vld [tilespmem:s2+$0x538]  }
0x4e6: {  	v8 =	vld.idx.msk [tilespmem:v8+s3+$0x0], $0xffff;
	[tilespmem:s2+$0x81F0] =	vst v6  }
0x4e7: {  	v6 =	vld [tilespmem:s2+$0x590];
	[tilespmem:s1+$0x8100] =	vst v10  }
0x4e8: {  	v14 =	vld.idx.msk [tilespmem:v14+s3+$0x0], $0xffff  }
0x4e9: {  	v4 =	vld.idx.msk [tilespmem:v4+s3+$0x0], $0xffff  }
0x4ea: {  	[tilespmem:s0+$0x85B8] =	vst v11;
	v11 =	vld [tilespmem:s4+$0x538]  }
0x4eb: {  	[tilespmem:s1+$0x8180] =	vst v8;
	v8 =	vld [tilespmem:s1+$0x1A0]  }
0x4ec: {  	[tilespmem:s2+$0x8160] =	vst v7;
	v10 =	vld.idx.msk [tilespmem:v19+s3+$0x0], $0xffff  }
0x4ed: {  	[tilespmem:s1+$0x8110] =	vst v14;
	v14 =	vld.idx.msk [tilespmem:v17+s3+$0x0], $0xffff  }
0x4ee: {  	[tilespmem:s2+$0x8580] =	vst v4;
	v4 =	vld [tilespmem:s2+$0x5A0]  }
0x4ef: {  	v7 =	vld.idx.msk [tilespmem:v16+s3+$0x0], $0xffff  }
0x4f0: {  	v6 =	vld.idx.msk [tilespmem:v6+s3+$0x0], $0xffff  }
0x4f1: {  	[tilespmem:s1+$0x8190] =	vst v10;
	v10 =	vld [tilespmem:s1+$0x1B0]  }
0x4f2: {  	v19 =	vld [tilespmem:s1+$0x160]  }
0x4f3: {  	v8 =	vld.idx.msk [tilespmem:v8+s3+$0x0], $0xffff  }
0x4f4: {  	v16 =	vld [tilespmem:s1+$0x500];
	[tilespmem:s2+$0x8170] =	vst v14  }
0x4f5: {  	[tilespmem:s1+$0x8120] =	vst v7;
	v7 =	vld.idx.msk [tilespmem:v12+s3+$0x0], $0xffff  }
0x4f6: {  	[tilespmem:s2+$0x8590] =	vst v6;
	v6 =	vld [tilespmem:s2+$0x5B0]  }
0x4f7: {  	v4 =	vld.idx.msk [tilespmem:v4+s3+$0x0], $0xffff  }
0x4f8: {  	[tilespmem:s1+$0x81A0] =	vst v8;
	v8 =	vld [tilespmem:s1+$0x1C0]  }
0x4f9: {  	[tilespmem:s0+$0x8510] =	vst v5;
	v5 =	vld.idx.msk [tilespmem:v10+s3+$0x0], $0xffff  }
0x4fa: {  	v10 =	vld.idx.msk [tilespmem:v1+s3+$0x0], $0xffff  }
0x4fb: {  	v1 =	vld.idx.msk [tilespmem:v18+s3+$0x0], $0xffff;
	[tilespmem:s2+$0x8500] =	vst v7  }
0x4fc: {  	v7 =	vld.idx.msk [tilespmem:v13+s3+$0x0], $0xffff  }
0x4fd: {  	[tilespmem:s2+$0x85A0] =	vst v4;
	v4 =	vld [tilespmem:s2+$0x5B8]  }
0x4fe: {  	[tilespmem:s1+$0x81B0] =	vst v5;
	v5 =	vld [tilespmem:s1+$0x1D0]  }
0x4ff: {  	v6 =	vld.idx.msk [tilespmem:v6+s3+$0x0], $0xffff  }
0x500: {  	v8 =	vld.idx.msk [tilespmem:v8+s3+$0x0], $0xffff  }
0x501: {  	v12 =	vld [tilespmem:s1+$0x510];
	[tilespmem:s1+$0x8130] =	vst v1  }
0x502: {  	v14 =	vld.idx.msk [tilespmem:v20+s3+$0x0], $0xffff  }
0x503: {  	v13 =	vld [tilespmem:s1+$0x520];
	[tilespmem:s2+$0x8510] =	vst v7  }
0x504: {  	v7 =	vld [tilespmem:s4+$0x180];
	[tilespmem:s2+$0x85B0] =	vst v6  }
0x505: {  	[tilespmem:s1+$0x81C0] =	vst v8;
	v8 =	vld [tilespmem:s1+$0x1E0]  }
0x506: {  	v17 =	vld.idx.msk [tilespmem:v4+s3+$0x0], $0xffff  }
0x507: {  	[tilespmem:s1+$0x8140] =	vst v14;
	v5 =	vld.idx.msk [tilespmem:v5+s3+$0x0], $0xffff  }
0x508: {  	v4 =	vld.idx.msk [tilespmem:v21+s3+$0x0], $0xffff  }
0x509: {  	v1 =	vld [tilespmem:s1+$0x530]  }
0x50a: {  	[tilespmem:s0+$0x8520] =	vst v10;
	v10 =	vld [tilespmem:s4+$0x110]  }
0x50b: {  	v60 =	vld.idx.msk [tilespmem:v2+s3+$0x0], $0xffff  }
0x50c: {  	[tilespmem:s1+$0x81D0] =	vst v5;
	v5 =	vld [tilespmem:s1+$0x1F0]  }
0x50d: {  	[tilespmem:s1+$0x8150] =	vst v4;
	v4 =	vld.idx.msk [tilespmem:v8+s3+$0x0], $0xffff  }
0x50e: {  	v8 =	vld [tilespmem:s4+$0x100]  }
0x50f: {  	v2 =	vld [tilespmem:s1+$0x538]  }
0x510: {  	v7 =	vld.idx.msk [tilespmem:v7+s3+$0x0], $0xffff  }
0x511: {  	v6 =	vld.idx.msk [tilespmem:v19+s3+$0x0], $0xffff  }
0x512: {  	[tilespmem:s1+$0x81E0] =	vst v4;
	v4 =	vld [tilespmem:s1+$0x580]  }
0x513: {  	v19 =	vld [tilespmem:s4+$0x190]  }
0x514: {  	v5 =	vld.idx.msk [tilespmem:v5+s3+$0x0], $0xffff  }
0x515: {  	v18 =	vld.idx.msk [tilespmem:v15+s3+$0x0], $0xffff  }
0x516: {  	v8 =	vld.idx.msk [tilespmem:v8+s3+$0x0], $0xffff  }
0x517: {  	v15 =	vld [tilespmem:s4+$0x130]  }
0x518: {  	[tilespmem:s4+$0x8180] =	vst v7;
	v7 =	vld [tilespmem:s4+$0x1A0]  }
0x519: {  	[tilespmem:s1+$0x81F0] =	vst v5;
	v5 =	vld [tilespmem:s1+$0x590]  }
0x51a: {  	v4 =	vld.idx.msk [tilespmem:v4+s3+$0x0], $0xffff  }
0x51b: {  	[tilespmem:s4+$0x8100] =	vst v8;
	v8 =	vld.idx.msk [tilespmem:v19+s3+$0x0], $0xffff  }
0x51c: {  	v14 =	vld [tilespmem:s4+$0x120]  }
0x51d: {  	v19 =	vld.idx.msk [tilespmem:v10+s3+$0x0], $0xffff  }
0x51e: {  	v10 =	vld [tilespmem:s4+$0x160]  }
0x51f: {  	[tilespmem:s1+$0x8580] =	vst v4;
	v4 =	vld [tilespmem:s4+$0x170]  }
0x520: {  	[tilespmem:s4+$0x8190] =	vst v8;
	v8 =	vld [tilespmem:s4+$0x1B0]  }
0x521: {  	v5 =	vld.idx.msk [tilespmem:v5+s3+$0x0], $0xffff  }
0x522: {  	v7 =	vld.idx.msk [tilespmem:v7+s3+$0x0], $0xffff  }
0x523: {  	[tilespmem:s4+$0x8110] =	vst v19;
	v19 =	vld [tilespmem:s1+$0x5B0]  }
0x524: {  	[tilespmem:s1+$0x8160] =	vst v6;
	v6 =	vld.idx.msk [tilespmem:v14+s3+$0x0], $0xffff  }
0x525: {  	v14 =	vld.idx.msk [tilespmem:v22+s3+$0x0], $0xffff  }
0x526: {  	[tilespmem:s1+$0x8590] =	vst v5;
	v5 =	vld [tilespmem:s4+$0x500]  }
0x527: {  	v62 =	vld.idx.msk [tilespmem:v24+s3+$0x0], $0xffff  }
0x528: {  	[tilespmem:s4+$0x81A0] =	vst v7;
	v7 =	vld [tilespmem:s4+$0x510]  }
0x529: {  	[tilespmem:s4+$0x8120] =	vst v6;
	v6 =	vld.idx.msk [tilespmem:v8+s3+$0x0], $0xffff  }
0x52a: {  	[tilespmem:s1+$0x8170] =	vst v14;
	v8 =	vld.idx.msk [tilespmem:v15+s3+$0x0], $0xffff  }
0x52b: {  	v14 =	vld.idx.msk [tilespmem:v16+s3+$0x0], $0xffff  }
0x52c: {  	v15 =	vld [tilespmem:s1+$0x5B8];
	[tilespmem:s1+$0x85A0] =	vst v62  }
0x52d: {  	v16 =	vld.idx.msk [tilespmem:v19+s3+$0x0], $0xffff  }
0x52e: {  	[tilespmem:s4+$0x81B0] =	vst v6;
	v19 =	vld [tilespmem:s4+$0x1D0]  }
0x52f: {  	[tilespmem:s4+$0x8130] =	vst v8;
	v8 =	vld [tilespmem:s4+$0x520]  }
0x530: {  	v6 =	vld.idx.msk [tilespmem:v63+s3+$0x0], $0xffff  }
0x531: {  	[tilespmem:s1+$0x8500] =	vst v14;
	v21 =	vld.idx.msk [tilespmem:v61+s3+$0x0], $0xffff  }
0x532: {  	v12 =	vld.idx.msk [tilespmem:v12+s3+$0x0], $0xffff  }
0x533: {  	v14 =	vld [tilespmem:s4+$0x1E0];
	[tilespmem:s1+$0x85B0] =	vst v16  }
0x534: {  	[tilespmem:s0+$0x8530] =	vst v60;
	v16 =	vld.idx.msk [tilespmem:v15+s3+$0x0], $0xffff  }
0x535: {  	[tilespmem:s4+$0x81C0] =	vst v6;
	v6 =	vld [tilespmem:s4+$0x530]  }
0x536: {  	[tilespmem:s4+$0x8140] =	vst v21;
	v19 =	vld.idx.msk [tilespmem:v19+s3+$0x0], $0xffff  }
0x537: {  	[tilespmem:s1+$0x8510] =	vst v12;
	v15 =	vld.idx.msk [tilespmem:v23+s3+$0x0], $0xffff  }
0x538: {  	[tilespmem:s2+$0x8520] =	vst v18;
	v13 =	vld.idx.msk [tilespmem:v13+s3+$0x0], $0xffff  }
0x539: {  	[tilespmem:s2+$0x85B8] =	vst v17;
	v12 =	vld.idx.msk [tilespmem:v9+s3+$0x0], $0xffff  }
0x53a: {  	v9 =	vld.idx.msk [tilespmem:v3+s3+$0x0], $0xffff;
	[tilespmem:s1+$0x85B8] =	vst v16  }
0x53b: {  	s6 =	simm.s32 $0x400;
	s7 =	simm.s32 $0x800;
	s5 =	simm.s32 $0x6;
	v16 =	vld [tilespmem:s4+$0x1F0];
	[tilespmem:s4+$0x81D0] =	vst v19  }
.LBB2_10:
0x53c: {  	s8 =	sand.u32 $0x3800, s7;
	s9 =	sand.u32 $0x300, s6;
	s5 =	sadd.s32 $0x2, s5;
	[tilespmem:s4+$0x8150] =	vst v15;
	v14 =	vld.idx.msk [tilespmem:v14+s3+$0x0], $0xffff  }
0x53d: {  	s8 =	sor.u32 s9, s8;
	p0 =	slt.u32 s5, $0x3E;
	v10 =	vld.idx.msk [tilespmem:v10+s3+$0x0], $0xffff;
	[tilespmem:s1+$0x8520] =	vst v13  }
0x53e: {  	v13 =	vld [tilespmem:s8+$0x180];
	[tilespmem:s2+$0x8530] =	vst v12;
	v3 =	vmov v11  }
0x53f: {  	v11 =	vld [tilespmem:s8+$0x100]  }
0x540: {  	v12 =	vld [tilespmem:s8+$0x110];
	[tilespmem:s0+$0x8538] =	vst v9;
	s0 =	smov.u32 s2;
	s2 =	smov.u32 s1;
	s1 =	smov.u32 s4  }
0x541: {  	s4 =	smov.u32 s8;
	v9 =	vld [tilespmem:s8+$0x120]  }
0x542: {  	[tilespmem:s1+$0x81E0] =	vst v14;
	v14 =	vld [tilespmem:s1+$0x580]  }
0x543: {  	[tilespmem:s1+$0x8160] =	vst v10;
	v10 =	vld.idx.msk [tilespmem:v16+s3+$0x0], $0xffff  }
0x544: {  	v15 =	vld [tilespmem:s4+$0x130]  }
0x545: {  	v16 =	vld [tilespmem:s4+$0x190]  }
0x546: {  	v13 =	vld.idx.msk [tilespmem:v13+s3+$0x0], $0xffff  }
0x547: {  	v11 =	vld.idx.msk [tilespmem:v11+s3+$0x0], $0xffff  }
0x548: {  	v17 =	vld [tilespmem:s4+$0x140]  }
0x549: {  	[tilespmem:s1+$0x81F0] =	vst v10;
	v18 =	vld [tilespmem:s1+$0x590]  }
0x54a: {  	v14 =	vld.idx.msk [tilespmem:v14+s3+$0x0], $0xffff  }
0x54b: {  	v19 =	vld [tilespmem:s4+$0x150]  }
0x54c: {  	[tilespmem:s4+$0x8180] =	vst v13;
	v13 =	vld [tilespmem:s4+$0x1A0]  }
0x54d: {  	[tilespmem:s4+$0x8100] =	vst v11;
	v11 =	vld.idx.msk [tilespmem:v16+s3+$0x0], $0xffff  }
0x54e: {  	v12 =	vld.idx.msk [tilespmem:v12+s3+$0x0], $0xffff  }
0x54f: {  	v10 =	vld [tilespmem:s4+$0x160]  }
0x550: {  	[tilespmem:s1+$0x8580] =	vst v14;
	v14 =	vld [tilespmem:s1+$0x5A0]  }
0x551: {  	v16 =	vld.idx.msk [tilespmem:v18+s3+$0x0], $0xffff  }
0x552: {  	v18 =	vld [tilespmem:s4+$0x170]  }
0x553: {  	[tilespmem:s4+$0x8190] =	vst v11;
	v11 =	vld [tilespmem:s4+$0x1B0]  }
0x554: {  	[tilespmem:s4+$0x8110] =	vst v12;
	v12 =	vld.idx.msk [tilespmem:v13+s3+$0x0], $0xffff  }
0x555: {  	v9 =	vld.idx.msk [tilespmem:v9+s3+$0x0], $0xffff  }
0x556: {  	v13 =	vld.idx.msk [tilespmem:v4+s3+$0x0], $0xffff  }
0x557: {  	[tilespmem:s1+$0x8590] =	vst v16;
	v16 =	vld [tilespmem:s1+$0x5B0];
	v4 =	vmov v18  }
0x558: {  	v14 =	vld.idx.msk [tilespmem:v14+s3+$0x0], $0xffff  }
0x559: {  	v18 =	vld [tilespmem:s4+$0x500]  }
0x55a: {  	[tilespmem:s4+$0x81A0] =	vst v12;
	v12 =	vld [tilespmem:s4+$0x1C0]  }
0x55b: {  	[tilespmem:s4+$0x8120] =	vst v9;
	v9 =	vld.idx.msk [tilespmem:v11+s3+$0x0], $0xffff  }
0x55c: {  	v11 =	vld.idx.msk [tilespmem:v15+s3+$0x0], $0xffff;
	[tilespmem:s1+$0x8170] =	vst v13  }
0x55d: {  	v13 =	vld.idx.msk [tilespmem:v5+s3+$0x0], $0xffff  }
0x55e: {  	[tilespmem:s1+$0x85A0] =	vst v14;
	v14 =	vld [tilespmem:s1+$0x5B8];
	v5 =	vmov v18  }
0x55f: {  	v15 =	vld.idx.msk [tilespmem:v16+s3+$0x0], $0xffff  }
0x560: {  	v16 =	vld [tilespmem:s4+$0x510]  }
0x561: {  	[tilespmem:s4+$0x81B0] =	vst v9;
	v9 =	vld [tilespmem:s4+$0x1D0]  }
0x562: {  	[tilespmem:s4+$0x8130] =	vst v11;
	v11 =	vld.idx.msk [tilespmem:v12+s3+$0x0], $0xffff  }
0x563: {  	v12 =	vld.idx.msk [tilespmem:v17+s3+$0x0], $0xffff;
	[tilespmem:s1+$0x8500] =	vst v13  }
0x564: {  	v13 =	vld.idx.msk [tilespmem:v7+s3+$0x0], $0xffff  }
0x565: {  	v17 =	vld [tilespmem:s4+$0x520];
	[tilespmem:s1+$0x85B0] =	vst v15;
	v7 =	vmov v16  }
0x566: {  	v16 =	vld.idx.msk [tilespmem:v14+s3+$0x0], $0xffff  }
0x567: {  	v18 =	vld [tilespmem:s4+$0x530]  }
0x568: {  	[tilespmem:s4+$0x81C0] =	vst v11;
	v14 =	vld [tilespmem:s4+$0x1E0]  }
0x569: {  	[tilespmem:s4+$0x8140] =	vst v12;
	v20 =	vld.idx.msk [tilespmem:v9+s3+$0x0], $0xffff  }
0x56a: {  	v15 =	vld.idx.msk [tilespmem:v19+s3+$0x0], $0xffff;
	[tilespmem:s1+$0x8510] =	vst v13  }
.Ltmp4:
0x56b: {  	v13 =	vld.idx.msk [tilespmem:v8+s3+$0x0], $0xffff;
	v8 =	vmov v17;
	(pc) =	sbr.rel @p0 .LBB2_10-.Ltmp4, $4  }
0x56c: {  	[tilespmem:s1+$0x85B8] =	vst v16;
	v12 =	vld.idx.msk [tilespmem:v1+s3+$0x0], $0xffff;
	v1 =	vmov v6;
	v6 =	vmov v18  }
0x56d: {  	v11 =	vld [tilespmem:s4+$0x538]  }
0x56e: {  	v9 =	vld.idx.msk [tilespmem:v0+s3+$0x0], $0xffff;
	v0 =	vmov v2;
	v2 =	vmov v3  }
0x56f: {  	s6 =	sadd.s32 $0x100, s6;
	s7 =	sadd.s32 $0x200, s7;
	[tilespmem:s4+$0x81D0] =	vst v20;
	v16 =	vld [tilespmem:s4+$0x1F0]  }
0x570: {  	_ =	sdelay $0x3  }
0x571: {  	v3 =	vld.idx.msk [tilespmem:v14+s3+$0x0], $0xffff;
	_ =	sdelay $0x2  }
0x572: {  	[tilespmem:s4+$0x8150] =	vst v15  }
0x573: {  	v10 =	vld.idx.msk [tilespmem:v10+s3+$0x0], $0xffff  }
0x574: {  	[tilespmem:s4+$0x81E0] =	vst v3;
	v3 =	vld [tilespmem:s4+$0x580];
	_ =	sdelay $0x1  }
0x575: {  	v14 =	vld.idx.msk [tilespmem:v16+s3+$0x0], $0xffff;
	_ =	sdelay $0x2  }
0x576: {  	[tilespmem:s4+$0x8160] =	vst v10  }
0x577: {  	v4 =	vld.idx.msk [tilespmem:v4+s3+$0x0], $0xffff  }
0x578: {  	[tilespmem:s4+$0x81F0] =	vst v14;
	v14 =	vld [tilespmem:s4+$0x590]  }
0x579: {  	v3 =	vld.idx.msk [tilespmem:v3+s3+$0x0], $0xffff;
	_ =	sdelay $0x3  }
0x57a: {  	[tilespmem:s4+$0x8170] =	vst v4  }
0x57b: {  	[tilespmem:s4+$0x8580] =	vst v3;
	v3 =	vld [tilespmem:s4+$0x5A0]  }
0x57c: {  	v4 =	vld.idx.msk [tilespmem:v5+s3+$0x0], $0xffff  }
0x57d: {  	v10 =	vld.idx.msk [tilespmem:v14+s3+$0x0], $0xffff;
	_ =	sdelay $0x3  }
0x57e: {  	[tilespmem:s4+$0x8500] =	vst v4  }
0x57f: {  	v4 =	vld.idx.msk [tilespmem:v7+s3+$0x0], $0xffff;
	[tilespmem:s4+$0x8590] =	vst v10  }
0x580: {  	v3 =	vld.idx.msk [tilespmem:v3+s3+$0x0], $0xffff;
	_ =	sdelay $0x1  }
0x581: {  	v5 =	vld [tilespmem:s4+$0x5B0];
	_ =	sdelay $0x1  }
0x582: {  	[tilespmem:s4+$0x8510] =	vst v4  }
0x583: {  	[tilespmem:s4+$0x85A0] =	vst v3;
	v3 =	vld.idx.msk [tilespmem:v8+s3+$0x0], $0xffff;
	_ =	sdelay $0x2  }
0x584: {  	[tilespmem:s1+$0x8520] =	vst v13;
	v4 =	vld [tilespmem:s4+$0x5B8]  }
0x585: {  	v1 =	vld.idx.msk [tilespmem:v1+s3+$0x0], $0xffff  }
0x586: {  	v5 =	vld.idx.msk [tilespmem:v5+s3+$0x0], $0xffff;
	[tilespmem:s4+$0x8520] =	vst v3  }
0x587: {  	v3 =	vld.idx.msk [tilespmem:v6+s3+$0x0], $0xffff;
	_ =	sdelay $0x1  }
0x588: {  	[tilespmem:s2+$0x8530] =	vst v12  }
0x589: {  	v0 =	vld.idx.msk [tilespmem:v0+s3+$0x0], $0xffff;
	[tilespmem:s1+$0x8530] =	vst v1  }
0x58a: {  	v1 =	vld.idx.msk [tilespmem:v2+s3+$0x0], $0xffff;
	[tilespmem:s4+$0x85B0] =	vst v5  }
0x58b: {  	v4 =	vld.idx.msk [tilespmem:v4+s3+$0x0], $0xffff;
	[tilespmem:s4+$0x8530] =	vst v3  }
0x58c: {  	v2 =	vld.idx.msk [tilespmem:v11+s3+$0x0], $0xffff  }
0x58d: {  	[tilespmem:s0+$0x8538] =	vst v9  }
0x58e: {  	[tilespmem:s2+$0x8538] =	vst v0  }
0x58f: {  	[tilespmem:s1+$0x8538] =	vst v1  }
0x590: {  	[tilespmem:s4+$0x85B8] =	vst v4  }
0x591: {  	s2 =	simm.s32 $0x0;
	[tilespmem:s4+$0x8538] =	vst v2  }
0x592: {  	[hbm4b:s14+s2] =	stream.linear.scatter [tilespmem:s25], [sflag:$0x3], $0x4000, $0x38;
	[tilespmem:$0x10100] =	vst v63  }
0x593: {  	_ = 	snop  }
0x594: {  	[tilespmem:s22], [sflag:$0x1] =	stream.linear.gather [hbm4b:s15+s2], $0x4000, $0x38;
	[tilespmem:$0x10100] =	vst v63  }
0x595: {  	_ =	swait.ge [sflag:s26], $0x4000  }
0x596: {  	[sflag:s26] =	ssyncset.done $0x0  }
0x597: {  	[sflag:s26] =	ssyncadd.s32 $0xFFFFC000  }
0x598: {  	_ =	swait.ge [sflag:s30], $0x4000  }
0x599: {  	s0 =	sand.u32 $0x300, s2;
	s4 =	sand.u32 $0x3800, s2;
	[sflag:s30] =	ssyncset.done $0x0  }
0x59a: {  	s0 =	sor.u32 s0, s4;
	[sflag:s30] =	ssyncadd.s32 $0xFFFFC000  }
0x59b: {  	v1 =	vld [tilespmem:s0+$0x4100];
	_ =	sdelay $0x1  }
0x59c: {  	v0 =	vld [tilespmem:s0+$0x4180];
	_ =	sdelay $0x2  }
0x59d: {  	v2 =	vld [tilespmem:s0+$0x4190]  }
0x59e: {  	v3 =	vld [tilespmem:s0+$0x4110]  }
0x59f: {  	v4 =	vld [tilespmem:s0+$0x4120]  }
0x5a0: {  	v1 =	vld.idx.msk [tilespmem:v1+s3+$0x0], $0xffff  }
0x5a1: {  	v5 =	vld [tilespmem:s0+$0x4130]  }
0x5a2: {  	v0 =	vld.idx.msk [tilespmem:v0+s3+$0x0], $0xffff  }
0x5a3: {  	v6 =	vld [tilespmem:s0+$0x4140]  }
0x5a4: {  	v7 =	vld [tilespmem:s0+$0x4150]  }
0x5a5: {  	v8 =	vld [tilespmem:s0+$0x4160];
	[tilespmem:s0+$0xC100] =	vst v1  }
0x5a6: {  	v1 =	vld.idx.msk [tilespmem:v3+s3+$0x0], $0xffff  }
0x5a7: {  	s5 =	simm.s32 $0x100;
	s6 =	simm.s32 $0x200;
	[tilespmem:s0+$0xC180] =	vst v0;
	v0 =	vld [tilespmem:s0+$0x41A0]  }
0x5a8: {  	s1 =	sand.u32 $0x300, s5;
	s2 =	sand.u32 $0x3800, s6;
	v9 =	vld [tilespmem:s0+$0x4170]  }
0x5a9: {  	s2 =	sor.u32 s1, s2;
	v2 =	vld.idx.msk [tilespmem:v2+s3+$0x0], $0xffff  }
0x5aa: {  	v11 =	vld [tilespmem:s2+$0x4110]  }
0x5ab: {  	v12 =	vld [tilespmem:s2+$0x4120];
	[tilespmem:s0+$0xC110] =	vst v1  }
0x5ac: {  	v1 =	vld.idx.msk [tilespmem:v4+s3+$0x0], $0xffff  }
0x5ad: {  	v13 =	vld [tilespmem:s2+$0x4130]  }
0x5ae: {  	[tilespmem:s0+$0xC190] =	vst v2;
	v2 =	vld [tilespmem:s0+$0x41B0]  }
0x5af: {  	v0 =	vld.idx.msk [tilespmem:v0+s3+$0x0], $0xffff  }
0x5b0: {  	v14 =	vld [tilespmem:s2+$0x4190]  }
0x5b1: {  	v15 =	vld [tilespmem:s2+$0x4140];
	[tilespmem:s0+$0xC120] =	vst v1  }
0x5b2: {  	v1 =	vld.idx.msk [tilespmem:v5+s3+$0x0], $0xffff  }
0x5b3: {  	v16 =	vld [tilespmem:s2+$0x4150]  }
0x5b4: {  	s7 =	simm.s32 $0x200;
	s8 =	simm.s32 $0x400;
	[tilespmem:s0+$0xC1A0] =	vst v0;
	v0 =	vld [tilespmem:s0+$0x41C0]  }
0x5b5: {  	s4 =	sand.u32 $0x3800, s8;
	s1 =	sand.u32 $0x300, s7;
	v17 =	vld [tilespmem:s2+$0x4170]  }
0x5b6: {  	s1 =	sor.u32 s1, s4;
	v2 =	vld.idx.msk [tilespmem:v2+s3+$0x0], $0xffff  }
0x5b7: {  	v18 =	vld [tilespmem:s1+$0x4130];
	[tilespmem:s0+$0xC130] =	vst v1  }
0x5b8: {  	v6 =	vld.idx.msk [tilespmem:v6+s3+$0x0], $0xffff  }
0x5b9: {  	v19 =	vld [tilespmem:s1+$0x4190]  }
0x5ba: {  	v3 =	vld [tilespmem:s0+$0x41D0]  }
0x5bb: {  	v20 =	vld [tilespmem:s1+$0x4140];
	[tilespmem:s0+$0xC1B0] =	vst v2  }
0x5bc: {  	v0 =	vld.idx.msk [tilespmem:v0+s3+$0x0], $0xffff  }
0x5bd: {  	s9 =	simm.s32 $0x300;
	s5 =	simm.s32 $0x600;
	v21 =	vld [tilespmem:s1+$0x4150];
	[tilespmem:s0+$0xC140] =	vst v6  }
0x5be: {  	s5 =	sand.u32 $0x3800, s5;
	s4 =	sand.u32 $0x300, s9;
	v6 =	vld.idx.msk [tilespmem:v7+s3+$0x0], $0xffff  }
0x5bf: {  	s4 =	sor.u32 s4, s5;
	v22 =	vld [tilespmem:s1+$0x4170]  }
0x5c0: {  	v61 =	vld [tilespmem:s4+$0x4140]  }
0x5c1: {  	v23 =	vld [tilespmem:s4+$0x4150];
	[tilespmem:s0+$0xC1C0] =	vst v0  }
0x5c2: {  	v10 =	vld.idx.msk [tilespmem:v3+s3+$0x0], $0xffff  }
0x5c3: {  	v0 =	vld [tilespmem:s0+$0x41E0];
	[tilespmem:s0+$0xC150] =	vst v6  }
0x5c4: {  	v6 =	vld.idx.msk [tilespmem:v8+s3+$0x0], $0xffff  }
0x5c5: {  	v8 =	vld [tilespmem:s2+$0x4180]  }
0x5c6: {  	v24 =	vld [tilespmem:s1+$0x45A0]  }
0x5c7: {  	[tilespmem:s0+$0xC1D0] =	vst v10;
	v10 =	vld [tilespmem:s2+$0x4100]  }
0x5c8: {  	v63 =	vld [tilespmem:s4+$0x41C0]  }
0x5c9: {  	v4 =	vld [tilespmem:s0+$0x4500]  }
0x5ca: {  	v5 =	vld [tilespmem:s0+$0x4510]  }
0x5cb: {  	v7 =	vld [tilespmem:s0+$0x41F0]  }
0x5cc: {  	v0 =	vld.idx.msk [tilespmem:v0+s3+$0x0], $0xffff  }
0x5cd: {  	v8 =	vld.idx.msk [tilespmem:v8+s3+$0x0], $0xffff  }
0x5ce: {  	v1 =	vld [tilespmem:s0+$0x4520]  }
0x5cf: {  	v10 =	vld.idx.msk [tilespmem:v10+s3+$0x0], $0xffff  }
0x5d0: {  	v2 =	vld [tilespmem:s0+$0x4530]  }
0x5d1: {  	[tilespmem:s0+$0xC1E0] =	vst v0;
	v0 =	vld [tilespmem:s0+$0x4580]  }
0x5d2: {  	[tilespmem:s2+$0xC180] =	vst v8;
	v8 =	vld [tilespmem:s2+$0x41A0]  }
0x5d3: {  	v7 =	vld.idx.msk [tilespmem:v7+s3+$0x0], $0xffff  }
0x5d4: {  	[tilespmem:s2+$0xC100] =	vst v10;
	v10 =	vld.idx.msk [tilespmem:v14+s3+$0x0], $0xffff  }
0x5d5: {  	v3 =	vld [tilespmem:s0+$0x4538];
	[tilespmem:s0+$0xC160] =	vst v6  }
0x5d6: {  	v9 =	vld.idx.msk [tilespmem:v9+s3+$0x0], $0xffff  }
0x5d7: {  	v11 =	vld.idx.msk [tilespmem:v11+s3+$0x0], $0xffff  }
0x5d8: {  	[tilespmem:s0+$0xC1F0] =	vst v7;
	v7 =	vld [tilespmem:s0+$0x4590]  }
0x5d9: {  	[tilespmem:s2+$0xC190] =	vst v10;
	v10 =	vld [tilespmem:s2+$0x41B0]  }
0x5da: {  	v8 =	vld.idx.msk [tilespmem:v8+s3+$0x0], $0xffff  }
0x5db: {  	[tilespmem:s0+$0xC170] =	vst v9;
	v0 =	vld.idx.msk [tilespmem:v0+s3+$0x0], $0xffff  }
0x5dc: {  	v9 =	vld [tilespmem:s2+$0x4530];
	[tilespmem:s2+$0xC110] =	vst v11  }
0x5dd: {  	v6 =	vld.idx.msk [tilespmem:v12+s3+$0x0], $0xffff  }
0x5de: {  	v4 =	vld.idx.msk [tilespmem:v4+s3+$0x0], $0xffff  }
0x5df: {  	[tilespmem:s2+$0xC1A0] =	vst v8;
	v8 =	vld [tilespmem:s2+$0x41C0]  }
0x5e0: {  	[tilespmem:s0+$0xC580] =	vst v0;
	v0 =	vld [tilespmem:s0+$0x45A0]  }
0x5e1: {  	v10 =	vld.idx.msk [tilespmem:v10+s3+$0x0], $0xffff  }
0x5e2: {  	v7 =	vld.idx.msk [tilespmem:v7+s3+$0x0], $0xffff;
	[tilespmem:s2+$0xC120] =	vst v6  }
0x5e3: {  	v6 =	vld.idx.msk [tilespmem:v13+s3+$0x0], $0xffff  }
0x5e4: {  	v14 =	vld [tilespmem:s2+$0x4160];
	[tilespmem:s0+$0xC500] =	vst v4  }
0x5e5: {  	v5 =	vld.idx.msk [tilespmem:v5+s3+$0x0], $0xffff  }
0x5e6: {  	[tilespmem:s2+$0xC1B0] =	vst v10;
	v10 =	vld [tilespmem:s2+$0x41D0]  }
0x5e7: {  	[tilespmem:s0+$0xC590] =	vst v7;
	v8 =	vld.idx.msk [tilespmem:v8+s3+$0x0], $0xffff  }
0x5e8: {  	v7 =	vld [tilespmem:s0+$0x45B0];
	[tilespmem:s2+$0xC130] =	vst v6  }
0x5e9: {  	v6 =	vld.idx.msk [tilespmem:v15+s3+$0x0], $0xffff  }
0x5ea: {  	v12 =	vld [tilespmem:s2+$0x4500]  }
0x5eb: {  	v0 =	vld.idx.msk [tilespmem:v0+s3+$0x0], $0xffff  }
0x5ec: {  	[tilespmem:s2+$0xC1C0] =	vst v8;
	v8 =	vld [tilespmem:s2+$0x41E0]  }
0x5ed: {  	v13 =	vld [tilespmem:s2+$0x4510]  }
0x5ee: {  	[tilespmem:s2+$0xC140] =	vst v6;
	v10 =	vld.idx.msk [tilespmem:v10+s3+$0x0], $0xffff  }
0x5ef: {  	v4 =	vld.idx.msk [tilespmem:v16+s3+$0x0], $0xffff  }
0x5f0: {  	v15 =	vld [tilespmem:s2+$0x4520];
	[tilespmem:s0+$0xC5A0] =	vst v0  }
0x5f1: {  	v7 =	vld.idx.msk [tilespmem:v7+s3+$0x0], $0xffff  }
0x5f2: {  	v6 =	vld [tilespmem:s2+$0x41F0]  }
0x5f3: {  	[tilespmem:s2+$0xC1D0] =	vst v10;
	v10 =	vld [tilespmem:s1+$0x4100]  }
0x5f4: {  	[tilespmem:s2+$0xC150] =	vst v4;
	v4 =	vld.idx.msk [tilespmem:v8+s3+$0x0], $0xffff  }
0x5f5: {  	v0 =	vld [tilespmem:s0+$0x45B8]  }
0x5f6: {  	[tilespmem:s0+$0xC5B0] =	vst v7;
	v7 =	vld.idx.msk [tilespmem:v14+s3+$0x0], $0xffff  }
0x5f7: {  	v8 =	vld [tilespmem:s1+$0x4180]  }
0x5f8: {  	v14 =	vld [tilespmem:s1+$0x4110]  }
0x5f9: {  	[tilespmem:s2+$0xC1E0] =	vst v4;
	v4 =	vld [tilespmem:s2+$0x4580]  }
0x5fa: {  	v6 =	vld.idx.msk [tilespmem:v6+s3+$0x0], $0xffff  }
0x5fb: {  	v10 =	vld.idx.msk [tilespmem:v10+s3+$0x0], $0xffff  }
0x5fc: {  	v16 =	vld [tilespmem:s1+$0x4120]  }
0x5fd: {  	v11 =	vld.idx.msk [tilespmem:v0+s3+$0x0], $0xffff  }
0x5fe: {  	v0 =	vld [tilespmem:s2+$0x4538]  }
0x5ff: {  	v8 =	vld.idx.msk [tilespmem:v8+s3+$0x0], $0xffff;
	[tilespmem:s2+$0xC1F0] =	vst v6  }
0x600: {  	v6 =	vld [tilespmem:s2+$0x4590];
	[tilespmem:s1+$0xC100] =	vst v10  }
0x601: {  	v14 =	vld.idx.msk [tilespmem:v14+s3+$0x0], $0xffff  }
0x602: {  	v4 =	vld.idx.msk [tilespmem:v4+s3+$0x0], $0xffff  }
0x603: {  	[tilespmem:s0+$0xC5B8] =	vst v11;
	v11 =	vld [tilespmem:s4+$0x4538]  }
0x604: {  	[tilespmem:s1+$0xC180] =	vst v8;
	v8 =	vld [tilespmem:s1+$0x41A0]  }
0x605: {  	[tilespmem:s2+$0xC160] =	vst v7;
	v10 =	vld.idx.msk [tilespmem:v19+s3+$0x0], $0xffff  }
0x606: {  	[tilespmem:s1+$0xC110] =	vst v14;
	v14 =	vld.idx.msk [tilespmem:v17+s3+$0x0], $0xffff  }
0x607: {  	[tilespmem:s2+$0xC580] =	vst v4;
	v4 =	vld [tilespmem:s2+$0x45A0]  }
0x608: {  	v7 =	vld.idx.msk [tilespmem:v16+s3+$0x0], $0xffff  }
0x609: {  	v6 =	vld.idx.msk [tilespmem:v6+s3+$0x0], $0xffff  }
0x60a: {  	[tilespmem:s1+$0xC190] =	vst v10;
	v10 =	vld [tilespmem:s1+$0x41B0]  }
0x60b: {  	v19 =	vld [tilespmem:s1+$0x4160]  }
0x60c: {  	v8 =	vld.idx.msk [tilespmem:v8+s3+$0x0], $0xffff  }
0x60d: {  	v16 =	vld [tilespmem:s1+$0x4500];
	[tilespmem:s2+$0xC170] =	vst v14  }
0x60e: {  	[tilespmem:s1+$0xC120] =	vst v7;
	v7 =	vld.idx.msk [tilespmem:v12+s3+$0x0], $0xffff  }
0x60f: {  	[tilespmem:s2+$0xC590] =	vst v6;
	v6 =	vld [tilespmem:s2+$0x45B0]  }
0x610: {  	v4 =	vld.idx.msk [tilespmem:v4+s3+$0x0], $0xffff  }
0x611: {  	[tilespmem:s1+$0xC1A0] =	vst v8;
	v8 =	vld [tilespmem:s1+$0x41C0]  }
0x612: {  	[tilespmem:s0+$0xC510] =	vst v5;
	v5 =	vld.idx.msk [tilespmem:v10+s3+$0x0], $0xffff  }
0x613: {  	v10 =	vld.idx.msk [tilespmem:v1+s3+$0x0], $0xffff  }
0x614: {  	v1 =	vld.idx.msk [tilespmem:v18+s3+$0x0], $0xffff;
	[tilespmem:s2+$0xC500] =	vst v7  }
0x615: {  	v7 =	vld.idx.msk [tilespmem:v13+s3+$0x0], $0xffff  }
0x616: {  	[tilespmem:s2+$0xC5A0] =	vst v4;
	v4 =	vld [tilespmem:s2+$0x45B8]  }
0x617: {  	[tilespmem:s1+$0xC1B0] =	vst v5;
	v5 =	vld [tilespmem:s1+$0x41D0]  }
0x618: {  	v6 =	vld.idx.msk [tilespmem:v6+s3+$0x0], $0xffff  }
0x619: {  	v8 =	vld.idx.msk [tilespmem:v8+s3+$0x0], $0xffff  }
0x61a: {  	v12 =	vld [tilespmem:s1+$0x4510];
	[tilespmem:s1+$0xC130] =	vst v1  }
0x61b: {  	v14 =	vld.idx.msk [tilespmem:v20+s3+$0x0], $0xffff  }
0x61c: {  	v13 =	vld [tilespmem:s1+$0x4520];
	[tilespmem:s2+$0xC510] =	vst v7  }
0x61d: {  	v7 =	vld [tilespmem:s4+$0x4180];
	[tilespmem:s2+$0xC5B0] =	vst v6  }
0x61e: {  	[tilespmem:s1+$0xC1C0] =	vst v8;
	v8 =	vld [tilespmem:s1+$0x41E0]  }
0x61f: {  	v17 =	vld.idx.msk [tilespmem:v4+s3+$0x0], $0xffff  }
0x620: {  	[tilespmem:s1+$0xC140] =	vst v14;
	v5 =	vld.idx.msk [tilespmem:v5+s3+$0x0], $0xffff  }
0x621: {  	v4 =	vld.idx.msk [tilespmem:v21+s3+$0x0], $0xffff  }
0x622: {  	v1 =	vld [tilespmem:s1+$0x4530]  }
0x623: {  	[tilespmem:s0+$0xC520] =	vst v10;
	v10 =	vld [tilespmem:s4+$0x4110]  }
0x624: {  	v60 =	vld.idx.msk [tilespmem:v2+s3+$0x0], $0xffff  }
0x625: {  	[tilespmem:s1+$0xC1D0] =	vst v5;
	v5 =	vld [tilespmem:s1+$0x41F0]  }
0x626: {  	[tilespmem:s1+$0xC150] =	vst v4;
	v4 =	vld.idx.msk [tilespmem:v8+s3+$0x0], $0xffff  }
0x627: {  	v8 =	vld [tilespmem:s4+$0x4100]  }
0x628: {  	v2 =	vld [tilespmem:s1+$0x4538]  }
0x629: {  	v7 =	vld.idx.msk [tilespmem:v7+s3+$0x0], $0xffff  }
0x62a: {  	v6 =	vld.idx.msk [tilespmem:v19+s3+$0x0], $0xffff  }
0x62b: {  	[tilespmem:s1+$0xC1E0] =	vst v4;
	v4 =	vld [tilespmem:s1+$0x4580]  }
0x62c: {  	v19 =	vld [tilespmem:s4+$0x4190]  }
0x62d: {  	v5 =	vld.idx.msk [tilespmem:v5+s3+$0x0], $0xffff  }
0x62e: {  	v18 =	vld.idx.msk [tilespmem:v15+s3+$0x0], $0xffff  }
0x62f: {  	v8 =	vld.idx.msk [tilespmem:v8+s3+$0x0], $0xffff  }
0x630: {  	v15 =	vld [tilespmem:s4+$0x4130]  }
0x631: {  	[tilespmem:s4+$0xC180] =	vst v7;
	v7 =	vld [tilespmem:s4+$0x41A0]  }
0x632: {  	[tilespmem:s1+$0xC1F0] =	vst v5;
	v5 =	vld [tilespmem:s1+$0x4590]  }
0x633: {  	v4 =	vld.idx.msk [tilespmem:v4+s3+$0x0], $0xffff  }
0x634: {  	[tilespmem:s4+$0xC100] =	vst v8;
	v8 =	vld.idx.msk [tilespmem:v19+s3+$0x0], $0xffff  }
0x635: {  	v14 =	vld [tilespmem:s4+$0x4120]  }
0x636: {  	v19 =	vld.idx.msk [tilespmem:v10+s3+$0x0], $0xffff  }
0x637: {  	v10 =	vld [tilespmem:s4+$0x4160]  }
0x638: {  	[tilespmem:s1+$0xC580] =	vst v4;
	v4 =	vld [tilespmem:s4+$0x4170]  }
0x639: {  	[tilespmem:s4+$0xC190] =	vst v8;
	v8 =	vld [tilespmem:s4+$0x41B0]  }
0x63a: {  	v5 =	vld.idx.msk [tilespmem:v5+s3+$0x0], $0xffff  }
0x63b: {  	v7 =	vld.idx.msk [tilespmem:v7+s3+$0x0], $0xffff  }
0x63c: {  	[tilespmem:s4+$0xC110] =	vst v19;
	v19 =	vld [tilespmem:s1+$0x45B0]  }
0x63d: {  	[tilespmem:s1+$0xC160] =	vst v6;
	v6 =	vld.idx.msk [tilespmem:v14+s3+$0x0], $0xffff  }
0x63e: {  	v14 =	vld.idx.msk [tilespmem:v22+s3+$0x0], $0xffff  }
0x63f: {  	[tilespmem:s1+$0xC590] =	vst v5;
	v5 =	vld [tilespmem:s4+$0x4500]  }
0x640: {  	v62 =	vld.idx.msk [tilespmem:v24+s3+$0x0], $0xffff  }
0x641: {  	[tilespmem:s4+$0xC1A0] =	vst v7;
	v7 =	vld [tilespmem:s4+$0x4510]  }
0x642: {  	[tilespmem:s4+$0xC120] =	vst v6;
	v6 =	vld.idx.msk [tilespmem:v8+s3+$0x0], $0xffff  }
0x643: {  	[tilespmem:s1+$0xC170] =	vst v14;
	v8 =	vld.idx.msk [tilespmem:v15+s3+$0x0], $0xffff  }
0x644: {  	v14 =	vld.idx.msk [tilespmem:v16+s3+$0x0], $0xffff  }
0x645: {  	v15 =	vld [tilespmem:s1+$0x45B8];
	[tilespmem:s1+$0xC5A0] =	vst v62  }
0x646: {  	v16 =	vld.idx.msk [tilespmem:v19+s3+$0x0], $0xffff  }
0x647: {  	[tilespmem:s4+$0xC1B0] =	vst v6;
	v19 =	vld [tilespmem:s4+$0x41D0]  }
0x648: {  	[tilespmem:s4+$0xC130] =	vst v8;
	v8 =	vld [tilespmem:s4+$0x4520]  }
0x649: {  	v6 =	vld.idx.msk [tilespmem:v63+s3+$0x0], $0xffff  }
0x64a: {  	[tilespmem:s1+$0xC500] =	vst v14;
	v21 =	vld.idx.msk [tilespmem:v61+s3+$0x0], $0xffff  }
0x64b: {  	v12 =	vld.idx.msk [tilespmem:v12+s3+$0x0], $0xffff  }
0x64c: {  	v14 =	vld [tilespmem:s4+$0x41E0];
	[tilespmem:s1+$0xC5B0] =	vst v16  }
0x64d: {  	[tilespmem:s0+$0xC530] =	vst v60;
	v16 =	vld.idx.msk [tilespmem:v15+s3+$0x0], $0xffff  }
0x64e: {  	[tilespmem:s4+$0xC1C0] =	vst v6;
	v6 =	vld [tilespmem:s4+$0x4530]  }
0x64f: {  	[tilespmem:s4+$0xC140] =	vst v21;
	v19 =	vld.idx.msk [tilespmem:v19+s3+$0x0], $0xffff  }
0x650: {  	[tilespmem:s1+$0xC510] =	vst v12;
	v15 =	vld.idx.msk [tilespmem:v23+s3+$0x0], $0xffff  }
0x651: {  	[tilespmem:s2+$0xC520] =	vst v18;
	v13 =	vld.idx.msk [tilespmem:v13+s3+$0x0], $0xffff  }
0x652: {  	[tilespmem:s2+$0xC5B8] =	vst v17;
	v12 =	vld.idx.msk [tilespmem:v9+s3+$0x0], $0xffff  }
0x653: {  	v9 =	vld.idx.msk [tilespmem:v3+s3+$0x0], $0xffff;
	[tilespmem:s1+$0xC5B8] =	vst v16  }
0x654: {  	s6 =	simm.s32 $0x400;
	s7 =	simm.s32 $0x800;
	s5 =	simm.s32 $0x6;
	v16 =	vld [tilespmem:s4+$0x41F0];
	[tilespmem:s4+$0xC1D0] =	vst v19  }
.LBB2_12:
0x655: {  	s8 =	sand.u32 $0x3800, s7;
	s9 =	sand.u32 $0x300, s6;
	s5 =	sadd.s32 $0x2, s5;
	[tilespmem:s4+$0xC150] =	vst v15;
	v14 =	vld.idx.msk [tilespmem:v14+s3+$0x0], $0xffff  }
0x656: {  	s8 =	sor.u32 s9, s8;
	p0 =	slt.u32 s5, $0x3E;
	v10 =	vld.idx.msk [tilespmem:v10+s3+$0x0], $0xffff;
	[tilespmem:s1+$0xC520] =	vst v13  }
0x657: {  	v13 =	vld [tilespmem:s8+$0x4180];
	[tilespmem:s2+$0xC530] =	vst v12;
	v3 =	vmov v11  }
0x658: {  	v11 =	vld [tilespmem:s8+$0x4100]  }
0x659: {  	v12 =	vld [tilespmem:s8+$0x4110];
	[tilespmem:s0+$0xC538] =	vst v9;
	s0 =	smov.u32 s2;
	s2 =	smov.u32 s1;
	s1 =	smov.u32 s4  }
0x65a: {  	s4 =	smov.u32 s8;
	v9 =	vld [tilespmem:s8+$0x4120]  }
0x65b: {  	[tilespmem:s1+$0xC1E0] =	vst v14;
	v14 =	vld [tilespmem:s1+$0x4580]  }
0x65c: {  	[tilespmem:s1+$0xC160] =	vst v10;
	v10 =	vld.idx.msk [tilespmem:v16+s3+$0x0], $0xffff  }
0x65d: {  	v15 =	vld [tilespmem:s4+$0x4130]  }
0x65e: {  	v16 =	vld [tilespmem:s4+$0x4190]  }
0x65f: {  	v13 =	vld.idx.msk [tilespmem:v13+s3+$0x0], $0xffff  }
0x660: {  	v11 =	vld.idx.msk [tilespmem:v11+s3+$0x0], $0xffff  }
0x661: {  	v17 =	vld [tilespmem:s4+$0x4140]  }
0x662: {  	[tilespmem:s1+$0xC1F0] =	vst v10;
	v18 =	vld [tilespmem:s1+$0x4590]  }
0x663: {  	v14 =	vld.idx.msk [tilespmem:v14+s3+$0x0], $0xffff  }
0x664: {  	v19 =	vld [tilespmem:s4+$0x4150]  }
0x665: {  	[tilespmem:s4+$0xC180] =	vst v13;
	v13 =	vld [tilespmem:s4+$0x41A0]  }
0x666: {  	[tilespmem:s4+$0xC100] =	vst v11;
	v11 =	vld.idx.msk [tilespmem:v16+s3+$0x0], $0xffff  }
0x667: {  	v12 =	vld.idx.msk [tilespmem:v12+s3+$0x0], $0xffff  }
0x668: {  	v10 =	vld [tilespmem:s4+$0x4160]  }
0x669: {  	[tilespmem:s1+$0xC580] =	vst v14;
	v14 =	vld [tilespmem:s1+$0x45A0]  }
0x66a: {  	v16 =	vld.idx.msk [tilespmem:v18+s3+$0x0], $0xffff  }
0x66b: {  	v18 =	vld [tilespmem:s4+$0x4170]  }
0x66c: {  	[tilespmem:s4+$0xC190] =	vst v11;
	v11 =	vld [tilespmem:s4+$0x41B0]  }
0x66d: {  	[tilespmem:s4+$0xC110] =	vst v12;
	v12 =	vld.idx.msk [tilespmem:v13+s3+$0x0], $0xffff  }
0x66e: {  	v9 =	vld.idx.msk [tilespmem:v9+s3+$0x0], $0xffff  }
0x66f: {  	v13 =	vld.idx.msk [tilespmem:v4+s3+$0x0], $0xffff  }
0x670: {  	[tilespmem:s1+$0xC590] =	vst v16;
	v16 =	vld [tilespmem:s1+$0x45B0];
	v4 =	vmov v18  }
0x671: {  	v14 =	vld.idx.msk [tilespmem:v14+s3+$0x0], $0xffff  }
0x672: {  	v18 =	vld [tilespmem:s4+$0x4500]  }
0x673: {  	[tilespmem:s4+$0xC1A0] =	vst v12;
	v12 =	vld [tilespmem:s4+$0x41C0]  }
0x674: {  	[tilespmem:s4+$0xC120] =	vst v9;
	v9 =	vld.idx.msk [tilespmem:v11+s3+$0x0], $0xffff  }
0x675: {  	v11 =	vld.idx.msk [tilespmem:v15+s3+$0x0], $0xffff;
	[tilespmem:s1+$0xC170] =	vst v13  }
0x676: {  	v13 =	vld.idx.msk [tilespmem:v5+s3+$0x0], $0xffff  }
0x677: {  	[tilespmem:s1+$0xC5A0] =	vst v14;
	v14 =	vld [tilespmem:s1+$0x45B8];
	v5 =	vmov v18  }
0x678: {  	v15 =	vld.idx.msk [tilespmem:v16+s3+$0x0], $0xffff  }
0x679: {  	v16 =	vld [tilespmem:s4+$0x4510]  }
0x67a: {  	[tilespmem:s4+$0xC1B0] =	vst v9;
	v9 =	vld [tilespmem:s4+$0x41D0]  }
0x67b: {  	[tilespmem:s4+$0xC130] =	vst v11;
	v11 =	vld.idx.msk [tilespmem:v12+s3+$0x0], $0xffff  }
0x67c: {  	v12 =	vld.idx.msk [tilespmem:v17+s3+$0x0], $0xffff;
	[tilespmem:s1+$0xC500] =	vst v13  }
0x67d: {  	v13 =	vld.idx.msk [tilespmem:v7+s3+$0x0], $0xffff  }
0x67e: {  	v17 =	vld [tilespmem:s4+$0x4520];
	[tilespmem:s1+$0xC5B0] =	vst v15;
	v7 =	vmov v16  }
0x67f: {  	v16 =	vld.idx.msk [tilespmem:v14+s3+$0x0], $0xffff  }
0x680: {  	v18 =	vld [tilespmem:s4+$0x4530]  }
0x681: {  	[tilespmem:s4+$0xC1C0] =	vst v11;
	v14 =	vld [tilespmem:s4+$0x41E0]  }
0x682: {  	[tilespmem:s4+$0xC140] =	vst v12;
	v20 =	vld.idx.msk [tilespmem:v9+s3+$0x0], $0xffff  }
0x683: {  	v15 =	vld.idx.msk [tilespmem:v19+s3+$0x0], $0xffff;
	[tilespmem:s1+$0xC510] =	vst v13  }
.Ltmp5:
0x684: {  	v13 =	vld.idx.msk [tilespmem:v8+s3+$0x0], $0xffff;
	v8 =	vmov v17;
	(pc) =	sbr.rel @p0 .LBB2_12-.Ltmp5, $4  }
0x685: {  	[tilespmem:s1+$0xC5B8] =	vst v16;
	v12 =	vld.idx.msk [tilespmem:v1+s3+$0x0], $0xffff;
	v1 =	vmov v6;
	v6 =	vmov v18  }
0x686: {  	v11 =	vld [tilespmem:s4+$0x4538]  }
0x687: {  	v9 =	vld.idx.msk [tilespmem:v0+s3+$0x0], $0xffff;
	v0 =	vmov v2;
	v2 =	vmov v3  }
0x688: {  	s6 =	sadd.s32 $0x100, s6;
	s7 =	sadd.s32 $0x200, s7;
	[tilespmem:s4+$0xC1D0] =	vst v20;
	v16 =	vld [tilespmem:s4+$0x41F0]  }
0x689: {  	_ =	sdelay $0x3  }
0x68a: {  	v3 =	vld.idx.msk [tilespmem:v14+s3+$0x0], $0xffff;
	_ =	sdelay $0x2  }
0x68b: {  	[tilespmem:s4+$0xC150] =	vst v15  }
0x68c: {  	v10 =	vld.idx.msk [tilespmem:v10+s3+$0x0], $0xffff  }
0x68d: {  	[tilespmem:s4+$0xC1E0] =	vst v3;
	v3 =	vld [tilespmem:s4+$0x4580];
	_ =	sdelay $0x1  }
0x68e: {  	v14 =	vld.idx.msk [tilespmem:v16+s3+$0x0], $0xffff;
	_ =	sdelay $0x2  }
0x68f: {  	[tilespmem:s4+$0xC160] =	vst v10  }
0x690: {  	v4 =	vld.idx.msk [tilespmem:v4+s3+$0x0], $0xffff  }
0x691: {  	[tilespmem:s4+$0xC1F0] =	vst v14;
	v14 =	vld [tilespmem:s4+$0x4590]  }
0x692: {  	v3 =	vld.idx.msk [tilespmem:v3+s3+$0x0], $0xffff;
	_ =	sdelay $0x3  }
0x693: {  	[tilespmem:s4+$0xC170] =	vst v4  }
0x694: {  	[tilespmem:s4+$0xC580] =	vst v3;
	v3 =	vld [tilespmem:s4+$0x45A0]  }
0x695: {  	v4 =	vld.idx.msk [tilespmem:v5+s3+$0x0], $0xffff  }
0x696: {  	v10 =	vld.idx.msk [tilespmem:v14+s3+$0x0], $0xffff;
	_ =	sdelay $0x3  }
0x697: {  	[tilespmem:s4+$0xC500] =	vst v4  }
0x698: {  	v4 =	vld.idx.msk [tilespmem:v7+s3+$0x0], $0xffff;
	[tilespmem:s4+$0xC590] =	vst v10  }
0x699: {  	v3 =	vld.idx.msk [tilespmem:v3+s3+$0x0], $0xffff;
	_ =	sdelay $0x1  }
0x69a: {  	v5 =	vld [tilespmem:s4+$0x45B0];
	_ =	sdelay $0x1  }
0x69b: {  	[tilespmem:s4+$0xC510] =	vst v4  }
0x69c: {  	[tilespmem:s4+$0xC5A0] =	vst v3;
	v3 =	vld.idx.msk [tilespmem:v8+s3+$0x0], $0xffff;
	_ =	sdelay $0x2  }
0x69d: {  	[tilespmem:s1+$0xC520] =	vst v13;
	v4 =	vld [tilespmem:s4+$0x45B8]  }
0x69e: {  	v1 =	vld.idx.msk [tilespmem:v1+s3+$0x0], $0xffff  }
0x69f: {  	v5 =	vld.idx.msk [tilespmem:v5+s3+$0x0], $0xffff;
	[tilespmem:s4+$0xC520] =	vst v3  }
0x6a0: {  	v3 =	vld.idx.msk [tilespmem:v6+s3+$0x0], $0xffff;
	_ =	sdelay $0x1  }
0x6a1: {  	[tilespmem:s2+$0xC530] =	vst v12  }
0x6a2: {  	v0 =	vld.idx.msk [tilespmem:v0+s3+$0x0], $0xffff;
	[tilespmem:s1+$0xC530] =	vst v1  }
0x6a3: {  	v1 =	vld.idx.msk [tilespmem:v2+s3+$0x0], $0xffff;
	[tilespmem:s4+$0xC5B0] =	vst v5  }
0x6a4: {  	v4 =	vld.idx.msk [tilespmem:v4+s3+$0x0], $0xffff;
	[tilespmem:s4+$0xC530] =	vst v3  }
0x6a5: {  	v2 =	vld.idx.msk [tilespmem:v11+s3+$0x0], $0xffff  }
0x6a6: {  	[tilespmem:s0+$0xC538] =	vst v9  }
0x6a7: {  	[tilespmem:s2+$0xC538] =	vst v0  }
0x6a8: {  	[tilespmem:s1+$0xC538] =	vst v1  }
0x6a9: {  	[tilespmem:s4+$0xC5B8] =	vst v4  }
0x6aa: {  	s2 =	simm.s32 $0x0;
	[tilespmem:s4+$0xC538] =	vst v2  }
0x6ab: {  	[hbm4b:s16+s2] =	stream.linear.scatter [tilespmem:s28], [sflag:$0x4], $0x4000, $0x38;
	[tilespmem:$0x10100] =	vst v63  }
0x6ac: {  	_ = 	snop  }
0x6ad: {  	[tilespmem:s23], [sflag:$0x2] =	stream.linear.gather [hbm4b:s17+s2], $0x4000, $0x38;
	[tilespmem:$0x10100] =	vst v63  }
0x6ae: {  	_ =	swait.ge [sflag:s24], $0x4000  }
0x6af: {  	[sflag:s24] =	ssyncset.done $0x0  }
0x6b0: {  	[sflag:s24] =	ssyncadd.s32 $0xFFFFC000  }
0x6b1: {  	_ =	swait.ge [sflag:s29], $0x4000  }
0x6b2: {  	s0 =	sand.u32 $0x300, s2;
	s4 =	sand.u32 $0x3800, s2;
	[sflag:s29] =	ssyncset.done $0x0  }
0x6b3: {  	s0 =	sor.u32 s0, s4;
	[sflag:s29] =	ssyncadd.s32 $0xFFFFC000  }
0x6b4: {  	v1 =	vld [tilespmem:s0+$0x100];
	_ =	sdelay $0x1  }
0x6b5: {  	v0 =	vld [tilespmem:s0+$0x180];
	_ =	sdelay $0x2  }
0x6b6: {  	v2 =	vld [tilespmem:s0+$0x190]  }
0x6b7: {  	v3 =	vld [tilespmem:s0+$0x110]  }
0x6b8: {  	v4 =	vld [tilespmem:s0+$0x120]  }
0x6b9: {  	v1 =	vld.idx.msk [tilespmem:v1+s3+$0x0], $0xffff  }
0x6ba: {  	v5 =	vld [tilespmem:s0+$0x130]  }
0x6bb: {  	v0 =	vld.idx.msk [tilespmem:v0+s3+$0x0], $0xffff  }
0x6bc: {  	v6 =	vld [tilespmem:s0+$0x140]  }
0x6bd: {  	v7 =	vld [tilespmem:s0+$0x150]  }
0x6be: {  	v8 =	vld [tilespmem:s0+$0x160];
	[tilespmem:s0+$0x8100] =	vst v1  }
0x6bf: {  	v1 =	vld.idx.msk [tilespmem:v3+s3+$0x0], $0xffff  }
0x6c0: {  	s5 =	simm.s32 $0x100;
	s6 =	simm.s32 $0x200;
	[tilespmem:s0+$0x8180] =	vst v0;
	v0 =	vld [tilespmem:s0+$0x1A0]  }
0x6c1: {  	s1 =	sand.u32 $0x300, s5;
	s2 =	sand.u32 $0x3800, s6;
	v9 =	vld [tilespmem:s0+$0x170]  }
0x6c2: {  	s2 =	sor.u32 s1, s2;
	v2 =	vld.idx.msk [tilespmem:v2+s3+$0x0], $0xffff  }
0x6c3: {  	v11 =	vld [tilespmem:s2+$0x110]  }
0x6c4: {  	v12 =	vld [tilespmem:s2+$0x120];
	[tilespmem:s0+$0x8110] =	vst v1  }
0x6c5: {  	v1 =	vld.idx.msk [tilespmem:v4+s3+$0x0], $0xffff  }
0x6c6: {  	v13 =	vld [tilespmem:s2+$0x130]  }
0x6c7: {  	[tilespmem:s0+$0x8190] =	vst v2;
	v2 =	vld [tilespmem:s0+$0x1B0]  }
0x6c8: {  	v0 =	vld.idx.msk [tilespmem:v0+s3+$0x0], $0xffff  }
0x6c9: {  	v14 =	vld [tilespmem:s2+$0x190]  }
0x6ca: {  	v15 =	vld [tilespmem:s2+$0x140];
	[tilespmem:s0+$0x8120] =	vst v1  }
0x6cb: {  	v1 =	vld.idx.msk [tilespmem:v5+s3+$0x0], $0xffff  }
0x6cc: {  	v16 =	vld [tilespmem:s2+$0x150]  }
0x6cd: {  	s7 =	simm.s32 $0x200;
	s8 =	simm.s32 $0x400;
	[tilespmem:s0+$0x81A0] =	vst v0;
	v0 =	vld [tilespmem:s0+$0x1C0]  }
0x6ce: {  	s4 =	sand.u32 $0x3800, s8;
	s1 =	sand.u32 $0x300, s7;
	v17 =	vld [tilespmem:s2+$0x170]  }
0x6cf: {  	s1 =	sor.u32 s1, s4;
	v2 =	vld.idx.msk [tilespmem:v2+s3+$0x0], $0xffff  }
0x6d0: {  	v18 =	vld [tilespmem:s1+$0x130];
	[tilespmem:s0+$0x8130] =	vst v1  }
0x6d1: {  	v6 =	vld.idx.msk [tilespmem:v6+s3+$0x0], $0xffff  }
0x6d2: {  	v19 =	vld [tilespmem:s1+$0x190]  }
0x6d3: {  	v3 =	vld [tilespmem:s0+$0x1D0]  }
0x6d4: {  	v20 =	vld [tilespmem:s1+$0x140];
	[tilespmem:s0+$0x81B0] =	vst v2  }
0x6d5: {  	v0 =	vld.idx.msk [tilespmem:v0+s3+$0x0], $0xffff  }
0x6d6: {  	s9 =	simm.s32 $0x300;
	s5 =	simm.s32 $0x600;
	v21 =	vld [tilespmem:s1+$0x150];
	[tilespmem:s0+$0x8140] =	vst v6  }
0x6d7: {  	s5 =	sand.u32 $0x3800, s5;
	s4 =	sand.u32 $0x300, s9;
	v6 =	vld.idx.msk [tilespmem:v7+s3+$0x0], $0xffff  }
0x6d8: {  	s4 =	sor.u32 s4, s5;
	v22 =	vld [tilespmem:s1+$0x170]  }
0x6d9: {  	v61 =	vld [tilespmem:s4+$0x140]  }
0x6da: {  	v23 =	vld [tilespmem:s4+$0x150];
	[tilespmem:s0+$0x81C0] =	vst v0  }
0x6db: {  	v10 =	vld.idx.msk [tilespmem:v3+s3+$0x0], $0xffff  }
0x6dc: {  	v0 =	vld [tilespmem:s0+$0x1E0];
	[tilespmem:s0+$0x8150] =	vst v6  }
0x6dd: {  	v6 =	vld.idx.msk [tilespmem:v8+s3+$0x0], $0xffff  }
0x6de: {  	v8 =	vld [tilespmem:s2+$0x180]  }
0x6df: {  	v24 =	vld [tilespmem:s1+$0x5A0]  }
0x6e0: {  	[tilespmem:s0+$0x81D0] =	vst v10;
	v10 =	vld [tilespmem:s2+$0x100]  }
0x6e1: {  	v63 =	vld [tilespmem:s4+$0x1C0]  }
0x6e2: {  	v4 =	vld [tilespmem:s0+$0x500]  }
0x6e3: {  	v5 =	vld [tilespmem:s0+$0x510]  }
0x6e4: {  	v7 =	vld [tilespmem:s0+$0x1F0]  }
0x6e5: {  	v0 =	vld.idx.msk [tilespmem:v0+s3+$0x0], $0xffff  }
0x6e6: {  	v8 =	vld.idx.msk [tilespmem:v8+s3+$0x0], $0xffff  }
0x6e7: {  	v1 =	vld [tilespmem:s0+$0x520]  }
0x6e8: {  	v10 =	vld.idx.msk [tilespmem:v10+s3+$0x0], $0xffff  }
0x6e9: {  	v2 =	vld [tilespmem:s0+$0x530]  }
0x6ea: {  	[tilespmem:s0+$0x81E0] =	vst v0;
	v0 =	vld [tilespmem:s0+$0x580]  }
0x6eb: {  	[tilespmem:s2+$0x8180] =	vst v8;
	v8 =	vld [tilespmem:s2+$0x1A0]  }
0x6ec: {  	v7 =	vld.idx.msk [tilespmem:v7+s3+$0x0], $0xffff  }
0x6ed: {  	[tilespmem:s2+$0x8100] =	vst v10;
	v10 =	vld.idx.msk [tilespmem:v14+s3+$0x0], $0xffff  }
0x6ee: {  	v3 =	vld [tilespmem:s0+$0x538];
	[tilespmem:s0+$0x8160] =	vst v6  }
0x6ef: {  	v9 =	vld.idx.msk [tilespmem:v9+s3+$0x0], $0xffff  }
0x6f0: {  	v11 =	vld.idx.msk [tilespmem:v11+s3+$0x0], $0xffff  }
0x6f1: {  	[tilespmem:s0+$0x81F0] =	vst v7;
	v7 =	vld [tilespmem:s0+$0x590]  }
0x6f2: {  	[tilespmem:s2+$0x8190] =	vst v10;
	v10 =	vld [tilespmem:s2+$0x1B0]  }
0x6f3: {  	v8 =	vld.idx.msk [tilespmem:v8+s3+$0x0], $0xffff  }
0x6f4: {  	[tilespmem:s0+$0x8170] =	vst v9;
	v0 =	vld.idx.msk [tilespmem:v0+s3+$0x0], $0xffff  }
0x6f5: {  	v9 =	vld [tilespmem:s2+$0x530];
	[tilespmem:s2+$0x8110] =	vst v11  }
0x6f6: {  	v6 =	vld.idx.msk [tilespmem:v12+s3+$0x0], $0xffff  }
0x6f7: {  	v4 =	vld.idx.msk [tilespmem:v4+s3+$0x0], $0xffff  }
0x6f8: {  	[tilespmem:s2+$0x81A0] =	vst v8;
	v8 =	vld [tilespmem:s2+$0x1C0]  }
0x6f9: {  	[tilespmem:s0+$0x8580] =	vst v0;
	v0 =	vld [tilespmem:s0+$0x5A0]  }
0x6fa: {  	v10 =	vld.idx.msk [tilespmem:v10+s3+$0x0], $0xffff  }
0x6fb: {  	v7 =	vld.idx.msk [tilespmem:v7+s3+$0x0], $0xffff;
	[tilespmem:s2+$0x8120] =	vst v6  }
0x6fc: {  	v6 =	vld.idx.msk [tilespmem:v13+s3+$0x0], $0xffff  }
0x6fd: {  	v14 =	vld [tilespmem:s2+$0x160];
	[tilespmem:s0+$0x8500] =	vst v4  }
0x6fe: {  	v5 =	vld.idx.msk [tilespmem:v5+s3+$0x0], $0xffff  }
0x6ff: {  	[tilespmem:s2+$0x81B0] =	vst v10;
	v10 =	vld [tilespmem:s2+$0x1D0]  }
0x700: {  	[tilespmem:s0+$0x8590] =	vst v7;
	v8 =	vld.idx.msk [tilespmem:v8+s3+$0x0], $0xffff  }
0x701: {  	v7 =	vld [tilespmem:s0+$0x5B0];
	[tilespmem:s2+$0x8130] =	vst v6  }
0x702: {  	v6 =	vld.idx.msk [tilespmem:v15+s3+$0x0], $0xffff  }
0x703: {  	v12 =	vld [tilespmem:s2+$0x500]  }
0x704: {  	v0 =	vld.idx.msk [tilespmem:v0+s3+$0x0], $0xffff  }
0x705: {  	[tilespmem:s2+$0x81C0] =	vst v8;
	v8 =	vld [tilespmem:s2+$0x1E0]  }
0x706: {  	v13 =	vld [tilespmem:s2+$0x510]  }
0x707: {  	[tilespmem:s2+$0x8140] =	vst v6;
	v10 =	vld.idx.msk [tilespmem:v10+s3+$0x0], $0xffff  }
0x708: {  	v4 =	vld.idx.msk [tilespmem:v16+s3+$0x0], $0xffff  }
0x709: {  	v15 =	vld [tilespmem:s2+$0x520];
	[tilespmem:s0+$0x85A0] =	vst v0  }
0x70a: {  	v7 =	vld.idx.msk [tilespmem:v7+s3+$0x0], $0xffff  }
0x70b: {  	v6 =	vld [tilespmem:s2+$0x1F0]  }
0x70c: {  	[tilespmem:s2+$0x81D0] =	vst v10;
	v10 =	vld [tilespmem:s1+$0x100]  }
0x70d: {  	[tilespmem:s2+$0x8150] =	vst v4;
	v4 =	vld.idx.msk [tilespmem:v8+s3+$0x0], $0xffff  }
0x70e: {  	v0 =	vld [tilespmem:s0+$0x5B8]  }
0x70f: {  	[tilespmem:s0+$0x85B0] =	vst v7;
	v7 =	vld.idx.msk [tilespmem:v14+s3+$0x0], $0xffff  }
0x710: {  	v8 =	vld [tilespmem:s1+$0x180]  }
0x711: {  	v14 =	vld [tilespmem:s1+$0x110]  }
0x712: {  	[tilespmem:s2+$0x81E0] =	vst v4;
	v4 =	vld [tilespmem:s2+$0x580]  }
0x713: {  	v6 =	vld.idx.msk [tilespmem:v6+s3+$0x0], $0xffff  }
0x714: {  	v10 =	vld.idx.msk [tilespmem:v10+s3+$0x0], $0xffff  }
0x715: {  	v16 =	vld [tilespmem:s1+$0x120]  }
0x716: {  	v11 =	vld.idx.msk [tilespmem:v0+s3+$0x0], $0xffff  }
0x717: {  	v0 =	vld [tilespmem:s2+$0x538]  }
0x718: {  	v8 =	vld.idx.msk [tilespmem:v8+s3+$0x0], $0xffff;
	[tilespmem:s2+$0x81F0] =	vst v6  }
0x719: {  	v6 =	vld [tilespmem:s2+$0x590];
	[tilespmem:s1+$0x8100] =	vst v10  }
0x71a: {  	v14 =	vld.idx.msk [tilespmem:v14+s3+$0x0], $0xffff  }
0x71b: {  	v4 =	vld.idx.msk [tilespmem:v4+s3+$0x0], $0xffff  }
0x71c: {  	[tilespmem:s0+$0x85B8] =	vst v11;
	v11 =	vld [tilespmem:s4+$0x538]  }
0x71d: {  	[tilespmem:s1+$0x8180] =	vst v8;
	v8 =	vld [tilespmem:s1+$0x1A0]  }
0x71e: {  	[tilespmem:s2+$0x8160] =	vst v7;
	v10 =	vld.idx.msk [tilespmem:v19+s3+$0x0], $0xffff  }
0x71f: {  	[tilespmem:s1+$0x8110] =	vst v14;
	v14 =	vld.idx.msk [tilespmem:v17+s3+$0x0], $0xffff  }
0x720: {  	[tilespmem:s2+$0x8580] =	vst v4;
	v4 =	vld [tilespmem:s2+$0x5A0]  }
0x721: {  	v7 =	vld.idx.msk [tilespmem:v16+s3+$0x0], $0xffff  }
0x722: {  	v6 =	vld.idx.msk [tilespmem:v6+s3+$0x0], $0xffff  }
0x723: {  	[tilespmem:s1+$0x8190] =	vst v10;
	v10 =	vld [tilespmem:s1+$0x1B0]  }
0x724: {  	v19 =	vld [tilespmem:s1+$0x160]  }
0x725: {  	v8 =	vld.idx.msk [tilespmem:v8+s3+$0x0], $0xffff  }
0x726: {  	v16 =	vld [tilespmem:s1+$0x500];
	[tilespmem:s2+$0x8170] =	vst v14  }
0x727: {  	[tilespmem:s1+$0x8120] =	vst v7;
	v7 =	vld.idx.msk [tilespmem:v12+s3+$0x0], $0xffff  }
0x728: {  	[tilespmem:s2+$0x8590] =	vst v6;
	v6 =	vld [tilespmem:s2+$0x5B0]  }
0x729: {  	v4 =	vld.idx.msk [tilespmem:v4+s3+$0x0], $0xffff  }
0x72a: {  	[tilespmem:s1+$0x81A0] =	vst v8;
	v8 =	vld [tilespmem:s1+$0x1C0]  }
0x72b: {  	[tilespmem:s0+$0x8510] =	vst v5;
	v5 =	vld.idx.msk [tilespmem:v10+s3+$0x0], $0xffff  }
0x72c: {  	v10 =	vld.idx.msk [tilespmem:v1+s3+$0x0], $0xffff  }
0x72d: {  	v1 =	vld.idx.msk [tilespmem:v18+s3+$0x0], $0xffff;
	[tilespmem:s2+$0x8500] =	vst v7  }
0x72e: {  	v7 =	vld.idx.msk [tilespmem:v13+s3+$0x0], $0xffff  }
0x72f: {  	[tilespmem:s2+$0x85A0] =	vst v4;
	v4 =	vld [tilespmem:s2+$0x5B8]  }
0x730: {  	[tilespmem:s1+$0x81B0] =	vst v5;
	v5 =	vld [tilespmem:s1+$0x1D0]  }
0x731: {  	v6 =	vld.idx.msk [tilespmem:v6+s3+$0x0], $0xffff  }
0x732: {  	v8 =	vld.idx.msk [tilespmem:v8+s3+$0x0], $0xffff  }
0x733: {  	v12 =	vld [tilespmem:s1+$0x510];
	[tilespmem:s1+$0x8130] =	vst v1  }
0x734: {  	v14 =	vld.idx.msk [tilespmem:v20+s3+$0x0], $0xffff  }
0x735: {  	v13 =	vld [tilespmem:s1+$0x520];
	[tilespmem:s2+$0x8510] =	vst v7  }
0x736: {  	v7 =	vld [tilespmem:s4+$0x180];
	[tilespmem:s2+$0x85B0] =	vst v6  }
0x737: {  	[tilespmem:s1+$0x81C0] =	vst v8;
	v8 =	vld [tilespmem:s1+$0x1E0]  }
0x738: {  	v17 =	vld.idx.msk [tilespmem:v4+s3+$0x0], $0xffff  }
0x739: {  	[tilespmem:s1+$0x8140] =	vst v14;
	v5 =	vld.idx.msk [tilespmem:v5+s3+$0x0], $0xffff  }
0x73a: {  	v4 =	vld.idx.msk [tilespmem:v21+s3+$0x0], $0xffff  }
0x73b: {  	v1 =	vld [tilespmem:s1+$0x530]  }
0x73c: {  	[tilespmem:s0+$0x8520] =	vst v10;
	v10 =	vld [tilespmem:s4+$0x110]  }
0x73d: {  	v60 =	vld.idx.msk [tilespmem:v2+s3+$0x0], $0xffff  }
0x73e: {  	[tilespmem:s1+$0x81D0] =	vst v5;
	v5 =	vld [tilespmem:s1+$0x1F0]  }
0x73f: {  	[tilespmem:s1+$0x8150] =	vst v4;
	v4 =	vld.idx.msk [tilespmem:v8+s3+$0x0], $0xffff  }
0x740: {  	v8 =	vld [tilespmem:s4+$0x100]  }
0x741: {  	v2 =	vld [tilespmem:s1+$0x538]  }
0x742: {  	v7 =	vld.idx.msk [tilespmem:v7+s3+$0x0], $0xffff  }
0x743: {  	v6 =	vld.idx.msk [tilespmem:v19+s3+$0x0], $0xffff  }
0x744: {  	[tilespmem:s1+$0x81E0] =	vst v4;
	v4 =	vld [tilespmem:s1+$0x580]  }
0x745: {  	v19 =	vld [tilespmem:s4+$0x190]  }
0x746: {  	v5 =	vld.idx.msk [tilespmem:v5+s3+$0x0], $0xffff  }
0x747: {  	v18 =	vld.idx.msk [tilespmem:v15+s3+$0x0], $0xffff  }
0x748: {  	v8 =	vld.idx.msk [tilespmem:v8+s3+$0x0], $0xffff  }
0x749: {  	v15 =	vld [tilespmem:s4+$0x130]  }
0x74a: {  	[tilespmem:s4+$0x8180] =	vst v7;
	v7 =	vld [tilespmem:s4+$0x1A0]  }
0x74b: {  	[tilespmem:s1+$0x81F0] =	vst v5;
	v5 =	vld [tilespmem:s1+$0x590]  }
0x74c: {  	v4 =	vld.idx.msk [tilespmem:v4+s3+$0x0], $0xffff  }
0x74d: {  	[tilespmem:s4+$0x8100] =	vst v8;
	v8 =	vld.idx.msk [tilespmem:v19+s3+$0x0], $0xffff  }
0x74e: {  	v14 =	vld [tilespmem:s4+$0x120]  }
0x74f: {  	v19 =	vld.idx.msk [tilespmem:v10+s3+$0x0], $0xffff  }
0x750: {  	v10 =	vld [tilespmem:s4+$0x160]  }
0x751: {  	[tilespmem:s1+$0x8580] =	vst v4;
	v4 =	vld [tilespmem:s4+$0x170]  }
0x752: {  	[tilespmem:s4+$0x8190] =	vst v8;
	v8 =	vld [tilespmem:s4+$0x1B0]  }
0x753: {  	v5 =	vld.idx.msk [tilespmem:v5+s3+$0x0], $0xffff  }
0x754: {  	v7 =	vld.idx.msk [tilespmem:v7+s3+$0x0], $0xffff  }
0x755: {  	[tilespmem:s4+$0x8110] =	vst v19;
	v19 =	vld [tilespmem:s1+$0x5B0]  }
0x756: {  	[tilespmem:s1+$0x8160] =	vst v6;
	v6 =	vld.idx.msk [tilespmem:v14+s3+$0x0], $0xffff  }
0x757: {  	v14 =	vld.idx.msk [tilespmem:v22+s3+$0x0], $0xffff  }
0x758: {  	[tilespmem:s1+$0x8590] =	vst v5;
	v5 =	vld [tilespmem:s4+$0x500]  }
0x759: {  	v62 =	vld.idx.msk [tilespmem:v24+s3+$0x0], $0xffff  }
0x75a: {  	[tilespmem:s4+$0x81A0] =	vst v7;
	v7 =	vld [tilespmem:s4+$0x510]  }
0x75b: {  	[tilespmem:s4+$0x8120] =	vst v6;
	v6 =	vld.idx.msk [tilespmem:v8+s3+$0x0], $0xffff  }
0x75c: {  	[tilespmem:s1+$0x8170] =	vst v14;
	v8 =	vld.idx.msk [tilespmem:v15+s3+$0x0], $0xffff  }
0x75d: {  	v14 =	vld.idx.msk [tilespmem:v16+s3+$0x0], $0xffff  }
0x75e: {  	v15 =	vld [tilespmem:s1+$0x5B8];
	[tilespmem:s1+$0x85A0] =	vst v62  }
0x75f: {  	v16 =	vld.idx.msk [tilespmem:v19+s3+$0x0], $0xffff  }
0x760: {  	[tilespmem:s4+$0x81B0] =	vst v6;
	v19 =	vld [tilespmem:s4+$0x1D0]  }
0x761: {  	[tilespmem:s4+$0x8130] =	vst v8;
	v8 =	vld [tilespmem:s4+$0x520]  }
0x762: {  	v6 =	vld.idx.msk [tilespmem:v63+s3+$0x0], $0xffff  }
0x763: {  	[tilespmem:s1+$0x8500] =	vst v14;
	v21 =	vld.idx.msk [tilespmem:v61+s3+$0x0], $0xffff  }
0x764: {  	v12 =	vld.idx.msk [tilespmem:v12+s3+$0x0], $0xffff  }
0x765: {  	v14 =	vld [tilespmem:s4+$0x1E0];
	[tilespmem:s1+$0x85B0] =	vst v16  }
0x766: {  	[tilespmem:s0+$0x8530] =	vst v60;
	v16 =	vld.idx.msk [tilespmem:v15+s3+$0x0], $0xffff  }
0x767: {  	[tilespmem:s4+$0x81C0] =	vst v6;
	v6 =	vld [tilespmem:s4+$0x530]  }
0x768: {  	[tilespmem:s4+$0x8140] =	vst v21;
	v19 =	vld.idx.msk [tilespmem:v19+s3+$0x0], $0xffff  }
0x769: {  	[tilespmem:s1+$0x8510] =	vst v12;
	v15 =	vld.idx.msk [tilespmem:v23+s3+$0x0], $0xffff  }
0x76a: {  	[tilespmem:s2+$0x8520] =	vst v18;
	v13 =	vld.idx.msk [tilespmem:v13+s3+$0x0], $0xffff  }
0x76b: {  	[tilespmem:s2+$0x85B8] =	vst v17;
	v12 =	vld.idx.msk [tilespmem:v9+s3+$0x0], $0xffff  }
0x76c: {  	v9 =	vld.idx.msk [tilespmem:v3+s3+$0x0], $0xffff;
	[tilespmem:s1+$0x85B8] =	vst v16  }
0x76d: {  	s6 =	simm.s32 $0x400;
	s7 =	simm.s32 $0x800;
	s5 =	simm.s32 $0x6;
	v16 =	vld [tilespmem:s4+$0x1F0];
	[tilespmem:s4+$0x81D0] =	vst v19  }
.LBB2_14:
0x76e: {  	s8 =	sand.u32 $0x3800, s7;
	s9 =	sand.u32 $0x300, s6;
	s5 =	sadd.s32 $0x2, s5;
	[tilespmem:s4+$0x8150] =	vst v15;
	v14 =	vld.idx.msk [tilespmem:v14+s3+$0x0], $0xffff  }
0x76f: {  	s8 =	sor.u32 s9, s8;
	p0 =	slt.u32 s5, $0x3E;
	v10 =	vld.idx.msk [tilespmem:v10+s3+$0x0], $0xffff;
	[tilespmem:s1+$0x8520] =	vst v13  }
0x770: {  	v13 =	vld [tilespmem:s8+$0x180];
	[tilespmem:s2+$0x8530] =	vst v12;
	v3 =	vmov v11  }
0x771: {  	v11 =	vld [tilespmem:s8+$0x100]  }
0x772: {  	v12 =	vld [tilespmem:s8+$0x110];
	[tilespmem:s0+$0x8538] =	vst v9;
	s0 =	smov.u32 s2;
	s2 =	smov.u32 s1;
	s1 =	smov.u32 s4  }
0x773: {  	s4 =	smov.u32 s8;
	v9 =	vld [tilespmem:s8+$0x120]  }
0x774: {  	[tilespmem:s1+$0x81E0] =	vst v14;
	v14 =	vld [tilespmem:s1+$0x580]  }
0x775: {  	[tilespmem:s1+$0x8160] =	vst v10;
	v10 =	vld.idx.msk [tilespmem:v16+s3+$0x0], $0xffff  }
0x776: {  	v15 =	vld [tilespmem:s4+$0x130]  }
0x777: {  	v16 =	vld [tilespmem:s4+$0x190]  }
0x778: {  	v13 =	vld.idx.msk [tilespmem:v13+s3+$0x0], $0xffff  }
0x779: {  	v11 =	vld.idx.msk [tilespmem:v11+s3+$0x0], $0xffff  }
0x77a: {  	v17 =	vld [tilespmem:s4+$0x140]  }
0x77b: {  	[tilespmem:s1+$0x81F0] =	vst v10;
	v18 =	vld [tilespmem:s1+$0x590]  }
0x77c: {  	v14 =	vld.idx.msk [tilespmem:v14+s3+$0x0], $0xffff  }
0x77d: {  	v19 =	vld [tilespmem:s4+$0x150]  }
0x77e: {  	[tilespmem:s4+$0x8180] =	vst v13;
	v13 =	vld [tilespmem:s4+$0x1A0]  }
0x77f: {  	[tilespmem:s4+$0x8100] =	vst v11;
	v11 =	vld.idx.msk [tilespmem:v16+s3+$0x0], $0xffff  }
0x780: {  	v12 =	vld.idx.msk [tilespmem:v12+s3+$0x0], $0xffff  }
0x781: {  	v10 =	vld [tilespmem:s4+$0x160]  }
0x782: {  	[tilespmem:s1+$0x8580] =	vst v14;
	v14 =	vld [tilespmem:s1+$0x5A0]  }
0x783: {  	v16 =	vld.idx.msk [tilespmem:v18+s3+$0x0], $0xffff  }
0x784: {  	v18 =	vld [tilespmem:s4+$0x170]  }
0x785: {  	[tilespmem:s4+$0x8190] =	vst v11;
	v11 =	vld [tilespmem:s4+$0x1B0]  }
0x786: {  	[tilespmem:s4+$0x8110] =	vst v12;
	v12 =	vld.idx.msk [tilespmem:v13+s3+$0x0], $0xffff  }
0x787: {  	v9 =	vld.idx.msk [tilespmem:v9+s3+$0x0], $0xffff  }
0x788: {  	v13 =	vld.idx.msk [tilespmem:v4+s3+$0x0], $0xffff  }
0x789: {  	[tilespmem:s1+$0x8590] =	vst v16;
	v16 =	vld [tilespmem:s1+$0x5B0];
	v4 =	vmov v18  }
0x78a: {  	v14 =	vld.idx.msk [tilespmem:v14+s3+$0x0], $0xffff  }
0x78b: {  	v18 =	vld [tilespmem:s4+$0x500]  }
0x78c: {  	[tilespmem:s4+$0x81A0] =	vst v12;
	v12 =	vld [tilespmem:s4+$0x1C0]  }
0x78d: {  	[tilespmem:s4+$0x8120] =	vst v9;
	v9 =	vld.idx.msk [tilespmem:v11+s3+$0x0], $0xffff  }
0x78e: {  	v11 =	vld.idx.msk [tilespmem:v15+s3+$0x0], $0xffff;
	[tilespmem:s1+$0x8170] =	vst v13  }
0x78f: {  	v13 =	vld.idx.msk [tilespmem:v5+s3+$0x0], $0xffff  }
0x790: {  	[tilespmem:s1+$0x85A0] =	vst v14;
	v14 =	vld [tilespmem:s1+$0x5B8];
	v5 =	vmov v18  }
0x791: {  	v15 =	vld.idx.msk [tilespmem:v16+s3+$0x0], $0xffff  }
0x792: {  	v16 =	vld [tilespmem:s4+$0x510]  }
0x793: {  	[tilespmem:s4+$0x81B0] =	vst v9;
	v9 =	vld [tilespmem:s4+$0x1D0]  }
0x794: {  	[tilespmem:s4+$0x8130] =	vst v11;
	v11 =	vld.idx.msk [tilespmem:v12+s3+$0x0], $0xffff  }
0x795: {  	v12 =	vld.idx.msk [tilespmem:v17+s3+$0x0], $0xffff;
	[tilespmem:s1+$0x8500] =	vst v13  }
0x796: {  	v13 =	vld.idx.msk [tilespmem:v7+s3+$0x0], $0xffff  }
0x797: {  	v17 =	vld [tilespmem:s4+$0x520];
	[tilespmem:s1+$0x85B0] =	vst v15;
	v7 =	vmov v16  }
0x798: {  	v16 =	vld.idx.msk [tilespmem:v14+s3+$0x0], $0xffff  }
0x799: {  	v18 =	vld [tilespmem:s4+$0x530]  }
0x79a: {  	[tilespmem:s4+$0x81C0] =	vst v11;
	v14 =	vld [tilespmem:s4+$0x1E0]  }
0x79b: {  	[tilespmem:s4+$0x8140] =	vst v12;
	v20 =	vld.idx.msk [tilespmem:v9+s3+$0x0], $0xffff  }
0x79c: {  	v15 =	vld.idx.msk [tilespmem:v19+s3+$0x0], $0xffff;
	[tilespmem:s1+$0x8510] =	vst v13  }
.Ltmp6:
0x79d: {  	v13 =	vld.idx.msk [tilespmem:v8+s3+$0x0], $0xffff;
	v8 =	vmov v17;
	(pc) =	sbr.rel @p0 .LBB2_14-.Ltmp6, $4  }
0x79e: {  	[tilespmem:s1+$0x85B8] =	vst v16;
	v12 =	vld.idx.msk [tilespmem:v1+s3+$0x0], $0xffff;
	v1 =	vmov v6;
	v6 =	vmov v18  }
0x79f: {  	v11 =	vld [tilespmem:s4+$0x538]  }
0x7a0: {  	v9 =	vld.idx.msk [tilespmem:v0+s3+$0x0], $0xffff;
	v0 =	vmov v2;
	v2 =	vmov v3  }
0x7a1: {  	s6 =	sadd.s32 $0x100, s6;
	s7 =	sadd.s32 $0x200, s7;
	[tilespmem:s4+$0x81D0] =	vst v20;
	v16 =	vld [tilespmem:s4+$0x1F0]  }
0x7a2: {  	_ =	sdelay $0x3  }
0x7a3: {  	v3 =	vld.idx.msk [tilespmem:v14+s3+$0x0], $0xffff;
	_ =	sdelay $0x2  }
0x7a4: {  	[tilespmem:s4+$0x8150] =	vst v15  }
0x7a5: {  	v10 =	vld.idx.msk [tilespmem:v10+s3+$0x0], $0xffff  }
0x7a6: {  	[tilespmem:s4+$0x81E0] =	vst v3;
	v3 =	vld [tilespmem:s4+$0x580];
	_ =	sdelay $0x1  }
0x7a7: {  	v14 =	vld.idx.msk [tilespmem:v16+s3+$0x0], $0xffff;
	_ =	sdelay $0x2  }
0x7a8: {  	[tilespmem:s4+$0x8160] =	vst v10  }
0x7a9: {  	v4 =	vld.idx.msk [tilespmem:v4+s3+$0x0], $0xffff  }
0x7aa: {  	[tilespmem:s4+$0x81F0] =	vst v14;
	v14 =	vld [tilespmem:s4+$0x590]  }
0x7ab: {  	v3 =	vld.idx.msk [tilespmem:v3+s3+$0x0], $0xffff;
	_ =	sdelay $0x3  }
0x7ac: {  	[tilespmem:s4+$0x8170] =	vst v4  }
0x7ad: {  	[tilespmem:s4+$0x8580] =	vst v3;
	v3 =	vld [tilespmem:s4+$0x5A0]  }
0x7ae: {  	v4 =	vld.idx.msk [tilespmem:v5+s3+$0x0], $0xffff  }
0x7af: {  	v10 =	vld.idx.msk [tilespmem:v14+s3+$0x0], $0xffff;
	_ =	sdelay $0x3  }
0x7b0: {  	[tilespmem:s4+$0x8500] =	vst v4  }
0x7b1: {  	v4 =	vld.idx.msk [tilespmem:v7+s3+$0x0], $0xffff;
	[tilespmem:s4+$0x8590] =	vst v10  }
0x7b2: {  	v3 =	vld.idx.msk [tilespmem:v3+s3+$0x0], $0xffff;
	_ =	sdelay $0x1  }
0x7b3: {  	v5 =	vld [tilespmem:s4+$0x5B0];
	_ =	sdelay $0x1  }
0x7b4: {  	[tilespmem:s4+$0x8510] =	vst v4  }
0x7b5: {  	[tilespmem:s4+$0x85A0] =	vst v3;
	v3 =	vld.idx.msk [tilespmem:v8+s3+$0x0], $0xffff;
	_ =	sdelay $0x2  }
0x7b6: {  	[tilespmem:s1+$0x8520] =	vst v13;
	v4 =	vld [tilespmem:s4+$0x5B8]  }
0x7b7: {  	v1 =	vld.idx.msk [tilespmem:v1+s3+$0x0], $0xffff  }
0x7b8: {  	v5 =	vld.idx.msk [tilespmem:v5+s3+$0x0], $0xffff;
	[tilespmem:s4+$0x8520] =	vst v3  }
0x7b9: {  	v3 =	vld.idx.msk [tilespmem:v6+s3+$0x0], $0xffff;
	_ =	sdelay $0x1  }
0x7ba: {  	[tilespmem:s2+$0x8530] =	vst v12  }
0x7bb: {  	v0 =	vld.idx.msk [tilespmem:v0+s3+$0x0], $0xffff;
	[tilespmem:s1+$0x8530] =	vst v1  }
0x7bc: {  	v1 =	vld.idx.msk [tilespmem:v2+s3+$0x0], $0xffff;
	[tilespmem:s4+$0x85B0] =	vst v5  }
0x7bd: {  	v4 =	vld.idx.msk [tilespmem:v4+s3+$0x0], $0xffff;
	[tilespmem:s4+$0x8530] =	vst v3  }
0x7be: {  	v2 =	vld.idx.msk [tilespmem:v11+s3+$0x0], $0xffff  }
0x7bf: {  	[tilespmem:s0+$0x8538] =	vst v9  }
0x7c0: {  	[tilespmem:s2+$0x8538] =	vst v0  }
0x7c1: {  	[tilespmem:s1+$0x8538] =	vst v1  }
0x7c2: {  	[tilespmem:s4+$0x85B8] =	vst v4  }
0x7c3: {  	s2 =	simm.s32 $0x0;
	[tilespmem:s4+$0x8538] =	vst v2  }
0x7c4: {  	[hbm4b:s18+s2] =	stream.linear.scatter [tilespmem:s25], [sflag:$0x3], $0x4000, $0x38;
	[tilespmem:$0x10100] =	vst v63  }
0x7c5: {  	_ =	swait.ge [sflag:s26], $0x4000  }
0x7c6: {  	[sflag:s26] =	ssyncset.done $0x0  }
0x7c7: {  	[sflag:s26] =	ssyncadd.s32 $0xFFFFC000  }
0x7c8: {  	_ =	swait.ge [sflag:s30], $0x4000  }
0x7c9: {  	s0 =	sand.u32 $0x300, s2;
	s4 =	sand.u32 $0x3800, s2;
	[sflag:s30] =	ssyncset.done $0x0  }
0x7ca: {  	s0 =	sor.u32 s0, s4;
	[sflag:s30] =	ssyncadd.s32 $0xFFFFC000  }
0x7cb: {  	v1 =	vld [tilespmem:s0+$0x4100];
	_ =	sdelay $0x1  }
0x7cc: {  	v0 =	vld [tilespmem:s0+$0x4180];
	_ =	sdelay $0x2  }
0x7cd: {  	v2 =	vld [tilespmem:s0+$0x4190]  }
0x7ce: {  	v3 =	vld [tilespmem:s0+$0x4110]  }
0x7cf: {  	v4 =	vld [tilespmem:s0+$0x4120]  }
0x7d0: {  	v1 =	vld.idx.msk [tilespmem:v1+s3+$0x0], $0xffff  }
0x7d1: {  	v5 =	vld [tilespmem:s0+$0x4130]  }
0x7d2: {  	v0 =	vld.idx.msk [tilespmem:v0+s3+$0x0], $0xffff  }
0x7d3: {  	v6 =	vld [tilespmem:s0+$0x4140]  }
0x7d4: {  	v7 =	vld [tilespmem:s0+$0x4150]  }
0x7d5: {  	v8 =	vld [tilespmem:s0+$0x4160];
	[tilespmem:s0+$0xC100] =	vst v1  }
0x7d6: {  	v1 =	vld.idx.msk [tilespmem:v3+s3+$0x0], $0xffff  }
0x7d7: {  	s5 =	simm.s32 $0x100;
	s6 =	simm.s32 $0x200;
	[tilespmem:s0+$0xC180] =	vst v0;
	v0 =	vld [tilespmem:s0+$0x41A0]  }
0x7d8: {  	s1 =	sand.u32 $0x300, s5;
	s2 =	sand.u32 $0x3800, s6;
	v9 =	vld [tilespmem:s0+$0x4170]  }
0x7d9: {  	s2 =	sor.u32 s1, s2;
	v2 =	vld.idx.msk [tilespmem:v2+s3+$0x0], $0xffff  }
0x7da: {  	v11 =	vld [tilespmem:s2+$0x4110]  }
0x7db: {  	v12 =	vld [tilespmem:s2+$0x4120];
	[tilespmem:s0+$0xC110] =	vst v1  }
0x7dc: {  	v1 =	vld.idx.msk [tilespmem:v4+s3+$0x0], $0xffff  }
0x7dd: {  	v13 =	vld [tilespmem:s2+$0x4130]  }
0x7de: {  	[tilespmem:s0+$0xC190] =	vst v2;
	v2 =	vld [tilespmem:s0+$0x41B0]  }
0x7df: {  	v0 =	vld.idx.msk [tilespmem:v0+s3+$0x0], $0xffff  }
0x7e0: {  	v14 =	vld [tilespmem:s2+$0x4190]  }
0x7e1: {  	v15 =	vld [tilespmem:s2+$0x4140];
	[tilespmem:s0+$0xC120] =	vst v1  }
0x7e2: {  	v1 =	vld.idx.msk [tilespmem:v5+s3+$0x0], $0xffff  }
0x7e3: {  	v16 =	vld [tilespmem:s2+$0x4150]  }
0x7e4: {  	s7 =	simm.s32 $0x200;
	s8 =	simm.s32 $0x400;
	[tilespmem:s0+$0xC1A0] =	vst v0;
	v0 =	vld [tilespmem:s0+$0x41C0]  }
0x7e5: {  	s4 =	sand.u32 $0x3800, s8;
	s1 =	sand.u32 $0x300, s7;
	v17 =	vld [tilespmem:s2+$0x4170]  }
0x7e6: {  	s1 =	sor.u32 s1, s4;
	v2 =	vld.idx.msk [tilespmem:v2+s3+$0x0], $0xffff  }
0x7e7: {  	v18 =	vld [tilespmem:s1+$0x4130];
	[tilespmem:s0+$0xC130] =	vst v1  }
0x7e8: {  	v6 =	vld.idx.msk [tilespmem:v6+s3+$0x0], $0xffff  }
0x7e9: {  	v19 =	vld [tilespmem:s1+$0x4190]  }
0x7ea: {  	v3 =	vld [tilespmem:s0+$0x41D0]  }
0x7eb: {  	v20 =	vld [tilespmem:s1+$0x4140];
	[tilespmem:s0+$0xC1B0] =	vst v2  }
0x7ec: {  	v0 =	vld.idx.msk [tilespmem:v0+s3+$0x0], $0xffff  }
0x7ed: {  	s9 =	simm.s32 $0x300;
	s5 =	simm.s32 $0x600;
	v21 =	vld [tilespmem:s1+$0x4150];
	[tilespmem:s0+$0xC140] =	vst v6  }
0x7ee: {  	s5 =	sand.u32 $0x3800, s5;
	s4 =	sand.u32 $0x300, s9;
	v6 =	vld.idx.msk [tilespmem:v7+s3+$0x0], $0xffff  }
0x7ef: {  	s4 =	sor.u32 s4, s5;
	v22 =	vld [tilespmem:s1+$0x4170]  }
0x7f0: {  	v61 =	vld [tilespmem:s4+$0x4140]  }
0x7f1: {  	v23 =	vld [tilespmem:s4+$0x4150];
	[tilespmem:s0+$0xC1C0] =	vst v0  }
0x7f2: {  	v10 =	vld.idx.msk [tilespmem:v3+s3+$0x0], $0xffff  }
0x7f3: {  	v0 =	vld [tilespmem:s0+$0x41E0];
	[tilespmem:s0+$0xC150] =	vst v6  }
0x7f4: {  	v6 =	vld.idx.msk [tilespmem:v8+s3+$0x0], $0xffff  }
0x7f5: {  	v8 =	vld [tilespmem:s2+$0x4180]  }
0x7f6: {  	v24 =	vld [tilespmem:s1+$0x45A0]  }
0x7f7: {  	[tilespmem:s0+$0xC1D0] =	vst v10;
	v10 =	vld [tilespmem:s2+$0x4100]  }
0x7f8: {  	v63 =	vld [tilespmem:s4+$0x41C0]  }
0x7f9: {  	v4 =	vld [tilespmem:s0+$0x4500]  }
0x7fa: {  	v5 =	vld [tilespmem:s0+$0x4510]  }
0x7fb: {  	v7 =	vld [tilespmem:s0+$0x41F0]  }
0x7fc: {  	v0 =	vld.idx.msk [tilespmem:v0+s3+$0x0], $0xffff  }
0x7fd: {  	v8 =	vld.idx.msk [tilespmem:v8+s3+$0x0], $0xffff  }
0x7fe: {  	v1 =	vld [tilespmem:s0+$0x4520]  }
0x7ff: {  	v10 =	vld.idx.msk [tilespmem:v10+s3+$0x0], $0xffff  }
0x800: {  	v2 =	vld [tilespmem:s0+$0x4530]  }
0x801: {  	[tilespmem:s0+$0xC1E0] =	vst v0;
	v0 =	vld [tilespmem:s0+$0x4580]  }
0x802: {  	[tilespmem:s2+$0xC180] =	vst v8;
	v8 =	vld [tilespmem:s2+$0x41A0]  }
0x803: {  	v7 =	vld.idx.msk [tilespmem:v7+s3+$0x0], $0xffff  }
0x804: {  	[tilespmem:s2+$0xC100] =	vst v10;
	v10 =	vld.idx.msk [tilespmem:v14+s3+$0x0], $0xffff  }
0x805: {  	v3 =	vld [tilespmem:s0+$0x4538];
	[tilespmem:s0+$0xC160] =	vst v6  }
0x806: {  	v9 =	vld.idx.msk [tilespmem:v9+s3+$0x0], $0xffff  }
0x807: {  	v11 =	vld.idx.msk [tilespmem:v11+s3+$0x0], $0xffff  }
0x808: {  	[tilespmem:s0+$0xC1F0] =	vst v7;
	v7 =	vld [tilespmem:s0+$0x4590]  }
0x809: {  	[tilespmem:s2+$0xC190] =	vst v10;
	v10 =	vld [tilespmem:s2+$0x41B0]  }
0x80a: {  	v8 =	vld.idx.msk [tilespmem:v8+s3+$0x0], $0xffff  }
0x80b: {  	[tilespmem:s0+$0xC170] =	vst v9;
	v0 =	vld.idx.msk [tilespmem:v0+s3+$0x0], $0xffff  }
0x80c: {  	v9 =	vld [tilespmem:s2+$0x4530];
	[tilespmem:s2+$0xC110] =	vst v11  }
0x80d: {  	v6 =	vld.idx.msk [tilespmem:v12+s3+$0x0], $0xffff  }
0x80e: {  	v4 =	vld.idx.msk [tilespmem:v4+s3+$0x0], $0xffff  }
0x80f: {  	[tilespmem:s2+$0xC1A0] =	vst v8;
	v8 =	vld [tilespmem:s2+$0x41C0]  }
0x810: {  	[tilespmem:s0+$0xC580] =	vst v0;
	v0 =	vld [tilespmem:s0+$0x45A0]  }
0x811: {  	v10 =	vld.idx.msk [tilespmem:v10+s3+$0x0], $0xffff  }
0x812: {  	v7 =	vld.idx.msk [tilespmem:v7+s3+$0x0], $0xffff;
	[tilespmem:s2+$0xC120] =	vst v6  }
0x813: {  	v6 =	vld.idx.msk [tilespmem:v13+s3+$0x0], $0xffff  }
0x814: {  	v14 =	vld [tilespmem:s2+$0x4160];
	[tilespmem:s0+$0xC500] =	vst v4  }
0x815: {  	v5 =	vld.idx.msk [tilespmem:v5+s3+$0x0], $0xffff  }
0x816: {  	[tilespmem:s2+$0xC1B0] =	vst v10;
	v10 =	vld [tilespmem:s2+$0x41D0]  }
0x817: {  	[tilespmem:s0+$0xC590] =	vst v7;
	v8 =	vld.idx.msk [tilespmem:v8+s3+$0x0], $0xffff  }
0x818: {  	v7 =	vld [tilespmem:s0+$0x45B0];
	[tilespmem:s2+$0xC130] =	vst v6  }
0x819: {  	v6 =	vld.idx.msk [tilespmem:v15+s3+$0x0], $0xffff  }
0x81a: {  	v12 =	vld [tilespmem:s2+$0x4500]  }
0x81b: {  	v0 =	vld.idx.msk [tilespmem:v0+s3+$0x0], $0xffff  }
0x81c: {  	[tilespmem:s2+$0xC1C0] =	vst v8;
	v8 =	vld [tilespmem:s2+$0x41E0]  }
0x81d: {  	v13 =	vld [tilespmem:s2+$0x4510]  }
0x81e: {  	[tilespmem:s2+$0xC140] =	vst v6;
	v10 =	vld.idx.msk [tilespmem:v10+s3+$0x0], $0xffff  }
0x81f: {  	v4 =	vld.idx.msk [tilespmem:v16+s3+$0x0], $0xffff  }
0x820: {  	v15 =	vld [tilespmem:s2+$0x4520];
	[tilespmem:s0+$0xC5A0] =	vst v0  }
0x821: {  	v7 =	vld.idx.msk [tilespmem:v7+s3+$0x0], $0xffff  }
0x822: {  	v6 =	vld [tilespmem:s2+$0x41F0]  }
0x823: {  	[tilespmem:s2+$0xC1D0] =	vst v10;
	v10 =	vld [tilespmem:s1+$0x4100]  }
0x824: {  	[tilespmem:s2+$0xC150] =	vst v4;
	v4 =	vld.idx.msk [tilespmem:v8+s3+$0x0], $0xffff  }
0x825: {  	v0 =	vld [tilespmem:s0+$0x45B8]  }
0x826: {  	[tilespmem:s0+$0xC5B0] =	vst v7;
	v7 =	vld.idx.msk [tilespmem:v14+s3+$0x0], $0xffff  }
0x827: {  	v8 =	vld [tilespmem:s1+$0x4180]  }
0x828: {  	v14 =	vld [tilespmem:s1+$0x4110]  }
0x829: {  	[tilespmem:s2+$0xC1E0] =	vst v4;
	v4 =	vld [tilespmem:s2+$0x4580]  }
0x82a: {  	v6 =	vld.idx.msk [tilespmem:v6+s3+$0x0], $0xffff  }
0x82b: {  	v10 =	vld.idx.msk [tilespmem:v10+s3+$0x0], $0xffff  }
0x82c: {  	v16 =	vld [tilespmem:s1+$0x4120]  }
0x82d: {  	v11 =	vld.idx.msk [tilespmem:v0+s3+$0x0], $0xffff  }
0x82e: {  	v0 =	vld [tilespmem:s2+$0x4538]  }
0x82f: {  	v8 =	vld.idx.msk [tilespmem:v8+s3+$0x0], $0xffff;
	[tilespmem:s2+$0xC1F0] =	vst v6  }
0x830: {  	v6 =	vld [tilespmem:s2+$0x4590];
	[tilespmem:s1+$0xC100] =	vst v10  }
0x831: {  	v14 =	vld.idx.msk [tilespmem:v14+s3+$0x0], $0xffff  }
0x832: {  	v4 =	vld.idx.msk [tilespmem:v4+s3+$0x0], $0xffff  }
0x833: {  	[tilespmem:s0+$0xC5B8] =	vst v11;
	v11 =	vld [tilespmem:s4+$0x4538]  }
0x834: {  	[tilespmem:s1+$0xC180] =	vst v8;
	v8 =	vld [tilespmem:s1+$0x41A0]  }
0x835: {  	[tilespmem:s2+$0xC160] =	vst v7;
	v10 =	vld.idx.msk [tilespmem:v19+s3+$0x0], $0xffff  }
0x836: {  	[tilespmem:s1+$0xC110] =	vst v14;
	v14 =	vld.idx.msk [tilespmem:v17+s3+$0x0], $0xffff  }
0x837: {  	[tilespmem:s2+$0xC580] =	vst v4;
	v4 =	vld [tilespmem:s2+$0x45A0]  }
0x838: {  	v7 =	vld.idx.msk [tilespmem:v16+s3+$0x0], $0xffff  }
0x839: {  	v6 =	vld.idx.msk [tilespmem:v6+s3+$0x0], $0xffff  }
0x83a: {  	[tilespmem:s1+$0xC190] =	vst v10;
	v10 =	vld [tilespmem:s1+$0x41B0]  }
0x83b: {  	v19 =	vld [tilespmem:s1+$0x4160]  }
0x83c: {  	v8 =	vld.idx.msk [tilespmem:v8+s3+$0x0], $0xffff  }
0x83d: {  	v16 =	vld [tilespmem:s1+$0x4500];
	[tilespmem:s2+$0xC170] =	vst v14  }
0x83e: {  	[tilespmem:s1+$0xC120] =	vst v7;
	v7 =	vld.idx.msk [tilespmem:v12+s3+$0x0], $0xffff  }
0x83f: {  	[tilespmem:s2+$0xC590] =	vst v6;
	v6 =	vld [tilespmem:s2+$0x45B0]  }
0x840: {  	v4 =	vld.idx.msk [tilespmem:v4+s3+$0x0], $0xffff  }
0x841: {  	[tilespmem:s1+$0xC1A0] =	vst v8;
	v8 =	vld [tilespmem:s1+$0x41C0]  }
0x842: {  	[tilespmem:s0+$0xC510] =	vst v5;
	v5 =	vld.idx.msk [tilespmem:v10+s3+$0x0], $0xffff  }
0x843: {  	v10 =	vld.idx.msk [tilespmem:v1+s3+$0x0], $0xffff  }
0x844: {  	v1 =	vld.idx.msk [tilespmem:v18+s3+$0x0], $0xffff;
	[tilespmem:s2+$0xC500] =	vst v7  }
0x845: {  	v7 =	vld.idx.msk [tilespmem:v13+s3+$0x0], $0xffff  }
0x846: {  	[tilespmem:s2+$0xC5A0] =	vst v4;
	v4 =	vld [tilespmem:s2+$0x45B8]  }
0x847: {  	[tilespmem:s1+$0xC1B0] =	vst v5;
	v5 =	vld [tilespmem:s1+$0x41D0]  }
0x848: {  	v6 =	vld.idx.msk [tilespmem:v6+s3+$0x0], $0xffff  }
0x849: {  	v8 =	vld.idx.msk [tilespmem:v8+s3+$0x0], $0xffff  }
0x84a: {  	v12 =	vld [tilespmem:s1+$0x4510];
	[tilespmem:s1+$0xC130] =	vst v1  }
0x84b: {  	v14 =	vld.idx.msk [tilespmem:v20+s3+$0x0], $0xffff  }
0x84c: {  	v13 =	vld [tilespmem:s1+$0x4520];
	[tilespmem:s2+$0xC510] =	vst v7  }
0x84d: {  	v7 =	vld [tilespmem:s4+$0x4180];
	[tilespmem:s2+$0xC5B0] =	vst v6  }
0x84e: {  	[tilespmem:s1+$0xC1C0] =	vst v8;
	v8 =	vld [tilespmem:s1+$0x41E0]  }
0x84f: {  	v17 =	vld.idx.msk [tilespmem:v4+s3+$0x0], $0xffff  }
0x850: {  	[tilespmem:s1+$0xC140] =	vst v14;
	v5 =	vld.idx.msk [tilespmem:v5+s3+$0x0], $0xffff  }
0x851: {  	v4 =	vld.idx.msk [tilespmem:v21+s3+$0x0], $0xffff  }
0x852: {  	v1 =	vld [tilespmem:s1+$0x4530]  }
0x853: {  	[tilespmem:s0+$0xC520] =	vst v10;
	v10 =	vld [tilespmem:s4+$0x4110]  }
0x854: {  	v60 =	vld.idx.msk [tilespmem:v2+s3+$0x0], $0xffff  }
0x855: {  	[tilespmem:s1+$0xC1D0] =	vst v5;
	v5 =	vld [tilespmem:s1+$0x41F0]  }
0x856: {  	[tilespmem:s1+$0xC150] =	vst v4;
	v4 =	vld.idx.msk [tilespmem:v8+s3+$0x0], $0xffff  }
0x857: {  	v8 =	vld [tilespmem:s4+$0x4100]  }
0x858: {  	v2 =	vld [tilespmem:s1+$0x4538]  }
0x859: {  	v7 =	vld.idx.msk [tilespmem:v7+s3+$0x0], $0xffff  }
0x85a: {  	v6 =	vld.idx.msk [tilespmem:v19+s3+$0x0], $0xffff  }
0x85b: {  	[tilespmem:s1+$0xC1E0] =	vst v4;
	v4 =	vld [tilespmem:s1+$0x4580]  }
0x85c: {  	v19 =	vld [tilespmem:s4+$0x4190]  }
0x85d: {  	v5 =	vld.idx.msk [tilespmem:v5+s3+$0x0], $0xffff  }
0x85e: {  	v18 =	vld.idx.msk [tilespmem:v15+s3+$0x0], $0xffff  }
0x85f: {  	v8 =	vld.idx.msk [tilespmem:v8+s3+$0x0], $0xffff  }
0x860: {  	v15 =	vld [tilespmem:s4+$0x4130]  }
0x861: {  	[tilespmem:s4+$0xC180] =	vst v7;
	v7 =	vld [tilespmem:s4+$0x41A0]  }
0x862: {  	[tilespmem:s1+$0xC1F0] =	vst v5;
	v5 =	vld [tilespmem:s1+$0x4590]  }
0x863: {  	v4 =	vld.idx.msk [tilespmem:v4+s3+$0x0], $0xffff  }
0x864: {  	[tilespmem:s4+$0xC100] =	vst v8;
	v8 =	vld.idx.msk [tilespmem:v19+s3+$0x0], $0xffff  }
0x865: {  	v14 =	vld [tilespmem:s4+$0x4120]  }
0x866: {  	v19 =	vld.idx.msk [tilespmem:v10+s3+$0x0], $0xffff  }
0x867: {  	v10 =	vld [tilespmem:s4+$0x4160]  }
0x868: {  	[tilespmem:s1+$0xC580] =	vst v4;
	v4 =	vld [tilespmem:s4+$0x4170]  }
0x869: {  	[tilespmem:s4+$0xC190] =	vst v8;
	v8 =	vld [tilespmem:s4+$0x41B0]  }
0x86a: {  	v5 =	vld.idx.msk [tilespmem:v5+s3+$0x0], $0xffff  }
0x86b: {  	v7 =	vld.idx.msk [tilespmem:v7+s3+$0x0], $0xffff  }
0x86c: {  	[tilespmem:s4+$0xC110] =	vst v19;
	v19 =	vld [tilespmem:s1+$0x45B0]  }
0x86d: {  	[tilespmem:s1+$0xC160] =	vst v6;
	v6 =	vld.idx.msk [tilespmem:v14+s3+$0x0], $0xffff  }
0x86e: {  	v14 =	vld.idx.msk [tilespmem:v22+s3+$0x0], $0xffff  }
0x86f: {  	[tilespmem:s1+$0xC590] =	vst v5;
	v5 =	vld [tilespmem:s4+$0x4500]  }
0x870: {  	v62 =	vld.idx.msk [tilespmem:v24+s3+$0x0], $0xffff  }
0x871: {  	[tilespmem:s4+$0xC1A0] =	vst v7;
	v7 =	vld [tilespmem:s4+$0x4510]  }
0x872: {  	[tilespmem:s4+$0xC120] =	vst v6;
	v6 =	vld.idx.msk [tilespmem:v8+s3+$0x0], $0xffff  }
0x873: {  	[tilespmem:s1+$0xC170] =	vst v14;
	v8 =	vld.idx.msk [tilespmem:v15+s3+$0x0], $0xffff  }
0x874: {  	v14 =	vld.idx.msk [tilespmem:v16+s3+$0x0], $0xffff  }
0x875: {  	v15 =	vld [tilespmem:s1+$0x45B8];
	[tilespmem:s1+$0xC5A0] =	vst v62  }
0x876: {  	v16 =	vld.idx.msk [tilespmem:v19+s3+$0x0], $0xffff  }
0x877: {  	[tilespmem:s4+$0xC1B0] =	vst v6;
	v19 =	vld [tilespmem:s4+$0x41D0]  }
0x878: {  	[tilespmem:s4+$0xC130] =	vst v8;
	v8 =	vld [tilespmem:s4+$0x4520]  }
0x879: {  	v6 =	vld.idx.msk [tilespmem:v63+s3+$0x0], $0xffff  }
0x87a: {  	[tilespmem:s1+$0xC500] =	vst v14;
	v21 =	vld.idx.msk [tilespmem:v61+s3+$0x0], $0xffff  }
0x87b: {  	v12 =	vld.idx.msk [tilespmem:v12+s3+$0x0], $0xffff  }
0x87c: {  	v14 =	vld [tilespmem:s4+$0x41E0];
	[tilespmem:s1+$0xC5B0] =	vst v16  }
0x87d: {  	[tilespmem:s0+$0xC530] =	vst v60;
	v16 =	vld.idx.msk [tilespmem:v15+s3+$0x0], $0xffff  }
0x87e: {  	[tilespmem:s4+$0xC1C0] =	vst v6;
	v6 =	vld [tilespmem:s4+$0x4530]  }
0x87f: {  	[tilespmem:s4+$0xC140] =	vst v21;
	v19 =	vld.idx.msk [tilespmem:v19+s3+$0x0], $0xffff  }
0x880: {  	[tilespmem:s1+$0xC510] =	vst v12;
	v15 =	vld.idx.msk [tilespmem:v23+s3+$0x0], $0xffff  }
0x881: {  	[tilespmem:s2+$0xC520] =	vst v18;
	v13 =	vld.idx.msk [tilespmem:v13+s3+$0x0], $0xffff  }
0x882: {  	[tilespmem:s2+$0xC5B8] =	vst v17;
	v12 =	vld.idx.msk [tilespmem:v9+s3+$0x0], $0xffff  }
0x883: {  	v9 =	vld.idx.msk [tilespmem:v3+s3+$0x0], $0xffff;
	[tilespmem:s1+$0xC5B8] =	vst v16  }
0x884: {  	s6 =	simm.s32 $0x400;
	s7 =	simm.s32 $0x800;
	s5 =	simm.s32 $0x6;
	v16 =	vld [tilespmem:s4+$0x41F0];
	[tilespmem:s4+$0xC1D0] =	vst v19  }
.LBB2_16:
0x885: {  	s8 =	sand.u32 $0x3800, s7;
	s9 =	sand.u32 $0x300, s6;
	s5 =	sadd.s32 $0x2, s5;
	[tilespmem:s4+$0xC150] =	vst v15;
	v14 =	vld.idx.msk [tilespmem:v14+s3+$0x0], $0xffff  }
0x886: {  	s8 =	sor.u32 s9, s8;
	p0 =	slt.u32 s5, $0x3E;
	v10 =	vld.idx.msk [tilespmem:v10+s3+$0x0], $0xffff;
	[tilespmem:s1+$0xC520] =	vst v13  }
0x887: {  	v13 =	vld [tilespmem:s8+$0x4180];
	[tilespmem:s2+$0xC530] =	vst v12;
	v3 =	vmov v11  }
0x888: {  	v11 =	vld [tilespmem:s8+$0x4100]  }
0x889: {  	v12 =	vld [tilespmem:s8+$0x4110];
	[tilespmem:s0+$0xC538] =	vst v9;
	s0 =	smov.u32 s2;
	s2 =	smov.u32 s1;
	s1 =	smov.u32 s4  }
0x88a: {  	s4 =	smov.u32 s8;
	v9 =	vld [tilespmem:s8+$0x4120]  }
0x88b: {  	[tilespmem:s1+$0xC1E0] =	vst v14;
	v14 =	vld [tilespmem:s1+$0x4580]  }
0x88c: {  	[tilespmem:s1+$0xC160] =	vst v10;
	v10 =	vld.idx.msk [tilespmem:v16+s3+$0x0], $0xffff  }
0x88d: {  	v15 =	vld [tilespmem:s4+$0x4130]  }
0x88e: {  	v16 =	vld [tilespmem:s4+$0x4190]  }
0x88f: {  	v13 =	vld.idx.msk [tilespmem:v13+s3+$0x0], $0xffff  }
0x890: {  	v11 =	vld.idx.msk [tilespmem:v11+s3+$0x0], $0xffff  }
0x891: {  	v17 =	vld [tilespmem:s4+$0x4140]  }
0x892: {  	[tilespmem:s1+$0xC1F0] =	vst v10;
	v18 =	vld [tilespmem:s1+$0x4590]  }
0x893: {  	v14 =	vld.idx.msk [tilespmem:v14+s3+$0x0], $0xffff  }
0x894: {  	v19 =	vld [tilespmem:s4+$0x4150]  }
0x895: {  	[tilespmem:s4+$0xC180] =	vst v13;
	v13 =	vld [tilespmem:s4+$0x41A0]  }
0x896: {  	[tilespmem:s4+$0xC100] =	vst v11;
	v11 =	vld.idx.msk [tilespmem:v16+s3+$0x0], $0xffff  }
0x897: {  	v12 =	vld.idx.msk [tilespmem:v12+s3+$0x0], $0xffff  }
0x898: {  	v10 =	vld [tilespmem:s4+$0x4160]  }
0x899: {  	[tilespmem:s1+$0xC580] =	vst v14;
	v14 =	vld [tilespmem:s1+$0x45A0]  }
0x89a: {  	v16 =	vld.idx.msk [tilespmem:v18+s3+$0x0], $0xffff  }
0x89b: {  	v18 =	vld [tilespmem:s4+$0x4170]  }
0x89c: {  	[tilespmem:s4+$0xC190] =	vst v11;
	v11 =	vld [tilespmem:s4+$0x41B0]  }
0x89d: {  	[tilespmem:s4+$0xC110] =	vst v12;
	v12 =	vld.idx.msk [tilespmem:v13+s3+$0x0], $0xffff  }
0x89e: {  	v9 =	vld.idx.msk [tilespmem:v9+s3+$0x0], $0xffff  }
0x89f: {  	v13 =	vld.idx.msk [tilespmem:v4+s3+$0x0], $0xffff  }
0x8a0: {  	[tilespmem:s1+$0xC590] =	vst v16;
	v16 =	vld [tilespmem:s1+$0x45B0];
	v4 =	vmov v18  }
0x8a1: {  	v14 =	vld.idx.msk [tilespmem:v14+s3+$0x0], $0xffff  }
0x8a2: {  	v18 =	vld [tilespmem:s4+$0x4500]  }
0x8a3: {  	[tilespmem:s4+$0xC1A0] =	vst v12;
	v12 =	vld [tilespmem:s4+$0x41C0]  }
0x8a4: {  	[tilespmem:s4+$0xC120] =	vst v9;
	v9 =	vld.idx.msk [tilespmem:v11+s3+$0x0], $0xffff  }
0x8a5: {  	v11 =	vld.idx.msk [tilespmem:v15+s3+$0x0], $0xffff;
	[tilespmem:s1+$0xC170] =	vst v13  }
0x8a6: {  	v13 =	vld.idx.msk [tilespmem:v5+s3+$0x0], $0xffff  }
0x8a7: {  	[tilespmem:s1+$0xC5A0] =	vst v14;
	v14 =	vld [tilespmem:s1+$0x45B8];
	v5 =	vmov v18  }
0x8a8: {  	v15 =	vld.idx.msk [tilespmem:v16+s3+$0x0], $0xffff  }
0x8a9: {  	v16 =	vld [tilespmem:s4+$0x4510]  }
0x8aa: {  	[tilespmem:s4+$0xC1B0] =	vst v9;
	v9 =	vld [tilespmem:s4+$0x41D0]  }
0x8ab: {  	[tilespmem:s4+$0xC130] =	vst v11;
	v11 =	vld.idx.msk [tilespmem:v12+s3+$0x0], $0xffff  }
0x8ac: {  	v12 =	vld.idx.msk [tilespmem:v17+s3+$0x0], $0xffff;
	[tilespmem:s1+$0xC500] =	vst v13  }
0x8ad: {  	v13 =	vld.idx.msk [tilespmem:v7+s3+$0x0], $0xffff  }
0x8ae: {  	v17 =	vld [tilespmem:s4+$0x4520];
	[tilespmem:s1+$0xC5B0] =	vst v15;
	v7 =	vmov v16  }
0x8af: {  	v16 =	vld.idx.msk [tilespmem:v14+s3+$0x0], $0xffff  }
0x8b0: {  	v18 =	vld [tilespmem:s4+$0x4530]  }
0x8b1: {  	[tilespmem:s4+$0xC1C0] =	vst v11;
	v14 =	vld [tilespmem:s4+$0x41E0]  }
0x8b2: {  	[tilespmem:s4+$0xC140] =	vst v12;
	v20 =	vld.idx.msk [tilespmem:v9+s3+$0x0], $0xffff  }
0x8b3: {  	v15 =	vld.idx.msk [tilespmem:v19+s3+$0x0], $0xffff;
	[tilespmem:s1+$0xC510] =	vst v13  }
.Ltmp7:
0x8b4: {  	v13 =	vld.idx.msk [tilespmem:v8+s3+$0x0], $0xffff;
	v8 =	vmov v17;
	(pc) =	sbr.rel @p0 .LBB2_16-.Ltmp7, $4  }
0x8b5: {  	[tilespmem:s1+$0xC5B8] =	vst v16;
	v12 =	vld.idx.msk [tilespmem:v1+s3+$0x0], $0xffff;
	v1 =	vmov v6;
	v6 =	vmov v18  }
0x8b6: {  	v11 =	vld [tilespmem:s4+$0x4538]  }
0x8b7: {  	v9 =	vld.idx.msk [tilespmem:v0+s3+$0x0], $0xffff;
	v0 =	vmov v2;
	v2 =	vmov v3  }
0x8b8: {  	s6 =	sadd.s32 $0x100, s6;
	s7 =	sadd.s32 $0x200, s7;
	[tilespmem:s4+$0xC1D0] =	vst v20;
	v16 =	vld [tilespmem:s4+$0x41F0]  }
0x8b9: {  	_ =	sdelay $0x3  }
0x8ba: {  	v3 =	vld.idx.msk [tilespmem:v14+s3+$0x0], $0xffff;
	[tilespmem:s4+$0xC150] =	vst v15  }
0x8bb: {  	v10 =	vld.idx.msk [tilespmem:v10+s3+$0x0], $0xffff;
	_ =	sdelay $0x2  }
0x8bc: {  	v55 =	vld [tilespmem:s4+$0x4580]  }
0x8bd: {  	[tilespmem:s4+$0xC1E0] =	vst v3  }
0x8be: {  	v56 =	vld.idx.msk [tilespmem:v16+s3+$0x0], $0xffff;
	[tilespmem:s4+$0xC160] =	vst v10  }
0x8bf: {  	v4 =	vld.idx.msk [tilespmem:v4+s3+$0x0], $0xffff;
	_ =	sdelay $0x2  }
0x8c0: {  	v57 =	vld [tilespmem:s4+$0x4590]  }
0x8c1: {  	[tilespmem:s4+$0xC1F0] =	vst v56  }
0x8c2: {  	v3 =	vld.idx.msk [tilespmem:v55+s3+$0x0], $0xffff;
	[tilespmem:s4+$0xC170] =	vst v4  }
0x8c3: {  	v4 =	vld.idx.msk [tilespmem:v5+s3+$0x0], $0xffff;
	_ =	sdelay $0x2  }
0x8c4: {  	v58 =	vld [tilespmem:s4+$0x45A0]  }
0x8c5: {  	[tilespmem:s4+$0xC580] =	vst v3  }
0x8c6: {  	v59 =	vld.idx.msk [tilespmem:v57+s3+$0x0], $0xffff;
	[tilespmem:s4+$0xC500] =	vst v4  }
0x8c7: {  	v4 =	vld.idx.msk [tilespmem:v7+s3+$0x0], $0xffff;
	_ =	sdelay $0x2  }
0x8c8: {  	v60 =	vld [tilespmem:s4+$0x45B0]  }
0x8c9: {  	[tilespmem:s4+$0xC590] =	vst v59  }
0x8ca: {  	v3 =	vld.idx.msk [tilespmem:v58+s3+$0x0], $0xffff;
	[tilespmem:s4+$0xC510] =	vst v4  }
0x8cb: {  	v61 =	vld.idx.msk [tilespmem:v8+s3+$0x0], $0xffff;
	_ =	sdelay $0x2  }
0x8cc: {  	v62 =	vld [tilespmem:s4+$0x45B8];
	[tilespmem:s1+$0xC520] =	vst v13  }
0x8cd: {  	v1 =	vld.idx.msk [tilespmem:v1+s3+$0x0], $0xffff;
	[tilespmem:s4+$0xC5A0] =	vst v3  }
0x8ce: {  	v5 =	vld.idx.msk [tilespmem:v60+s3+$0x0], $0xffff;
	[tilespmem:s4+$0xC520] =	vst v61  }
0x8cf: {  	v3 =	vld.idx.msk [tilespmem:v6+s3+$0x0], $0xffff;
	_ =	sdelay $0x1  }
0x8d0: {  	[tilespmem:s2+$0xC530] =	vst v12  }
0x8d1: {  	v0 =	vld.idx.msk [tilespmem:v0+s3+$0x0], $0xffff;
	[tilespmem:s1+$0xC530] =	vst v1  }
0x8d2: {  	v1 =	vld.idx.msk [tilespmem:v2+s3+$0x0], $0xffff;
	[tilespmem:s4+$0xC5B0] =	vst v5  }
0x8d3: {  	v4 =	vld.idx.msk [tilespmem:v62+s3+$0x0], $0xffff;
	[tilespmem:s4+$0xC530] =	vst v3  }
0x8d4: {  	v63 =	vld.idx.msk [tilespmem:v11+s3+$0x0], $0xffff  }
0x8d5: {  	[tilespmem:s0+$0xC538] =	vst v9  }
0x8d6: {  	[tilespmem:s2+$0xC538] =	vst v0  }
0x8d7: {  	[tilespmem:s1+$0xC538] =	vst v1  }
0x8d8: {  	[tilespmem:s4+$0xC5B8] =	vst v4  }
0x8d9: {  	s31 =	sadd.s32 $0x1, s31;
	[tilespmem:s4+$0xC538] =	vst v63  }
0x8da: {  	[hbm4b:s19+s3] =	stream.linear.scatter [tilespmem:s28], [sflag:$0x4], $0x4000, $0x38;
	[tilespmem:$0x10100] =	vst v63  }
0x8db: {  	p0 =	sne.s32 s31, s20;
	_ =	swait.ge [sflag:s29], $0x4000  }
.Ltmp8:
0x8dc: {  	[sflag:s29] =	ssyncset.done $0x0;
	(pc) =	sbr.rel @p0 .LBB2_1-.Ltmp8, $4  }
0x8dd: {  	[sflag:s29] =	ssyncadd.s32 $0xFFFFC000  }
0x8de: {  	_ =	swait.ge [sflag:s30], $0x4000  }
0x8df: {  	[sflag:s30] =	ssyncset.done $0x0  }
0x8e0: {  	[sflag:s30] =	ssyncadd.s32 $0xFFFFC000  }
0x8e1: {  	_ =	sfence.sel $0x180000  }
0x8e2: {  	[bflag:$0x0] =	sbarrier.arrive $0xFFFF  }
0x8e3: {  	_ =	strace $0x90000047  }
0x8e4: {  	s0 =	stileid.u32;
	[bflag:$0x2] =	sbarrier.arrive $0xFFFF  }
0x8e5: {  	p0 =	sne.s32 s0, $0x0;
	s0 =	rddreg [dreg:$0x2]  }
0x8e6: {  	s0 =	sadd.s32 @!p0 $0x100000, s0  }
0x8e7: {  	[sflag:s0] =	ssyncadd.tile.s32 @!p0 $0x1;
	_ =	shalt  }
.Lfunc_end2:
_tile_overlayer_lowered:
.L_overlay_start_2:
0x8e8: {  	(tag) =	ssettag $0x2  }
0x8e9: {  	s0 =	rddreg [dreg:$0x0];
	s2 =	stileid.u32  }
0x8ea: {  	s1 =	rddreg [dreg:$0x1];
	p0 =	sne.s32 s2, $0x0  }
0x8eb: {  	s3 =	rddreg [dreg:$0x2];
	[bflag:$0x3] =	sbarrier.arrive $0xFFFF;
	s2 =	simm.s32 @!p0 $0x1C05  }
0x8ec: {  	[timem:s3], [sflag:s2] =	dma.local @!p0 [hbm:s0], s1  }
0x8ed: {  	s0 =	simm.s32 @!p0 $0x5  }
0x8ee: {  	_ =	swait.ge @!p0 [sflag:s0], s1  }
0x8ef: {  	s1 =	ssub.s32 @!p0 $0x0, s1;
	[sflag:s0] =	ssyncset.done @!p0 $0x0  }
0x8f0: {  	[sflag:s0] =	ssyncadd.s32 @!p0 s1  }
0x8f1: {  	[bflag:$0x3] =	sbarrier.arrive $0xFFFF  }
0x8f2: {  	_ =	shalt  }

</sc_bundles>
